<compile_context>
chip_gen: v7x
topology: tpu7x:2x2x1
jax: 0.10.2.dev20260603
libtpu: 0.0.44.dev20260713+nightly
codegen_flags: <defaults>
</compile_context>

<pallas_src>
import functools

import jax
import jax.numpy as jnp
from jax import lax
from jax.experimental import pallas as pl
from jax.experimental.pallas import tpu as pltpu
from jax.experimental.pallas import tpu_sc as plsc

NB = 5
NN = 10000
NT = 50000
NE = 800000
NL = 128
NH = 64
NPAD = 51200
ROWS = 6272
HALF = ROWS // 2
TROWS = ROWS // 16
NBLK = TROWS // 2
NC, NS = 2, 16
RB = 1600
GD = NPAD // RB


def _mesh():
    return plsc.VectorSubcoreMesh(
        core_axis_name="c", subcore_axis_name="s",
        num_cores=NC, num_subcores=NS)



DROWS = ROWS // NS
CROWS = HALF // NS


def _sc_prep_body(src_hbm, dst_hbm, batch_hbm, zn_hbm, zs_hbm,
                  s_out, pk_out,
                  sb0, sb1, sb2, sb3, db0, db1, db2, db3,
                  pv0, pv1, pv2, pv3, wv0, wv1, wv2, wv3,
                  fx0, fx1, fx2, fx3, ones, dgb, pb,
                  sem_i0, sem_i1, sem_i2, sem_i3, sem_g, sem_s,
                  acc_n, acc_s):
    c = lax.axis_index("c")
    s = lax.axis_index("s")
    pipes = ((sb0, db0, pv0, wv0, fx0, sem_i0),
             (sb1, db1, pv1, wv1, fx1, sem_i1),
             (sb2, db2, pv2, wv2, fx2, sem_i2),
             (sb3, db3, pv3, wv3, fx3, sem_i3))
    for i in range(8):
        ones[pl.ds(16 * i, 16)] = jnp.full((16,), 1, jnp.int32)

    based = s * DROWS

    def fire_d(b, dbuf, sem):
        pltpu.async_copy(dst_hbm.at[based + b], dbuf, sem)

    for k, (_, dbuf, _, _, _, sem) in enumerate(pipes):
        fire_d(k, dbuf, sem)
    pltpu.sync_copy(zn_hbm.at[pl.ds(s * 3200, 3200)],
                    acc_n.at[pl.ds(s * 3200, 3200)])
    pltpu.sync_copy(zs_hbm.at[pl.ds(s * 25600, 25600)],
                    acc_s.at[pl.ds(s * 25600, 25600)])
    plsc.subcore_barrier()

    def outer_d(i4, carry):
        scs = []
        for _, dbuf, _, _, _, sem in pipes:
            pltpu.make_async_copy(dst_hbm.at[0], dbuf, sem).wait()
            scs.append(pltpu.async_copy(ones, acc_n.at[dbuf], sem_s,
                                        add=True))
        for k, (_, dbuf, _, _, _, sem) in enumerate(pipes):
            scs[k].wait()
            fire_d(lax.rem(4 * i4 + k + 4, DROWS), dbuf, sem)
        return carry

    lax.fori_loop(0, DROWS // 4, outer_d, 0)
    for _, dbuf, _, _, _, sem in pipes:
        pltpu.make_async_copy(dst_hbm.at[0], dbuf, sem).wait()
    plsc.subcore_barrier()

    pltpu.sync_copy(acc_n.at[pl.ds(s * 3200, 3200)], dgb)
    pltpu.sync_copy(batch_hbm.at[pl.ds(s * 3200, 3200)], pb)

    def pack_step(i, carry):
        o = i * 16
        x = (dgb[pl.ds(o, 16)] + 1).astype(jnp.float32)
        ii = lax.bitcast_convert_type(x, jnp.int32)
        y = lax.bitcast_convert_type(
            jnp.int32(0x5F3759DF) - lax.shift_right_arithmetic(ii, 1),
            jnp.float32)
        for _ in range(3):
            y = y * (1.5 - 0.5 * x * y * y)
        dgb[pl.ds(o, 16)] = (
            (lax.bitcast_convert_type(y, jnp.int32) & jnp.int32(-8))
            | pb[pl.ds(o, 16)])
        return carry

    lax.fori_loop(0, 200, pack_step, 0)
    pltpu.sync_copy(dgb, acc_n.at[pl.ds(s * 3200, 3200)])

    @pl.when(s // 8 == c)
    def _():
        pltpu.sync_copy(dgb, pk_out.at[pl.ds(s * 3200, 3200)])
    plsc.subcore_barrier()

    basec = c * HALF + s * CROWS

    def fire_c(b, sbuf, dbuf, sem):
        r = basec + b
        pltpu.async_copy(src_hbm.at[r], sbuf, sem)
        pltpu.async_copy(dst_hbm.at[r], dbuf, sem)

    for k, (sbuf, dbuf, _, _, _, sem) in enumerate(pipes):
        fire_c(k, sbuf, dbuf, sem)

    def outer_c(i4, carry):
        for sbuf, dbuf, pv, _, _, sem in pipes:
            pltpu.make_async_copy(src_hbm.at[0], sbuf, sem).wait()
            pltpu.make_async_copy(dst_hbm.at[0], dbuf, sem).wait()
            pltpu.async_copy(acc_n.at[sbuf], pv, sem_g)
        scs = []
        for sbuf, dbuf, pv, wv, fx, sem in pipes:
            pltpu.make_async_copy(acc_n.at[sbuf], pv, sem_g).wait()
            for k in range(8):
                p16 = pv[pl.ds(16 * k, 16)]
                d16 = dbuf[pl.ds(16 * k, 16)]
                fx[pl.ds(16 * k, 16)] = d16 * 8 + (p16 & jnp.int32(7))
                wv[pl.ds(16 * k, 16)] = lax.bitcast_convert_type(
                    p16 & jnp.int32(-8), jnp.float32)
            scs.append(pltpu.async_copy(wv, acc_s.at[fx], sem_s,
                                        add=True))
        for k, (sbuf, dbuf, _, _, _, sem) in enumerate(pipes):
            scs[k].wait()
            fire_c(lax.rem(4 * i4 + k + 4, CROWS), sbuf, dbuf, sem)
        return carry

    lax.fori_loop(0, CROWS // 4, outer_c, 0)
    for sbuf, dbuf, _, _, _, sem in pipes:
        pltpu.make_async_copy(src_hbm.at[0], sbuf, sem).wait()
        pltpu.make_async_copy(dst_hbm.at[0], dbuf, sem).wait()
    plsc.subcore_barrier()
    pltpu.sync_copy(acc_s.at[pl.ds(s * 25600, 25600)],
                    s_out.at[c, pl.ds(s * 25600, 25600)])


def _sc_prep(src2, dst2, batch_pad, zeros_ni, zeros_s):
    f = pl.kernel(
        _sc_prep_body,
        out_type=(jax.ShapeDtypeStruct((NC, NPAD * 8), jnp.float32),
                  jax.ShapeDtypeStruct((NPAD,), jnp.int32)),
        mesh=_mesh(),
        scratch_types=(
            [pltpu.VMEM((128,), jnp.int32) for _ in range(8)]
            + [pltpu.VMEM((128,), jnp.int32) for _ in range(4)]
            + [pltpu.VMEM((128,), jnp.float32) for _ in range(4)]
            + [pltpu.VMEM((128,), jnp.int32) for _ in range(4)]
            + [pltpu.VMEM((128,), jnp.int32),
               pltpu.VMEM((3200,), jnp.int32),
               pltpu.VMEM((3200,), jnp.int32),
               pltpu.SemaphoreType.DMA,
               pltpu.SemaphoreType.DMA,
               pltpu.SemaphoreType.DMA,
               pltpu.SemaphoreType.DMA,
               pltpu.SemaphoreType.DMA,
               pltpu.SemaphoreType.DMA,
               pltpu.VMEM_SHARED((NPAD,), jnp.int32),
               pltpu.VMEM_SHARED((NPAD * 8,), jnp.float32)]))
    return f(src2, dst2, batch_pad, zeros_ni, zeros_s)



def _sc_conv2_body(src_hbm, dst_hbm, y_hbm, zeros_hbm, out_hbm,
                   si0, di0, si1, di1, si2, di2, si3, di3,
                   m0, m1, m2, m3,
                   sem_i0, sem_i1, sem_i2, sem_i3, sem_g, sem_s, acc):
    c = lax.axis_index("c")
    s = lax.axis_index("s")
    base = s * TROWS
    yc = y_hbm.at[c]
    pipes = ((si0, di0, m0, sem_i0), (si1, di1, m1, sem_i1),
             (si2, di2, m2, sem_i2), (si3, di3, m3, sem_i3))

    def fire_idx(b, sbuf, dbuf, sem):
        r = base + b
        pltpu.async_copy(src_hbm.at[r], sbuf, sem)
        pltpu.async_copy(dst_hbm.at[r], dbuf, sem)

    for k, (sbuf, dbuf, _, sem) in enumerate(pipes):
        fire_idx(k, sbuf, dbuf, sem)
    pltpu.sync_copy(zeros_hbm.at[pl.ds(s * 3200, 3200), :],
                    acc.at[pl.ds(s * 3200, 3200), :])
    plsc.subcore_barrier()

    def outer(i4, carry):
        for sbuf, dbuf, msg, sem in pipes:
            pltpu.make_async_copy(src_hbm.at[0], sbuf, sem).wait()
            pltpu.make_async_copy(dst_hbm.at[0], dbuf, sem).wait()
            pltpu.async_copy(yc.at[sbuf], msg, sem_g)
        scs = []
        for sbuf, dbuf, msg, sem in pipes:
            pltpu.make_async_copy(yc.at[sbuf], msg, sem_g).wait()
            scs.append(pltpu.async_copy(msg, acc.at[dbuf], sem_s,
                                        add=True))
        for k, (sbuf, dbuf, msg, sem) in enumerate(pipes):
            scs[k].wait()
            fire_idx(lax.rem(4 * i4 + k + 4, TROWS), sbuf, dbuf, sem)
        return carry

    lax.fori_loop(0, TROWS // 4, outer, 0)
    for sbuf, dbuf, _, sem in pipes:
        pltpu.make_async_copy(src_hbm.at[0], sbuf, sem).wait()
        pltpu.make_async_copy(dst_hbm.at[0], dbuf, sem).wait()
    plsc.subcore_barrier()
    pltpu.sync_copy(acc.at[pl.ds(s * 3200, 3200), :],
                    out_hbm.at[c, pl.ds(s * 3200, 3200), :])


def _sc_conv2(src2, dst2, y2, zeros_m):
    f = pl.kernel(
        _sc_conv2_body,
        out_type=jax.ShapeDtypeStruct((NC, NPAD, 32), jnp.float32),
        mesh=_mesh(),
        compiler_params=pltpu.CompilerParams(use_tc_tiling_on_sc=False),
        scratch_types=[
            pltpu.VMEM((128,), jnp.int32),
            pltpu.VMEM((128,), jnp.int32),
            pltpu.VMEM((128,), jnp.int32),
            pltpu.VMEM((128,), jnp.int32),
            pltpu.VMEM((128,), jnp.int32),
            pltpu.VMEM((128,), jnp.int32),
            pltpu.VMEM((128,), jnp.int32),
            pltpu.VMEM((128,), jnp.int32),
            pltpu.VMEM((128, 32), jnp.float32),
            pltpu.VMEM((128, 32), jnp.float32),
            pltpu.VMEM((128, 32), jnp.float32),
            pltpu.VMEM((128, 32), jnp.float32),
            pltpu.SemaphoreType.DMA,
            pltpu.SemaphoreType.DMA,
            pltpu.SemaphoreType.DMA,
            pltpu.SemaphoreType.DMA,
            pltpu.SemaphoreType.DMA,
            pltpu.SemaphoreType.DMA,
            pltpu.VMEM_SHARED((NPAD, 32), jnp.float32),
        ])
    return f(src2, dst2, y2, zeros_m)



def _tc_dense_body(S_ref, pk_ref, z_ref, Wz_ref, bz_ref,
                   W1_ref, b1_ref, W2_ref, b2_ref,
                   y2_ref, q_ref):
    bf = jnp.bfloat16
    f32 = jnp.float32
    zn = lax.dot_general(z_ref[...].astype(bf), Wz_ref[...].astype(bf),
                         (((1,), (1,)), ((), ())),
                         preferred_element_type=f32) + bz_ref[...]
    xw1d = lax.dot_general(zn.astype(bf), W1_ref[...].astype(bf),
                           (((1,), (1,)), ((), ())),
                           preferred_element_type=f32)
    S = S_ref[0] + S_ref[1]
    pk = pk_ref[0, 0, :]
    dv = lax.bitcast_convert_type(pk & jnp.int32(-8), f32)
    bt = pk & jnp.int32(7)
    oh = (bt[:, None] == lax.broadcasted_iota(jnp.int32, (RB, 5), 1)
          ).astype(jnp.float32)
    S5 = S[:, :5] + dv[:, None] * oh
    t = S5[:, 0:1] * xw1d[0:1, :]
    for b in range(1, 5):
        t = t + S5[:, b:b + 1] * xw1d[b:b + 1, :]
    out1 = dv[:, None] * t + b1_ref[...]
    h1 = jnp.maximum(out1, 0.0)
    xw2 = lax.dot_general(h1.astype(bf), W2_ref[...].astype(bf),
                          (((1,), (1,)), ((), ())),
                          preferred_element_type=f32)
    y = dv[:, None] * xw2
    q_ref[...] = dv[:, None] * y + b2_ref[...]
    y2_ref[0] = y[:, :32]
    y2_ref[1] = y[:, 32:]


def _tc_dense(S3, pk3, z, Wz, bz, W1, b1, W2, b2):
    return pl.pallas_call(
        _tc_dense_body,
        grid=(GD,),
        in_specs=[
            pl.BlockSpec((2, RB, 8), lambda i: (0, i, 0)),
            pl.BlockSpec((1, 1, RB), lambda i: (i, 0, 0)),
            pl.BlockSpec((NB, NL), lambda i: (0, 0)),
            pl.BlockSpec((NH, NL), lambda i: (0, 0)),
            pl.BlockSpec((NH,), lambda i: (0,)),
            pl.BlockSpec((NH, NH), lambda i: (0, 0)),
            pl.BlockSpec((NH,), lambda i: (0,)),
            pl.BlockSpec((NH, NH), lambda i: (0, 0)),
            pl.BlockSpec((NH,), lambda i: (0,)),
        ],
        out_specs=[
            pl.BlockSpec((2, RB, 32), lambda i: (0, i, 0)),
            pl.BlockSpec((RB, NH), lambda i: (i, 0)),
        ],
        out_shape=[
            jax.ShapeDtypeStruct((2, NPAD, 32), jnp.float32),
            jax.ShapeDtypeStruct((NPAD, NH), jnp.float32),
        ],
    )(S3, pk3, z, Wz, bz, W1, b1, W2, b2)



def _tc_final_body(seg_ref, q_ref, pk_ref, Wo_ref, bo_ref, o_ref):
    pk = pk_ref[0, 0, :]
    dv = lax.bitcast_convert_type(pk & jnp.int32(-8), jnp.float32)
    wo = Wo_ref[...]
    q = q_ref[...]
    h0 = jnp.maximum(dv[:, None] * seg_ref[0] + q[:, :32], 0.0)
    h1 = jnp.maximum(dv[:, None] * seg_ref[1] + q[:, 32:], 0.0)
    bf = jnp.bfloat16
    f32 = jnp.float32
    lin = (jnp.dot(h0.astype(bf), wo[0, :32].astype(bf),
                   preferred_element_type=f32)
           + jnp.dot(h1.astype(bf), wo[0, 32:].astype(bf),
                     preferred_element_type=f32) + bo_ref[0])
    o_ref[...] = jnp.tanh(lin).reshape(1, 1, RB)


def _tc_final(seg2, q, pk3, Wo, bo):
    return pl.pallas_call(
        _tc_final_body,
        grid=(GD,),
        in_specs=[
            pl.BlockSpec((2, RB, 32), lambda i: (0, i, 0)),
            pl.BlockSpec((RB, NH), lambda i: (i, 0)),
            pl.BlockSpec((1, 1, RB), lambda i: (i, 0, 0)),
            pl.BlockSpec((1, NH), lambda i: (0, 0)),
            pl.BlockSpec((1,), lambda i: (0,)),
        ],
        out_specs=pl.BlockSpec((1, 1, RB), lambda i: (i, 0, 0)),
        out_shape=jax.ShapeDtypeStruct((GD, 1, RB), jnp.float32),
    )(seg2, q, pk3, Wo, bo)



def kernel(z, edge_index, batch, Wz, bz, W1, b1, W2, b2, Wo, bo):
    npad_e = ROWS * 128 - NE
    pad = jnp.full((npad_e,), NT, jnp.int32)
    src2 = jnp.concatenate([edge_index[0], pad]).reshape(ROWS, 128)
    dst2 = jnp.concatenate([edge_index[1], pad]).reshape(ROWS, 128)
    zeros_ni = jnp.zeros((NPAD,), jnp.int32)
    zeros_s = jnp.zeros((NPAD * 8,), jnp.float32)
    zeros_m = jnp.zeros((NPAD, 32), jnp.float32)
    batch_pad = jnp.concatenate(
        [batch, jnp.zeros((NPAD - NT,), jnp.int32)])

    S2, packed = _sc_prep(src2, dst2, batch_pad, zeros_ni, zeros_s)
    S3 = S2.reshape(NC, NPAD, 8)
    pk3 = packed.reshape(GD, 1, RB)
    y2, q = _tc_dense(S3, pk3, z, Wz, bz, W1, b1, W2, b2)
    seg2 = _sc_conv2(src2, dst2, y2, zeros_m)
    spin3 = _tc_final(seg2, q, pk3, Wo, bo)
    return spin3.reshape(NPAD)[:NT].reshape(NB, NN)

# --- scband reference (transcript-rebuilt; emitter-appended) ---
"""Pipeline reference for scband-gnndecoder-91182155694151 (READ-ONLY COPY).

The authoritative reference and input builder live on the scoring server;
editing this copy changes nothing except your own understanding.
"""

import jax, jax.numpy as jnp
import numpy as np

B = 5
NUM_NODES = 10000
N_TOTAL = B * NUM_NODES
E = 800000
LATENT = 128
HIDDEN = 64


def setup_inputs(seed: int = 0) -> dict:
    key = jax.random.key(seed)
    ks = jax.random.split(key, 12)
    z = jax.random.normal(ks[0], (B, LATENT), dtype=jnp.float32)
    edge_index = jax.random.randint(ks[1], (2, E), 0, N_TOTAL, dtype=jnp.int32)
    batch = jnp.sort(jax.random.randint(ks[2], (N_TOTAL,), 0, B, dtype=jnp.int32))
    Wz = jax.random.normal(ks[3], (HIDDEN, LATENT), dtype=jnp.float32) * (1.0 / np.sqrt(LATENT))
    bz = jax.random.normal(ks[4], (HIDDEN,), dtype=jnp.float32) * 0.01
    W1 = jax.random.normal(ks[5], (HIDDEN, HIDDEN), dtype=jnp.float32) * (1.0 / np.sqrt(HIDDEN))
    b1 = jax.random.normal(ks[6], (HIDDEN,), dtype=jnp.float32) * 0.01
    W2 = jax.random.normal(ks[7], (HIDDEN, HIDDEN), dtype=jnp.float32) * (1.0 / np.sqrt(HIDDEN))
    b2 = jax.random.normal(ks[8], (HIDDEN,), dtype=jnp.float32) * 0.01
    Wo = jax.random.normal(ks[9], (1, HIDDEN), dtype=jnp.float32) * (1.0 / np.sqrt(HIDDEN))
    bo = jax.random.normal(ks[10], (1,), dtype=jnp.float32) * 0.01
    return {"z": z, "edge_index": edge_index, "batch": batch, "Wz": Wz, "bz": bz,
            "W1": W1, "b1": b1, "W2": W2, "b2": b2, "Wo": Wo, "bo": bo}


def _gcn_conv(x, edge_index, W, b):
    # GCNConv: add self-loops, symmetric normalization D^-1/2 (A+I) D^-1/2 (X W^T) + b
    N = x.shape[0]
    loop = jnp.arange(N, dtype=edge_index.dtype)
    src = jnp.concatenate([edge_index[0], loop])
    dst = jnp.concatenate([edge_index[1], loop])
    deg = jnp.zeros((N,), x.dtype).at[dst].add(jnp.ones((src.shape[0],), x.dtype))
    dinv = jax.lax.rsqrt(jnp.maximum(deg, 1e-12))
    norm = dinv[src] * dinv[dst]
    xw = x @ W.T
    msg = xw[src] * norm[:, None]
    out = jnp.zeros_like(xw).at[dst].add(msg)
    return out + b


def reference(z, edge_index, batch, Wz, bz, W1, b1, W2, b2, Wo, bo):
    z_node = z @ Wz.T + bz          # [B, HIDDEN]
    h = z_node[batch]               # broadcast graph latent to nodes [N_TOTAL, HIDDEN]
    h = jax.nn.relu(_gcn_conv(h, edge_index, W1, b1))
    h = jax.nn.relu(_gcn_conv(h, edge_index, W2, b2))
    spin = h @ Wo.T + bo            # [N_TOTAL, 1]
    spin = jnp.tanh(spin)
    return spin.reshape(B, NUM_NODES)

if __name__ == "__main__":
    import jax
    _d = setup_inputs()
    print(jax.jit(kernel)(*tuple(_d.values())))

</pallas_src>

<mosaic_0001>
#map = affine_map<(d0, d1) -> (0, 0)>
#map1 = affine_map<(d0, d1) -> (0)>
module attributes {stable_mosaic.version = 14 : i64} {
  func.func @_sc_prep_body(%arg0: i32, %arg1: i32, %arg2: memref<6272x128xi32, #tpu.memory_space<hbm>>, %arg3: memref<6272x128xi32, #tpu.memory_space<hbm>>, %arg4: memref<51200xi32, #tpu.memory_space<hbm>>, %arg5: memref<51200xi32, #tpu.memory_space<hbm>>, %arg6: memref<409600xf32, #tpu.memory_space<hbm>>, %arg7: memref<2x409600xf32, #tpu.memory_space<hbm>>, %arg8: memref<51200xi32, #tpu.memory_space<hbm>>, %arg9: memref<128xi32, #tpu.memory_space<vmem>>, %arg10: memref<128xi32, #tpu.memory_space<vmem>>, %arg11: memref<128xi32, #tpu.memory_space<vmem>>, %arg12: memref<128xi32, #tpu.memory_space<vmem>>, %arg13: memref<128xi32, #tpu.memory_space<vmem>>, %arg14: memref<128xi32, #tpu.memory_space<vmem>>, %arg15: memref<128xi32, #tpu.memory_space<vmem>>, %arg16: memref<128xi32, #tpu.memory_space<vmem>>, %arg17: memref<128xi32, #tpu.memory_space<vmem>>, %arg18: memref<128xi32, #tpu.memory_space<vmem>>, %arg19: memref<128xi32, #tpu.memory_space<vmem>>, %arg20: memref<128xi32, #tpu.memory_space<vmem>>, %arg21: memref<128xf32, #tpu.memory_space<vmem>>, %arg22: memref<128xf32, #tpu.memory_space<vmem>>, %arg23: memref<128xf32, #tpu.memory_space<vmem>>, %arg24: memref<128xf32, #tpu.memory_space<vmem>>, %arg25: memref<128xi32, #tpu.memory_space<vmem>>, %arg26: memref<128xi32, #tpu.memory_space<vmem>>, %arg27: memref<128xi32, #tpu.memory_space<vmem>>, %arg28: memref<128xi32, #tpu.memory_space<vmem>>, %arg29: memref<128xi32, #tpu.memory_space<vmem>>, %arg30: memref<3200xi32, #tpu.memory_space<vmem>>, %arg31: memref<3200xi32, #tpu.memory_space<vmem>>, %arg32: memref<!tpu.dma_semaphore, #tpu.memory_space<semaphore_mem>>, %arg33: memref<!tpu.dma_semaphore, #tpu.memory_space<semaphore_mem>>, %arg34: memref<!tpu.dma_semaphore, #tpu.memory_space<semaphore_mem>>, %arg35: memref<!tpu.dma_semaphore, #tpu.memory_space<semaphore_mem>>, %arg36: memref<!tpu.dma_semaphore, #tpu.memory_space<semaphore_mem>>, %arg37: memref<!tpu.dma_semaphore, #tpu.memory_space<semaphore_mem>>, %arg38: memref<51200xi32, #tpu.memory_space<vmem_shared>>, %arg39: memref<409600xf32, #tpu.memory_space<vmem_shared>>) attributes {dimension_semantics = [#tpu.dimension_semantics<core_parallel>, #tpu.dimension_semantics<subcore_parallel>], iteration_bounds = array<i64: 2, 16>, scalar_prefetch = 0 : i64, scratch_operands = 31 : i64, tpu.core_type = #tpu.core_type<sc_vector_subcore>, window_params = [{transform_indices = #map}, {transform_indices = #map}, {transform_indices = #map1}, {transform_indices = #map1}, {transform_indices = #map1}, {transform_indices = #map}, {transform_indices = #map1}]} {
    %broadcast_in_dim3A = arith.constant 1 : i32
    %broadcast_in_dim3A_0 = vector.broadcast %broadcast_in_dim3A : i32 to vector<16xi32>
    %swap3A = arith.constant 0 : index
    %swap3A_1 = tpu.vector_load %arg29[%swap3A] {strides = array<i32>} : memref<128xi32, #tpu.memory_space<vmem>>, vector<16xi32>,
    %swap3A_2 = vector.shape_cast %swap3A_1 : vector<16xi32> to vector<16xi32>
    %swap3A_3 = vector.shape_cast %broadcast_in_dim3A_0 : vector<16xi32> to vector<16xi32>
    tpu.vector_store %arg29[%swap3A], %swap3A_3 {strides = array<i32>} : memref<128xi32, #tpu.memory_space<vmem>>, vector<16xi32>,
    %broadcast_in_dim3A_4 = arith.constant 1 : i32
    %broadcast_in_dim3A_5 = vector.broadcast %broadcast_in_dim3A_4 : i32 to vector<16xi32>
    %swap3A_6 = arith.constant 16 : index
    %swap3A_7 = tpu.vector_load %arg29[%swap3A_6] {strides = array<i32>} : memref<128xi32, #tpu.memory_space<vmem>>, vector<16xi32>,
    %swap3A_8 = vector.shape_cast %swap3A_7 : vector<16xi32> to vector<16xi32>
    %swap3A_9 = vector.shape_cast %broadcast_in_dim3A_5 : vector<16xi32> to vector<16xi32>
    tpu.vector_store %arg29[%swap3A_6], %swap3A_9 {strides = array<i32>} : memref<128xi32, #tpu.memory_space<vmem>>, vector<16xi32>,
    %broadcast_in_dim3A_10 = arith.constant 1 : i32
    %broadcast_in_dim3A_11 = vector.broadcast %broadcast_in_dim3A_10 : i32 to vector<16xi32>
    %swap3A_12 = arith.constant 32 : index
    %swap3A_13 = tpu.vector_load %arg29[%swap3A_12] {strides = array<i32>} : memref<128xi32, #tpu.memory_space<vmem>>, vector<16xi32>,
    %swap3A_14 = vector.shape_cast %swap3A_13 : vector<16xi32> to vector<16xi32>
    %swap3A_15 = vector.shape_cast %broadcast_in_dim3A_11 : vector<16xi32> to vector<16xi32>
    tpu.vector_store %arg29[%swap3A_12], %swap3A_15 {strides = array<i32>} : memref<128xi32, #tpu.memory_space<vmem>>, vector<16xi32>,
    %broadcast_in_dim3A_16 = arith.constant 1 : i32
    %broadcast_in_dim3A_17 = vector.broadcast %broadcast_in_dim3A_16 : i32 to vector<16xi32>
    %swap3A_18 = arith.constant 48 : index
    %swap3A_19 = tpu.vector_load %arg29[%swap3A_18] {strides = array<i32>} : memref<128xi32, #tpu.memory_space<vmem>>, vector<16xi32>,
    %swap3A_20 = vector.shape_cast %swap3A_19 : vector<16xi32> to vector<16xi32>
    %swap3A_21 = vector.shape_cast %broadcast_in_dim3A_17 : vector<16xi32> to vector<16xi32>
    tpu.vector_store %arg29[%swap3A_18], %swap3A_21 {strides = array<i32>} : memref<128xi32, #tpu.memory_space<vmem>>, vector<16xi32>,
    %broadcast_in_dim3A_22 = arith.constant 1 : i32
    %broadcast_in_dim3A_23 = vector.broadcast %broadcast_in_dim3A_22 : i32 to vector<16xi32>
    %swap3A_24 = arith.constant 64 : index
    %swap3A_25 = tpu.vector_load %arg29[%swap3A_24] {strides = array<i32>} : memref<128xi32, #tpu.memory_space<vmem>>, vector<16xi32>,
    %swap3A_26 = vector.shape_cast %swap3A_25 : vector<16xi32> to vector<16xi32>
    %swap3A_27 = vector.shape_cast %broadcast_in_dim3A_23 : vector<16xi32> to vector<16xi32>
    tpu.vector_store %arg29[%swap3A_24], %swap3A_27 {strides = array<i32>} : memref<128xi32, #tpu.memory_space<vmem>>, vector<16xi32>,
    %broadcast_in_dim3A_28 = arith.constant 1 : i32
    %broadcast_in_dim3A_29 = vector.broadcast %broadcast_in_dim3A_28 : i32 to vector<16xi32>
    %swap3A_30 = arith.constant 80 : index
    %swap3A_31 = tpu.vector_load %arg29[%swap3A_30] {strides = array<i32>} : memref<128xi32, #tpu.memory_space<vmem>>, vector<16xi32>,
    %swap3A_32 = vector.shape_cast %swap3A_31 : vector<16xi32> to vector<16xi32>
    %swap3A_33 = vector.shape_cast %broadcast_in_dim3A_29 : vector<16xi32> to vector<16xi32>
    tpu.vector_store %arg29[%swap3A_30], %swap3A_33 {strides = array<i32>} : memref<128xi32, #tpu.memory_space<vmem>>, vector<16xi32>,
    %broadcast_in_dim3A_34 = arith.constant 1 : i32
    %broadcast_in_dim3A_35 = vector.broadcast %broadcast_in_dim3A_34 : i32 to vector<16xi32>
    %swap3A_36 = arith.constant 96 : index
    %swap3A_37 = tpu.vector_load %arg29[%swap3A_36] {strides = array<i32>} : memref<128xi32, #tpu.memory_space<vmem>>, vector<16xi32>,
    %swap3A_38 = vector.shape_cast %swap3A_37 : vector<16xi32> to vector<16xi32>
    %swap3A_39 = vector.shape_cast %broadcast_in_dim3A_35 : vector<16xi32> to vector<16xi32>
    tpu.vector_store %arg29[%swap3A_36], %swap3A_39 {strides = array<i32>} : memref<128xi32, #tpu.memory_space<vmem>>, vector<16xi32>,
    %broadcast_in_dim3A_40 = arith.constant 1 : i32
    %broadcast_in_dim3A_41 = vector.broadcast %broadcast_in_dim3A_40 : i32 to vector<16xi32>
    %swap3A_42 = arith.constant 112 : index
    %swap3A_43 = tpu.vector_load %arg29[%swap3A_42] {strides = array<i32>} : memref<128xi32, #tpu.memory_space<vmem>>, vector<16xi32>,
    %swap3A_44 = vector.shape_cast %swap3A_43 : vector<16xi32> to vector<16xi32>
    %swap3A_45 = vector.shape_cast %broadcast_in_dim3A_41 : vector<16xi32> to vector<16xi32>
    tpu.vector_store %arg29[%swap3A_42], %swap3A_45 {strides = array<i32>} : memref<128xi32, #tpu.memory_space<vmem>>, vector<16xi32>,
    %mul3A = arith.constant 392 : i32
    %mul3A_46 = arith.muli %arg1, %mul3A : i32
    %add3A = arith.constant 0 : i32
    %add3A_47 = arith.addi %mul3A_46, %add3A : i32
    %dma_start3A = arith.constant 0 : i32
    %dma_start3A_48 = tpu.memref_slice %arg3[%add3A_47, %dma_start3A] : memref<6272x128xi32, #tpu.memory_space<hbm>> -> memref<1x128xi32, #tpu.memory_space<hbm>>
    %dma_start3A_49 = tpu.memref_squeeze %dma_start3A_48 : memref<1x128xi32, #tpu.memory_space<hbm>> -> memref<128xi32, #tpu.memory_space<hbm>>
    %dma_start3A_50 = arith.constant 0 : i32
    %dma_start3A_51 = tpu.memref_slice %arg3[%add3A_47, %dma_start3A_50] : memref<6272x128xi32, #tpu.memory_space<hbm>> -> memref<1x128xi32, #tpu.memory_space<hbm>>
    %dma_start3A_52 = tpu.memref_squeeze %dma_start3A_51 : memref<1x128xi32, #tpu.memory_space<hbm>> -> memref<128xi32, #tpu.memory_space<hbm>>
    tpu.enqueue_dma source(%dma_start3A_52 : memref<128xi32, #tpu.memory_space<hbm>>) target(%arg13 : memref<128xi32, #tpu.memory_space<vmem>>) target_semaphore(%arg32 : memref<!tpu.dma_semaphore, #tpu.memory_space<semaphore_mem>>)
    %add3A_53 = arith.constant 1 : i32
    %add3A_54 = arith.addi %mul3A_46, %add3A_53 : i32
    %dma_start3A_55 = arith.constant 0 : i32
    %dma_start3A_56 = tpu.memref_slice %arg3[%add3A_54, %dma_start3A_55] : memref<6272x128xi32, #tpu.memory_space<hbm>> -> memref<1x128xi32, #tpu.memory_space<hbm>>
    %dma_start3A_57 = tpu.memref_squeeze %dma_start3A_56 : memref<1x128xi32, #tpu.memory_space<hbm>> -> memref<128xi32, #tpu.memory_space<hbm>>
    %dma_start3A_58 = arith.constant 0 : i32
    %dma_start3A_59 = tpu.memref_slice %arg3[%add3A_54, %dma_start3A_58] : memref<6272x128xi32, #tpu.memory_space<hbm>> -> memref<1x128xi32, #tpu.memory_space<hbm>>
    %dma_start3A_60 = tpu.memref_squeeze %dma_start3A_59 : memref<1x128xi32, #tpu.memory_space<hbm>> -> memref<128xi32, #tpu.memory_space<hbm>>
    tpu.enqueue_dma source(%dma_start3A_60 : memref<128xi32, #tpu.memory_space<hbm>>) target(%arg14 : memref<128xi32, #tpu.memory_space<vmem>>) target_semaphore(%arg33 : memref<!tpu.dma_semaphore, #tpu.memory_space<semaphore_mem>>)
    %add3A_61 = arith.constant 2 : i32
    %add3A_62 = arith.addi %mul3A_46, %add3A_61 : i32
    %dma_start3A_63 = arith.constant 0 : i32
    %dma_start3A_64 = tpu.memref_slice %arg3[%add3A_62, %dma_start3A_63] : memref<6272x128xi32, #tpu.memory_space<hbm>> -> memref<1x128xi32, #tpu.memory_space<hbm>>
    %dma_start3A_65 = tpu.memref_squeeze %dma_start3A_64 : memref<1x128xi32, #tpu.memory_space<hbm>> -> memref<128xi32, #tpu.memory_space<hbm>>
    %dma_start3A_66 = arith.constant 0 : i32
    %dma_start3A_67 = tpu.memref_slice %arg3[%add3A_62, %dma_start3A_66] : memref<6272x128xi32, #tpu.memory_space<hbm>> -> memref<1x128xi32, #tpu.memory_space<hbm>>
    %dma_start3A_68 = tpu.memref_squeeze %dma_start3A_67 : memref<1x128xi32, #tpu.memory_space<hbm>> -> memref<128xi32, #tpu.memory_space<hbm>>
    tpu.enqueue_dma source(%dma_start3A_68 : memref<128xi32, #tpu.memory_space<hbm>>) target(%arg15 : memref<128xi32, #tpu.memory_space<vmem>>) target_semaphore(%arg34 : memref<!tpu.dma_semaphore, #tpu.memory_space<semaphore_mem>>)
    %add3A_69 = arith.constant 3 : i32
    %add3A_70 = arith.addi %mul3A_46, %add3A_69 : i32
    %dma_start3A_71 = arith.constant 0 : i32
    %dma_start3A_72 = tpu.memref_slice %arg3[%add3A_70, %dma_start3A_71] : memref<6272x128xi32, #tpu.memory_space<hbm>> -> memref<1x128xi32, #tpu.memory_space<hbm>>
    %dma_start3A_73 = tpu.memref_squeeze %dma_start3A_72 : memref<1x128xi32, #tpu.memory_space<hbm>> -> memref<128xi32, #tpu.memory_space<hbm>>
    %dma_start3A_74 = arith.constant 0 : i32
    %dma_start3A_75 = tpu.memref_slice %arg3[%add3A_70, %dma_start3A_74] : memref<6272x128xi32, #tpu.memory_space<hbm>> -> memref<1x128xi32, #tpu.memory_space<hbm>>
    %dma_start3A_76 = tpu.memref_squeeze %dma_start3A_75 : memref<1x128xi32, #tpu.memory_space<hbm>> -> memref<128xi32, #tpu.memory_space<hbm>>
    tpu.enqueue_dma source(%dma_start3A_76 : memref<128xi32, #tpu.memory_space<hbm>>) target(%arg16 : memref<128xi32, #tpu.memory_space<vmem>>) target_semaphore(%arg35 : memref<!tpu.dma_semaphore, #tpu.memory_space<semaphore_mem>>)
    %mul3A_77 = arith.constant 3200 : i32
    %mul3A_78 = arith.muli %arg1, %mul3A_77 : i32
    %mul3A_79 = arith.constant 3200 : i32
    %mul3A_80 = arith.muli %arg1, %mul3A_79 : i32
    "tpu.region"() ({
      %run_scoped3A = tpu.sem_alloc : memref<!tpu.dma_semaphore, #tpu.memory_space<semaphore_mem>>
      %dma_start3A_276 = tpu.memref_slice %arg38[%mul3A_80] : memref<51200xi32, #tpu.memory_space<vmem_shared>> -> memref<3200xi32, #tpu.memory_space<vmem_shared>>
      %dma_start3A_277 = tpu.memref_slice %arg5[%mul3A_78] : memref<51200xi32, #tpu.memory_space<hbm>> -> memref<3200xi32, #tpu.memory_space<hbm>>
      tpu.enqueue_dma source(%dma_start3A_277 : memref<3200xi32, #tpu.memory_space<hbm>>) target(%dma_start3A_276 : memref<3200xi32, #tpu.memory_space<vmem_shared>>) target_semaphore(%run_scoped3A : memref<!tpu.dma_semaphore, #tpu.memory_space<semaphore_mem>>)
      %dma_wait3A_278 = tpu.memref_slice %arg38[%mul3A_80] : memref<51200xi32, #tpu.memory_space<vmem_shared>> -> memref<3200xi32, #tpu.memory_space<vmem_shared>>
      %dma_wait3A_279 = tpu.memref_slice %arg5[%mul3A_78] : memref<51200xi32, #tpu.memory_space<hbm>> -> memref<3200xi32, #tpu.memory_space<hbm>>
      tpu.wait_dma2 semaphore(%run_scoped3A : memref<!tpu.dma_semaphore, #tpu.memory_space<semaphore_mem>>) src(%dma_wait3A_279 : memref<3200xi32, #tpu.memory_space<hbm>>) dst(%dma_wait3A_278 : memref<3200xi32, #tpu.memory_space<vmem_shared>>)
      tpu.yield
    }) : () -> ()
    %mul3A_81 = arith.constant 25600 : i32
    %mul3A_82 = arith.muli %arg1, %mul3A_81 : i32
    %mul3A_83 = arith.constant 25600 : i32
    %mul3A_84 = arith.muli %arg1, %mul3A_83 : i32
    "tpu.region"() ({
      %run_scoped3A = tpu.sem_alloc : memref<!tpu.dma_semaphore, #tpu.memory_space<semaphore_mem>>
      %dma_start3A_276 = tpu.memref_slice %arg39[%mul3A_84] : memref<409600xf32, #tpu.memory_space<vmem_shared>> -> memref<25600xf32, #tpu.memory_space<vmem_shared>>
      %dma_start3A_277 = tpu.memref_slice %arg6[%mul3A_82] : memref<409600xf32, #tpu.memory_space<hbm>> -> memref<25600xf32, #tpu.memory_space<hbm>>
      tpu.enqueue_dma source(%dma_start3A_277 : memref<25600xf32, #tpu.memory_space<hbm>>) target(%dma_start3A_276 : memref<25600xf32, #tpu.memory_space<vmem_shared>>) target_semaphore(%run_scoped3A : memref<!tpu.dma_semaphore, #tpu.memory_space<semaphore_mem>>)
      %dma_wait3A_278 = tpu.memref_slice %arg39[%mul3A_84] : memref<409600xf32, #tpu.memory_space<vmem_shared>> -> memref<25600xf32, #tpu.memory_space<vmem_shared>>
      %dma_wait3A_279 = tpu.memref_slice %arg6[%mul3A_82] : memref<409600xf32, #tpu.memory_space<hbm>> -> memref<25600xf32, #tpu.memory_space<hbm>>
      tpu.wait_dma2 semaphore(%run_scoped3A : memref<!tpu.dma_semaphore, #tpu.memory_space<semaphore_mem>>) src(%dma_wait3A_279 : memref<25600xf32, #tpu.memory_space<hbm>>) dst(%dma_wait3A_278 : memref<25600xf32, #tpu.memory_space<vmem_shared>>)
      tpu.yield
    }) : () -> ()
    %barrier3A = arith.constant 0 : index
    tpu.barrier barrier_id(%barrier3A)
    %scan3A = arith.constant 0 : i32
    %scan3A_85 = arith.constant 0 : i32
    %scan3A_86 = arith.constant 98 : i32
    %scan3A_87 = arith.addi %scan3A_85, %scan3A_86 : i32
    %scan3A_88 = arith.constant 1 : i32
    scf.for %scan3A_276 = %scan3A_85 to %scan3A_87 step %scan3A_88  : i32 {
      %dma_wait3A_277 = arith.constant 0 : i32
      %dma_wait3A_278 = arith.constant 0 : i32
      %dma_wait3A_279 = tpu.memref_slice %arg3[%dma_wait3A_277, %dma_wait3A_278] : memref<6272x128xi32, #tpu.memory_space<hbm>> -> memref<1x128xi32, #tpu.memory_space<hbm>>
      %dma_wait3A_280 = tpu.memref_squeeze %dma_wait3A_279 : memref<1x128xi32, #tpu.memory_space<hbm>> -> memref<128xi32, #tpu.memory_space<hbm>>
      %dma_wait3A_281 = arith.constant 0 : i32
      %dma_wait3A_282 = tpu.memref_slice %arg3[%dma_wait3A_277, %dma_wait3A_281] : memref<6272x128xi32, #tpu.memory_space<hbm>> -> memref<1x128xi32, #tpu.memory_space<hbm>>
      %dma_wait3A_283 = tpu.memref_squeeze %dma_wait3A_282 : memref<1x128xi32, #tpu.memory_space<hbm>> -> memref<128xi32, #tpu.memory_space<hbm>>
      tpu.wait_dma2 semaphore(%arg32 : memref<!tpu.dma_semaphore, #tpu.memory_space<semaphore_mem>>) src(%dma_wait3A_283 : memref<128xi32, #tpu.memory_space<hbm>>) dst(%arg13 : memref<128xi32, #tpu.memory_space<vmem>>)
      %dma_start3A_284 = arith.constant 0 : i32
      %dma_start3A_285 = tpu.memref_slice %arg38[%dma_start3A_284] : memref<51200xi32, #tpu.memory_space<vmem_shared>> -> memref<51200xi32, #tpu.memory_space<vmem_shared>>
      tpu.enqueue_indirect_dma source(%arg29 : memref<128xi32, #tpu.memory_space<vmem>>) target(%dma_start3A_285 : memref<51200xi32, #tpu.memory_space<vmem_shared>>) offsets(%arg13 : memref<128xi32, #tpu.memory_space<vmem>>) semaphore(%arg37 : memref<!tpu.dma_semaphore, #tpu.memory_space<semaphore_mem>>) {add = true}
      %dma_wait3A_286 = arith.constant 0 : i32
      %dma_wait3A_287 = arith.constant 0 : i32
      %dma_wait3A_288 = tpu.memref_slice %arg3[%dma_wait3A_286, %dma_wait3A_287] : memref<6272x128xi32, #tpu.memory_space<hbm>> -> memref<1x128xi32, #tpu.memory_space<hbm>>
      %dma_wait3A_289 = tpu.memref_squeeze %dma_wait3A_288 : memref<1x128xi32, #tpu.memory_space<hbm>> -> memref<128xi32, #tpu.memory_space<hbm>>
      %dma_wait3A_290 = arith.constant 0 : i32
      %dma_wait3A_291 = tpu.memref_slice %arg3[%dma_wait3A_286, %dma_wait3A_290] : memref<6272x128xi32, #tpu.memory_space<hbm>> -> memref<1x128xi32, #tpu.memory_space<hbm>>
      %dma_wait3A_292 = tpu.memref_squeeze %dma_wait3A_291 : memref<1x128xi32, #tpu.memory_space<hbm>> -> memref<128xi32, #tpu.memory_space<hbm>>
      tpu.wait_dma2 semaphore(%arg33 : memref<!tpu.dma_semaphore, #tpu.memory_space<semaphore_mem>>) src(%dma_wait3A_292 : memref<128xi32, #tpu.memory_space<hbm>>) dst(%arg14 : memref<128xi32, #tpu.memory_space<vmem>>)
      %dma_start3A_293 = arith.constant 0 : i32
      %dma_start3A_294 = tpu.memref_slice %arg38[%dma_start3A_293] : memref<51200xi32, #tpu.memory_space<vmem_shared>> -> memref<51200xi32, #tpu.memory_space<vmem_shared>>
      tpu.enqueue_indirect_dma source(%arg29 : memref<128xi32, #tpu.memory_space<vmem>>) target(%dma_start3A_294 : memref<51200xi32, #tpu.memory_space<vmem_shared>>) offsets(%arg14 : memref<128xi32, #tpu.memory_space<vmem>>) semaphore(%arg37 : memref<!tpu.dma_semaphore, #tpu.memory_space<semaphore_mem>>) {add = true}
      %dma_wait3A_295 = arith.constant 0 : i32
      %dma_wait3A_296 = arith.constant 0 : i32
      %dma_wait3A_297 = tpu.memref_slice %arg3[%dma_wait3A_295, %dma_wait3A_296] : memref<6272x128xi32, #tpu.memory_space<hbm>> -> memref<1x128xi32, #tpu.memory_space<hbm>>
      %dma_wait3A_298 = tpu.memref_squeeze %dma_wait3A_297 : memref<1x128xi32, #tpu.memory_space<hbm>> -> memref<128xi32, #tpu.memory_space<hbm>>
      %dma_wait3A_299 = arith.constant 0 : i32
      %dma_wait3A_300 = tpu.memref_slice %arg3[%dma_wait3A_295, %dma_wait3A_299] : memref<6272x128xi32, #tpu.memory_space<hbm>> -> memref<1x128xi32, #tpu.memory_space<hbm>>
      %dma_wait3A_301 = tpu.memref_squeeze %dma_wait3A_300 : memref<1x128xi32, #tpu.memory_space<hbm>> -> memref<128xi32, #tpu.memory_space<hbm>>
      tpu.wait_dma2 semaphore(%arg34 : memref<!tpu.dma_semaphore, #tpu.memory_space<semaphore_mem>>) src(%dma_wait3A_301 : memref<128xi32, #tpu.memory_space<hbm>>) dst(%arg15 : memref<128xi32, #tpu.memory_space<vmem>>)
      %dma_start3A_302 = arith.constant 0 : i32
      %dma_start3A_303 = tpu.memref_slice %arg38[%dma_start3A_302] : memref<51200xi32, #tpu.memory_space<vmem_shared>> -> memref<51200xi32, #tpu.memory_space<vmem_shared>>
      tpu.enqueue_indirect_dma source(%arg29 : memref<128xi32, #tpu.memory_space<vmem>>) target(%dma_start3A_303 : memref<51200xi32, #tpu.memory_space<vmem_shared>>) offsets(%arg15 : memref<128xi32, #tpu.memory_space<vmem>>) semaphore(%arg37 : memref<!tpu.dma_semaphore, #tpu.memory_space<semaphore_mem>>) {add = true}
      %dma_wait3A_304 = arith.constant 0 : i32
      %dma_wait3A_305 = arith.constant 0 : i32
      %dma_wait3A_306 = tpu.memref_slice %arg3[%dma_wait3A_304, %dma_wait3A_305] : memref<6272x128xi32, #tpu.memory_space<hbm>> -> memref<1x128xi32, #tpu.memory_space<hbm>>
      %dma_wait3A_307 = tpu.memref_squeeze %dma_wait3A_306 : memref<1x128xi32, #tpu.memory_space<hbm>> -> memref<128xi32, #tpu.memory_space<hbm>>
      %dma_wait3A_308 = arith.constant 0 : i32
      %dma_wait3A_309 = tpu.memref_slice %arg3[%dma_wait3A_304, %dma_wait3A_308] : memref<6272x128xi32, #tpu.memory_space<hbm>> -> memref<1x128xi32, #tpu.memory_space<hbm>>
      %dma_wait3A_310 = tpu.memref_squeeze %dma_wait3A_309 : memref<1x128xi32, #tpu.memory_space<hbm>> -> memref<128xi32, #tpu.memory_space<hbm>>
      tpu.wait_dma2 semaphore(%arg35 : memref<!tpu.dma_semaphore, #tpu.memory_space<semaphore_mem>>) src(%dma_wait3A_310 : memref<128xi32, #tpu.memory_space<hbm>>) dst(%arg16 : memref<128xi32, #tpu.memory_space<vmem>>)
      %dma_start3A_311 = arith.constant 0 : i32
      %dma_start3A_312 = tpu.memref_slice %arg38[%dma_start3A_311] : memref<51200xi32, #tpu.memory_space<vmem_shared>> -> memref<51200xi32, #tpu.memory_space<vmem_shared>>
      tpu.enqueue_indirect_dma source(%arg29 : memref<128xi32, #tpu.memory_space<vmem>>) target(%dma_start3A_312 : memref<51200xi32, #tpu.memory_space<vmem_shared>>) offsets(%arg16 : memref<128xi32, #tpu.memory_space<vmem>>) semaphore(%arg37 : memref<!tpu.dma_semaphore, #tpu.memory_space<semaphore_mem>>) {add = true}
      %dma_wait3A_313 = arith.constant 0 : i32
      %dma_wait3A_314 = tpu.memref_slice %arg38[%dma_wait3A_313] : memref<51200xi32, #tpu.memory_space<vmem_shared>> -> memref<51200xi32, #tpu.memory_space<vmem_shared>>
      tpu.wait_indirect_dma semaphore(%arg37 : memref<!tpu.dma_semaphore, #tpu.memory_space<semaphore_mem>>) src(%arg29 : memref<128xi32, #tpu.memory_space<vmem>>) dst(%dma_wait3A_314 : memref<51200xi32, #tpu.memory_space<vmem_shared>>)
      %mul3A_315 = arith.constant 4 : i32
      %mul3A_316 = arith.muli %mul3A_315, %scan3A_276 : i32
      %add3A_317 = arith.constant 0 : i32
      %add3A_318 = arith.addi %mul3A_316, %add3A_317 : i32
      %add3A_319 = arith.constant 4 : i32
      %add3A_320 = arith.addi %add3A_318, %add3A_319 : i32
      %rem3A_321 = arith.constant 392 : i32
      %rem3A_322 = arith.remsi %add3A_320, %rem3A_321 : i32
      %add3A_323 = arith.addi %mul3A_46, %rem3A_322 : i32
      %dma_start3A_324 = arith.constant 0 : i32
      %dma_start3A_325 = tpu.memref_slice %arg3[%add3A_323, %dma_start3A_324] : memref<6272x128xi32, #tpu.memory_space<hbm>> -> memref<1x128xi32, #tpu.memory_space<hbm>>
      %dma_start3A_326 = tpu.memref_squeeze %dma_start3A_325 : memref<1x128xi32, #tpu.memory_space<hbm>> -> memref<128xi32, #tpu.memory_space<hbm>>
      %dma_start3A_327 = arith.constant 0 : i32
      %dma_start3A_328 = tpu.memref_slice %arg3[%add3A_323, %dma_start3A_327] : memref<6272x128xi32, #tpu.memory_space<hbm>> -> memref<1x128xi32, #tpu.memory_space<hbm>>
      %dma_start3A_329 = tpu.memref_squeeze %dma_start3A_328 : memref<1x128xi32, #tpu.memory_space<hbm>> -> memref<128xi32, #tpu.memory_space<hbm>>
      tpu.enqueue_dma source(%dma_start3A_329 : memref<128xi32, #tpu.memory_space<hbm>>) target(%arg13 : memref<128xi32, #tpu.memory_space<vmem>>) target_semaphore(%arg32 : memref<!tpu.dma_semaphore, #tpu.memory_space<semaphore_mem>>)
      %dma_wait3A_330 = arith.constant 0 : i32
      %dma_wait3A_331 = tpu.memref_slice %arg38[%dma_wait3A_330] : memref<51200xi32, #tpu.memory_space<vmem_shared>> -> memref<51200xi32, #tpu.memory_space<vmem_shared>>
      tpu.wait_indirect_dma semaphore(%arg37 : memref<!tpu.dma_semaphore, #tpu.memory_space<semaphore_mem>>) src(%arg29 : memref<128xi32, #tpu.memory_space<vmem>>) dst(%dma_wait3A_331 : memref<51200xi32, #tpu.memory_space<vmem_shared>>)
      %mul3A_332 = arith.constant 4 : i32
      %mul3A_333 = arith.muli %mul3A_332, %scan3A_276 : i32
      %add3A_334 = arith.constant 1 : i32
      %add3A_335 = arith.addi %mul3A_333, %add3A_334 : i32
      %add3A_336 = arith.constant 4 : i32
      %add3A_337 = arith.addi %add3A_335, %add3A_336 : i32
      %rem3A_338 = arith.constant 392 : i32
      %rem3A_339 = arith.remsi %add3A_337, %rem3A_338 : i32
      %add3A_340 = arith.addi %mul3A_46, %rem3A_339 : i32
      %dma_start3A_341 = arith.constant 0 : i32
      %dma_start3A_342 = tpu.memref_slice %arg3[%add3A_340, %dma_start3A_341] : memref<6272x128xi32, #tpu.memory_space<hbm>> -> memref<1x128xi32, #tpu.memory_space<hbm>>
      %dma_start3A_343 = tpu.memref_squeeze %dma_start3A_342 : memref<1x128xi32, #tpu.memory_space<hbm>> -> memref<128xi32, #tpu.memory_space<hbm>>
      %dma_start3A_344 = arith.constant 0 : i32
      %dma_start3A_345 = tpu.memref_slice %arg3[%add3A_340, %dma_start3A_344] : memref<6272x128xi32, #tpu.memory_space<hbm>> -> memref<1x128xi32, #tpu.memory_space<hbm>>
      %dma_start3A_346 = tpu.memref_squeeze %dma_start3A_345 : memref<1x128xi32, #tpu.memory_space<hbm>> -> memref<128xi32, #tpu.memory_space<hbm>>
      tpu.enqueue_dma source(%dma_start3A_346 : memref<128xi32, #tpu.memory_space<hbm>>) target(%arg14 : memref<128xi32, #tpu.memory_space<vmem>>) target_semaphore(%arg33 : memref<!tpu.dma_semaphore, #tpu.memory_space<semaphore_mem>>)
      %dma_wait3A_347 = arith.constant 0 : i32
      %dma_wait3A_348 = tpu.memref_slice %arg38[%dma_wait3A_347] : memref<51200xi32, #tpu.memory_space<vmem_shared>> -> memref<51200xi32, #tpu.memory_space<vmem_shared>>
      tpu.wait_indirect_dma semaphore(%arg37 : memref<!tpu.dma_semaphore, #tpu.memory_space<semaphore_mem>>) src(%arg29 : memref<128xi32, #tpu.memory_space<vmem>>) dst(%dma_wait3A_348 : memref<51200xi32, #tpu.memory_space<vmem_shared>>)
      %mul3A_349 = arith.constant 4 : i32
      %mul3A_350 = arith.muli %mul3A_349, %scan3A_276 : i32
      %add3A_351 = arith.constant 2 : i32
      %add3A_352 = arith.addi %mul3A_350, %add3A_351 : i32
      %add3A_353 = arith.constant 4 : i32
      %add3A_354 = arith.addi %add3A_352, %add3A_353 : i32
      %rem3A_355 = arith.constant 392 : i32
      %rem3A_356 = arith.remsi %add3A_354, %rem3A_355 : i32
      %add3A_357 = arith.addi %mul3A_46, %rem3A_356 : i32
      %dma_start3A_358 = arith.constant 0 : i32
      %dma_start3A_359 = tpu.memref_slice %arg3[%add3A_357, %dma_start3A_358] : memref<6272x128xi32, #tpu.memory_space<hbm>> -> memref<1x128xi32, #tpu.memory_space<hbm>>
      %dma_start3A_360 = tpu.memref_squeeze %dma_start3A_359 : memref<1x128xi32, #tpu.memory_space<hbm>> -> memref<128xi32, #tpu.memory_space<hbm>>
      %dma_start3A_361 = arith.constant 0 : i32
      %dma_start3A_362 = tpu.memref_slice %arg3[%add3A_357, %dma_start3A_361] : memref<6272x128xi32, #tpu.memory_space<hbm>> -> memref<1x128xi32, #tpu.memory_space<hbm>>
      %dma_start3A_363 = tpu.memref_squeeze %dma_start3A_362 : memref<1x128xi32, #tpu.memory_space<hbm>> -> memref<128xi32, #tpu.memory_space<hbm>>
      tpu.enqueue_dma source(%dma_start3A_363 : memref<128xi32, #tpu.memory_space<hbm>>) target(%arg15 : memref<128xi32, #tpu.memory_space<vmem>>) target_semaphore(%arg34 : memref<!tpu.dma_semaphore, #tpu.memory_space<semaphore_mem>>)
      %dma_wait3A_364 = arith.constant 0 : i32
      %dma_wait3A_365 = tpu.memref_slice %arg38[%dma_wait3A_364] : memref<51200xi32, #tpu.memory_space<vmem_shared>> -> memref<51200xi32, #tpu.memory_space<vmem_shared>>
      tpu.wait_indirect_dma semaphore(%arg37 : memref<!tpu.dma_semaphore, #tpu.memory_space<semaphore_mem>>) src(%arg29 : memref<128xi32, #tpu.memory_space<vmem>>) dst(%dma_wait3A_365 : memref<51200xi32, #tpu.memory_space<vmem_shared>>)
      %mul3A_366 = arith.constant 4 : i32
      %mul3A_367 = arith.muli %mul3A_366, %scan3A_276 : i32
      %add3A_368 = arith.constant 3 : i32
      %add3A_369 = arith.addi %mul3A_367, %add3A_368 : i32
      %add3A_370 = arith.constant 4 : i32
      %add3A_371 = arith.addi %add3A_369, %add3A_370 : i32
      %rem3A_372 = arith.constant 392 : i32
      %rem3A_373 = arith.remsi %add3A_371, %rem3A_372 : i32
      %add3A_374 = arith.addi %mul3A_46, %rem3A_373 : i32
      %dma_start3A_375 = arith.constant 0 : i32
      %dma_start3A_376 = tpu.memref_slice %arg3[%add3A_374, %dma_start3A_375] : memref<6272x128xi32, #tpu.memory_space<hbm>> -> memref<1x128xi32, #tpu.memory_space<hbm>>
      %dma_start3A_377 = tpu.memref_squeeze %dma_start3A_376 : memref<1x128xi32, #tpu.memory_space<hbm>> -> memref<128xi32, #tpu.memory_space<hbm>>
      %dma_start3A_378 = arith.constant 0 : i32
      %dma_start3A_379 = tpu.memref_slice %arg3[%add3A_374, %dma_start3A_378] : memref<6272x128xi32, #tpu.memory_space<hbm>> -> memref<1x128xi32, #tpu.memory_space<hbm>>
      %dma_start3A_380 = tpu.memref_squeeze %dma_start3A_379 : memref<1x128xi32, #tpu.memory_space<hbm>> -> memref<128xi32, #tpu.memory_space<hbm>>
      tpu.enqueue_dma source(%dma_start3A_380 : memref<128xi32, #tpu.memory_space<hbm>>) target(%arg16 : memref<128xi32, #tpu.memory_space<vmem>>) target_semaphore(%arg35 : memref<!tpu.dma_semaphore, #tpu.memory_space<semaphore_mem>>)
    }
    %scan3A_89 = arith.constant 98 : i32
    %dma_wait3A = arith.constant 0 : i32
    %dma_wait3A_90 = arith.constant 0 : i32
    %dma_wait3A_91 = tpu.memref_slice %arg3[%dma_wait3A, %dma_wait3A_90] : memref<6272x128xi32, #tpu.memory_space<hbm>> -> memref<1x128xi32, #tpu.memory_space<hbm>>
    %dma_wait3A_92 = tpu.memref_squeeze %dma_wait3A_91 : memref<1x128xi32, #tpu.memory_space<hbm>> -> memref<128xi32, #tpu.memory_space<hbm>>
    %dma_wait3A_93 = arith.constant 0 : i32
    %dma_wait3A_94 = tpu.memref_slice %arg3[%dma_wait3A, %dma_wait3A_93] : memref<6272x128xi32, #tpu.memory_space<hbm>> -> memref<1x128xi32, #tpu.memory_space<hbm>>
    %dma_wait3A_95 = tpu.memref_squeeze %dma_wait3A_94 : memref<1x128xi32, #tpu.memory_space<hbm>> -> memref<128xi32, #tpu.memory_space<hbm>>
    tpu.wait_dma2 semaphore(%arg32 : memref<!tpu.dma_semaphore, #tpu.memory_space<semaphore_mem>>) src(%dma_wait3A_95 : memref<128xi32, #tpu.memory_space<hbm>>) dst(%arg13 : memref<128xi32, #tpu.memory_space<vmem>>)
    %dma_wait3A_96 = arith.constant 0 : i32
    %dma_wait3A_97 = arith.constant 0 : i32
    %dma_wait3A_98 = tpu.memref_slice %arg3[%dma_wait3A_96, %dma_wait3A_97] : memref<6272x128xi32, #tpu.memory_space<hbm>> -> memref<1x128xi32, #tpu.memory_space<hbm>>
    %dma_wait3A_99 = tpu.memref_squeeze %dma_wait3A_98 : memref<1x128xi32, #tpu.memory_space<hbm>> -> memref<128xi32, #tpu.memory_space<hbm>>
    %dma_wait3A_100 = arith.constant 0 : i32
    %dma_wait3A_101 = tpu.memref_slice %arg3[%dma_wait3A_96, %dma_wait3A_100] : memref<6272x128xi32, #tpu.memory_space<hbm>> -> memref<1x128xi32, #tpu.memory_space<hbm>>
    %dma_wait3A_102 = tpu.memref_squeeze %dma_wait3A_101 : memref<1x128xi32, #tpu.memory_space<hbm>> -> memref<128xi32, #tpu.memory_space<hbm>>
    tpu.wait_dma2 semaphore(%arg33 : memref<!tpu.dma_semaphore, #tpu.memory_space<semaphore_mem>>) src(%dma_wait3A_102 : memref<128xi32, #tpu.memory_space<hbm>>) dst(%arg14 : memref<128xi32, #tpu.memory_space<vmem>>)
    %dma_wait3A_103 = arith.constant 0 : i32
    %dma_wait3A_104 = arith.constant 0 : i32
    %dma_wait3A_105 = tpu.memref_slice %arg3[%dma_wait3A_103, %dma_wait3A_104] : memref<6272x128xi32, #tpu.memory_space<hbm>> -> memref<1x128xi32, #tpu.memory_space<hbm>>
    %dma_wait3A_106 = tpu.memref_squeeze %dma_wait3A_105 : memref<1x128xi32, #tpu.memory_space<hbm>> -> memref<128xi32, #tpu.memory_space<hbm>>
    %dma_wait3A_107 = arith.constant 0 : i32
    %dma_wait3A_108 = tpu.memref_slice %arg3[%dma_wait3A_103, %dma_wait3A_107] : memref<6272x128xi32, #tpu.memory_space<hbm>> -> memref<1x128xi32, #tpu.memory_space<hbm>>
    %dma_wait3A_109 = tpu.memref_squeeze %dma_wait3A_108 : memref<1x128xi32, #tpu.memory_space<hbm>> -> memref<128xi32, #tpu.memory_space<hbm>>
    tpu.wait_dma2 semaphore(%arg34 : memref<!tpu.dma_semaphore, #tpu.memory_space<semaphore_mem>>) src(%dma_wait3A_109 : memref<128xi32, #tpu.memory_space<hbm>>) dst(%arg15 : memref<128xi32, #tpu.memory_space<vmem>>)
    %dma_wait3A_110 = arith.constant 0 : i32
    %dma_wait3A_111 = arith.constant 0 : i32
    %dma_wait3A_112 = tpu.memref_slice %arg3[%dma_wait3A_110, %dma_wait3A_111] : memref<6272x128xi32, #tpu.memory_space<hbm>> -> memref<1x128xi32, #tpu.memory_space<hbm>>
    %dma_wait3A_113 = tpu.memref_squeeze %dma_wait3A_112 : memref<1x128xi32, #tpu.memory_space<hbm>> -> memref<128xi32, #tpu.memory_space<hbm>>
    %dma_wait3A_114 = arith.constant 0 : i32
    %dma_wait3A_115 = tpu.memref_slice %arg3[%dma_wait3A_110, %dma_wait3A_114] : memref<6272x128xi32, #tpu.memory_space<hbm>> -> memref<1x128xi32, #tpu.memory_space<hbm>>
    %dma_wait3A_116 = tpu.memref_squeeze %dma_wait3A_115 : memref<1x128xi32, #tpu.memory_space<hbm>> -> memref<128xi32, #tpu.memory_space<hbm>>
    tpu.wait_dma2 semaphore(%arg35 : memref<!tpu.dma_semaphore, #tpu.memory_space<semaphore_mem>>) src(%dma_wait3A_116 : memref<128xi32, #tpu.memory_space<hbm>>) dst(%arg16 : memref<128xi32, #tpu.memory_space<vmem>>)
    %barrier3A_117 = arith.constant 0 : index
    tpu.barrier barrier_id(%barrier3A_117)
    %mul3A_118 = arith.constant 3200 : i32
    %mul3A_119 = arith.muli %arg1, %mul3A_118 : i32
    "tpu.region"() ({
      %run_scoped3A = tpu.sem_alloc : memref<!tpu.dma_semaphore, #tpu.memory_space<semaphore_mem>>
      %dma_start3A_276 = tpu.memref_slice %arg38[%mul3A_119] : memref<51200xi32, #tpu.memory_space<vmem_shared>> -> memref<3200xi32, #tpu.memory_space<vmem_shared>>
      %dma_start3A_277 = tpu.memref_slice %arg38[%mul3A_119] : memref<51200xi32, #tpu.memory_space<vmem_shared>> -> memref<3200xi32, #tpu.memory_space<vmem_shared>>
      tpu.enqueue_dma source(%dma_start3A_277 : memref<3200xi32, #tpu.memory_space<vmem_shared>>) target(%arg30 : memref<3200xi32, #tpu.memory_space<vmem>>) target_semaphore(%run_scoped3A : memref<!tpu.dma_semaphore, #tpu.memory_space<semaphore_mem>>)
      %dma_wait3A_278 = tpu.memref_slice %arg38[%mul3A_119] : memref<51200xi32, #tpu.memory_space<vmem_shared>> -> memref<3200xi32, #tpu.memory_space<vmem_shared>>
      %dma_wait3A_279 = tpu.memref_slice %arg38[%mul3A_119] : memref<51200xi32, #tpu.memory_space<vmem_shared>> -> memref<3200xi32, #tpu.memory_space<vmem_shared>>
      tpu.wait_dma2 semaphore(%run_scoped3A : memref<!tpu.dma_semaphore, #tpu.memory_space<semaphore_mem>>) src(%dma_wait3A_279 : memref<3200xi32, #tpu.memory_space<vmem_shared>>) dst(%arg30 : memref<3200xi32, #tpu.memory_space<vmem>>)
      tpu.yield
    }) : () -> ()
    %mul3A_120 = arith.constant 3200 : i32
    %mul3A_121 = arith.muli %arg1, %mul3A_120 : i32
    "tpu.region"() ({
      %run_scoped3A = tpu.sem_alloc : memref<!tpu.dma_semaphore, #tpu.memory_space<semaphore_mem>>
      %dma_start3A_276 = tpu.memref_slice %arg4[%mul3A_121] : memref<51200xi32, #tpu.memory_space<hbm>> -> memref<3200xi32, #tpu.memory_space<hbm>>
      %dma_start3A_277 = tpu.memref_slice %arg4[%mul3A_121] : memref<51200xi32, #tpu.memory_space<hbm>> -> memref<3200xi32, #tpu.memory_space<hbm>>
      tpu.enqueue_dma source(%dma_start3A_277 : memref<3200xi32, #tpu.memory_space<hbm>>) target(%arg31 : memref<3200xi32, #tpu.memory_space<vmem>>) target_semaphore(%run_scoped3A : memref<!tpu.dma_semaphore, #tpu.memory_space<semaphore_mem>>)
      %dma_wait3A_278 = tpu.memref_slice %arg4[%mul3A_121] : memref<51200xi32, #tpu.memory_space<hbm>> -> memref<3200xi32, #tpu.memory_space<hbm>>
      %dma_wait3A_279 = tpu.memref_slice %arg4[%mul3A_121] : memref<51200xi32, #tpu.memory_space<hbm>> -> memref<3200xi32, #tpu.memory_space<hbm>>
      tpu.wait_dma2 semaphore(%run_scoped3A : memref<!tpu.dma_semaphore, #tpu.memory_space<semaphore_mem>>) src(%dma_wait3A_279 : memref<3200xi32, #tpu.memory_space<hbm>>) dst(%arg31 : memref<3200xi32, #tpu.memory_space<vmem>>)
      tpu.yield
    }) : () -> ()
    %scan3A_122 = arith.constant 0 : i32
    %scan3A_123 = arith.constant 0 : i32
    %scan3A_124 = arith.constant 200 : i32
    %scan3A_125 = arith.addi %scan3A_123, %scan3A_124 : i32
    %scan3A_126 = arith.constant 1 : i32
    scf.for %scan3A_276 = %scan3A_123 to %scan3A_125 step %scan3A_126  : i32 {
      %mul3A_277 = arith.constant 16 : i32
      %mul3A_278 = arith.muli %scan3A_276, %mul3A_277 : i32
      %get3A = arith.index_cast %mul3A_278 : i32 to index
      %get3A_279 = tpu.vector_load %arg30[%get3A] {strides = array<i32>} : memref<3200xi32, #tpu.memory_space<vmem>>, vector<16xi32>,
      %get3A_280 = vector.shape_cast %get3A_279 : vector<16xi32> to vector<16xi32>
      %add3A_281 = arith.constant 1 : i32
      %add3A_282 = vector.broadcast %add3A_281 : i32 to vector<16xi32>
      %add3A_283 = arith.addi %get3A_280, %add3A_282 : vector<16xi32>
      %convert_element_type3A_284 = arith.sitofp %add3A_283 : vector<16xi32> to vector<16xf32>
      %bitcast_convert_type3A = tpu.bitcast %convert_element_type3A_284 : vector<16xf32> -> vector<16xi32>
      %shift_right_arithmetic3A = arith.constant 1 : i32
      %shift_right_arithmetic3A_285 = vector.broadcast %shift_right_arithmetic3A : i32 to vector<16xi32>
      %shift_right_arithmetic3A_286 = arith.shrsi %bitcast_convert_type3A, %shift_right_arithmetic3A_285 : vector<16xi32>
      %sub3A_287 = arith.constant 1597463007 : i32
      %sub3A_288 = vector.broadcast %sub3A_287 : i32 to vector<16xi32>
      %sub3A_289 = arith.subi %sub3A_288, %shift_right_arithmetic3A_286 : vector<16xi32>
      %bitcast_convert_type3A_290 = tpu.bitcast %sub3A_289 : vector<16xi32> -> vector<16xf32>
      %mul3A_291 = arith.constant 5.000000e-01 : f32
      %mul3A_292 = vector.broadcast %mul3A_291 : f32 to vector<16xf32>
      %mul3A_293 = arith.mulf %mul3A_292, %convert_element_type3A_284 : vector<16xf32>
      %mul3A_294 = arith.mulf %mul3A_293, %bitcast_convert_type3A_290 : vector<16xf32>
      %mul3A_295 = arith.mulf %mul3A_294, %bitcast_convert_type3A_290 : vector<16xf32>
      %sub3A_296 = arith.constant 1.500000e+00 : f32
      %sub3A_297 = vector.broadcast %sub3A_296 : f32 to vector<16xf32>
      %sub3A_298 = arith.subf %sub3A_297, %mul3A_295 : vector<16xf32>
      %mul3A_299 = arith.mulf %bitcast_convert_type3A_290, %sub3A_298 : vector<16xf32>
      %mul3A_300 = arith.constant 5.000000e-01 : f32
      %mul3A_301 = vector.broadcast %mul3A_300 : f32 to vector<16xf32>
      %mul3A_302 = arith.mulf %mul3A_301, %convert_element_type3A_284 : vector<16xf32>
      %mul3A_303 = arith.mulf %mul3A_302, %mul3A_299 : vector<16xf32>
      %mul3A_304 = arith.mulf %mul3A_303, %mul3A_299 : vector<16xf32>
      %sub3A_305 = arith.constant 1.500000e+00 : f32
      %sub3A_306 = vector.broadcast %sub3A_305 : f32 to vector<16xf32>
      %sub3A_307 = arith.subf %sub3A_306, %mul3A_304 : vector<16xf32>
      %mul3A_308 = arith.mulf %mul3A_299, %sub3A_307 : vector<16xf32>
      %mul3A_309 = arith.constant 5.000000e-01 : f32
      %mul3A_310 = vector.broadcast %mul3A_309 : f32 to vector<16xf32>
      %mul3A_311 = arith.mulf %mul3A_310, %convert_element_type3A_284 : vector<16xf32>
      %mul3A_312 = arith.mulf %mul3A_311, %mul3A_308 : vector<16xf32>
      %mul3A_313 = arith.mulf %mul3A_312, %mul3A_308 : vector<16xf32>
      %sub3A_314 = arith.constant 1.500000e+00 : f32
      %sub3A_315 = vector.broadcast %sub3A_314 : f32 to vector<16xf32>
      %sub3A_316 = arith.subf %sub3A_315, %mul3A_313 : vector<16xf32>
      %mul3A_317 = arith.mulf %mul3A_308, %sub3A_316 : vector<16xf32>
      %bitcast_convert_type3A_318 = tpu.bitcast %mul3A_317 : vector<16xf32> -> vector<16xi32>
      %and3A_319 = arith.constant -8 : i32
      %and3A_320 = vector.broadcast %and3A_319 : i32 to vector<16xi32>
      %and3A_321 = arith.andi %bitcast_convert_type3A_318, %and3A_320 : vector<16xi32>
      %get3A_322 = arith.index_cast %mul3A_278 : i32 to index
      %get3A_323 = tpu.vector_load %arg31[%get3A_322] {strides = array<i32>} : memref<3200xi32, #tpu.memory_space<vmem>>, vector<16xi32>,
      %get3A_324 = vector.shape_cast %get3A_323 : vector<16xi32> to vector<16xi32>
      %or3A = arith.ori %and3A_321, %get3A_324 : vector<16xi32>
      %swap3A_325 = arith.index_cast %mul3A_278 : i32 to index
      %swap3A_326 = tpu.vector_load %arg30[%swap3A_325] {strides = array<i32>} : memref<3200xi32, #tpu.memory_space<vmem>>, vector<16xi32>,
      %swap3A_327 = vector.shape_cast %swap3A_326 : vector<16xi32> to vector<16xi32>
      %swap3A_328 = vector.shape_cast %or3A : vector<16xi32> to vector<16xi32>
      tpu.vector_store %arg30[%swap3A_325], %swap3A_328 {strides = array<i32>} : memref<3200xi32, #tpu.memory_space<vmem>>, vector<16xi32>,
    }
    %scan3A_127 = arith.constant 200 : i32
    %mul3A_128 = arith.constant 3200 : i32
    %mul3A_129 = arith.muli %arg1, %mul3A_128 : i32
    "tpu.region"() ({
      %run_scoped3A = tpu.sem_alloc : memref<!tpu.dma_semaphore, #tpu.memory_space<semaphore_mem>>
      %dma_start3A_276 = tpu.memref_slice %arg38[%mul3A_129] : memref<51200xi32, #tpu.memory_space<vmem_shared>> -> memref<3200xi32, #tpu.memory_space<vmem_shared>>
      %dma_start3A_277 = tpu.memref_slice %arg38[%mul3A_129] : memref<51200xi32, #tpu.memory_space<vmem_shared>> -> memref<3200xi32, #tpu.memory_space<vmem_shared>>
      tpu.enqueue_dma source(%arg30 : memref<3200xi32, #tpu.memory_space<vmem>>) target(%dma_start3A_277 : memref<3200xi32, #tpu.memory_space<vmem_shared>>) target_semaphore(%run_scoped3A : memref<!tpu.dma_semaphore, #tpu.memory_space<semaphore_mem>>)
      %dma_wait3A_278 = tpu.memref_slice %arg38[%mul3A_129] : memref<51200xi32, #tpu.memory_space<vmem_shared>> -> memref<3200xi32, #tpu.memory_space<vmem_shared>>
      %dma_wait3A_279 = tpu.memref_slice %arg38[%mul3A_129] : memref<51200xi32, #tpu.memory_space<vmem_shared>> -> memref<3200xi32, #tpu.memory_space<vmem_shared>>
      tpu.wait_dma2 semaphore(%run_scoped3A : memref<!tpu.dma_semaphore, #tpu.memory_space<semaphore_mem>>) src(%arg30 : memref<3200xi32, #tpu.memory_space<vmem>>) dst(%dma_wait3A_279 : memref<3200xi32, #tpu.memory_space<vmem_shared>>)
      tpu.yield
    }) : () -> ()
    %jit3A = arith.constant 8 : i32
    %div3A = arith.divsi %arg1, %jit3A : i32
    %sign3A = arith.constant 0 : i32
    %sign3A_130 = arith.cmpi sgt, %arg1, %sign3A : i32
    %sign3A_131 = arith.extui %sign3A_130 : i1 to i32
    %sign3A_132 = arith.constant 0 : i32
    %sign3A_133 = arith.cmpi slt, %arg1, %sign3A_132 : i32
    %sign3A_134 = arith.extui %sign3A_133 : i1 to i32
    %sign3A_135 = arith.subi %sign3A_131, %sign3A_134 : i32
    %sign3A_136 = arith.constant 0 : i32
    %sign3A_137 = arith.cmpi sgt, %jit3A, %sign3A_136 : i32
    %sign3A_138 = arith.extui %sign3A_137 : i1 to i32
    %sign3A_139 = arith.constant 0 : i32
    %sign3A_140 = arith.cmpi slt, %jit3A, %sign3A_139 : i32
    %sign3A_141 = arith.extui %sign3A_140 : i1 to i32
    %sign3A_142 = arith.subi %sign3A_138, %sign3A_141 : i32
    %ne3A = arith.cmpi ne, %sign3A_135, %sign3A_142 : i32
    %rem3A = arith.remsi %arg1, %jit3A : i32
    %ne3A_143 = arith.constant 0 : i32
    %ne3A_144 = arith.cmpi ne, %rem3A, %ne3A_143 : i32
    %and3A = arith.andi %ne3A, %ne3A_144 : i1
    %sub3A = arith.constant 1 : i32
    %sub3A_145 = arith.subi %div3A, %sub3A : i32
    %select_n3A = arith.select %and3A, %sub3A_145, %div3A : i32
    %eq3A = arith.cmpi eq, %select_n3A, %arg0 : i32
    %convert_element_type3A = arith.extui %eq3A : i1 to i32
    %cond3A = arith.constant 0 : i32
    %cond3A_146 = arith.cmpi ne, %convert_element_type3A, %cond3A : i32
    scf.if %cond3A_146 {
      %mul3A_276 = arith.constant 3200 : i32
      %mul3A_277 = arith.muli %arg1, %mul3A_276 : i32
      "tpu.region"() ({
        %run_scoped3A = tpu.sem_alloc : memref<!tpu.dma_semaphore, #tpu.memory_space<semaphore_mem>>
        %dma_start3A_278 = tpu.memref_slice %arg8[%mul3A_277] : memref<51200xi32, #tpu.memory_space<hbm>> -> memref<3200xi32, #tpu.memory_space<hbm>>
        %dma_start3A_279 = tpu.memref_slice %arg8[%mul3A_277] : memref<51200xi32, #tpu.memory_space<hbm>> -> memref<3200xi32, #tpu.memory_space<hbm>>
        tpu.enqueue_dma source(%arg30 : memref<3200xi32, #tpu.memory_space<vmem>>) target(%dma_start3A_279 : memref<3200xi32, #tpu.memory_space<hbm>>) target_semaphore(%run_scoped3A : memref<!tpu.dma_semaphore, #tpu.memory_space<semaphore_mem>>)
        %dma_wait3A_280 = tpu.memref_slice %arg8[%mul3A_277] : memref<51200xi32, #tpu.memory_space<hbm>> -> memref<3200xi32, #tpu.memory_space<hbm>>
        %dma_wait3A_281 = tpu.memref_slice %arg8[%mul3A_277] : memref<51200xi32, #tpu.memory_space<hbm>> -> memref<3200xi32, #tpu.memory_space<hbm>>
        tpu.wait_dma2 semaphore(%run_scoped3A : memref<!tpu.dma_semaphore, #tpu.memory_space<semaphore_mem>>) src(%arg30 : memref<3200xi32, #tpu.memory_space<vmem>>) dst(%dma_wait3A_281 : memref<3200xi32, #tpu.memory_space<hbm>>)
        tpu.yield
      }) : () -> ()
    } else {
    }
    %barrier3A_147 = arith.constant 0 : index
    tpu.barrier barrier_id(%barrier3A_147)
    %mul3A_148 = arith.constant 3136 : i32
    %mul3A_149 = arith.muli %arg0, %mul3A_148 : i32
    %mul3A_150 = arith.constant 196 : i32
    %mul3A_151 = arith.muli %arg1, %mul3A_150 : i32
    %add3A_152 = arith.addi %mul3A_149, %mul3A_151 : i32
    %add3A_153 = arith.constant 0 : i32
    %add3A_154 = arith.addi %add3A_152, %add3A_153 : i32
    %dma_start3A_155 = arith.constant 0 : i32
    %dma_start3A_156 = tpu.memref_slice %arg2[%add3A_154, %dma_start3A_155] : memref<6272x128xi32, #tpu.memory_space<hbm>> -> memref<1x128xi32, #tpu.memory_space<hbm>>
    %dma_start3A_157 = tpu.memref_squeeze %dma_start3A_156 : memref<1x128xi32, #tpu.memory_space<hbm>> -> memref<128xi32, #tpu.memory_space<hbm>>
    %dma_start3A_158 = arith.constant 0 : i32
    %dma_start3A_159 = tpu.memref_slice %arg2[%add3A_154, %dma_start3A_158] : memref<6272x128xi32, #tpu.memory_space<hbm>> -> memref<1x128xi32, #tpu.memory_space<hbm>>
    %dma_start3A_160 = tpu.memref_squeeze %dma_start3A_159 : memref<1x128xi32, #tpu.memory_space<hbm>> -> memref<128xi32, #tpu.memory_space<hbm>>
    tpu.enqueue_dma source(%dma_start3A_160 : memref<128xi32, #tpu.memory_space<hbm>>) target(%arg9 : memref<128xi32, #tpu.memory_space<vmem>>) target_semaphore(%arg32 : memref<!tpu.dma_semaphore, #tpu.memory_space<semaphore_mem>>)
    %dma_start3A_161 = arith.constant 0 : i32
    %dma_start3A_162 = tpu.memref_slice %arg3[%add3A_154, %dma_start3A_161] : memref<6272x128xi32, #tpu.memory_space<hbm>> -> memref<1x128xi32, #tpu.memory_space<hbm>>
    %dma_start3A_163 = tpu.memref_squeeze %dma_start3A_162 : memref<1x128xi32, #tpu.memory_space<hbm>> -> memref<128xi32, #tpu.memory_space<hbm>>
    %dma_start3A_164 = arith.constant 0 : i32
    %dma_start3A_165 = tpu.memref_slice %arg3[%add3A_154, %dma_start3A_164] : memref<6272x128xi32, #tpu.memory_space<hbm>> -> memref<1x128xi32, #tpu.memory_space<hbm>>
    %dma_start3A_166 = tpu.memref_squeeze %dma_start3A_165 : memref<1x128xi32, #tpu.memory_space<hbm>> -> memref<128xi32, #tpu.memory_space<hbm>>
    tpu.enqueue_dma source(%dma_start3A_166 : memref<128xi32, #tpu.memory_space<hbm>>) target(%arg13 : memref<128xi32, #tpu.memory_space<vmem>>) target_semaphore(%arg32 : memref<!tpu.dma_semaphore, #tpu.memory_space<semaphore_mem>>)
    %add3A_167 = arith.constant 1 : i32
    %add3A_168 = arith.addi %add3A_152, %add3A_167 : i32
    %dma_start3A_169 = arith.constant 0 : i32
    %dma_start3A_170 = tpu.memref_slice %arg2[%add3A_168, %dma_start3A_169] : memref<6272x128xi32, #tpu.memory_space<hbm>> -> memref<1x128xi32, #tpu.memory_space<hbm>>
    %dma_start3A_171 = tpu.memref_squeeze %dma_start3A_170 : memref<1x128xi32, #tpu.memory_space<hbm>> -> memref<128xi32, #tpu.memory_space<hbm>>
    %dma_start3A_172 = arith.constant 0 : i32
    %dma_start3A_173 = tpu.memref_slice %arg2[%add3A_168, %dma_start3A_172] : memref<6272x128xi32, #tpu.memory_space<hbm>> -> memref<1x128xi32, #tpu.memory_space<hbm>>
    %dma_start3A_174 = tpu.memref_squeeze %dma_start3A_173 : memref<1x128xi32, #tpu.memory_space<hbm>> -> memref<128xi32, #tpu.memory_space<hbm>>
    tpu.enqueue_dma source(%dma_start3A_174 : memref<128xi32, #tpu.memory_space<hbm>>) target(%arg10 : memref<128xi32, #tpu.memory_space<vmem>>) target_semaphore(%arg33 : memref<!tpu.dma_semaphore, #tpu.memory_space<semaphore_mem>>)
    %dma_start3A_175 = arith.constant 0 : i32
    %dma_start3A_176 = tpu.memref_slice %arg3[%add3A_168, %dma_start3A_175] : memref<6272x128xi32, #tpu.memory_space<hbm>> -> memref<1x128xi32, #tpu.memory_space<hbm>>
    %dma_start3A_177 = tpu.memref_squeeze %dma_start3A_176 : memref<1x128xi32, #tpu.memory_space<hbm>> -> memref<128xi32, #tpu.memory_space<hbm>>
    %dma_start3A_178 = arith.constant 0 : i32
    %dma_start3A_179 = tpu.memref_slice %arg3[%add3A_168, %dma_start3A_178] : memref<6272x128xi32, #tpu.memory_space<hbm>> -> memref<1x128xi32, #tpu.memory_space<hbm>>
    %dma_start3A_180 = tpu.memref_squeeze %dma_start3A_179 : memref<1x128xi32, #tpu.memory_space<hbm>> -> memref<128xi32, #tpu.memory_space<hbm>>
    tpu.enqueue_dma source(%dma_start3A_180 : memref<128xi32, #tpu.memory_space<hbm>>) target(%arg14 : memref<128xi32, #tpu.memory_space<vmem>>) target_semaphore(%arg33 : memref<!tpu.dma_semaphore, #tpu.memory_space<semaphore_mem>>)
    %add3A_181 = arith.constant 2 : i32
    %add3A_182 = arith.addi %add3A_152, %add3A_181 : i32
    %dma_start3A_183 = arith.constant 0 : i32
    %dma_start3A_184 = tpu.memref_slice %arg2[%add3A_182, %dma_start3A_183] : memref<6272x128xi32, #tpu.memory_space<hbm>> -> memref<1x128xi32, #tpu.memory_space<hbm>>
    %dma_start3A_185 = tpu.memref_squeeze %dma_start3A_184 : memref<1x128xi32, #tpu.memory_space<hbm>> -> memref<128xi32, #tpu.memory_space<hbm>>
    %dma_start3A_186 = arith.constant 0 : i32
    %dma_start3A_187 = tpu.memref_slice %arg2[%add3A_182, %dma_start3A_186] : memref<6272x128xi32, #tpu.memory_space<hbm>> -> memref<1x128xi32, #tpu.memory_space<hbm>>
    %dma_start3A_188 = tpu.memref_squeeze %dma_start3A_187 : memref<1x128xi32, #tpu.memory_space<hbm>> -> memref<128xi32, #tpu.memory_space<hbm>>
    tpu.enqueue_dma source(%dma_start3A_188 : memref<128xi32, #tpu.memory_space<hbm>>) target(%arg11 : memref<128xi32, #tpu.memory_space<vmem>>) target_semaphore(%arg34 : memref<!tpu.dma_semaphore, #tpu.memory_space<semaphore_mem>>)
    %dma_start3A_189 = arith.constant 0 : i32
    %dma_start3A_190 = tpu.memref_slice %arg3[%add3A_182, %dma_start3A_189] : memref<6272x128xi32, #tpu.memory_space<hbm>> -> memref<1x128xi32, #tpu.memory_space<hbm>>
    %dma_start3A_191 = tpu.memref_squeeze %dma_start3A_190 : memref<1x128xi32, #tpu.memory_space<hbm>> -> memref<128xi32, #tpu.memory_space<hbm>>
    %dma_start3A_192 = arith.constant 0 : i32
    %dma_start3A_193 = tpu.memref_slice %arg3[%add3A_182, %dma_start3A_192] : memref<6272x128xi32, #tpu.memory_space<hbm>> -> memref<1x128xi32, #tpu.memory_space<hbm>>
    %dma_start3A_194 = tpu.memref_squeeze %dma_start3A_193 : memref<1x128xi32, #tpu.memory_space<hbm>> -> memref<128xi32, #tpu.memory_space<hbm>>
    tpu.enqueue_dma source(%dma_start3A_194 : memref<128xi32, #tpu.memory_space<hbm>>) target(%arg15 : memref<128xi32, #tpu.memory_space<vmem>>) target_semaphore(%arg34 : memref<!tpu.dma_semaphore, #tpu.memory_space<semaphore_mem>>)
    %add3A_195 = arith.constant 3 : i32
    %add3A_196 = arith.addi %add3A_152, %add3A_195 : i32
    %dma_start3A_197 = arith.constant 0 : i32
    %dma_start3A_198 = tpu.memref_slice %arg2[%add3A_196, %dma_start3A_197] : memref<6272x128xi32, #tpu.memory_space<hbm>> -> memref<1x128xi32, #tpu.memory_space<hbm>>
    %dma_start3A_199 = tpu.memref_squeeze %dma_start3A_198 : memref<1x128xi32, #tpu.memory_space<hbm>> -> memref<128xi32, #tpu.memory_space<hbm>>
    %dma_start3A_200 = arith.constant 0 : i32
    %dma_start3A_201 = tpu.memref_slice %arg2[%add3A_196, %dma_start3A_200] : memref<6272x128xi32, #tpu.memory_space<hbm>> -> memref<1x128xi32, #tpu.memory_space<hbm>>
    %dma_start3A_202 = tpu.memref_squeeze %dma_start3A_201 : memref<1x128xi32, #tpu.memory_space<hbm>> -> memref<128xi32, #tpu.memory_space<hbm>>
    tpu.enqueue_dma source(%dma_start3A_202 : memref<128xi32, #tpu.memory_space<hbm>>) target(%arg12 : memref<128xi32, #tpu.memory_space<vmem>>) target_semaphore(%arg35 : memref<!tpu.dma_semaphore, #tpu.memory_space<semaphore_mem>>)
    %dma_start3A_203 = arith.constant 0 : i32
    %dma_start3A_204 = tpu.memref_slice %arg3[%add3A_196, %dma_start3A_203] : memref<6272x128xi32, #tpu.memory_space<hbm>> -> memref<1x128xi32, #tpu.memory_space<hbm>>
    %dma_start3A_205 = tpu.memref_squeeze %dma_start3A_204 : memref<1x128xi32, #tpu.memory_space<hbm>> -> memref<128xi32, #tpu.memory_space<hbm>>
    %dma_start3A_206 = arith.constant 0 : i32
    %dma_start3A_207 = tpu.memref_slice %arg3[%add3A_196, %dma_start3A_206] : memref<6272x128xi32, #tpu.memory_space<hbm>> -> memref<1x128xi32, #tpu.memory_space<hbm>>
    %dma_start3A_208 = tpu.memref_squeeze %dma_start3A_207 : memref<1x128xi32, #tpu.memory_space<hbm>> -> memref<128xi32, #tpu.memory_space<hbm>>
    tpu.enqueue_dma source(%dma_start3A_208 : memref<128xi32, #tpu.memory_space<hbm>>) target(%arg16 : memref<128xi32, #tpu.memory_space<vmem>>) target_semaphore(%arg35 : memref<!tpu.dma_semaphore, #tpu.memory_space<semaphore_mem>>)
    %scan3A_209 = arith.constant 0 : i32
    %scan3A_210 = arith.constant 0 : i32
    %scan3A_211 = arith.constant 49 : i32
    %scan3A_212 = arith.addi %scan3A_210, %scan3A_211 : i32
    %scan3A_213 = arith.constant 1 : i32
    scf.for %scan3A_276 = %scan3A_210 to %scan3A_212 step %scan3A_213  : i32 {
      %dma_wait3A_277 = arith.constant 0 : i32
      %dma_wait3A_278 = arith.constant 0 : i32
      %dma_wait3A_279 = tpu.memref_slice %arg2[%dma_wait3A_277, %dma_wait3A_278] : memref<6272x128xi32, #tpu.memory_space<hbm>> -> memref<1x128xi32, #tpu.memory_space<hbm>>
      %dma_wait3A_280 = tpu.memref_squeeze %dma_wait3A_279 : memref<1x128xi32, #tpu.memory_space<hbm>> -> memref<128xi32, #tpu.memory_space<hbm>>
      %dma_wait3A_281 = arith.constant 0 : i32
      %dma_wait3A_282 = tpu.memref_slice %arg2[%dma_wait3A_277, %dma_wait3A_281] : memref<6272x128xi32, #tpu.memory_space<hbm>> -> memref<1x128xi32, #tpu.memory_space<hbm>>
      %dma_wait3A_283 = tpu.memref_squeeze %dma_wait3A_282 : memref<1x128xi32, #tpu.memory_space<hbm>> -> memref<128xi32, #tpu.memory_space<hbm>>
      tpu.wait_dma2 semaphore(%arg32 : memref<!tpu.dma_semaphore, #tpu.memory_space<semaphore_mem>>) src(%dma_wait3A_283 : memref<128xi32, #tpu.memory_space<hbm>>) dst(%arg9 : memref<128xi32, #tpu.memory_space<vmem>>)
      %dma_wait3A_284 = arith.constant 0 : i32
      %dma_wait3A_285 = arith.constant 0 : i32
      %dma_wait3A_286 = tpu.memref_slice %arg3[%dma_wait3A_284, %dma_wait3A_285] : memref<6272x128xi32, #tpu.memory_space<hbm>> -> memref<1x128xi32, #tpu.memory_space<hbm>>
      %dma_wait3A_287 = tpu.memref_squeeze %dma_wait3A_286 : memref<1x128xi32, #tpu.memory_space<hbm>> -> memref<128xi32, #tpu.memory_space<hbm>>
      %dma_wait3A_288 = arith.constant 0 : i32
      %dma_wait3A_289 = tpu.memref_slice %arg3[%dma_wait3A_284, %dma_wait3A_288] : memref<6272x128xi32, #tpu.memory_space<hbm>> -> memref<1x128xi32, #tpu.memory_space<hbm>>
      %dma_wait3A_290 = tpu.memref_squeeze %dma_wait3A_289 : memref<1x128xi32, #tpu.memory_space<hbm>> -> memref<128xi32, #tpu.memory_space<hbm>>
      tpu.wait_dma2 semaphore(%arg32 : memref<!tpu.dma_semaphore, #tpu.memory_space<semaphore_mem>>) src(%dma_wait3A_290 : memref<128xi32, #tpu.memory_space<hbm>>) dst(%arg13 : memref<128xi32, #tpu.memory_space<vmem>>)
      %dma_start3A_291 = arith.constant 0 : i32
      %dma_start3A_292 = tpu.memref_slice %arg38[%dma_start3A_291] : memref<51200xi32, #tpu.memory_space<vmem_shared>> -> memref<51200xi32, #tpu.memory_space<vmem_shared>>
      tpu.enqueue_indirect_dma source(%dma_start3A_292 : memref<51200xi32, #tpu.memory_space<vmem_shared>>) target(%arg17 : memref<128xi32, #tpu.memory_space<vmem>>) offsets(%arg9 : memref<128xi32, #tpu.memory_space<vmem>>) semaphore(%arg36 : memref<!tpu.dma_semaphore, #tpu.memory_space<semaphore_mem>>)
      %dma_wait3A_293 = arith.constant 0 : i32
      %dma_wait3A_294 = arith.constant 0 : i32
      %dma_wait3A_295 = tpu.memref_slice %arg2[%dma_wait3A_293, %dma_wait3A_294] : memref<6272x128xi32, #tpu.memory_space<hbm>> -> memref<1x128xi32, #tpu.memory_space<hbm>>
      %dma_wait3A_296 = tpu.memref_squeeze %dma_wait3A_295 : memref<1x128xi32, #tpu.memory_space<hbm>> -> memref<128xi32, #tpu.memory_space<hbm>>
      %dma_wait3A_297 = arith.constant 0 : i32
      %dma_wait3A_298 = tpu.memref_slice %arg2[%dma_wait3A_293, %dma_wait3A_297] : memref<6272x128xi32, #tpu.memory_space<hbm>> -> memref<1x128xi32, #tpu.memory_space<hbm>>
      %dma_wait3A_299 = tpu.memref_squeeze %dma_wait3A_298 : memref<1x128xi32, #tpu.memory_space<hbm>> -> memref<128xi32, #tpu.memory_space<hbm>>
      tpu.wait_dma2 semaphore(%arg33 : memref<!tpu.dma_semaphore, #tpu.memory_space<semaphore_mem>>) src(%dma_wait3A_299 : memref<128xi32, #tpu.memory_space<hbm>>) dst(%arg10 : memref<128xi32, #tpu.memory_space<vmem>>)
      %dma_wait3A_300 = arith.constant 0 : i32
      %dma_wait3A_301 = arith.constant 0 : i32
      %dma_wait3A_302 = tpu.memref_slice %arg3[%dma_wait3A_300, %dma_wait3A_301] : memref<6272x128xi32, #tpu.memory_space<hbm>> -> memref<1x128xi32, #tpu.memory_space<hbm>>
      %dma_wait3A_303 = tpu.memref_squeeze %dma_wait3A_302 : memref<1x128xi32, #tpu.memory_space<hbm>> -> memref<128xi32, #tpu.memory_space<hbm>>
      %dma_wait3A_304 = arith.constant 0 : i32
      %dma_wait3A_305 = tpu.memref_slice %arg3[%dma_wait3A_300, %dma_wait3A_304] : memref<6272x128xi32, #tpu.memory_space<hbm>> -> memref<1x128xi32, #tpu.memory_space<hbm>>
      %dma_wait3A_306 = tpu.memref_squeeze %dma_wait3A_305 : memref<1x128xi32, #tpu.memory_space<hbm>> -> memref<128xi32, #tpu.memory_space<hbm>>
      tpu.wait_dma2 semaphore(%arg33 : memref<!tpu.dma_semaphore, #tpu.memory_space<semaphore_mem>>) src(%dma_wait3A_306 : memref<128xi32, #tpu.memory_space<hbm>>) dst(%arg14 : memref<128xi32, #tpu.memory_space<vmem>>)
      %dma_start3A_307 = arith.constant 0 : i32
      %dma_start3A_308 = tpu.memref_slice %arg38[%dma_start3A_307] : memref<51200xi32, #tpu.memory_space<vmem_shared>> -> memref<51200xi32, #tpu.memory_space<vmem_shared>>
      tpu.enqueue_indirect_dma source(%dma_start3A_308 : memref<51200xi32, #tpu.memory_space<vmem_shared>>) target(%arg18 : memref<128xi32, #tpu.memory_space<vmem>>) offsets(%arg10 : memref<128xi32, #tpu.memory_space<vmem>>) semaphore(%arg36 : memref<!tpu.dma_semaphore, #tpu.memory_space<semaphore_mem>>)
      %dma_wait3A_309 = arith.constant 0 : i32
      %dma_wait3A_310 = arith.constant 0 : i32
      %dma_wait3A_311 = tpu.memref_slice %arg2[%dma_wait3A_309, %dma_wait3A_310] : memref<6272x128xi32, #tpu.memory_space<hbm>> -> memref<1x128xi32, #tpu.memory_space<hbm>>
      %dma_wait3A_312 = tpu.memref_squeeze %dma_wait3A_311 : memref<1x128xi32, #tpu.memory_space<hbm>> -> memref<128xi32, #tpu.memory_space<hbm>>
      %dma_wait3A_313 = arith.constant 0 : i32
      %dma_wait3A_314 = tpu.memref_slice %arg2[%dma_wait3A_309, %dma_wait3A_313] : memref<6272x128xi32, #tpu.memory_space<hbm>> -> memref<1x128xi32, #tpu.memory_space<hbm>>
      %dma_wait3A_315 = tpu.memref_squeeze %dma_wait3A_314 : memref<1x128xi32, #tpu.memory_space<hbm>> -> memref<128xi32, #tpu.memory_space<hbm>>
      tpu.wait_dma2 semaphore(%arg34 : memref<!tpu.dma_semaphore, #tpu.memory_space<semaphore_mem>>) src(%dma_wait3A_315 : memref<128xi32, #tpu.memory_space<hbm>>) dst(%arg11 : memref<128xi32, #tpu.memory_space<vmem>>)
      %dma_wait3A_316 = arith.constant 0 : i32
      %dma_wait3A_317 = arith.constant 0 : i32
      %dma_wait3A_318 = tpu.memref_slice %arg3[%dma_wait3A_316, %dma_wait3A_317] : memref<6272x128xi32, #tpu.memory_space<hbm>> -> memref<1x128xi32, #tpu.memory_space<hbm>>
      %dma_wait3A_319 = tpu.memref_squeeze %dma_wait3A_318 : memref<1x128xi32, #tpu.memory_space<hbm>> -> memref<128xi32, #tpu.memory_space<hbm>>
      %dma_wait3A_320 = arith.constant 0 : i32
      %dma_wait3A_321 = tpu.memref_slice %arg3[%dma_wait3A_316, %dma_wait3A_320] : memref<6272x128xi32, #tpu.memory_space<hbm>> -> memref<1x128xi32, #tpu.memory_space<hbm>>
      %dma_wait3A_322 = tpu.memref_squeeze %dma_wait3A_321 : memref<1x128xi32, #tpu.memory_space<hbm>> -> memref<128xi32, #tpu.memory_space<hbm>>
      tpu.wait_dma2 semaphore(%arg34 : memref<!tpu.dma_semaphore, #tpu.memory_space<semaphore_mem>>) src(%dma_wait3A_322 : memref<128xi32, #tpu.memory_space<hbm>>) dst(%arg15 : memref<128xi32, #tpu.memory_space<vmem>>)
      %dma_start3A_323 = arith.constant 0 : i32
      %dma_start3A_324 = tpu.memref_slice %arg38[%dma_start3A_323] : memref<51200xi32, #tpu.memory_space<vmem_shared>> -> memref<51200xi32, #tpu.memory_space<vmem_shared>>
      tpu.enqueue_indirect_dma source(%dma_start3A_324 : memref<51200xi32, #tpu.memory_space<vmem_shared>>) target(%arg19 : memref<128xi32, #tpu.memory_space<vmem>>) offsets(%arg11 : memref<128xi32, #tpu.memory_space<vmem>>) semaphore(%arg36 : memref<!tpu.dma_semaphore, #tpu.memory_space<semaphore_mem>>)
      %dma_wait3A_325 = arith.constant 0 : i32
      %dma_wait3A_326 = arith.constant 0 : i32
      %dma_wait3A_327 = tpu.memref_slice %arg2[%dma_wait3A_325, %dma_wait3A_326] : memref<6272x128xi32, #tpu.memory_space<hbm>> -> memref<1x128xi32, #tpu.memory_space<hbm>>
      %dma_wait3A_328 = tpu.memref_squeeze %dma_wait3A_327 : memref<1x128xi32, #tpu.memory_space<hbm>> -> memref<128xi32, #tpu.memory_space<hbm>>
      %dma_wait3A_329 = arith.constant 0 : i32
      %dma_wait3A_330 = tpu.memref_slice %arg2[%dma_wait3A_325, %dma_wait3A_329] : memref<6272x128xi32, #tpu.memory_space<hbm>> -> memref<1x128xi32, #tpu.memory_space<hbm>>
      %dma_wait3A_331 = tpu.memref_squeeze %dma_wait3A_330 : memref<1x128xi32, #tpu.memory_space<hbm>> -> memref<128xi32, #tpu.memory_space<hbm>>
      tpu.wait_dma2 semaphore(%arg35 : memref<!tpu.dma_semaphore, #tpu.memory_space<semaphore_mem>>) src(%dma_wait3A_331 : memref<128xi32, #tpu.memory_space<hbm>>) dst(%arg12 : memref<128xi32, #tpu.memory_space<vmem>>)
      %dma_wait3A_332 = arith.constant 0 : i32
      %dma_wait3A_333 = arith.constant 0 : i32
      %dma_wait3A_334 = tpu.memref_slice %arg3[%dma_wait3A_332, %dma_wait3A_333] : memref<6272x128xi32, #tpu.memory_space<hbm>> -> memref<1x128xi32, #tpu.memory_space<hbm>>
      %dma_wait3A_335 = tpu.memref_squeeze %dma_wait3A_334 : memref<1x128xi32, #tpu.memory_space<hbm>> -> memref<128xi32, #tpu.memory_space<hbm>>
      %dma_wait3A_336 = arith.constant 0 : i32
      %dma_wait3A_337 = tpu.memref_slice %arg3[%dma_wait3A_332, %dma_wait3A_336] : memref<6272x128xi32, #tpu.memory_space<hbm>> -> memref<1x128xi32, #tpu.memory_space<hbm>>
      %dma_wait3A_338 = tpu.memref_squeeze %dma_wait3A_337 : memref<1x128xi32, #tpu.memory_space<hbm>> -> memref<128xi32, #tpu.memory_space<hbm>>
      tpu.wait_dma2 semaphore(%arg35 : memref<!tpu.dma_semaphore, #tpu.memory_space<semaphore_mem>>) src(%dma_wait3A_338 : memref<128xi32, #tpu.memory_space<hbm>>) dst(%arg16 : memref<128xi32, #tpu.memory_space<vmem>>)
      %dma_start3A_339 = arith.constant 0 : i32
      %dma_start3A_340 = tpu.memref_slice %arg38[%dma_start3A_339] : memref<51200xi32, #tpu.memory_space<vmem_shared>> -> memref<51200xi32, #tpu.memory_space<vmem_shared>>
      tpu.enqueue_indirect_dma source(%dma_start3A_340 : memref<51200xi32, #tpu.memory_space<vmem_shared>>) target(%arg20 : memref<128xi32, #tpu.memory_space<vmem>>) offsets(%arg12 : memref<128xi32, #tpu.memory_space<vmem>>) semaphore(%arg36 : memref<!tpu.dma_semaphore, #tpu.memory_space<semaphore_mem>>)
      %dma_wait3A_341 = arith.constant 0 : i32
      %dma_wait3A_342 = tpu.memref_slice %arg38[%dma_wait3A_341] : memref<51200xi32, #tpu.memory_space<vmem_shared>> -> memref<51200xi32, #tpu.memory_space<vmem_shared>>
      tpu.wait_indirect_dma semaphore(%arg36 : memref<!tpu.dma_semaphore, #tpu.memory_space<semaphore_mem>>) src(%dma_wait3A_342 : memref<51200xi32, #tpu.memory_space<vmem_shared>>) dst(%arg17 : memref<128xi32, #tpu.memory_space<vmem>>)
      %get3A = arith.constant 0 : index
      %get3A_343 = tpu.vector_load %arg17[%get3A] {strides = array<i32>} : memref<128xi32, #tpu.memory_space<vmem>>, vector<16xi32>,
      %get3A_344 = vector.shape_cast %get3A_343 : vector<16xi32> to vector<16xi32>
      %get3A_345 = arith.constant 0 : index
      %get3A_346 = tpu.vector_load %arg13[%get3A_345] {strides = array<i32>} : memref<128xi32, #tpu.memory_space<vmem>>, vector<16xi32>,
      %get3A_347 = vector.shape_cast %get3A_346 : vector<16xi32> to vector<16xi32>
      %mul3A_348 = arith.constant 8 : i32
      %mul3A_349 = vector.broadcast %mul3A_348 : i32 to vector<16xi32>
      %mul3A_350 = arith.muli %get3A_347, %mul3A_349 : vector<16xi32>
      %and3A_351 = arith.constant 7 : i32
      %and3A_352 = vector.broadcast %and3A_351 : i32 to vector<16xi32>
      %and3A_353 = arith.andi %get3A_344, %and3A_352 : vector<16xi32>
      %add3A_354 = arith.addi %mul3A_350, %and3A_353 : vector<16xi32>
      %swap3A_355 = arith.constant 0 : index
      %swap3A_356 = tpu.vector_load %arg25[%swap3A_355] {strides = array<i32>} : memref<128xi32, #tpu.memory_space<vmem>>, vector<16xi32>,
      %swap3A_357 = vector.shape_cast %swap3A_356 : vector<16xi32> to vector<16xi32>
      %swap3A_358 = vector.shape_cast %add3A_354 : vector<16xi32> to vector<16xi32>
      tpu.vector_store %arg25[%swap3A_355], %swap3A_358 {strides = array<i32>} : memref<128xi32, #tpu.memory_space<vmem>>, vector<16xi32>,
      %and3A_359 = arith.constant -8 : i32
      %and3A_360 = vector.broadcast %and3A_359 : i32 to vector<16xi32>
      %and3A_361 = arith.andi %get3A_344, %and3A_360 : vector<16xi32>
      %bitcast_convert_type3A = tpu.bitcast %and3A_361 : vector<16xi32> -> vector<16xf32>
      %swap3A_362 = arith.constant 0 : index
      %swap3A_363 = tpu.vector_load %arg21[%swap3A_362] {strides = array<i32>} : memref<128xf32, #tpu.memory_space<vmem>>, vector<16xf32>,
      %swap3A_364 = vector.shape_cast %swap3A_363 : vector<16xf32> to vector<16xf32>
      %swap3A_365 = vector.shape_cast %bitcast_convert_type3A : vector<16xf32> to vector<16xf32>
      tpu.vector_store %arg21[%swap3A_362], %swap3A_365 {strides = array<i32>} : memref<128xf32, #tpu.memory_space<vmem>>, vector<16xf32>,
      %get3A_366 = arith.constant 16 : index
      %get3A_367 = tpu.vector_load %arg17[%get3A_366] {strides = array<i32>} : memref<128xi32, #tpu.memory_space<vmem>>, vector<16xi32>,
      %get3A_368 = vector.shape_cast %get3A_367 : vector<16xi32> to vector<16xi32>
      %get3A_369 = arith.constant 16 : index
      %get3A_370 = tpu.vector_load %arg13[%get3A_369] {strides = array<i32>} : memref<128xi32, #tpu.memory_space<vmem>>, vector<16xi32>,
      %get3A_371 = vector.shape_cast %get3A_370 : vector<16xi32> to vector<16xi32>
      %mul3A_372 = arith.constant 8 : i32
      %mul3A_373 = vector.broadcast %mul3A_372 : i32 to vector<16xi32>
      %mul3A_374 = arith.muli %get3A_371, %mul3A_373 : vector<16xi32>
      %and3A_375 = arith.constant 7 : i32
      %and3A_376 = vector.broadcast %and3A_375 : i32 to vector<16xi32>
      %and3A_377 = arith.andi %get3A_368, %and3A_376 : vector<16xi32>
      %add3A_378 = arith.addi %mul3A_374, %and3A_377 : vector<16xi32>
      %swap3A_379 = arith.constant 16 : index
      %swap3A_380 = tpu.vector_load %arg25[%swap3A_379] {strides = array<i32>} : memref<128xi32, #tpu.memory_space<vmem>>, vector<16xi32>,
      %swap3A_381 = vector.shape_cast %swap3A_380 : vector<16xi32> to vector<16xi32>
      %swap3A_382 = vector.shape_cast %add3A_378 : vector<16xi32> to vector<16xi32>
      tpu.vector_store %arg25[%swap3A_379], %swap3A_382 {strides = array<i32>} : memref<128xi32, #tpu.memory_space<vmem>>, vector<16xi32>,
      %and3A_383 = arith.constant -8 : i32
      %and3A_384 = vector.broadcast %and3A_383 : i32 to vector<16xi32>
      %and3A_385 = arith.andi %get3A_368, %and3A_384 : vector<16xi32>
      %bitcast_convert_type3A_386 = tpu.bitcast %and3A_385 : vector<16xi32> -> vector<16xf32>
      %swap3A_387 = arith.constant 16 : index
      %swap3A_388 = tpu.vector_load %arg21[%swap3A_387] {strides = array<i32>} : memref<128xf32, #tpu.memory_space<vmem>>, vector<16xf32>,
      %swap3A_389 = vector.shape_cast %swap3A_388 : vector<16xf32> to vector<16xf32>
      %swap3A_390 = vector.shape_cast %bitcast_convert_type3A_386 : vector<16xf32> to vector<16xf32>
      tpu.vector_store %arg21[%swap3A_387], %swap3A_390 {strides = array<i32>} : memref<128xf32, #tpu.memory_space<vmem>>, vector<16xf32>,
      %get3A_391 = arith.constant 32 : index
      %get3A_392 = tpu.vector_load %arg17[%get3A_391] {strides = array<i32>} : memref<128xi32, #tpu.memory_space<vmem>>, vector<16xi32>,
      %get3A_393 = vector.shape_cast %get3A_392 : vector<16xi32> to vector<16xi32>
      %get3A_394 = arith.constant 32 : index
      %get3A_395 = tpu.vector_load %arg13[%get3A_394] {strides = array<i32>} : memref<128xi32, #tpu.memory_space<vmem>>, vector<16xi32>,
      %get3A_396 = vector.shape_cast %get3A_395 : vector<16xi32> to vector<16xi32>
      %mul3A_397 = arith.constant 8 : i32
      %mul3A_398 = vector.broadcast %mul3A_397 : i32 to vector<16xi32>
      %mul3A_399 = arith.muli %get3A_396, %mul3A_398 : vector<16xi32>
      %and3A_400 = arith.constant 7 : i32
      %and3A_401 = vector.broadcast %and3A_400 : i32 to vector<16xi32>
      %and3A_402 = arith.andi %get3A_393, %and3A_401 : vector<16xi32>
      %add3A_403 = arith.addi %mul3A_399, %and3A_402 : vector<16xi32>
      %swap3A_404 = arith.constant 32 : index
      %swap3A_405 = tpu.vector_load %arg25[%swap3A_404] {strides = array<i32>} : memref<128xi32, #tpu.memory_space<vmem>>, vector<16xi32>,
      %swap3A_406 = vector.shape_cast %swap3A_405 : vector<16xi32> to vector<16xi32>
      %swap3A_407 = vector.shape_cast %add3A_403 : vector<16xi32> to vector<16xi32>
      tpu.vector_store %arg25[%swap3A_404], %swap3A_407 {strides = array<i32>} : memref<128xi32, #tpu.memory_space<vmem>>, vector<16xi32>,
      %and3A_408 = arith.constant -8 : i32
      %and3A_409 = vector.broadcast %and3A_408 : i32 to vector<16xi32>
      %and3A_410 = arith.andi %get3A_393, %and3A_409 : vector<16xi32>
      %bitcast_convert_type3A_411 = tpu.bitcast %and3A_410 : vector<16xi32> -> vector<16xf32>
      %swap3A_412 = arith.constant 32 : index
      %swap3A_413 = tpu.vector_load %arg21[%swap3A_412] {strides = array<i32>} : memref<128xf32, #tpu.memory_space<vmem>>, vector<16xf32>,
      %swap3A_414 = vector.shape_cast %swap3A_413 : vector<16xf32> to vector<16xf32>
      %swap3A_415 = vector.shape_cast %bitcast_convert_type3A_411 : vector<16xf32> to vector<16xf32>
      tpu.vector_store %arg21[%swap3A_412], %swap3A_415 {strides = array<i32>} : memref<128xf32, #tpu.memory_space<vmem>>, vector<16xf32>,
      %get3A_416 = arith.constant 48 : index
      %get3A_417 = tpu.vector_load %arg17[%get3A_416] {strides = array<i32>} : memref<128xi32, #tpu.memory_space<vmem>>, vector<16xi32>,
      %get3A_418 = vector.shape_cast %get3A_417 : vector<16xi32> to vector<16xi32>
      %get3A_419 = arith.constant 48 : index
      %get3A_420 = tpu.vector_load %arg13[%get3A_419] {strides = array<i32>} : memref<128xi32, #tpu.memory_space<vmem>>, vector<16xi32>,
      %get3A_421 = vector.shape_cast %get3A_420 : vector<16xi32> to vector<16xi32>
      %mul3A_422 = arith.constant 8 : i32
      %mul3A_423 = vector.broadcast %mul3A_422 : i32 to vector<16xi32>
      %mul3A_424 = arith.muli %get3A_421, %mul3A_423 : vector<16xi32>
      %and3A_425 = arith.constant 7 : i32
      %and3A_426 = vector.broadcast %and3A_425 : i32 to vector<16xi32>
      %and3A_427 = arith.andi %get3A_418, %and3A_426 : vector<16xi32>
      %add3A_428 = arith.addi %mul3A_424, %and3A_427 : vector<16xi32>
      %swap3A_429 = arith.constant 48 : index
      %swap3A_430 = tpu.vector_load %arg25[%swap3A_429] {strides = array<i32>} : memref<128xi32, #tpu.memory_space<vmem>>, vector<16xi32>,
      %swap3A_431 = vector.shape_cast %swap3A_430 : vector<16xi32> to vector<16xi32>
      %swap3A_432 = vector.shape_cast %add3A_428 : vector<16xi32> to vector<16xi32>
      tpu.vector_store %arg25[%swap3A_429], %swap3A_432 {strides = array<i32>} : memref<128xi32, #tpu.memory_space<vmem>>, vector<16xi32>,
      %and3A_433 = arith.constant -8 : i32
      %and3A_434 = vector.broadcast %and3A_433 : i32 to vector<16xi32>
      %and3A_435 = arith.andi %get3A_418, %and3A_434 : vector<16xi32>
      %bitcast_convert_type3A_436 = tpu.bitcast %and3A_435 : vector<16xi32> -> vector<16xf32>
      %swap3A_437 = arith.constant 48 : index
      %swap3A_438 = tpu.vector_load %arg21[%swap3A_437] {strides = array<i32>} : memref<128xf32, #tpu.memory_space<vmem>>, vector<16xf32>,
      %swap3A_439 = vector.shape_cast %swap3A_438 : vector<16xf32> to vector<16xf32>
      %swap3A_440 = vector.shape_cast %bitcast_convert_type3A_436 : vector<16xf32> to vector<16xf32>
      tpu.vector_store %arg21[%swap3A_437], %swap3A_440 {strides = array<i32>} : memref<128xf32, #tpu.memory_space<vmem>>, vector<16xf32>,
      %get3A_441 = arith.constant 64 : index
      %get3A_442 = tpu.vector_load %arg17[%get3A_441] {strides = array<i32>} : memref<128xi32, #tpu.memory_space<vmem>>, vector<16xi32>,
      %get3A_443 = vector.shape_cast %get3A_442 : vector<16xi32> to vector<16xi32>
      %get3A_444 = arith.constant 64 : index
      %get3A_445 = tpu.vector_load %arg13[%get3A_444] {strides = array<i32>} : memref<128xi32, #tpu.memory_space<vmem>>, vector<16xi32>,
      %get3A_446 = vector.shape_cast %get3A_445 : vector<16xi32> to vector<16xi32>
      %mul3A_447 = arith.constant 8 : i32
      %mul3A_448 = vector.broadcast %mul3A_447 : i32 to vector<16xi32>
      %mul3A_449 = arith.muli %get3A_446, %mul3A_448 : vector<16xi32>
      %and3A_450 = arith.constant 7 : i32
      %and3A_451 = vector.broadcast %and3A_450 : i32 to vector<16xi32>
      %and3A_452 = arith.andi %get3A_443, %and3A_451 : vector<16xi32>
      %add3A_453 = arith.addi %mul3A_449, %and3A_452 : vector<16xi32>
      %swap3A_454 = arith.constant 64 : index
      %swap3A_455 = tpu.vector_load %arg25[%swap3A_454] {strides = array<i32>} : memref<128xi32, #tpu.memory_space<vmem>>, vector<16xi32>,
      %swap3A_456 = vector.shape_cast %swap3A_455 : vector<16xi32> to vector<16xi32>
      %swap3A_457 = vector.shape_cast %add3A_453 : vector<16xi32> to vector<16xi32>
      tpu.vector_store %arg25[%swap3A_454], %swap3A_457 {strides = array<i32>} : memref<128xi32, #tpu.memory_space<vmem>>, vector<16xi32>,
      %and3A_458 = arith.constant -8 : i32
      %and3A_459 = vector.broadcast %and3A_458 : i32 to vector<16xi32>
      %and3A_460 = arith.andi %get3A_443, %and3A_459 : vector<16xi32>
      %bitcast_convert_type3A_461 = tpu.bitcast %and3A_460 : vector<16xi32> -> vector<16xf32>
      %swap3A_462 = arith.constant 64 : index
      %swap3A_463 = tpu.vector_load %arg21[%swap3A_462] {strides = array<i32>} : memref<128xf32, #tpu.memory_space<vmem>>, vector<16xf32>,
      %swap3A_464 = vector.shape_cast %swap3A_463 : vector<16xf32> to vector<16xf32>
      %swap3A_465 = vector.shape_cast %bitcast_convert_type3A_461 : vector<16xf32> to vector<16xf32>
      tpu.vector_store %arg21[%swap3A_462], %swap3A_465 {strides = array<i32>} : memref<128xf32, #tpu.memory_space<vmem>>, vector<16xf32>,
      %get3A_466 = arith.constant 80 : index
      %get3A_467 = tpu.vector_load %arg17[%get3A_466] {strides = array<i32>} : memref<128xi32, #tpu.memory_space<vmem>>, vector<16xi32>,
      %get3A_468 = vector.shape_cast %get3A_467 : vector<16xi32> to vector<16xi32>
      %get3A_469 = arith.constant 80 : index
      %get3A_470 = tpu.vector_load %arg13[%get3A_469] {strides = array<i32>} : memref<128xi32, #tpu.memory_space<vmem>>, vector<16xi32>,
      %get3A_471 = vector.shape_cast %get3A_470 : vector<16xi32> to vector<16xi32>
      %mul3A_472 = arith.constant 8 : i32
      %mul3A_473 = vector.broadcast %mul3A_472 : i32 to vector<16xi32>
      %mul3A_474 = arith.muli %get3A_471, %mul3A_473 : vector<16xi32>
      %and3A_475 = arith.constant 7 : i32
      %and3A_476 = vector.broadcast %and3A_475 : i32 to vector<16xi32>
      %and3A_477 = arith.andi %get3A_468, %and3A_476 : vector<16xi32>
      %add3A_478 = arith.addi %mul3A_474, %and3A_477 : vector<16xi32>
      %swap3A_479 = arith.constant 80 : index
      %swap3A_480 = tpu.vector_load %arg25[%swap3A_479] {strides = array<i32>} : memref<128xi32, #tpu.memory_space<vmem>>, vector<16xi32>,
      %swap3A_481 = vector.shape_cast %swap3A_480 : vector<16xi32> to vector<16xi32>
      %swap3A_482 = vector.shape_cast %add3A_478 : vector<16xi32> to vector<16xi32>
      tpu.vector_store %arg25[%swap3A_479], %swap3A_482 {strides = array<i32>} : memref<128xi32, #tpu.memory_space<vmem>>, vector<16xi32>,
      %and3A_483 = arith.constant -8 : i32
      %and3A_484 = vector.broadcast %and3A_483 : i32 to vector<16xi32>
      %and3A_485 = arith.andi %get3A_468, %and3A_484 : vector<16xi32>
      %bitcast_convert_type3A_486 = tpu.bitcast %and3A_485 : vector<16xi32> -> vector<16xf32>
      %swap3A_487 = arith.constant 80 : index
      %swap3A_488 = tpu.vector_load %arg21[%swap3A_487] {strides = array<i32>} : memref<128xf32, #tpu.memory_space<vmem>>, vector<16xf32>,
      %swap3A_489 = vector.shape_cast %swap3A_488 : vector<16xf32> to vector<16xf32>
      %swap3A_490 = vector.shape_cast %bitcast_convert_type3A_486 : vector<16xf32> to vector<16xf32>
      tpu.vector_store %arg21[%swap3A_487], %swap3A_490 {strides = array<i32>} : memref<128xf32, #tpu.memory_space<vmem>>, vector<16xf32>,
      %get3A_491 = arith.constant 96 : index
      %get3A_492 = tpu.vector_load %arg17[%get3A_491] {strides = array<i32>} : memref<128xi32, #tpu.memory_space<vmem>>, vector<16xi32>,
      %get3A_493 = vector.shape_cast %get3A_492 : vector<16xi32> to vector<16xi32>
      %get3A_494 = arith.constant 96 : index
      %get3A_495 = tpu.vector_load %arg13[%get3A_494] {strides = array<i32>} : memref<128xi32, #tpu.memory_space<vmem>>, vector<16xi32>,
      %get3A_496 = vector.shape_cast %get3A_495 : vector<16xi32> to vector<16xi32>
      %mul3A_497 = arith.constant 8 : i32
      %mul3A_498 = vector.broadcast %mul3A_497 : i32 to vector<16xi32>
      %mul3A_499 = arith.muli %get3A_496, %mul3A_498 : vector<16xi32>
      %and3A_500 = arith.constant 7 : i32
      %and3A_501 = vector.broadcast %and3A_500 : i32 to vector<16xi32>
      %and3A_502 = arith.andi %get3A_493, %and3A_501 : vector<16xi32>
      %add3A_503 = arith.addi %mul3A_499, %and3A_502 : vector<16xi32>
      %swap3A_504 = arith.constant 96 : index
      %swap3A_505 = tpu.vector_load %arg25[%swap3A_504] {strides = array<i32>} : memref<128xi32, #tpu.memory_space<vmem>>, vector<16xi32>,
      %swap3A_506 = vector.shape_cast %swap3A_505 : vector<16xi32> to vector<16xi32>
      %swap3A_507 = vector.shape_cast %add3A_503 : vector<16xi32> to vector<16xi32>
      tpu.vector_store %arg25[%swap3A_504], %swap3A_507 {strides = array<i32>} : memref<128xi32, #tpu.memory_space<vmem>>, vector<16xi32>,
      %and3A_508 = arith.constant -8 : i32
      %and3A_509 = vector.broadcast %and3A_508 : i32 to vector<16xi32>
      %and3A_510 = arith.andi %get3A_493, %and3A_509 : vector<16xi32>
      %bitcast_convert_type3A_511 = tpu.bitcast %and3A_510 : vector<16xi32> -> vector<16xf32>
      %swap3A_512 = arith.constant 96 : index
      %swap3A_513 = tpu.vector_load %arg21[%swap3A_512] {strides = array<i32>} : memref<128xf32, #tpu.memory_space<vmem>>, vector<16xf32>,
      %swap3A_514 = vector.shape_cast %swap3A_513 : vector<16xf32> to vector<16xf32>
      %swap3A_515 = vector.shape_cast %bitcast_convert_type3A_511 : vector<16xf32> to vector<16xf32>
      tpu.vector_store %arg21[%swap3A_512], %swap3A_515 {strides = array<i32>} : memref<128xf32, #tpu.memory_space<vmem>>, vector<16xf32>,
      %get3A_516 = arith.constant 112 : index
      %get3A_517 = tpu.vector_load %arg17[%get3A_516] {strides = array<i32>} : memref<128xi32, #tpu.memory_space<vmem>>, vector<16xi32>,
      %get3A_518 = vector.shape_cast %get3A_517 : vector<16xi32> to vector<16xi32>
      %get3A_519 = arith.constant 112 : index
      %get3A_520 = tpu.vector_load %arg13[%get3A_519] {strides = array<i32>} : memref<128xi32, #tpu.memory_space<vmem>>, vector<16xi32>,
      %get3A_521 = vector.shape_cast %get3A_520 : vector<16xi32> to vector<16xi32>
      %mul3A_522 = arith.constant 8 : i32
      %mul3A_523 = vector.broadcast %mul3A_522 : i32 to vector<16xi32>
      %mul3A_524 = arith.muli %get3A_521, %mul3A_523 : vector<16xi32>
      %and3A_525 = arith.constant 7 : i32
      %and3A_526 = vector.broadcast %and3A_525 : i32 to vector<16xi32>
      %and3A_527 = arith.andi %get3A_518, %and3A_526 : vector<16xi32>
      %add3A_528 = arith.addi %mul3A_524, %and3A_527 : vector<16xi32>
      %swap3A_529 = arith.constant 112 : index
      %swap3A_530 = tpu.vector_load %arg25[%swap3A_529] {strides = array<i32>} : memref<128xi32, #tpu.memory_space<vmem>>, vector<16xi32>,
      %swap3A_531 = vector.shape_cast %swap3A_530 : vector<16xi32> to vector<16xi32>
      %swap3A_532 = vector.shape_cast %add3A_528 : vector<16xi32> to vector<16xi32>
      tpu.vector_store %arg25[%swap3A_529], %swap3A_532 {strides = array<i32>} : memref<128xi32, #tpu.memory_space<vmem>>, vector<16xi32>,
      %and3A_533 = arith.constant -8 : i32
      %and3A_534 = vector.broadcast %and3A_533 : i32 to vector<16xi32>
      %and3A_535 = arith.andi %get3A_518, %and3A_534 : vector<16xi32>
      %bitcast_convert_type3A_536 = tpu.bitcast %and3A_535 : vector<16xi32> -> vector<16xf32>
      %swap3A_537 = arith.constant 112 : index
      %swap3A_538 = tpu.vector_load %arg21[%swap3A_537] {strides = array<i32>} : memref<128xf32, #tpu.memory_space<vmem>>, vector<16xf32>,
      %swap3A_539 = vector.shape_cast %swap3A_538 : vector<16xf32> to vector<16xf32>
      %swap3A_540 = vector.shape_cast %bitcast_convert_type3A_536 : vector<16xf32> to vector<16xf32>
      tpu.vector_store %arg21[%swap3A_537], %swap3A_540 {strides = array<i32>} : memref<128xf32, #tpu.memory_space<vmem>>, vector<16xf32>,
      %dma_start3A_541 = arith.constant 0 : i32
      %dma_start3A_542 = tpu.memref_slice %arg39[%dma_start3A_541] : memref<409600xf32, #tpu.memory_space<vmem_shared>> -> memref<409600xf32, #tpu.memory_space<vmem_shared>>
      tpu.enqueue_indirect_dma source(%arg21 : memref<128xf32, #tpu.memory_space<vmem>>) target(%dma_start3A_542 : memref<409600xf32, #tpu.memory_space<vmem_shared>>) offsets(%arg25 : memref<128xi32, #tpu.memory_space<vmem>>) semaphore(%arg37 : memref<!tpu.dma_semaphore, #tpu.memory_space<semaphore_mem>>) {add = true}
      %dma_wait3A_543 = arith.constant 0 : i32
      %dma_wait3A_544 = tpu.memref_slice %arg38[%dma_wait3A_543] : memref<51200xi32, #tpu.memory_space<vmem_shared>> -> memref<51200xi32, #tpu.memory_space<vmem_shared>>
      tpu.wait_indirect_dma semaphore(%arg36 : memref<!tpu.dma_semaphore, #tpu.memory_space<semaphore_mem>>) src(%dma_wait3A_544 : memref<51200xi32, #tpu.memory_space<vmem_shared>>) dst(%arg18 : memref<128xi32, #tpu.memory_space<vmem>>)
      %get3A_545 = arith.constant 0 : index
      %get3A_546 = tpu.vector_load %arg18[%get3A_545] {strides = array<i32>} : memref<128xi32, #tpu.memory_space<vmem>>, vector<16xi32>,
      %get3A_547 = vector.shape_cast %get3A_546 : vector<16xi32> to vector<16xi32>
      %get3A_548 = arith.constant 0 : index
      %get3A_549 = tpu.vector_load %arg14[%get3A_548] {strides = array<i32>} : memref<128xi32, #tpu.memory_space<vmem>>, vector<16xi32>,
      %get3A_550 = vector.shape_cast %get3A_549 : vector<16xi32> to vector<16xi32>
      %mul3A_551 = arith.constant 8 : i32
      %mul3A_552 = vector.broadcast %mul3A_551 : i32 to vector<16xi32>
      %mul3A_553 = arith.muli %get3A_550, %mul3A_552 : vector<16xi32>
      %and3A_554 = arith.constant 7 : i32
      %and3A_555 = vector.broadcast %and3A_554 : i32 to vector<16xi32>
      %and3A_556 = arith.andi %get3A_547, %and3A_555 : vector<16xi32>
      %add3A_557 = arith.addi %mul3A_553, %and3A_556 : vector<16xi32>
      %swap3A_558 = arith.constant 0 : index
      %swap3A_559 = tpu.vector_load %arg26[%swap3A_558] {strides = array<i32>} : memref<128xi32, #tpu.memory_space<vmem>>, vector<16xi32>,
      %swap3A_560 = vector.shape_cast %swap3A_559 : vector<16xi32> to vector<16xi32>
      %swap3A_561 = vector.shape_cast %add3A_557 : vector<16xi32> to vector<16xi32>
      tpu.vector_store %arg26[%swap3A_558], %swap3A_561 {strides = array<i32>} : memref<128xi32, #tpu.memory_space<vmem>>, vector<16xi32>,
      %and3A_562 = arith.constant -8 : i32
      %and3A_563 = vector.broadcast %and3A_562 : i32 to vector<16xi32>
      %and3A_564 = arith.andi %get3A_547, %and3A_563 : vector<16xi32>
      %bitcast_convert_type3A_565 = tpu.bitcast %and3A_564 : vector<16xi32> -> vector<16xf32>
      %swap3A_566 = arith.constant 0 : index
      %swap3A_567 = tpu.vector_load %arg22[%swap3A_566] {strides = array<i32>} : memref<128xf32, #tpu.memory_space<vmem>>, vector<16xf32>,
      %swap3A_568 = vector.shape_cast %swap3A_567 : vector<16xf32> to vector<16xf32>
      %swap3A_569 = vector.shape_cast %bitcast_convert_type3A_565 : vector<16xf32> to vector<16xf32>
      tpu.vector_store %arg22[%swap3A_566], %swap3A_569 {strides = array<i32>} : memref<128xf32, #tpu.memory_space<vmem>>, vector<16xf32>,
      %get3A_570 = arith.constant 16 : index
      %get3A_571 = tpu.vector_load %arg18[%get3A_570] {strides = array<i32>} : memref<128xi32, #tpu.memory_space<vmem>>, vector<16xi32>,
      %get3A_572 = vector.shape_cast %get3A_571 : vector<16xi32> to vector<16xi32>
      %get3A_573 = arith.constant 16 : index
      %get3A_574 = tpu.vector_load %arg14[%get3A_573] {strides = array<i32>} : memref<128xi32, #tpu.memory_space<vmem>>, vector<16xi32>,
      %get3A_575 = vector.shape_cast %get3A_574 : vector<16xi32> to vector<16xi32>
      %mul3A_576 = arith.constant 8 : i32
      %mul3A_577 = vector.broadcast %mul3A_576 : i32 to vector<16xi32>
      %mul3A_578 = arith.muli %get3A_575, %mul3A_577 : vector<16xi32>
      %and3A_579 = arith.constant 7 : i32
      %and3A_580 = vector.broadcast %and3A_579 : i32 to vector<16xi32>
      %and3A_581 = arith.andi %get3A_572, %and3A_580 : vector<16xi32>
      %add3A_582 = arith.addi %mul3A_578, %and3A_581 : vector<16xi32>
      %swap3A_583 = arith.constant 16 : index
      %swap3A_584 = tpu.vector_load %arg26[%swap3A_583] {strides = array<i32>} : memref<128xi32, #tpu.memory_space<vmem>>, vector<16xi32>,
      %swap3A_585 = vector.shape_cast %swap3A_584 : vector<16xi32> to vector<16xi32>
      %swap3A_586 = vector.shape_cast %add3A_582 : vector<16xi32> to vector<16xi32>
      tpu.vector_store %arg26[%swap3A_583], %swap3A_586 {strides = array<i32>} : memref<128xi32, #tpu.memory_space<vmem>>, vector<16xi32>,
      %and3A_587 = arith.constant -8 : i32
      %and3A_588 = vector.broadcast %and3A_587 : i32 to vector<16xi32>
      %and3A_589 = arith.andi %get3A_572, %and3A_588 : vector<16xi32>
      %bitcast_convert_type3A_590 = tpu.bitcast %and3A_589 : vector<16xi32> -> vector<16xf32>
      %swap3A_591 = arith.constant 16 : index
      %swap3A_592 = tpu.vector_load %arg22[%swap3A_591] {strides = array<i32>} : memref<128xf32, #tpu.memory_space<vmem>>, vector<16xf32>,
      %swap3A_593 = vector.shape_cast %swap3A_592 : vector<16xf32> to vector<16xf32>
      %swap3A_594 = vector.shape_cast %bitcast_convert_type3A_590 : vector<16xf32> to vector<16xf32>
      tpu.vector_store %arg22[%swap3A_591], %swap3A_594 {strides = array<i32>} : memref<128xf32, #tpu.memory_space<vmem>>, vector<16xf32>,
      %get3A_595 = arith.constant 32 : index
      %get3A_596 = tpu.vector_load %arg18[%get3A_595] {strides = array<i32>} : memref<128xi32, #tpu.memory_space<vmem>>, vector<16xi32>,
      %get3A_597 = vector.shape_cast %get3A_596 : vector<16xi32> to vector<16xi32>
      %get3A_598 = arith.constant 32 : index
      %get3A_599 = tpu.vector_load %arg14[%get3A_598] {strides = array<i32>} : memref<128xi32, #tpu.memory_space<vmem>>, vector<16xi32>,
      %get3A_600 = vector.shape_cast %get3A_599 : vector<16xi32> to vector<16xi32>
      %mul3A_601 = arith.constant 8 : i32
      %mul3A_602 = vector.broadcast %mul3A_601 : i32 to vector<16xi32>
      %mul3A_603 = arith.muli %get3A_600, %mul3A_602 : vector<16xi32>
      %and3A_604 = arith.constant 7 : i32
      %and3A_605 = vector.broadcast %and3A_604 : i32 to vector<16xi32>
      %and3A_606 = arith.andi %get3A_597, %and3A_605 : vector<16xi32>
      %add3A_607 = arith.addi %mul3A_603, %and3A_606 : vector<16xi32>
      %swap3A_608 = arith.constant 32 : index
      %swap3A_609 = tpu.vector_load %arg26[%swap3A_608] {strides = array<i32>} : memref<128xi32, #tpu.memory_space<vmem>>, vector<16xi32>,
      %swap3A_610 = vector.shape_cast %swap3A_609 : vector<16xi32> to vector<16xi32>
      %swap3A_611 = vector.shape_cast %add3A_607 : vector<16xi32> to vector<16xi32>
      tpu.vector_store %arg26[%swap3A_608], %swap3A_611 {strides = array<i32>} : memref<128xi32, #tpu.memory_space<vmem>>, vector<16xi32>,
      %and3A_612 = arith.constant -8 : i32
      %and3A_613 = vector.broadcast %and3A_612 : i32 to vector<16xi32>
      %and3A_614 = arith.andi %get3A_597, %and3A_613 : vector<16xi32>
      %bitcast_convert_type3A_615 = tpu.bitcast %and3A_614 : vector<16xi32> -> vector<16xf32>
      %swap3A_616 = arith.constant 32 : index
      %swap3A_617 = tpu.vector_load %arg22[%swap3A_616] {strides = array<i32>} : memref<128xf32, #tpu.memory_space<vmem>>, vector<16xf32>,
      %swap3A_618 = vector.shape_cast %swap3A_617 : vector<16xf32> to vector<16xf32>
      %swap3A_619 = vector.shape_cast %bitcast_convert_type3A_615 : vector<16xf32> to vector<16xf32>
      tpu.vector_store %arg22[%swap3A_616], %swap3A_619 {strides = array<i32>} : memref<128xf32, #tpu.memory_space<vmem>>, vector<16xf32>,
      %get3A_620 = arith.constant 48 : index
      %get3A_621 = tpu.vector_load %arg18[%get3A_620] {strides = array<i32>} : memref<128xi32, #tpu.memory_space<vmem>>, vector<16xi32>,
      %get3A_622 = vector.shape_cast %get3A_621 : vector<16xi32> to vector<16xi32>
      %get3A_623 = arith.constant 48 : index
      %get3A_624 = tpu.vector_load %arg14[%get3A_623] {strides = array<i32>} : memref<128xi32, #tpu.memory_space<vmem>>, vector<16xi32>,
      %get3A_625 = vector.shape_cast %get3A_624 : vector<16xi32> to vector<16xi32>
      %mul3A_626 = arith.constant 8 : i32
      %mul3A_627 = vector.broadcast %mul3A_626 : i32 to vector<16xi32>
      %mul3A_628 = arith.muli %get3A_625, %mul3A_627 : vector<16xi32>
      %and3A_629 = arith.constant 7 : i32
      %and3A_630 = vector.broadcast %and3A_629 : i32 to vector<16xi32>
      %and3A_631 = arith.andi %get3A_622, %and3A_630 : vector<16xi32>
      %add3A_632 = arith.addi %mul3A_628, %and3A_631 : vector<16xi32>
      %swap3A_633 = arith.constant 48 : index
      %swap3A_634 = tpu.vector_load %arg26[%swap3A_633] {strides = array<i32>} : memref<128xi32, #tpu.memory_space<vmem>>, vector<16xi32>,
      %swap3A_635 = vector.shape_cast %swap3A_634 : vector<16xi32> to vector<16xi32>
      %swap3A_636 = vector.shape_cast %add3A_632 : vector<16xi32> to vector<16xi32>
      tpu.vector_store %arg26[%swap3A_633], %swap3A_636 {strides = array<i32>} : memref<128xi32, #tpu.memory_space<vmem>>, vector<16xi32>,
      %and3A_637 = arith.constant -8 : i32
      %and3A_638 = vector.broadcast %and3A_637 : i32 to vector<16xi32>
      %and3A_639 = arith.andi %get3A_622, %and3A_638 : vector<16xi32>
      %bitcast_convert_type3A_640 = tpu.bitcast %and3A_639 : vector<16xi32> -> vector<16xf32>
      %swap3A_641 = arith.constant 48 : index
      %swap3A_642 = tpu.vector_load %arg22[%swap3A_641] {strides = array<i32>} : memref<128xf32, #tpu.memory_space<vmem>>, vector<16xf32>,
      %swap3A_643 = vector.shape_cast %swap3A_642 : vector<16xf32> to vector<16xf32>
      %swap3A_644 = vector.shape_cast %bitcast_convert_type3A_640 : vector<16xf32> to vector<16xf32>
      tpu.vector_store %arg22[%swap3A_641], %swap3A_644 {strides = array<i32>} : memref<128xf32, #tpu.memory_space<vmem>>, vector<16xf32>,
      %get3A_645 = arith.constant 64 : index
      %get3A_646 = tpu.vector_load %arg18[%get3A_645] {strides = array<i32>} : memref<128xi32, #tpu.memory_space<vmem>>, vector<16xi32>,
      %get3A_647 = vector.shape_cast %get3A_646 : vector<16xi32> to vector<16xi32>
      %get3A_648 = arith.constant 64 : index
      %get3A_649 = tpu.vector_load %arg14[%get3A_648] {strides = array<i32>} : memref<128xi32, #tpu.memory_space<vmem>>, vector<16xi32>,
      %get3A_650 = vector.shape_cast %get3A_649 : vector<16xi32> to vector<16xi32>
      %mul3A_651 = arith.constant 8 : i32
      %mul3A_652 = vector.broadcast %mul3A_651 : i32 to vector<16xi32>
      %mul3A_653 = arith.muli %get3A_650, %mul3A_652 : vector<16xi32>
      %and3A_654 = arith.constant 7 : i32
      %and3A_655 = vector.broadcast %and3A_654 : i32 to vector<16xi32>
      %and3A_656 = arith.andi %get3A_647, %and3A_655 : vector<16xi32>
      %add3A_657 = arith.addi %mul3A_653, %and3A_656 : vector<16xi32>
      %swap3A_658 = arith.constant 64 : index
      %swap3A_659 = tpu.vector_load %arg26[%swap3A_658] {strides = array<i32>} : memref<128xi32, #tpu.memory_space<vmem>>, vector<16xi32>,
      %swap3A_660 = vector.shape_cast %swap3A_659 : vector<16xi32> to vector<16xi32>
      %swap3A_661 = vector.shape_cast %add3A_657 : vector<16xi32> to vector<16xi32>
      tpu.vector_store %arg26[%swap3A_658], %swap3A_661 {strides = array<i32>} : memref<128xi32, #tpu.memory_space<vmem>>, vector<16xi32>,
      %and3A_662 = arith.constant -8 : i32
      %and3A_663 = vector.broadcast %and3A_662 : i32 to vector<16xi32>
      %and3A_664 = arith.andi %get3A_647, %and3A_663 : vector<16xi32>
      %bitcast_convert_type3A_665 = tpu.bitcast %and3A_664 : vector<16xi32> -> vector<16xf32>
      %swap3A_666 = arith.constant 64 : index
      %swap3A_667 = tpu.vector_load %arg22[%swap3A_666] {strides = array<i32>} : memref<128xf32, #tpu.memory_space<vmem>>, vector<16xf32>,
      %swap3A_668 = vector.shape_cast %swap3A_667 : vector<16xf32> to vector<16xf32>
      %swap3A_669 = vector.shape_cast %bitcast_convert_type3A_665 : vector<16xf32> to vector<16xf32>
      tpu.vector_store %arg22[%swap3A_666], %swap3A_669 {strides = array<i32>} : memref<128xf32, #tpu.memory_space<vmem>>, vector<16xf32>,
      %get3A_670 = arith.constant 80 : index
      %get3A_671 = tpu.vector_load %arg18[%get3A_670] {strides = array<i32>} : memref<128xi32, #tpu.memory_space<vmem>>, vector<16xi32>,
      %get3A_672 = vector.shape_cast %get3A_671 : vector<16xi32> to vector<16xi32>
      %get3A_673 = arith.constant 80 : index
      %get3A_674 = tpu.vector_load %arg14[%get3A_673] {strides = array<i32>} : memref<128xi32, #tpu.memory_space<vmem>>, vector<16xi32>,
      %get3A_675 = vector.shape_cast %get3A_674 : vector<16xi32> to vector<16xi32>
      %mul3A_676 = arith.constant 8 : i32
      %mul3A_677 = vector.broadcast %mul3A_676 : i32 to vector<16xi32>
      %mul3A_678 = arith.muli %get3A_675, %mul3A_677 : vector<16xi32>
      %and3A_679 = arith.constant 7 : i32
      %and3A_680 = vector.broadcast %and3A_679 : i32 to vector<16xi32>
      %and3A_681 = arith.andi %get3A_672, %and3A_680 : vector<16xi32>
      %add3A_682 = arith.addi %mul3A_678, %and3A_681 : vector<16xi32>
      %swap3A_683 = arith.constant 80 : index
      %swap3A_684 = tpu.vector_load %arg26[%swap3A_683] {strides = array<i32>} : memref<128xi32, #tpu.memory_space<vmem>>, vector<16xi32>,
      %swap3A_685 = vector.shape_cast %swap3A_684 : vector<16xi32> to vector<16xi32>
      %swap3A_686 = vector.shape_cast %add3A_682 : vector<16xi32> to vector<16xi32>
      tpu.vector_store %arg26[%swap3A_683], %swap3A_686 {strides = array<i32>} : memref<128xi32, #tpu.memory_space<vmem>>, vector<16xi32>,
      %and3A_687 = arith.constant -8 : i32
      %and3A_688 = vector.broadcast %and3A_687 : i32 to vector<16xi32>
      %and3A_689 = arith.andi %get3A_672, %and3A_688 : vector<16xi32>
      %bitcast_convert_type3A_690 = tpu.bitcast %and3A_689 : vector<16xi32> -> vector<16xf32>
      %swap3A_691 = arith.constant 80 : index
      %swap3A_692 = tpu.vector_load %arg22[%swap3A_691] {strides = array<i32>} : memref<128xf32, #tpu.memory_space<vmem>>, vector<16xf32>,
      %swap3A_693 = vector.shape_cast %swap3A_692 : vector<16xf32> to vector<16xf32>
      %swap3A_694 = vector.shape_cast %bitcast_convert_type3A_690 : vector<16xf32> to vector<16xf32>
      tpu.vector_store %arg22[%swap3A_691], %swap3A_694 {strides = array<i32>} : memref<128xf32, #tpu.memory_space<vmem>>, vector<16xf32>,
      %get3A_695 = arith.constant 96 : index
      %get3A_696 = tpu.vector_load %arg18[%get3A_695] {strides = array<i32>} : memref<128xi32, #tpu.memory_space<vmem>>, vector<16xi32>,
      %get3A_697 = vector.shape_cast %get3A_696 : vector<16xi32> to vector<16xi32>
      %get3A_698 = arith.constant 96 : index
      %get3A_699 = tpu.vector_load %arg14[%get3A_698] {strides = array<i32>} : memref<128xi32, #tpu.memory_space<vmem>>, vector<16xi32>,
      %get3A_700 = vector.shape_cast %get3A_699 : vector<16xi32> to vector<16xi32>
      %mul3A_701 = arith.constant 8 : i32
      %mul3A_702 = vector.broadcast %mul3A_701 : i32 to vector<16xi32>
      %mul3A_703 = arith.muli %get3A_700, %mul3A_702 : vector<16xi32>
      %and3A_704 = arith.constant 7 : i32
      %and3A_705 = vector.broadcast %and3A_704 : i32 to vector<16xi32>
      %and3A_706 = arith.andi %get3A_697, %and3A_705 : vector<16xi32>
      %add3A_707 = arith.addi %mul3A_703, %and3A_706 : vector<16xi32>
      %swap3A_708 = arith.constant 96 : index
      %swap3A_709 = tpu.vector_load %arg26[%swap3A_708] {strides = array<i32>} : memref<128xi32, #tpu.memory_space<vmem>>, vector<16xi32>,
      %swap3A_710 = vector.shape_cast %swap3A_709 : vector<16xi32> to vector<16xi32>
      %swap3A_711 = vector.shape_cast %add3A_707 : vector<16xi32> to vector<16xi32>
      tpu.vector_store %arg26[%swap3A_708], %swap3A_711 {strides = array<i32>} : memref<128xi32, #tpu.memory_space<vmem>>, vector<16xi32>,
      %and3A_712 = arith.constant -8 : i32
      %and3A_713 = vector.broadcast %and3A_712 : i32 to vector<16xi32>
      %and3A_714 = arith.andi %get3A_697, %and3A_713 : vector<16xi32>
      %bitcast_convert_type3A_715 = tpu.bitcast %and3A_714 : vector<16xi32> -> vector<16xf32>
      %swap3A_716 = arith.constant 96 : index
      %swap3A_717 = tpu.vector_load %arg22[%swap3A_716] {strides = array<i32>} : memref<128xf32, #tpu.memory_space<vmem>>, vector<16xf32>,
      %swap3A_718 = vector.shape_cast %swap3A_717 : vector<16xf32> to vector<16xf32>
      %swap3A_719 = vector.shape_cast %bitcast_convert_type3A_715 : vector<16xf32> to vector<16xf32>
      tpu.vector_store %arg22[%swap3A_716], %swap3A_719 {strides = array<i32>} : memref<128xf32, #tpu.memory_space<vmem>>, vector<16xf32>,
      %get3A_720 = arith.constant 112 : index
      %get3A_721 = tpu.vector_load %arg18[%get3A_720] {strides = array<i32>} : memref<128xi32, #tpu.memory_space<vmem>>, vector<16xi32>,
      %get3A_722 = vector.shape_cast %get3A_721 : vector<16xi32> to vector<16xi32>
      %get3A_723 = arith.constant 112 : index
      %get3A_724 = tpu.vector_load %arg14[%get3A_723] {strides = array<i32>} : memref<128xi32, #tpu.memory_space<vmem>>, vector<16xi32>,
      %get3A_725 = vector.shape_cast %get3A_724 : vector<16xi32> to vector<16xi32>
      %mul3A_726 = arith.constant 8 : i32
      %mul3A_727 = vector.broadcast %mul3A_726 : i32 to vector<16xi32>
      %mul3A_728 = arith.muli %get3A_725, %mul3A_727 : vector<16xi32>
      %and3A_729 = arith.constant 7 : i32
      %and3A_730 = vector.broadcast %and3A_729 : i32 to vector<16xi32>
      %and3A_731 = arith.andi %get3A_722, %and3A_730 : vector<16xi32>
      %add3A_732 = arith.addi %mul3A_728, %and3A_731 : vector<16xi32>
      %swap3A_733 = arith.constant 112 : index
      %swap3A_734 = tpu.vector_load %arg26[%swap3A_733] {strides = array<i32>} : memref<128xi32, #tpu.memory_space<vmem>>, vector<16xi32>,
      %swap3A_735 = vector.shape_cast %swap3A_734 : vector<16xi32> to vector<16xi32>
      %swap3A_736 = vector.shape_cast %add3A_732 : vector<16xi32> to vector<16xi32>
      tpu.vector_store %arg26[%swap3A_733], %swap3A_736 {strides = array<i32>} : memref<128xi32, #tpu.memory_space<vmem>>, vector<16xi32>,
      %and3A_737 = arith.constant -8 : i32
      %and3A_738 = vector.broadcast %and3A_737 : i32 to vector<16xi32>
      %and3A_739 = arith.andi %get3A_722, %and3A_738 : vector<16xi32>
      %bitcast_convert_type3A_740 = tpu.bitcast %and3A_739 : vector<16xi32> -> vector<16xf32>
      %swap3A_741 = arith.constant 112 : index
      %swap3A_742 = tpu.vector_load %arg22[%swap3A_741] {strides = array<i32>} : memref<128xf32, #tpu.memory_space<vmem>>, vector<16xf32>,
      %swap3A_743 = vector.shape_cast %swap3A_742 : vector<16xf32> to vector<16xf32>
      %swap3A_744 = vector.shape_cast %bitcast_convert_type3A_740 : vector<16xf32> to vector<16xf32>
      tpu.vector_store %arg22[%swap3A_741], %swap3A_744 {strides = array<i32>} : memref<128xf32, #tpu.memory_space<vmem>>, vector<16xf32>,
      %dma_start3A_745 = arith.constant 0 : i32
      %dma_start3A_746 = tpu.memref_slice %arg39[%dma_start3A_745] : memref<409600xf32, #tpu.memory_space<vmem_shared>> -> memref<409600xf32, #tpu.memory_space<vmem_shared>>
      tpu.enqueue_indirect_dma source(%arg22 : memref<128xf32, #tpu.memory_space<vmem>>) target(%dma_start3A_746 : memref<409600xf32, #tpu.memory_space<vmem_shared>>) offsets(%arg26 : memref<128xi32, #tpu.memory_space<vmem>>) semaphore(%arg37 : memref<!tpu.dma_semaphore, #tpu.memory_space<semaphore_mem>>) {add = true}
      %dma_wait3A_747 = arith.constant 0 : i32
      %dma_wait3A_748 = tpu.memref_slice %arg38[%dma_wait3A_747] : memref<51200xi32, #tpu.memory_space<vmem_shared>> -> memref<51200xi32, #tpu.memory_space<vmem_shared>>
      tpu.wait_indirect_dma semaphore(%arg36 : memref<!tpu.dma_semaphore, #tpu.memory_space<semaphore_mem>>) src(%dma_wait3A_748 : memref<51200xi32, #tpu.memory_space<vmem_shared>>) dst(%arg19 : memref<128xi32, #tpu.memory_space<vmem>>)
      %get3A_749 = arith.constant 0 : index
      %get3A_750 = tpu.vector_load %arg19[%get3A_749] {strides = array<i32>} : memref<128xi32, #tpu.memory_space<vmem>>, vector<16xi32>,
      %get3A_751 = vector.shape_cast %get3A_750 : vector<16xi32> to vector<16xi32>
      %get3A_752 = arith.constant 0 : index
      %get3A_753 = tpu.vector_load %arg15[%get3A_752] {strides = array<i32>} : memref<128xi32, #tpu.memory_space<vmem>>, vector<16xi32>,
      %get3A_754 = vector.shape_cast %get3A_753 : vector<16xi32> to vector<16xi32>
      %mul3A_755 = arith.constant 8 : i32
      %mul3A_756 = vector.broadcast %mul3A_755 : i32 to vector<16xi32>
      %mul3A_757 = arith.muli %get3A_754, %mul3A_756 : vector<16xi32>
      %and3A_758 = arith.constant 7 : i32
      %and3A_759 = vector.broadcast %and3A_758 : i32 to vector<16xi32>
      %and3A_760 = arith.andi %get3A_751, %and3A_759 : vector<16xi32>
      %add3A_761 = arith.addi %mul3A_757, %and3A_760 : vector<16xi32>
      %swap3A_762 = arith.constant 0 : index
      %swap3A_763 = tpu.vector_load %arg27[%swap3A_762] {strides = array<i32>} : memref<128xi32, #tpu.memory_space<vmem>>, vector<16xi32>,
      %swap3A_764 = vector.shape_cast %swap3A_763 : vector<16xi32> to vector<16xi32>
      %swap3A_765 = vector.shape_cast %add3A_761 : vector<16xi32> to vector<16xi32>
      tpu.vector_store %arg27[%swap3A_762], %swap3A_765 {strides = array<i32>} : memref<128xi32, #tpu.memory_space<vmem>>, vector<16xi32>,
      %and3A_766 = arith.constant -8 : i32
      %and3A_767 = vector.broadcast %and3A_766 : i32 to vector<16xi32>
      %and3A_768 = arith.andi %get3A_751, %and3A_767 : vector<16xi32>
      %bitcast_convert_type3A_769 = tpu.bitcast %and3A_768 : vector<16xi32> -> vector<16xf32>
      %swap3A_770 = arith.constant 0 : index
      %swap3A_771 = tpu.vector_load %arg23[%swap3A_770] {strides = array<i32>} : memref<128xf32, #tpu.memory_space<vmem>>, vector<16xf32>,
      %swap3A_772 = vector.shape_cast %swap3A_771 : vector<16xf32> to vector<16xf32>
      %swap3A_773 = vector.shape_cast %bitcast_convert_type3A_769 : vector<16xf32> to vector<16xf32>
      tpu.vector_store %arg23[%swap3A_770], %swap3A_773 {strides = array<i32>} : memref<128xf32, #tpu.memory_space<vmem>>, vector<16xf32>,
      %get3A_774 = arith.constant 16 : index
      %get3A_775 = tpu.vector_load %arg19[%get3A_774] {strides = array<i32>} : memref<128xi32, #tpu.memory_space<vmem>>, vector<16xi32>,
      %get3A_776 = vector.shape_cast %get3A_775 : vector<16xi32> to vector<16xi32>
      %get3A_777 = arith.constant 16 : index
      %get3A_778 = tpu.vector_load %arg15[%get3A_777] {strides = array<i32>} : memref<128xi32, #tpu.memory_space<vmem>>, vector<16xi32>,
      %get3A_779 = vector.shape_cast %get3A_778 : vector<16xi32> to vector<16xi32>
      %mul3A_780 = arith.constant 8 : i32
      %mul3A_781 = vector.broadcast %mul3A_780 : i32 to vector<16xi32>
      %mul3A_782 = arith.muli %get3A_779, %mul3A_781 : vector<16xi32>
      %and3A_783 = arith.constant 7 : i32
      %and3A_784 = vector.broadcast %and3A_783 : i32 to vector<16xi32>
      %and3A_785 = arith.andi %get3A_776, %and3A_784 : vector<16xi32>
      %add3A_786 = arith.addi %mul3A_782, %and3A_785 : vector<16xi32>
      %swap3A_787 = arith.constant 16 : index
      %swap3A_788 = tpu.vector_load %arg27[%swap3A_787] {strides = array<i32>} : memref<128xi32, #tpu.memory_space<vmem>>, vector<16xi32>,
      %swap3A_789 = vector.shape_cast %swap3A_788 : vector<16xi32> to vector<16xi32>
      %swap3A_790 = vector.shape_cast %add3A_786 : vector<16xi32> to vector<16xi32>
      tpu.vector_store %arg27[%swap3A_787], %swap3A_790 {strides = array<i32>} : memref<128xi32, #tpu.memory_space<vmem>>, vector<16xi32>,
      %and3A_791 = arith.constant -8 : i32
      %and3A_792 = vector.broadcast %and3A_791 : i32 to vector<16xi32>
      %and3A_793 = arith.andi %get3A_776, %and3A_792 : vector<16xi32>
      %bitcast_convert_type3A_794 = tpu.bitcast %and3A_793 : vector<16xi32> -> vector<16xf32>
      %swap3A_795 = arith.constant 16 : index
      %swap3A_796 = tpu.vector_load %arg23[%swap3A_795] {strides = array<i32>} : memref<128xf32, #tpu.memory_space<vmem>>, vector<16xf32>,
      %swap3A_797 = vector.shape_cast %swap3A_796 : vector<16xf32> to vector<16xf32>
      %swap3A_798 = vector.shape_cast %bitcast_convert_type3A_794 : vector<16xf32> to vector<16xf32>
      tpu.vector_store %arg23[%swap3A_795], %swap3A_798 {strides = array<i32>} : memref<128xf32, #tpu.memory_space<vmem>>, vector<16xf32>,
      %get3A_799 = arith.constant 32 : index
      %get3A_800 = tpu.vector_load %arg19[%get3A_799] {strides = array<i32>} : memref<128xi32, #tpu.memory_space<vmem>>, vector<16xi32>,
      %get3A_801 = vector.shape_cast %get3A_800 : vector<16xi32> to vector<16xi32>
      %get3A_802 = arith.constant 32 : index
      %get3A_803 = tpu.vector_load %arg15[%get3A_802] {strides = array<i32>} : memref<128xi32, #tpu.memory_space<vmem>>, vector<16xi32>,
      %get3A_804 = vector.shape_cast %get3A_803 : vector<16xi32> to vector<16xi32>
      %mul3A_805 = arith.constant 8 : i32
      %mul3A_806 = vector.broadcast %mul3A_805 : i32 to vector<16xi32>
      %mul3A_807 = arith.muli %get3A_804, %mul3A_806 : vector<16xi32>
      %and3A_808 = arith.constant 7 : i32
      %and3A_809 = vector.broadcast %and3A_808 : i32 to vector<16xi32>
      %and3A_810 = arith.andi %get3A_801, %and3A_809 : vector<16xi32>
      %add3A_811 = arith.addi %mul3A_807, %and3A_810 : vector<16xi32>
      %swap3A_812 = arith.constant 32 : index
      %swap3A_813 = tpu.vector_load %arg27[%swap3A_812] {strides = array<i32>} : memref<128xi32, #tpu.memory_space<vmem>>, vector<16xi32>,
      %swap3A_814 = vector.shape_cast %swap3A_813 : vector<16xi32> to vector<16xi32>
      %swap3A_815 = vector.shape_cast %add3A_811 : vector<16xi32> to vector<16xi32>
      tpu.vector_store %arg27[%swap3A_812], %swap3A_815 {strides = array<i32>} : memref<128xi32, #tpu.memory_space<vmem>>, vector<16xi32>,
      %and3A_816 = arith.constant -8 : i32
      %and3A_817 = vector.broadcast %and3A_816 : i32 to vector<16xi32>
      %and3A_818 = arith.andi %get3A_801, %and3A_817 : vector<16xi32>
      %bitcast_convert_type3A_819 = tpu.bitcast %and3A_818 : vector<16xi32> -> vector<16xf32>
      %swap3A_820 = arith.constant 32 : index
      %swap3A_821 = tpu.vector_load %arg23[%swap3A_820] {strides = array<i32>} : memref<128xf32, #tpu.memory_space<vmem>>, vector<16xf32>,
      %swap3A_822 = vector.shape_cast %swap3A_821 : vector<16xf32> to vector<16xf32>
      %swap3A_823 = vector.shape_cast %bitcast_convert_type3A_819 : vector<16xf32> to vector<16xf32>
      tpu.vector_store %arg23[%swap3A_820], %swap3A_823 {strides = array<i32>} : memref<128xf32, #tpu.memory_space<vmem>>, vector<16xf32>,
      %get3A_824 = arith.constant 48 : index
      %get3A_825 = tpu.vector_load %arg19[%get3A_824] {strides = array<i32>} : memref<128xi32, #tpu.memory_space<vmem>>, vector<16xi32>,
      %get3A_826 = vector.shape_cast %get3A_825 : vector<16xi32> to vector<16xi32>
      %get3A_827 = arith.constant 48 : index
      %get3A_828 = tpu.vector_load %arg15[%get3A_827] {strides = array<i32>} : memref<128xi32, #tpu.memory_space<vmem>>, vector<16xi32>,
      %get3A_829 = vector.shape_cast %get3A_828 : vector<16xi32> to vector<16xi32>
      %mul3A_830 = arith.constant 8 : i32
      %mul3A_831 = vector.broadcast %mul3A_830 : i32 to vector<16xi32>
      %mul3A_832 = arith.muli %get3A_829, %mul3A_831 : vector<16xi32>
      %and3A_833 = arith.constant 7 : i32
      %and3A_834 = vector.broadcast %and3A_833 : i32 to vector<16xi32>
      %and3A_835 = arith.andi %get3A_826, %and3A_834 : vector<16xi32>
      %add3A_836 = arith.addi %mul3A_832, %and3A_835 : vector<16xi32>
      %swap3A_837 = arith.constant 48 : index
      %swap3A_838 = tpu.vector_load %arg27[%swap3A_837] {strides = array<i32>} : memref<128xi32, #tpu.memory_space<vmem>>, vector<16xi32>,
      %swap3A_839 = vector.shape_cast %swap3A_838 : vector<16xi32> to vector<16xi32>
      %swap3A_840 = vector.shape_cast %add3A_836 : vector<16xi32> to vector<16xi32>
      tpu.vector_store %arg27[%swap3A_837], %swap3A_840 {strides = array<i32>} : memref<128xi32, #tpu.memory_space<vmem>>, vector<16xi32>,
      %and3A_841 = arith.constant -8 : i32
      %and3A_842 = vector.broadcast %and3A_841 : i32 to vector<16xi32>
      %and3A_843 = arith.andi %get3A_826, %and3A_842 : vector<16xi32>
      %bitcast_convert_type3A_844 = tpu.bitcast %and3A_843 : vector<16xi32> -> vector<16xf32>
      %swap3A_845 = arith.constant 48 : index
      %swap3A_846 = tpu.vector_load %arg23[%swap3A_845] {strides = array<i32>} : memref<128xf32, #tpu.memory_space<vmem>>, vector<16xf32>,
      %swap3A_847 = vector.shape_cast %swap3A_846 : vector<16xf32> to vector<16xf32>
      %swap3A_848 = vector.shape_cast %bitcast_convert_type3A_844 : vector<16xf32> to vector<16xf32>
      tpu.vector_store %arg23[%swap3A_845], %swap3A_848 {strides = array<i32>} : memref<128xf32, #tpu.memory_space<vmem>>, vector<16xf32>,
      %get3A_849 = arith.constant 64 : index
      %get3A_850 = tpu.vector_load %arg19[%get3A_849] {strides = array<i32>} : memref<128xi32, #tpu.memory_space<vmem>>, vector<16xi32>,
      %get3A_851 = vector.shape_cast %get3A_850 : vector<16xi32> to vector<16xi32>
      %get3A_852 = arith.constant 64 : index
      %get3A_853 = tpu.vector_load %arg15[%get3A_852] {strides = array<i32>} : memref<128xi32, #tpu.memory_space<vmem>>, vector<16xi32>,
      %get3A_854 = vector.shape_cast %get3A_853 : vector<16xi32> to vector<16xi32>
      %mul3A_855 = arith.constant 8 : i32
      %mul3A_856 = vector.broadcast %mul3A_855 : i32 to vector<16xi32>
      %mul3A_857 = arith.muli %get3A_854, %mul3A_856 : vector<16xi32>
      %and3A_858 = arith.constant 7 : i32
      %and3A_859 = vector.broadcast %and3A_858 : i32 to vector<16xi32>
      %and3A_860 = arith.andi %get3A_851, %and3A_859 : vector<16xi32>
      %add3A_861 = arith.addi %mul3A_857, %and3A_860 : vector<16xi32>
      %swap3A_862 = arith.constant 64 : index
      %swap3A_863 = tpu.vector_load %arg27[%swap3A_862] {strides = array<i32>} : memref<128xi32, #tpu.memory_space<vmem>>, vector<16xi32>,
      %swap3A_864 = vector.shape_cast %swap3A_863 : vector<16xi32> to vector<16xi32>
      %swap3A_865 = vector.shape_cast %add3A_861 : vector<16xi32> to vector<16xi32>
      tpu.vector_store %arg27[%swap3A_862], %swap3A_865 {strides = array<i32>} : memref<128xi32, #tpu.memory_space<vmem>>, vector<16xi32>,
      %and3A_866 = arith.constant -8 : i32
      %and3A_867 = vector.broadcast %and3A_866 : i32 to vector<16xi32>
      %and3A_868 = arith.andi %get3A_851, %and3A_867 : vector<16xi32>
      %bitcast_convert_type3A_869 = tpu.bitcast %and3A_868 : vector<16xi32> -> vector<16xf32>
      %swap3A_870 = arith.constant 64 : index
      %swap3A_871 = tpu.vector_load %arg23[%swap3A_870] {strides = array<i32>} : memref<128xf32, #tpu.memory_space<vmem>>, vector<16xf32>,
      %swap3A_872 = vector.shape_cast %swap3A_871 : vector<16xf32> to vector<16xf32>
      %swap3A_873 = vector.shape_cast %bitcast_convert_type3A_869 : vector<16xf32> to vector<16xf32>
      tpu.vector_store %arg23[%swap3A_870], %swap3A_873 {strides = array<i32>} : memref<128xf32, #tpu.memory_space<vmem>>, vector<16xf32>,
      %get3A_874 = arith.constant 80 : index
      %get3A_875 = tpu.vector_load %arg19[%get3A_874] {strides = array<i32>} : memref<128xi32, #tpu.memory_space<vmem>>, vector<16xi32>,
      %get3A_876 = vector.shape_cast %get3A_875 : vector<16xi32> to vector<16xi32>
      %get3A_877 = arith.constant 80 : index
      %get3A_878 = tpu.vector_load %arg15[%get3A_877] {strides = array<i32>} : memref<128xi32, #tpu.memory_space<vmem>>, vector<16xi32>,
      %get3A_879 = vector.shape_cast %get3A_878 : vector<16xi32> to vector<16xi32>
      %mul3A_880 = arith.constant 8 : i32
      %mul3A_881 = vector.broadcast %mul3A_880 : i32 to vector<16xi32>
      %mul3A_882 = arith.muli %get3A_879, %mul3A_881 : vector<16xi32>
      %and3A_883 = arith.constant 7 : i32
      %and3A_884 = vector.broadcast %and3A_883 : i32 to vector<16xi32>
      %and3A_885 = arith.andi %get3A_876, %and3A_884 : vector<16xi32>
      %add3A_886 = arith.addi %mul3A_882, %and3A_885 : vector<16xi32>
      %swap3A_887 = arith.constant 80 : index
      %swap3A_888 = tpu.vector_load %arg27[%swap3A_887] {strides = array<i32>} : memref<128xi32, #tpu.memory_space<vmem>>, vector<16xi32>,
      %swap3A_889 = vector.shape_cast %swap3A_888 : vector<16xi32> to vector<16xi32>
      %swap3A_890 = vector.shape_cast %add3A_886 : vector<16xi32> to vector<16xi32>
      tpu.vector_store %arg27[%swap3A_887], %swap3A_890 {strides = array<i32>} : memref<128xi32, #tpu.memory_space<vmem>>, vector<16xi32>,
      %and3A_891 = arith.constant -8 : i32
      %and3A_892 = vector.broadcast %and3A_891 : i32 to vector<16xi32>
      %and3A_893 = arith.andi %get3A_876, %and3A_892 : vector<16xi32>
      %bitcast_convert_type3A_894 = tpu.bitcast %and3A_893 : vector<16xi32> -> vector<16xf32>
      %swap3A_895 = arith.constant 80 : index
      %swap3A_896 = tpu.vector_load %arg23[%swap3A_895] {strides = array<i32>} : memref<128xf32, #tpu.memory_space<vmem>>, vector<16xf32>,
      %swap3A_897 = vector.shape_cast %swap3A_896 : vector<16xf32> to vector<16xf32>
      %swap3A_898 = vector.shape_cast %bitcast_convert_type3A_894 : vector<16xf32> to vector<16xf32>
      tpu.vector_store %arg23[%swap3A_895], %swap3A_898 {strides = array<i32>} : memref<128xf32, #tpu.memory_space<vmem>>, vector<16xf32>,
      %get3A_899 = arith.constant 96 : index
      %get3A_900 = tpu.vector_load %arg19[%get3A_899] {strides = array<i32>} : memref<128xi32, #tpu.memory_space<vmem>>, vector<16xi32>,
      %get3A_901 = vector.shape_cast %get3A_900 : vector<16xi32> to vector<16xi32>
      %get3A_902 = arith.constant 96 : index
      %get3A_903 = tpu.vector_load %arg15[%get3A_902] {strides = array<i32>} : memref<128xi32, #tpu.memory_space<vmem>>, vector<16xi32>,
      %get3A_904 = vector.shape_cast %get3A_903 : vector<16xi32> to vector<16xi32>
      %mul3A_905 = arith.constant 8 : i32
      %mul3A_906 = vector.broadcast %mul3A_905 : i32 to vector<16xi32>
      %mul3A_907 = arith.muli %get3A_904, %mul3A_906 : vector<16xi32>
      %and3A_908 = arith.constant 7 : i32
      %and3A_909 = vector.broadcast %and3A_908 : i32 to vector<16xi32>
      %and3A_910 = arith.andi %get3A_901, %and3A_909 : vector<16xi32>
      %add3A_911 = arith.addi %mul3A_907, %and3A_910 : vector<16xi32>
      %swap3A_912 = arith.constant 96 : index
      %swap3A_913 = tpu.vector_load %arg27[%swap3A_912] {strides = array<i32>} : memref<128xi32, #tpu.memory_space<vmem>>, vector<16xi32>,
      %swap3A_914 = vector.shape_cast %swap3A_913 : vector<16xi32> to vector<16xi32>
      %swap3A_915 = vector.shape_cast %add3A_911 : vector<16xi32> to vector<16xi32>
      tpu.vector_store %arg27[%swap3A_912], %swap3A_915 {strides = array<i32>} : memref<128xi32, #tpu.memory_space<vmem>>, vector<16xi32>,
      %and3A_916 = arith.constant -8 : i32
      %and3A_917 = vector.broadcast %and3A_916 : i32 to vector<16xi32>
      %and3A_918 = arith.andi %get3A_901, %and3A_917 : vector<16xi32>
      %bitcast_convert_type3A_919 = tpu.bitcast %and3A_918 : vector<16xi32> -> vector<16xf32>
      %swap3A_920 = arith.constant 96 : index
      %swap3A_921 = tpu.vector_load %arg23[%swap3A_920] {strides = array<i32>} : memref<128xf32, #tpu.memory_space<vmem>>, vector<16xf32>,
      %swap3A_922 = vector.shape_cast %swap3A_921 : vector<16xf32> to vector<16xf32>
      %swap3A_923 = vector.shape_cast %bitcast_convert_type3A_919 : vector<16xf32> to vector<16xf32>
      tpu.vector_store %arg23[%swap3A_920], %swap3A_923 {strides = array<i32>} : memref<128xf32, #tpu.memory_space<vmem>>, vector<16xf32>,
      %get3A_924 = arith.constant 112 : index
      %get3A_925 = tpu.vector_load %arg19[%get3A_924] {strides = array<i32>} : memref<128xi32, #tpu.memory_space<vmem>>, vector<16xi32>,
      %get3A_926 = vector.shape_cast %get3A_925 : vector<16xi32> to vector<16xi32>
      %get3A_927 = arith.constant 112 : index
      %get3A_928 = tpu.vector_load %arg15[%get3A_927] {strides = array<i32>} : memref<128xi32, #tpu.memory_space<vmem>>, vector<16xi32>,
      %get3A_929 = vector.shape_cast %get3A_928 : vector<16xi32> to vector<16xi32>
      %mul3A_930 = arith.constant 8 : i32
      %mul3A_931 = vector.broadcast %mul3A_930 : i32 to vector<16xi32>
      %mul3A_932 = arith.muli %get3A_929, %mul3A_931 : vector<16xi32>
      %and3A_933 = arith.constant 7 : i32
      %and3A_934 = vector.broadcast %and3A_933 : i32 to vector<16xi32>
      %and3A_935 = arith.andi %get3A_926, %and3A_934 : vector<16xi32>
      %add3A_936 = arith.addi %mul3A_932, %and3A_935 : vector<16xi32>
      %swap3A_937 = arith.constant 112 : index
      %swap3A_938 = tpu.vector_load %arg27[%swap3A_937] {strides = array<i32>} : memref<128xi32, #tpu.memory_space<vmem>>, vector<16xi32>,
      %swap3A_939 = vector.shape_cast %swap3A_938 : vector<16xi32> to vector<16xi32>
      %swap3A_940 = vector.shape_cast %add3A_936 : vector<16xi32> to vector<16xi32>
      tpu.vector_store %arg27[%swap3A_937], %swap3A_940 {strides = array<i32>} : memref<128xi32, #tpu.memory_space<vmem>>, vector<16xi32>,
      %and3A_941 = arith.constant -8 : i32
      %and3A_942 = vector.broadcast %and3A_941 : i32 to vector<16xi32>
      %and3A_943 = arith.andi %get3A_926, %and3A_942 : vector<16xi32>
      %bitcast_convert_type3A_944 = tpu.bitcast %and3A_943 : vector<16xi32> -> vector<16xf32>
      %swap3A_945 = arith.constant 112 : index
      %swap3A_946 = tpu.vector_load %arg23[%swap3A_945] {strides = array<i32>} : memref<128xf32, #tpu.memory_space<vmem>>, vector<16xf32>,
      %swap3A_947 = vector.shape_cast %swap3A_946 : vector<16xf32> to vector<16xf32>
      %swap3A_948 = vector.shape_cast %bitcast_convert_type3A_944 : vector<16xf32> to vector<16xf32>
      tpu.vector_store %arg23[%swap3A_945], %swap3A_948 {strides = array<i32>} : memref<128xf32, #tpu.memory_space<vmem>>, vector<16xf32>,
      %dma_start3A_949 = arith.constant 0 : i32
      %dma_start3A_950 = tpu.memref_slice %arg39[%dma_start3A_949] : memref<409600xf32, #tpu.memory_space<vmem_shared>> -> memref<409600xf32, #tpu.memory_space<vmem_shared>>
      tpu.enqueue_indirect_dma source(%arg23 : memref<128xf32, #tpu.memory_space<vmem>>) target(%dma_start3A_950 : memref<409600xf32, #tpu.memory_space<vmem_shared>>) offsets(%arg27 : memref<128xi32, #tpu.memory_space<vmem>>) semaphore(%arg37 : memref<!tpu.dma_semaphore, #tpu.memory_space<semaphore_mem>>) {add = true}
      %dma_wait3A_951 = arith.constant 0 : i32
      %dma_wait3A_952 = tpu.memref_slice %arg38[%dma_wait3A_951] : memref<51200xi32, #tpu.memory_space<vmem_shared>> -> memref<51200xi32, #tpu.memory_space<vmem_shared>>
      tpu.wait_indirect_dma semaphore(%arg36 : memref<!tpu.dma_semaphore, #tpu.memory_space<semaphore_mem>>) src(%dma_wait3A_952 : memref<51200xi32, #tpu.memory_space<vmem_shared>>) dst(%arg20 : memref<128xi32, #tpu.memory_space<vmem>>)
      %get3A_953 = arith.constant 0 : index
      %get3A_954 = tpu.vector_load %arg20[%get3A_953] {strides = array<i32>} : memref<128xi32, #tpu.memory_space<vmem>>, vector<16xi32>,
      %get3A_955 = vector.shape_cast %get3A_954 : vector<16xi32> to vector<16xi32>
      %get3A_956 = arith.constant 0 : index
      %get3A_957 = tpu.vector_load %arg16[%get3A_956] {strides = array<i32>} : memref<128xi32, #tpu.memory_space<vmem>>, vector<16xi32>,
      %get3A_958 = vector.shape_cast %get3A_957 : vector<16xi32> to vector<16xi32>
      %mul3A_959 = arith.constant 8 : i32
      %mul3A_960 = vector.broadcast %mul3A_959 : i32 to vector<16xi32>
      %mul3A_961 = arith.muli %get3A_958, %mul3A_960 : vector<16xi32>
      %and3A_962 = arith.constant 7 : i32
      %and3A_963 = vector.broadcast %and3A_962 : i32 to vector<16xi32>
      %and3A_964 = arith.andi %get3A_955, %and3A_963 : vector<16xi32>
      %add3A_965 = arith.addi %mul3A_961, %and3A_964 : vector<16xi32>
      %swap3A_966 = arith.constant 0 : index
      %swap3A_967 = tpu.vector_load %arg28[%swap3A_966] {strides = array<i32>} : memref<128xi32, #tpu.memory_space<vmem>>, vector<16xi32>,
      %swap3A_968 = vector.shape_cast %swap3A_967 : vector<16xi32> to vector<16xi32>
      %swap3A_969 = vector.shape_cast %add3A_965 : vector<16xi32> to vector<16xi32>
      tpu.vector_store %arg28[%swap3A_966], %swap3A_969 {strides = array<i32>} : memref<128xi32, #tpu.memory_space<vmem>>, vector<16xi32>,
      %and3A_970 = arith.constant -8 : i32
      %and3A_971 = vector.broadcast %and3A_970 : i32 to vector<16xi32>
      %and3A_972 = arith.andi %get3A_955, %and3A_971 : vector<16xi32>
      %bitcast_convert_type3A_973 = tpu.bitcast %and3A_972 : vector<16xi32> -> vector<16xf32>
      %swap3A_974 = arith.constant 0 : index
      %swap3A_975 = tpu.vector_load %arg24[%swap3A_974] {strides = array<i32>} : memref<128xf32, #tpu.memory_space<vmem>>, vector<16xf32>,
      %swap3A_976 = vector.shape_cast %swap3A_975 : vector<16xf32> to vector<16xf32>
      %swap3A_977 = vector.shape_cast %bitcast_convert_type3A_973 : vector<16xf32> to vector<16xf32>
      tpu.vector_store %arg24[%swap3A_974], %swap3A_977 {strides = array<i32>} : memref<128xf32, #tpu.memory_space<vmem>>, vector<16xf32>,
      %get3A_978 = arith.constant 16 : index
      %get3A_979 = tpu.vector_load %arg20[%get3A_978] {strides = array<i32>} : memref<128xi32, #tpu.memory_space<vmem>>, vector<16xi32>,
      %get3A_980 = vector.shape_cast %get3A_979 : vector<16xi32> to vector<16xi32>
      %get3A_981 = arith.constant 16 : index
      %get3A_982 = tpu.vector_load %arg16[%get3A_981] {strides = array<i32>} : memref<128xi32, #tpu.memory_space<vmem>>, vector<16xi32>,
      %get3A_983 = vector.shape_cast %get3A_982 : vector<16xi32> to vector<16xi32>
      %mul3A_984 = arith.constant 8 : i32
      %mul3A_985 = vector.broadcast %mul3A_984 : i32 to vector<16xi32>
      %mul3A_986 = arith.muli %get3A_983, %mul3A_985 : vector<16xi32>
      %and3A_987 = arith.constant 7 : i32
      %and3A_988 = vector.broadcast %and3A_987 : i32 to vector<16xi32>
      %and3A_989 = arith.andi %get3A_980, %and3A_988 : vector<16xi32>
      %add3A_990 = arith.addi %mul3A_986, %and3A_989 : vector<16xi32>
      %swap3A_991 = arith.constant 16 : index
      %swap3A_992 = tpu.vector_load %arg28[%swap3A_991] {strides = array<i32>} : memref<128xi32, #tpu.memory_space<vmem>>, vector<16xi32>,
      %swap3A_993 = vector.shape_cast %swap3A_992 : vector<16xi32> to vector<16xi32>
      %swap3A_994 = vector.shape_cast %add3A_990 : vector<16xi32> to vector<16xi32>
      tpu.vector_store %arg28[%swap3A_991], %swap3A_994 {strides = array<i32>} : memref<128xi32, #tpu.memory_space<vmem>>, vector<16xi32>,
      %and3A_995 = arith.constant -8 : i32
      %and3A_996 = vector.broadcast %and3A_995 : i32 to vector<16xi32>
      %and3A_997 = arith.andi %get3A_980, %and3A_996 : vector<16xi32>
      %bitcast_convert_type3A_998 = tpu.bitcast %and3A_997 : vector<16xi32> -> vector<16xf32>
      %swap3A_999 = arith.constant 16 : index
      %swap3A_1000 = tpu.vector_load %arg24[%swap3A_999] {strides = array<i32>} : memref<128xf32, #tpu.memory_space<vmem>>, vector<16xf32>,
      %swap3A_1001 = vector.shape_cast %swap3A_1000 : vector<16xf32> to vector<16xf32>
      %swap3A_1002 = vector.shape_cast %bitcast_convert_type3A_998 : vector<16xf32> to vector<16xf32>
      tpu.vector_store %arg24[%swap3A_999], %swap3A_1002 {strides = array<i32>} : memref<128xf32, #tpu.memory_space<vmem>>, vector<16xf32>,
      %get3A_1003 = arith.constant 32 : index
      %get3A_1004 = tpu.vector_load %arg20[%get3A_1003] {strides = array<i32>} : memref<128xi32, #tpu.memory_space<vmem>>, vector<16xi32>,
      %get3A_1005 = vector.shape_cast %get3A_1004 : vector<16xi32> to vector<16xi32>
      %get3A_1006 = arith.constant 32 : index
      %get3A_1007 = tpu.vector_load %arg16[%get3A_1006] {strides = array<i32>} : memref<128xi32, #tpu.memory_space<vmem>>, vector<16xi32>,
      %get3A_1008 = vector.shape_cast %get3A_1007 : vector<16xi32> to vector<16xi32>
      %mul3A_1009 = arith.constant 8 : i32
      %mul3A_1010 = vector.broadcast %mul3A_1009 : i32 to vector<16xi32>
      %mul3A_1011 = arith.muli %get3A_1008, %mul3A_1010 : vector<16xi32>
      %and3A_1012 = arith.constant 7 : i32
      %and3A_1013 = vector.broadcast %and3A_1012 : i32 to vector<16xi32>
      %and3A_1014 = arith.andi %get3A_1005, %and3A_1013 : vector<16xi32>
      %add3A_1015 = arith.addi %mul3A_1011, %and3A_1014 : vector<16xi32>
      %swap3A_1016 = arith.constant 32 : index
      %swap3A_1017 = tpu.vector_load %arg28[%swap3A_1016] {strides = array<i32>} : memref<128xi32, #tpu.memory_space<vmem>>, vector<16xi32>,
      %swap3A_1018 = vector.shape_cast %swap3A_1017 : vector<16xi32> to vector<16xi32>
      %swap3A_1019 = vector.shape_cast %add3A_1015 : vector<16xi32> to vector<16xi32>
      tpu.vector_store %arg28[%swap3A_1016], %swap3A_1019 {strides = array<i32>} : memref<128xi32, #tpu.memory_space<vmem>>, vector<16xi32>,
      %and3A_1020 = arith.constant -8 : i32
      %and3A_1021 = vector.broadcast %and3A_1020 : i32 to vector<16xi32>
      %and3A_1022 = arith.andi %get3A_1005, %and3A_1021 : vector<16xi32>
      %bitcast_convert_type3A_1023 = tpu.bitcast %and3A_1022 : vector<16xi32> -> vector<16xf32>
      %swap3A_1024 = arith.constant 32 : index
      %swap3A_1025 = tpu.vector_load %arg24[%swap3A_1024] {strides = array<i32>} : memref<128xf32, #tpu.memory_space<vmem>>, vector<16xf32>,
      %swap3A_1026 = vector.shape_cast %swap3A_1025 : vector<16xf32> to vector<16xf32>
      %swap3A_1027 = vector.shape_cast %bitcast_convert_type3A_1023 : vector<16xf32> to vector<16xf32>
      tpu.vector_store %arg24[%swap3A_1024], %swap3A_1027 {strides = array<i32>} : memref<128xf32, #tpu.memory_space<vmem>>, vector<16xf32>,
      %get3A_1028 = arith.constant 48 : index
      %get3A_1029 = tpu.vector_load %arg20[%get3A_1028] {strides = array<i32>} : memref<128xi32, #tpu.memory_space<vmem>>, vector<16xi32>,
      %get3A_1030 = vector.shape_cast %get3A_1029 : vector<16xi32> to vector<16xi32>
      %get3A_1031 = arith.constant 48 : index
      %get3A_1032 = tpu.vector_load %arg16[%get3A_1031] {strides = array<i32>} : memref<128xi32, #tpu.memory_space<vmem>>, vector<16xi32>,
      %get3A_1033 = vector.shape_cast %get3A_1032 : vector<16xi32> to vector<16xi32>
      %mul3A_1034 = arith.constant 8 : i32
      %mul3A_1035 = vector.broadcast %mul3A_1034 : i32 to vector<16xi32>
      %mul3A_1036 = arith.muli %get3A_1033, %mul3A_1035 : vector<16xi32>
      %and3A_1037 = arith.constant 7 : i32
      %and3A_1038 = vector.broadcast %and3A_1037 : i32 to vector<16xi32>
      %and3A_1039 = arith.andi %get3A_1030, %and3A_1038 : vector<16xi32>
      %add3A_1040 = arith.addi %mul3A_1036, %and3A_1039 : vector<16xi32>
      %swap3A_1041 = arith.constant 48 : index
      %swap3A_1042 = tpu.vector_load %arg28[%swap3A_1041] {strides = array<i32>} : memref<128xi32, #tpu.memory_space<vmem>>, vector<16xi32>,
      %swap3A_1043 = vector.shape_cast %swap3A_1042 : vector<16xi32> to vector<16xi32>
      %swap3A_1044 = vector.shape_cast %add3A_1040 : vector<16xi32> to vector<16xi32>
      tpu.vector_store %arg28[%swap3A_1041], %swap3A_1044 {strides = array<i32>} : memref<128xi32, #tpu.memory_space<vmem>>, vector<16xi32>,
      %and3A_1045 = arith.constant -8 : i32
      %and3A_1046 = vector.broadcast %and3A_1045 : i32 to vector<16xi32>
      %and3A_1047 = arith.andi %get3A_1030, %and3A_1046 : vector<16xi32>
      %bitcast_convert_type3A_1048 = tpu.bitcast %and3A_1047 : vector<16xi32> -> vector<16xf32>
      %swap3A_1049 = arith.constant 48 : index
      %swap3A_1050 = tpu.vector_load %arg24[%swap3A_1049] {strides = array<i32>} : memref<128xf32, #tpu.memory_space<vmem>>, vector<16xf32>,
      %swap3A_1051 = vector.shape_cast %swap3A_1050 : vector<16xf32> to vector<16xf32>
      %swap3A_1052 = vector.shape_cast %bitcast_convert_type3A_1048 : vector<16xf32> to vector<16xf32>
      tpu.vector_store %arg24[%swap3A_1049], %swap3A_1052 {strides = array<i32>} : memref<128xf32, #tpu.memory_space<vmem>>, vector<16xf32>,
      %get3A_1053 = arith.constant 64 : index
      %get3A_1054 = tpu.vector_load %arg20[%get3A_1053] {strides = array<i32>} : memref<128xi32, #tpu.memory_space<vmem>>, vector<16xi32>,
      %get3A_1055 = vector.shape_cast %get3A_1054 : vector<16xi32> to vector<16xi32>
      %get3A_1056 = arith.constant 64 : index
      %get3A_1057 = tpu.vector_load %arg16[%get3A_1056] {strides = array<i32>} : memref<128xi32, #tpu.memory_space<vmem>>, vector<16xi32>,
      %get3A_1058 = vector.shape_cast %get3A_1057 : vector<16xi32> to vector<16xi32>
      %mul3A_1059 = arith.constant 8 : i32
      %mul3A_1060 = vector.broadcast %mul3A_1059 : i32 to vector<16xi32>
      %mul3A_1061 = arith.muli %get3A_1058, %mul3A_1060 : vector<16xi32>
      %and3A_1062 = arith.constant 7 : i32
      %and3A_1063 = vector.broadcast %and3A_1062 : i32 to vector<16xi32>
      %and3A_1064 = arith.andi %get3A_1055, %and3A_1063 : vector<16xi32>
      %add3A_1065 = arith.addi %mul3A_1061, %and3A_1064 : vector<16xi32>
      %swap3A_1066 = arith.constant 64 : index
      %swap3A_1067 = tpu.vector_load %arg28[%swap3A_1066] {strides = array<i32>} : memref<128xi32, #tpu.memory_space<vmem>>, vector<16xi32>,
      %swap3A_1068 = vector.shape_cast %swap3A_1067 : vector<16xi32> to vector<16xi32>
      %swap3A_1069 = vector.shape_cast %add3A_1065 : vector<16xi32> to vector<16xi32>
      tpu.vector_store %arg28[%swap3A_1066], %swap3A_1069 {strides = array<i32>} : memref<128xi32, #tpu.memory_space<vmem>>, vector<16xi32>,
      %and3A_1070 = arith.constant -8 : i32
      %and3A_1071 = vector.broadcast %and3A_1070 : i32 to vector<16xi32>
      %and3A_1072 = arith.andi %get3A_1055, %and3A_1071 : vector<16xi32>
      %bitcast_convert_type3A_1073 = tpu.bitcast %and3A_1072 : vector<16xi32> -> vector<16xf32>
      %swap3A_1074 = arith.constant 64 : index
      %swap3A_1075 = tpu.vector_load %arg24[%swap3A_1074] {strides = array<i32>} : memref<128xf32, #tpu.memory_space<vmem>>, vector<16xf32>,
      %swap3A_1076 = vector.shape_cast %swap3A_1075 : vector<16xf32> to vector<16xf32>
      %swap3A_1077 = vector.shape_cast %bitcast_convert_type3A_1073 : vector<16xf32> to vector<16xf32>
      tpu.vector_store %arg24[%swap3A_1074], %swap3A_1077 {strides = array<i32>} : memref<128xf32, #tpu.memory_space<vmem>>, vector<16xf32>,
      %get3A_1078 = arith.constant 80 : index
      %get3A_1079 = tpu.vector_load %arg20[%get3A_1078] {strides = array<i32>} : memref<128xi32, #tpu.memory_space<vmem>>, vector<16xi32>,
      %get3A_1080 = vector.shape_cast %get3A_1079 : vector<16xi32> to vector<16xi32>
      %get3A_1081 = arith.constant 80 : index
      %get3A_1082 = tpu.vector_load %arg16[%get3A_1081] {strides = array<i32>} : memref<128xi32, #tpu.memory_space<vmem>>, vector<16xi32>,
      %get3A_1083 = vector.shape_cast %get3A_1082 : vector<16xi32> to vector<16xi32>
      %mul3A_1084 = arith.constant 8 : i32
      %mul3A_1085 = vector.broadcast %mul3A_1084 : i32 to vector<16xi32>
      %mul3A_1086 = arith.muli %get3A_1083, %mul3A_1085 : vector<16xi32>
      %and3A_1087 = arith.constant 7 : i32
      %and3A_1088 = vector.broadcast %and3A_1087 : i32 to vector<16xi32>
      %and3A_1089 = arith.andi %get3A_1080, %and3A_1088 : vector<16xi32>
      %add3A_1090 = arith.addi %mul3A_1086, %and3A_1089 : vector<16xi32>
      %swap3A_1091 = arith.constant 80 : index
      %swap3A_1092 = tpu.vector_load %arg28[%swap3A_1091] {strides = array<i32>} : memref<128xi32, #tpu.memory_space<vmem>>, vector<16xi32>,
      %swap3A_1093 = vector.shape_cast %swap3A_1092 : vector<16xi32> to vector<16xi32>
      %swap3A_1094 = vector.shape_cast %add3A_1090 : vector<16xi32> to vector<16xi32>
      tpu.vector_store %arg28[%swap3A_1091], %swap3A_1094 {strides = array<i32>} : memref<128xi32, #tpu.memory_space<vmem>>, vector<16xi32>,
      %and3A_1095 = arith.constant -8 : i32
      %and3A_1096 = vector.broadcast %and3A_1095 : i32 to vector<16xi32>
      %and3A_1097 = arith.andi %get3A_1080, %and3A_1096 : vector<16xi32>
      %bitcast_convert_type3A_1098 = tpu.bitcast %and3A_1097 : vector<16xi32> -> vector<16xf32>
      %swap3A_1099 = arith.constant 80 : index
      %swap3A_1100 = tpu.vector_load %arg24[%swap3A_1099] {strides = array<i32>} : memref<128xf32, #tpu.memory_space<vmem>>, vector<16xf32>,
      %swap3A_1101 = vector.shape_cast %swap3A_1100 : vector<16xf32> to vector<16xf32>
      %swap3A_1102 = vector.shape_cast %bitcast_convert_type3A_1098 : vector<16xf32> to vector<16xf32>
      tpu.vector_store %arg24[%swap3A_1099], %swap3A_1102 {strides = array<i32>} : memref<128xf32, #tpu.memory_space<vmem>>, vector<16xf32>,
      %get3A_1103 = arith.constant 96 : index
      %get3A_1104 = tpu.vector_load %arg20[%get3A_1103] {strides = array<i32>} : memref<128xi32, #tpu.memory_space<vmem>>, vector<16xi32>,
      %get3A_1105 = vector.shape_cast %get3A_1104 : vector<16xi32> to vector<16xi32>
      %get3A_1106 = arith.constant 96 : index
      %get3A_1107 = tpu.vector_load %arg16[%get3A_1106] {strides = array<i32>} : memref<128xi32, #tpu.memory_space<vmem>>, vector<16xi32>,
      %get3A_1108 = vector.shape_cast %get3A_1107 : vector<16xi32> to vector<16xi32>
      %mul3A_1109 = arith.constant 8 : i32
      %mul3A_1110 = vector.broadcast %mul3A_1109 : i32 to vector<16xi32>
      %mul3A_1111 = arith.muli %get3A_1108, %mul3A_1110 : vector<16xi32>
      %and3A_1112 = arith.constant 7 : i32
      %and3A_1113 = vector.broadcast %and3A_1112 : i32 to vector<16xi32>
      %and3A_1114 = arith.andi %get3A_1105, %and3A_1113 : vector<16xi32>
      %add3A_1115 = arith.addi %mul3A_1111, %and3A_1114 : vector<16xi32>
      %swap3A_1116 = arith.constant 96 : index
      %swap3A_1117 = tpu.vector_load %arg28[%swap3A_1116] {strides = array<i32>} : memref<128xi32, #tpu.memory_space<vmem>>, vector<16xi32>,
      %swap3A_1118 = vector.shape_cast %swap3A_1117 : vector<16xi32> to vector<16xi32>
      %swap3A_1119 = vector.shape_cast %add3A_1115 : vector<16xi32> to vector<16xi32>
      tpu.vector_store %arg28[%swap3A_1116], %swap3A_1119 {strides = array<i32>} : memref<128xi32, #tpu.memory_space<vmem>>, vector<16xi32>,
      %and3A_1120 = arith.constant -8 : i32
      %and3A_1121 = vector.broadcast %and3A_1120 : i32 to vector<16xi32>
      %and3A_1122 = arith.andi %get3A_1105, %and3A_1121 : vector<16xi32>
      %bitcast_convert_type3A_1123 = tpu.bitcast %and3A_1122 : vector<16xi32> -> vector<16xf32>
      %swap3A_1124 = arith.constant 96 : index
      %swap3A_1125 = tpu.vector_load %arg24[%swap3A_1124] {strides = array<i32>} : memref<128xf32, #tpu.memory_space<vmem>>, vector<16xf32>,
      %swap3A_1126 = vector.shape_cast %swap3A_1125 : vector<16xf32> to vector<16xf32>
      %swap3A_1127 = vector.shape_cast %bitcast_convert_type3A_1123 : vector<16xf32> to vector<16xf32>
      tpu.vector_store %arg24[%swap3A_1124], %swap3A_1127 {strides = array<i32>} : memref<128xf32, #tpu.memory_space<vmem>>, vector<16xf32>,
      %get3A_1128 = arith.constant 112 : index
      %get3A_1129 = tpu.vector_load %arg20[%get3A_1128] {strides = array<i32>} : memref<128xi32, #tpu.memory_space<vmem>>, vector<16xi32>,
      %get3A_1130 = vector.shape_cast %get3A_1129 : vector<16xi32> to vector<16xi32>
      %get3A_1131 = arith.constant 112 : index
      %get3A_1132 = tpu.vector_load %arg16[%get3A_1131] {strides = array<i32>} : memref<128xi32, #tpu.memory_space<vmem>>, vector<16xi32>,
      %get3A_1133 = vector.shape_cast %get3A_1132 : vector<16xi32> to vector<16xi32>
      %mul3A_1134 = arith.constant 8 : i32
      %mul3A_1135 = vector.broadcast %mul3A_1134 : i32 to vector<16xi32>
      %mul3A_1136 = arith.muli %get3A_1133, %mul3A_1135 : vector<16xi32>
      %and3A_1137 = arith.constant 7 : i32
      %and3A_1138 = vector.broadcast %and3A_1137 : i32 to vector<16xi32>
      %and3A_1139 = arith.andi %get3A_1130, %and3A_1138 : vector<16xi32>
      %add3A_1140 = arith.addi %mul3A_1136, %and3A_1139 : vector<16xi32>
      %swap3A_1141 = arith.constant 112 : index
      %swap3A_1142 = tpu.vector_load %arg28[%swap3A_1141] {strides = array<i32>} : memref<128xi32, #tpu.memory_space<vmem>>, vector<16xi32>,
      %swap3A_1143 = vector.shape_cast %swap3A_1142 : vector<16xi32> to vector<16xi32>
      %swap3A_1144 = vector.shape_cast %add3A_1140 : vector<16xi32> to vector<16xi32>
      tpu.vector_store %arg28[%swap3A_1141], %swap3A_1144 {strides = array<i32>} : memref<128xi32, #tpu.memory_space<vmem>>, vector<16xi32>,
      %and3A_1145 = arith.constant -8 : i32
      %and3A_1146 = vector.broadcast %and3A_1145 : i32 to vector<16xi32>
      %and3A_1147 = arith.andi %get3A_1130, %and3A_1146 : vector<16xi32>
      %bitcast_convert_type3A_1148 = tpu.bitcast %and3A_1147 : vector<16xi32> -> vector<16xf32>
      %swap3A_1149 = arith.constant 112 : index
      %swap3A_1150 = tpu.vector_load %arg24[%swap3A_1149] {strides = array<i32>} : memref<128xf32, #tpu.memory_space<vmem>>, vector<16xf32>,
      %swap3A_1151 = vector.shape_cast %swap3A_1150 : vector<16xf32> to vector<16xf32>
      %swap3A_1152 = vector.shape_cast %bitcast_convert_type3A_1148 : vector<16xf32> to vector<16xf32>
      tpu.vector_store %arg24[%swap3A_1149], %swap3A_1152 {strides = array<i32>} : memref<128xf32, #tpu.memory_space<vmem>>, vector<16xf32>,
      %dma_start3A_1153 = arith.constant 0 : i32
      %dma_start3A_1154 = tpu.memref_slice %arg39[%dma_start3A_1153] : memref<409600xf32, #tpu.memory_space<vmem_shared>> -> memref<409600xf32, #tpu.memory_space<vmem_shared>>
      tpu.enqueue_indirect_dma source(%arg24 : memref<128xf32, #tpu.memory_space<vmem>>) target(%dma_start3A_1154 : memref<409600xf32, #tpu.memory_space<vmem_shared>>) offsets(%arg28 : memref<128xi32, #tpu.memory_space<vmem>>) semaphore(%arg37 : memref<!tpu.dma_semaphore, #tpu.memory_space<semaphore_mem>>) {add = true}
      %dma_wait3A_1155 = arith.constant 0 : i32
      %dma_wait3A_1156 = tpu.memref_slice %arg39[%dma_wait3A_1155] : memref<409600xf32, #tpu.memory_space<vmem_shared>> -> memref<409600xf32, #tpu.memory_space<vmem_shared>>
      tpu.wait_indirect_dma semaphore(%arg37 : memref<!tpu.dma_semaphore, #tpu.memory_space<semaphore_mem>>) src(%arg21 : memref<128xf32, #tpu.memory_space<vmem>>) dst(%dma_wait3A_1156 : memref<409600xf32, #tpu.memory_space<vmem_shared>>)
      %mul3A_1157 = arith.constant 4 : i32
      %mul3A_1158 = arith.muli %mul3A_1157, %scan3A_276 : i32
      %add3A_1159 = arith.constant 0 : i32
      %add3A_1160 = arith.addi %mul3A_1158, %add3A_1159 : i32
      %add3A_1161 = arith.constant 4 : i32
      %add3A_1162 = arith.addi %add3A_1160, %add3A_1161 : i32
      %rem3A_1163 = arith.constant 196 : i32
      %rem3A_1164 = arith.remsi %add3A_1162, %rem3A_1163 : i32
      %add3A_1165 = arith.addi %add3A_152, %rem3A_1164 : i32
      %dma_start3A_1166 = arith.constant 0 : i32
      %dma_start3A_1167 = tpu.memref_slice %arg2[%add3A_1165, %dma_start3A_1166] : memref<6272x128xi32, #tpu.memory_space<hbm>> -> memref<1x128xi32, #tpu.memory_space<hbm>>
      %dma_start3A_1168 = tpu.memref_squeeze %dma_start3A_1167 : memref<1x128xi32, #tpu.memory_space<hbm>> -> memref<128xi32, #tpu.memory_space<hbm>>
      %dma_start3A_1169 = arith.constant 0 : i32
      %dma_start3A_1170 = tpu.memref_slice %arg2[%add3A_1165, %dma_start3A_1169] : memref<6272x128xi32, #tpu.memory_space<hbm>> -> memref<1x128xi32, #tpu.memory_space<hbm>>
      %dma_start3A_1171 = tpu.memref_squeeze %dma_start3A_1170 : memref<1x128xi32, #tpu.memory_space<hbm>> -> memref<128xi32, #tpu.memory_space<hbm>>
      tpu.enqueue_dma source(%dma_start3A_1171 : memref<128xi32, #tpu.memory_space<hbm>>) target(%arg9 : memref<128xi32, #tpu.memory_space<vmem>>) target_semaphore(%arg32 : memref<!tpu.dma_semaphore, #tpu.memory_space<semaphore_mem>>)
      %dma_start3A_1172 = arith.constant 0 : i32
      %dma_start3A_1173 = tpu.memref_slice %arg3[%add3A_1165, %dma_start3A_1172] : memref<6272x128xi32, #tpu.memory_space<hbm>> -> memref<1x128xi32, #tpu.memory_space<hbm>>
      %dma_start3A_1174 = tpu.memref_squeeze %dma_start3A_1173 : memref<1x128xi32, #tpu.memory_space<hbm>> -> memref<128xi32, #tpu.memory_space<hbm>>
      %dma_start3A_1175 = arith.constant 0 : i32
      %dma_start3A_1176 = tpu.memref_slice %arg3[%add3A_1165, %dma_start3A_1175] : memref<6272x128xi32, #tpu.memory_space<hbm>> -> memref<1x128xi32, #tpu.memory_space<hbm>>
      %dma_start3A_1177 = tpu.memref_squeeze %dma_start3A_1176 : memref<1x128xi32, #tpu.memory_space<hbm>> -> memref<128xi32, #tpu.memory_space<hbm>>
      tpu.enqueue_dma source(%dma_start3A_1177 : memref<128xi32, #tpu.memory_space<hbm>>) target(%arg13 : memref<128xi32, #tpu.memory_space<vmem>>) target_semaphore(%arg32 : memref<!tpu.dma_semaphore, #tpu.memory_space<semaphore_mem>>)
      %dma_wait3A_1178 = arith.constant 0 : i32
      %dma_wait3A_1179 = tpu.memref_slice %arg39[%dma_wait3A_1178] : memref<409600xf32, #tpu.memory_space<vmem_shared>> -> memref<409600xf32, #tpu.memory_space<vmem_shared>>
      tpu.wait_indirect_dma semaphore(%arg37 : memref<!tpu.dma_semaphore, #tpu.memory_space<semaphore_mem>>) src(%arg22 : memref<128xf32, #tpu.memory_space<vmem>>) dst(%dma_wait3A_1179 : memref<409600xf32, #tpu.memory_space<vmem_shared>>)
      %mul3A_1180 = arith.constant 4 : i32
      %mul3A_1181 = arith.muli %mul3A_1180, %scan3A_276 : i32
      %add3A_1182 = arith.constant 1 : i32
      %add3A_1183 = arith.addi %mul3A_1181, %add3A_1182 : i32
      %add3A_1184 = arith.constant 4 : i32
      %add3A_1185 = arith.addi %add3A_1183, %add3A_1184 : i32
      %rem3A_1186 = arith.constant 196 : i32
      %rem3A_1187 = arith.remsi %add3A_1185, %rem3A_1186 : i32
      %add3A_1188 = arith.addi %add3A_152, %rem3A_1187 : i32
      %dma_start3A_1189 = arith.constant 0 : i32
      %dma_start3A_1190 = tpu.memref_slice %arg2[%add3A_1188, %dma_start3A_1189] : memref<6272x128xi32, #tpu.memory_space<hbm>> -> memref<1x128xi32, #tpu.memory_space<hbm>>
      %dma_start3A_1191 = tpu.memref_squeeze %dma_start3A_1190 : memref<1x128xi32, #tpu.memory_space<hbm>> -> memref<128xi32, #tpu.memory_space<hbm>>
      %dma_start3A_1192 = arith.constant 0 : i32
      %dma_start3A_1193 = tpu.memref_slice %arg2[%add3A_1188, %dma_start3A_1192] : memref<6272x128xi32, #tpu.memory_space<hbm>> -> memref<1x128xi32, #tpu.memory_space<hbm>>
      %dma_start3A_1194 = tpu.memref_squeeze %dma_start3A_1193 : memref<1x128xi32, #tpu.memory_space<hbm>> -> memref<128xi32, #tpu.memory_space<hbm>>
      tpu.enqueue_dma source(%dma_start3A_1194 : memref<128xi32, #tpu.memory_space<hbm>>) target(%arg10 : memref<128xi32, #tpu.memory_space<vmem>>) target_semaphore(%arg33 : memref<!tpu.dma_semaphore, #tpu.memory_space<semaphore_mem>>)
      %dma_start3A_1195 = arith.constant 0 : i32
      %dma_start3A_1196 = tpu.memref_slice %arg3[%add3A_1188, %dma_start3A_1195] : memref<6272x128xi32, #tpu.memory_space<hbm>> -> memref<1x128xi32, #tpu.memory_space<hbm>>
      %dma_start3A_1197 = tpu.memref_squeeze %dma_start3A_1196 : memref<1x128xi32, #tpu.memory_space<hbm>> -> memref<128xi32, #tpu.memory_space<hbm>>
      %dma_start3A_1198 = arith.constant 0 : i32
      %dma_start3A_1199 = tpu.memref_slice %arg3[%add3A_1188, %dma_start3A_1198] : memref<6272x128xi32, #tpu.memory_space<hbm>> -> memref<1x128xi32, #tpu.memory_space<hbm>>
      %dma_start3A_1200 = tpu.memref_squeeze %dma_start3A_1199 : memref<1x128xi32, #tpu.memory_space<hbm>> -> memref<128xi32, #tpu.memory_space<hbm>>
      tpu.enqueue_dma source(%dma_start3A_1200 : memref<128xi32, #tpu.memory_space<hbm>>) target(%arg14 : memref<128xi32, #tpu.memory_space<vmem>>) target_semaphore(%arg33 : memref<!tpu.dma_semaphore, #tpu.memory_space<semaphore_mem>>)
      %dma_wait3A_1201 = arith.constant 0 : i32
      %dma_wait3A_1202 = tpu.memref_slice %arg39[%dma_wait3A_1201] : memref<409600xf32, #tpu.memory_space<vmem_shared>> -> memref<409600xf32, #tpu.memory_space<vmem_shared>>
      tpu.wait_indirect_dma semaphore(%arg37 : memref<!tpu.dma_semaphore, #tpu.memory_space<semaphore_mem>>) src(%arg23 : memref<128xf32, #tpu.memory_space<vmem>>) dst(%dma_wait3A_1202 : memref<409600xf32, #tpu.memory_space<vmem_shared>>)
      %mul3A_1203 = arith.constant 4 : i32
      %mul3A_1204 = arith.muli %mul3A_1203, %scan3A_276 : i32
      %add3A_1205 = arith.constant 2 : i32
      %add3A_1206 = arith.addi %mul3A_1204, %add3A_1205 : i32
      %add3A_1207 = arith.constant 4 : i32
      %add3A_1208 = arith.addi %add3A_1206, %add3A_1207 : i32
      %rem3A_1209 = arith.constant 196 : i32
      %rem3A_1210 = arith.remsi %add3A_1208, %rem3A_1209 : i32
      %add3A_1211 = arith.addi %add3A_152, %rem3A_1210 : i32
      %dma_start3A_1212 = arith.constant 0 : i32
      %dma_start3A_1213 = tpu.memref_slice %arg2[%add3A_1211, %dma_start3A_1212] : memref<6272x128xi32, #tpu.memory_space<hbm>> -> memref<1x128xi32, #tpu.memory_space<hbm>>
      %dma_start3A_1214 = tpu.memref_squeeze %dma_start3A_1213 : memref<1x128xi32, #tpu.memory_space<hbm>> -> memref<128xi32, #tpu.memory_space<hbm>>
      %dma_start3A_1215 = arith.constant 0 : i32
      %dma_start3A_1216 = tpu.memref_slice %arg2[%add3A_1211, %dma_start3A_1215] : memref<6272x128xi32, #tpu.memory_space<hbm>> -> memref<1x128xi32, #tpu.memory_space<hbm>>
      %dma_start3A_1217 = tpu.memref_squeeze %dma_start3A_1216 : memref<1x128xi32, #tpu.memory_space<hbm>> -> memref<128xi32, #tpu.memory_space<hbm>>
      tpu.enqueue_dma source(%dma_start3A_1217 : memref<128xi32, #tpu.memory_space<hbm>>) target(%arg11 : memref<128xi32, #tpu.memory_space<vmem>>) target_semaphore(%arg34 : memref<!tpu.dma_semaphore, #tpu.memory_space<semaphore_mem>>)
      %dma_start3A_1218 = arith.constant 0 : i32
      %dma_start3A_1219 = tpu.memref_slice %arg3[%add3A_1211, %dma_start3A_1218] : memref<6272x128xi32, #tpu.memory_space<hbm>> -> memref<1x128xi32, #tpu.memory_space<hbm>>
      %dma_start3A_1220 = tpu.memref_squeeze %dma_start3A_1219 : memref<1x128xi32, #tpu.memory_space<hbm>> -> memref<128xi32, #tpu.memory_space<hbm>>
      %dma_start3A_1221 = arith.constant 0 : i32
      %dma_start3A_1222 = tpu.memref_slice %arg3[%add3A_1211, %dma_start3A_1221] : memref<6272x128xi32, #tpu.memory_space<hbm>> -> memref<1x128xi32, #tpu.memory_space<hbm>>
      %dma_start3A_1223 = tpu.memref_squeeze %dma_start3A_1222 : memref<1x128xi32, #tpu.memory_space<hbm>> -> memref<128xi32, #tpu.memory_space<hbm>>
      tpu.enqueue_dma source(%dma_start3A_1223 : memref<128xi32, #tpu.memory_space<hbm>>) target(%arg15 : memref<128xi32, #tpu.memory_space<vmem>>) target_semaphore(%arg34 : memref<!tpu.dma_semaphore, #tpu.memory_space<semaphore_mem>>)
      %dma_wait3A_1224 = arith.constant 0 : i32
      %dma_wait3A_1225 = tpu.memref_slice %arg39[%dma_wait3A_1224] : memref<409600xf32, #tpu.memory_space<vmem_shared>> -> memref<409600xf32, #tpu.memory_space<vmem_shared>>
      tpu.wait_indirect_dma semaphore(%arg37 : memref<!tpu.dma_semaphore, #tpu.memory_space<semaphore_mem>>) src(%arg24 : memref<128xf32, #tpu.memory_space<vmem>>) dst(%dma_wait3A_1225 : memref<409600xf32, #tpu.memory_space<vmem_shared>>)
      %mul3A_1226 = arith.constant 4 : i32
      %mul3A_1227 = arith.muli %mul3A_1226, %scan3A_276 : i32
      %add3A_1228 = arith.constant 3 : i32
      %add3A_1229 = arith.addi %mul3A_1227, %add3A_1228 : i32
      %add3A_1230 = arith.constant 4 : i32
      %add3A_1231 = arith.addi %add3A_1229, %add3A_1230 : i32
      %rem3A_1232 = arith.constant 196 : i32
      %rem3A_1233 = arith.remsi %add3A_1231, %rem3A_1232 : i32
      %add3A_1234 = arith.addi %add3A_152, %rem3A_1233 : i32
      %dma_start3A_1235 = arith.constant 0 : i32
      %dma_start3A_1236 = tpu.memref_slice %arg2[%add3A_1234, %dma_start3A_1235] : memref<6272x128xi32, #tpu.memory_space<hbm>> -> memref<1x128xi32, #tpu.memory_space<hbm>>
      %dma_start3A_1237 = tpu.memref_squeeze %dma_start3A_1236 : memref<1x128xi32, #tpu.memory_space<hbm>> -> memref<128xi32, #tpu.memory_space<hbm>>
      %dma_start3A_1238 = arith.constant 0 : i32
      %dma_start3A_1239 = tpu.memref_slice %arg2[%add3A_1234, %dma_start3A_1238] : memref<6272x128xi32, #tpu.memory_space<hbm>> -> memref<1x128xi32, #tpu.memory_space<hbm>>
      %dma_start3A_1240 = tpu.memref_squeeze %dma_start3A_1239 : memref<1x128xi32, #tpu.memory_space<hbm>> -> memref<128xi32, #tpu.memory_space<hbm>>
      tpu.enqueue_dma source(%dma_start3A_1240 : memref<128xi32, #tpu.memory_space<hbm>>) target(%arg12 : memref<128xi32, #tpu.memory_space<vmem>>) target_semaphore(%arg35 : memref<!tpu.dma_semaphore, #tpu.memory_space<semaphore_mem>>)
      %dma_start3A_1241 = arith.constant 0 : i32
      %dma_start3A_1242 = tpu.memref_slice %arg3[%add3A_1234, %dma_start3A_1241] : memref<6272x128xi32, #tpu.memory_space<hbm>> -> memref<1x128xi32, #tpu.memory_space<hbm>>
      %dma_start3A_1243 = tpu.memref_squeeze %dma_start3A_1242 : memref<1x128xi32, #tpu.memory_space<hbm>> -> memref<128xi32, #tpu.memory_space<hbm>>
      %dma_start3A_1244 = arith.constant 0 : i32
      %dma_start3A_1245 = tpu.memref_slice %arg3[%add3A_1234, %dma_start3A_1244] : memref<6272x128xi32, #tpu.memory_space<hbm>> -> memref<1x128xi32, #tpu.memory_space<hbm>>
      %dma_start3A_1246 = tpu.memref_squeeze %dma_start3A_1245 : memref<1x128xi32, #tpu.memory_space<hbm>> -> memref<128xi32, #tpu.memory_space<hbm>>
      tpu.enqueue_dma source(%dma_start3A_1246 : memref<128xi32, #tpu.memory_space<hbm>>) target(%arg16 : memref<128xi32, #tpu.memory_space<vmem>>) target_semaphore(%arg35 : memref<!tpu.dma_semaphore, #tpu.memory_space<semaphore_mem>>)
    }
    %scan3A_214 = arith.constant 49 : i32
    %dma_wait3A_215 = arith.constant 0 : i32
    %dma_wait3A_216 = arith.constant 0 : i32
    %dma_wait3A_217 = tpu.memref_slice %arg2[%dma_wait3A_215, %dma_wait3A_216] : memref<6272x128xi32, #tpu.memory_space<hbm>> -> memref<1x128xi32, #tpu.memory_space<hbm>>
    %dma_wait3A_218 = tpu.memref_squeeze %dma_wait3A_217 : memref<1x128xi32, #tpu.memory_space<hbm>> -> memref<128xi32, #tpu.memory_space<hbm>>
    %dma_wait3A_219 = arith.constant 0 : i32
    %dma_wait3A_220 = tpu.memref_slice %arg2[%dma_wait3A_215, %dma_wait3A_219] : memref<6272x128xi32, #tpu.memory_space<hbm>> -> memref<1x128xi32, #tpu.memory_space<hbm>>
    %dma_wait3A_221 = tpu.memref_squeeze %dma_wait3A_220 : memref<1x128xi32, #tpu.memory_space<hbm>> -> memref<128xi32, #tpu.memory_space<hbm>>
    tpu.wait_dma2 semaphore(%arg32 : memref<!tpu.dma_semaphore, #tpu.memory_space<semaphore_mem>>) src(%dma_wait3A_221 : memref<128xi32, #tpu.memory_space<hbm>>) dst(%arg9 : memref<128xi32, #tpu.memory_space<vmem>>)
    %dma_wait3A_222 = arith.constant 0 : i32
    %dma_wait3A_223 = arith.constant 0 : i32
    %dma_wait3A_224 = tpu.memref_slice %arg3[%dma_wait3A_222, %dma_wait3A_223] : memref<6272x128xi32, #tpu.memory_space<hbm>> -> memref<1x128xi32, #tpu.memory_space<hbm>>
    %dma_wait3A_225 = tpu.memref_squeeze %dma_wait3A_224 : memref<1x128xi32, #tpu.memory_space<hbm>> -> memref<128xi32, #tpu.memory_space<hbm>>
    %dma_wait3A_226 = arith.constant 0 : i32
    %dma_wait3A_227 = tpu.memref_slice %arg3[%dma_wait3A_222, %dma_wait3A_226] : memref<6272x128xi32, #tpu.memory_space<hbm>> -> memref<1x128xi32, #tpu.memory_space<hbm>>
    %dma_wait3A_228 = tpu.memref_squeeze %dma_wait3A_227 : memref<1x128xi32, #tpu.memory_space<hbm>> -> memref<128xi32, #tpu.memory_space<hbm>>
    tpu.wait_dma2 semaphore(%arg32 : memref<!tpu.dma_semaphore, #tpu.memory_space<semaphore_mem>>) src(%dma_wait3A_228 : memref<128xi32, #tpu.memory_space<hbm>>) dst(%arg13 : memref<128xi32, #tpu.memory_space<vmem>>)
    %dma_wait3A_229 = arith.constant 0 : i32
    %dma_wait3A_230 = arith.constant 0 : i32
    %dma_wait3A_231 = tpu.memref_slice %arg2[%dma_wait3A_229, %dma_wait3A_230] : memref<6272x128xi32, #tpu.memory_space<hbm>> -> memref<1x128xi32, #tpu.memory_space<hbm>>
    %dma_wait3A_232 = tpu.memref_squeeze %dma_wait3A_231 : memref<1x128xi32, #tpu.memory_space<hbm>> -> memref<128xi32, #tpu.memory_space<hbm>>
    %dma_wait3A_233 = arith.constant 0 : i32
    %dma_wait3A_234 = tpu.memref_slice %arg2[%dma_wait3A_229, %dma_wait3A_233] : memref<6272x128xi32, #tpu.memory_space<hbm>> -> memref<1x128xi32, #tpu.memory_space<hbm>>
    %dma_wait3A_235 = tpu.memref_squeeze %dma_wait3A_234 : memref<1x128xi32, #tpu.memory_space<hbm>> -> memref<128xi32, #tpu.memory_space<hbm>>
    tpu.wait_dma2 semaphore(%arg33 : memref<!tpu.dma_semaphore, #tpu.memory_space<semaphore_mem>>) src(%dma_wait3A_235 : memref<128xi32, #tpu.memory_space<hbm>>) dst(%arg10 : memref<128xi32, #tpu.memory_space<vmem>>)
    %dma_wait3A_236 = arith.constant 0 : i32
    %dma_wait3A_237 = arith.constant 0 : i32
    %dma_wait3A_238 = tpu.memref_slice %arg3[%dma_wait3A_236, %dma_wait3A_237] : memref<6272x128xi32, #tpu.memory_space<hbm>> -> memref<1x128xi32, #tpu.memory_space<hbm>>
    %dma_wait3A_239 = tpu.memref_squeeze %dma_wait3A_238 : memref<1x128xi32, #tpu.memory_space<hbm>> -> memref<128xi32, #tpu.memory_space<hbm>>
    %dma_wait3A_240 = arith.constant 0 : i32
    %dma_wait3A_241 = tpu.memref_slice %arg3[%dma_wait3A_236, %dma_wait3A_240] : memref<6272x128xi32, #tpu.memory_space<hbm>> -> memref<1x128xi32, #tpu.memory_space<hbm>>
    %dma_wait3A_242 = tpu.memref_squeeze %dma_wait3A_241 : memref<1x128xi32, #tpu.memory_space<hbm>> -> memref<128xi32, #tpu.memory_space<hbm>>
    tpu.wait_dma2 semaphore(%arg33 : memref<!tpu.dma_semaphore, #tpu.memory_space<semaphore_mem>>) src(%dma_wait3A_242 : memref<128xi32, #tpu.memory_space<hbm>>) dst(%arg14 : memref<128xi32, #tpu.memory_space<vmem>>)
    %dma_wait3A_243 = arith.constant 0 : i32
    %dma_wait3A_244 = arith.constant 0 : i32
    %dma_wait3A_245 = tpu.memref_slice %arg2[%dma_wait3A_243, %dma_wait3A_244] : memref<6272x128xi32, #tpu.memory_space<hbm>> -> memref<1x128xi32, #tpu.memory_space<hbm>>
    %dma_wait3A_246 = tpu.memref_squeeze %dma_wait3A_245 : memref<1x128xi32, #tpu.memory_space<hbm>> -> memref<128xi32, #tpu.memory_space<hbm>>
    %dma_wait3A_247 = arith.constant 0 : i32
    %dma_wait3A_248 = tpu.memref_slice %arg2[%dma_wait3A_243, %dma_wait3A_247] : memref<6272x128xi32, #tpu.memory_space<hbm>> -> memref<1x128xi32, #tpu.memory_space<hbm>>
    %dma_wait3A_249 = tpu.memref_squeeze %dma_wait3A_248 : memref<1x128xi32, #tpu.memory_space<hbm>> -> memref<128xi32, #tpu.memory_space<hbm>>
    tpu.wait_dma2 semaphore(%arg34 : memref<!tpu.dma_semaphore, #tpu.memory_space<semaphore_mem>>) src(%dma_wait3A_249 : memref<128xi32, #tpu.memory_space<hbm>>) dst(%arg11 : memref<128xi32, #tpu.memory_space<vmem>>)
    %dma_wait3A_250 = arith.constant 0 : i32
    %dma_wait3A_251 = arith.constant 0 : i32
    %dma_wait3A_252 = tpu.memref_slice %arg3[%dma_wait3A_250, %dma_wait3A_251] : memref<6272x128xi32, #tpu.memory_space<hbm>> -> memref<1x128xi32, #tpu.memory_space<hbm>>
    %dma_wait3A_253 = tpu.memref_squeeze %dma_wait3A_252 : memref<1x128xi32, #tpu.memory_space<hbm>> -> memref<128xi32, #tpu.memory_space<hbm>>
    %dma_wait3A_254 = arith.constant 0 : i32
    %dma_wait3A_255 = tpu.memref_slice %arg3[%dma_wait3A_250, %dma_wait3A_254] : memref<6272x128xi32, #tpu.memory_space<hbm>> -> memref<1x128xi32, #tpu.memory_space<hbm>>
    %dma_wait3A_256 = tpu.memref_squeeze %dma_wait3A_255 : memref<1x128xi32, #tpu.memory_space<hbm>> -> memref<128xi32, #tpu.memory_space<hbm>>
    tpu.wait_dma2 semaphore(%arg34 : memref<!tpu.dma_semaphore, #tpu.memory_space<semaphore_mem>>) src(%dma_wait3A_256 : memref<128xi32, #tpu.memory_space<hbm>>) dst(%arg15 : memref<128xi32, #tpu.memory_space<vmem>>)
    %dma_wait3A_257 = arith.constant 0 : i32
    %dma_wait3A_258 = arith.constant 0 : i32
    %dma_wait3A_259 = tpu.memref_slice %arg2[%dma_wait3A_257, %dma_wait3A_258] : memref<6272x128xi32, #tpu.memory_space<hbm>> -> memref<1x128xi32, #tpu.memory_space<hbm>>
    %dma_wait3A_260 = tpu.memref_squeeze %dma_wait3A_259 : memref<1x128xi32, #tpu.memory_space<hbm>> -> memref<128xi32, #tpu.memory_space<hbm>>
    %dma_wait3A_261 = arith.constant 0 : i32
    %dma_wait3A_262 = tpu.memref_slice %arg2[%dma_wait3A_257, %dma_wait3A_261] : memref<6272x128xi32, #tpu.memory_space<hbm>> -> memref<1x128xi32, #tpu.memory_space<hbm>>
    %dma_wait3A_263 = tpu.memref_squeeze %dma_wait3A_262 : memref<1x128xi32, #tpu.memory_space<hbm>> -> memref<128xi32, #tpu.memory_space<hbm>>
    tpu.wait_dma2 semaphore(%arg35 : memref<!tpu.dma_semaphore, #tpu.memory_space<semaphore_mem>>) src(%dma_wait3A_263 : memref<128xi32, #tpu.memory_space<hbm>>) dst(%arg12 : memref<128xi32, #tpu.memory_space<vmem>>)
    %dma_wait3A_264 = arith.constant 0 : i32
    %dma_wait3A_265 = arith.constant 0 : i32
    %dma_wait3A_266 = tpu.memref_slice %arg3[%dma_wait3A_264, %dma_wait3A_265] : memref<6272x128xi32, #tpu.memory_space<hbm>> -> memref<1x128xi32, #tpu.memory_space<hbm>>
    %dma_wait3A_267 = tpu.memref_squeeze %dma_wait3A_266 : memref<1x128xi32, #tpu.memory_space<hbm>> -> memref<128xi32, #tpu.memory_space<hbm>>
    %dma_wait3A_268 = arith.constant 0 : i32
    %dma_wait3A_269 = tpu.memref_slice %arg3[%dma_wait3A_264, %dma_wait3A_268] : memref<6272x128xi32, #tpu.memory_space<hbm>> -> memref<1x128xi32, #tpu.memory_space<hbm>>
    %dma_wait3A_270 = tpu.memref_squeeze %dma_wait3A_269 : memref<1x128xi32, #tpu.memory_space<hbm>> -> memref<128xi32, #tpu.memory_space<hbm>>
    tpu.wait_dma2 semaphore(%arg35 : memref<!tpu.dma_semaphore, #tpu.memory_space<semaphore_mem>>) src(%dma_wait3A_270 : memref<128xi32, #tpu.memory_space<hbm>>) dst(%arg16 : memref<128xi32, #tpu.memory_space<vmem>>)
    %barrier3A_271 = arith.constant 0 : index
    tpu.barrier barrier_id(%barrier3A_271)
    %mul3A_272 = arith.constant 25600 : i32
    %mul3A_273 = arith.muli %arg1, %mul3A_272 : i32
    %mul3A_274 = arith.constant 25600 : i32
    %mul3A_275 = arith.muli %arg1, %mul3A_274 : i32
    "tpu.region"() ({
      %run_scoped3A = tpu.sem_alloc : memref<!tpu.dma_semaphore, #tpu.memory_space<semaphore_mem>>
      %dma_start3A_276 = tpu.memref_slice %arg7[%arg0, %mul3A_275] : memref<2x409600xf32, #tpu.memory_space<hbm>> -> memref<1x25600xf32, #tpu.memory_space<hbm>>
      %dma_start3A_277 = tpu.memref_squeeze %dma_start3A_276 : memref<1x25600xf32, #tpu.memory_space<hbm>> -> memref<25600xf32, #tpu.memory_space<hbm>>
      %dma_start3A_278 = tpu.memref_slice %arg39[%mul3A_273] : memref<409600xf32, #tpu.memory_space<vmem_shared>> -> memref<25600xf32, #tpu.memory_space<vmem_shared>>
      tpu.enqueue_dma source(%dma_start3A_278 : memref<25600xf32, #tpu.memory_space<vmem_shared>>) target(%dma_start3A_277 : memref<25600xf32, #tpu.memory_space<hbm>>) target_semaphore(%run_scoped3A : memref<!tpu.dma_semaphore, #tpu.memory_space<semaphore_mem>>)
      %dma_wait3A_279 = tpu.memref_slice %arg7[%arg0, %mul3A_275] : memref<2x409600xf32, #tpu.memory_space<hbm>> -> memref<1x25600xf32, #tpu.memory_space<hbm>>
      %dma_wait3A_280 = tpu.memref_squeeze %dma_wait3A_279 : memref<1x25600xf32, #tpu.memory_space<hbm>> -> memref<25600xf32, #tpu.memory_space<hbm>>
      %dma_wait3A_281 = tpu.memref_slice %arg39[%mul3A_273] : memref<409600xf32, #tpu.memory_space<vmem_shared>> -> memref<25600xf32, #tpu.memory_space<vmem_shared>>
      tpu.wait_dma2 semaphore(%run_scoped3A : memref<!tpu.dma_semaphore, #tpu.memory_space<semaphore_mem>>) src(%dma_wait3A_281 : memref<25600xf32, #tpu.memory_space<vmem_shared>>) dst(%dma_wait3A_280 : memref<25600xf32, #tpu.memory_space<hbm>>)
      tpu.yield
    }) : () -> ()
    return
  }
}

#map = affine_map<(d0, d1) -> (0, 0)>
#map1 = affine_map<(d0, d1) -> (0, 0, 0)>
module attributes {stable_mosaic.version = 14 : i64} {
  func.func @_sc_conv2_body(%arg0: i32, %arg1: i32, %arg2: memref<6272x128xi32, #tpu.memory_space<hbm>>, %arg3: memref<6272x128xi32, #tpu.memory_space<hbm>>, %arg4: memref<2x51200x32xf32, #tpu.memory_space<hbm>>, %arg5: memref<51200x32xf32, #tpu.memory_space<hbm>>, %arg6: memref<2x51200x32xf32, #tpu.memory_space<hbm>>, %arg7: memref<128xi32, #tpu.memory_space<vmem>>, %arg8: memref<128xi32, #tpu.memory_space<vmem>>, %arg9: memref<128xi32, #tpu.memory_space<vmem>>, %arg10: memref<128xi32, #tpu.memory_space<vmem>>, %arg11: memref<128xi32, #tpu.memory_space<vmem>>, %arg12: memref<128xi32, #tpu.memory_space<vmem>>, %arg13: memref<128xi32, #tpu.memory_space<vmem>>, %arg14: memref<128xi32, #tpu.memory_space<vmem>>, %arg15: memref<128x32xf32, #tpu.memory_space<vmem>>, %arg16: memref<128x32xf32, #tpu.memory_space<vmem>>, %arg17: memref<128x32xf32, #tpu.memory_space<vmem>>, %arg18: memref<128x32xf32, #tpu.memory_space<vmem>>, %arg19: memref<!tpu.dma_semaphore, #tpu.memory_space<semaphore_mem>>, %arg20: memref<!tpu.dma_semaphore, #tpu.memory_space<semaphore_mem>>, %arg21: memref<!tpu.dma_semaphore, #tpu.memory_space<semaphore_mem>>, %arg22: memref<!tpu.dma_semaphore, #tpu.memory_space<semaphore_mem>>, %arg23: memref<!tpu.dma_semaphore, #tpu.memory_space<semaphore_mem>>, %arg24: memref<!tpu.dma_semaphore, #tpu.memory_space<semaphore_mem>>, %arg25: memref<51200x32xf32, #tpu.memory_space<vmem_shared>>) attributes {dimension_semantics = [#tpu.dimension_semantics<core_parallel>, #tpu.dimension_semantics<subcore_parallel>], iteration_bounds = array<i64: 2, 16>, scalar_prefetch = 0 : i64, scratch_operands = 19 : i64, tpu.core_type = #tpu.core_type<sc_vector_subcore>, window_params = [{transform_indices = #map}, {transform_indices = #map}, {transform_indices = #map1}, {transform_indices = #map}, {transform_indices = #map1}]} {
    %mul3A = arith.constant 392 : i32
    %mul3A_0 = arith.muli %arg1, %mul3A : i32
    %add3A = arith.constant 0 : i32
    %add3A_1 = arith.addi %mul3A_0, %add3A : i32
    %dma_start3A = arith.constant 0 : i32
    %dma_start3A_2 = tpu.memref_slice %arg2[%add3A_1, %dma_start3A] : memref<6272x128xi32, #tpu.memory_space<hbm>> -> memref<1x128xi32, #tpu.memory_space<hbm>>
    %dma_start3A_3 = tpu.memref_squeeze %dma_start3A_2 : memref<1x128xi32, #tpu.memory_space<hbm>> -> memref<128xi32, #tpu.memory_space<hbm>>
    %dma_start3A_4 = arith.constant 0 : i32
    %dma_start3A_5 = tpu.memref_slice %arg2[%add3A_1, %dma_start3A_4] : memref<6272x128xi32, #tpu.memory_space<hbm>> -> memref<1x128xi32, #tpu.memory_space<hbm>>
    %dma_start3A_6 = tpu.memref_squeeze %dma_start3A_5 : memref<1x128xi32, #tpu.memory_space<hbm>> -> memref<128xi32, #tpu.memory_space<hbm>>
    tpu.enqueue_dma source(%dma_start3A_6 : memref<128xi32, #tpu.memory_space<hbm>>) target(%arg7 : memref<128xi32, #tpu.memory_space<vmem>>) target_semaphore(%arg19 : memref<!tpu.dma_semaphore, #tpu.memory_space<semaphore_mem>>)
    %dma_start3A_7 = arith.constant 0 : i32
    %dma_start3A_8 = tpu.memref_slice %arg3[%add3A_1, %dma_start3A_7] : memref<6272x128xi32, #tpu.memory_space<hbm>> -> memref<1x128xi32, #tpu.memory_space<hbm>>
    %dma_start3A_9 = tpu.memref_squeeze %dma_start3A_8 : memref<1x128xi32, #tpu.memory_space<hbm>> -> memref<128xi32, #tpu.memory_space<hbm>>
    %dma_start3A_10 = arith.constant 0 : i32
    %dma_start3A_11 = tpu.memref_slice %arg3[%add3A_1, %dma_start3A_10] : memref<6272x128xi32, #tpu.memory_space<hbm>> -> memref<1x128xi32, #tpu.memory_space<hbm>>
    %dma_start3A_12 = tpu.memref_squeeze %dma_start3A_11 : memref<1x128xi32, #tpu.memory_space<hbm>> -> memref<128xi32, #tpu.memory_space<hbm>>
    tpu.enqueue_dma source(%dma_start3A_12 : memref<128xi32, #tpu.memory_space<hbm>>) target(%arg8 : memref<128xi32, #tpu.memory_space<vmem>>) target_semaphore(%arg19 : memref<!tpu.dma_semaphore, #tpu.memory_space<semaphore_mem>>)
    %add3A_13 = arith.constant 1 : i32
    %add3A_14 = arith.addi %mul3A_0, %add3A_13 : i32
    %dma_start3A_15 = arith.constant 0 : i32
    %dma_start3A_16 = tpu.memref_slice %arg2[%add3A_14, %dma_start3A_15] : memref<6272x128xi32, #tpu.memory_space<hbm>> -> memref<1x128xi32, #tpu.memory_space<hbm>>
    %dma_start3A_17 = tpu.memref_squeeze %dma_start3A_16 : memref<1x128xi32, #tpu.memory_space<hbm>> -> memref<128xi32, #tpu.memory_space<hbm>>
    %dma_start3A_18 = arith.constant 0 : i32
    %dma_start3A_19 = tpu.memref_slice %arg2[%add3A_14, %dma_start3A_18] : memref<6272x128xi32, #tpu.memory_space<hbm>> -> memref<1x128xi32, #tpu.memory_space<hbm>>
    %dma_start3A_20 = tpu.memref_squeeze %dma_start3A_19 : memref<1x128xi32, #tpu.memory_space<hbm>> -> memref<128xi32, #tpu.memory_space<hbm>>
    tpu.enqueue_dma source(%dma_start3A_20 : memref<128xi32, #tpu.memory_space<hbm>>) target(%arg9 : memref<128xi32, #tpu.memory_space<vmem>>) target_semaphore(%arg20 : memref<!tpu.dma_semaphore, #tpu.memory_space<semaphore_mem>>)
    %dma_start3A_21 = arith.constant 0 : i32
    %dma_start3A_22 = tpu.memref_slice %arg3[%add3A_14, %dma_start3A_21] : memref<6272x128xi32, #tpu.memory_space<hbm>> -> memref<1x128xi32, #tpu.memory_space<hbm>>
    %dma_start3A_23 = tpu.memref_squeeze %dma_start3A_22 : memref<1x128xi32, #tpu.memory_space<hbm>> -> memref<128xi32, #tpu.memory_space<hbm>>
    %dma_start3A_24 = arith.constant 0 : i32
    %dma_start3A_25 = tpu.memref_slice %arg3[%add3A_14, %dma_start3A_24] : memref<6272x128xi32, #tpu.memory_space<hbm>> -> memref<1x128xi32, #tpu.memory_space<hbm>>
    %dma_start3A_26 = tpu.memref_squeeze %dma_start3A_25 : memref<1x128xi32, #tpu.memory_space<hbm>> -> memref<128xi32, #tpu.memory_space<hbm>>
    tpu.enqueue_dma source(%dma_start3A_26 : memref<128xi32, #tpu.memory_space<hbm>>) target(%arg10 : memref<128xi32, #tpu.memory_space<vmem>>) target_semaphore(%arg20 : memref<!tpu.dma_semaphore, #tpu.memory_space<semaphore_mem>>)
    %add3A_27 = arith.constant 2 : i32
    %add3A_28 = arith.addi %mul3A_0, %add3A_27 : i32
    %dma_start3A_29 = arith.constant 0 : i32
    %dma_start3A_30 = tpu.memref_slice %arg2[%add3A_28, %dma_start3A_29] : memref<6272x128xi32, #tpu.memory_space<hbm>> -> memref<1x128xi32, #tpu.memory_space<hbm>>
    %dma_start3A_31 = tpu.memref_squeeze %dma_start3A_30 : memref<1x128xi32, #tpu.memory_space<hbm>> -> memref<128xi32, #tpu.memory_space<hbm>>
    %dma_start3A_32 = arith.constant 0 : i32
    %dma_start3A_33 = tpu.memref_slice %arg2[%add3A_28, %dma_start3A_32] : memref<6272x128xi32, #tpu.memory_space<hbm>> -> memref<1x128xi32, #tpu.memory_space<hbm>>
    %dma_start3A_34 = tpu.memref_squeeze %dma_start3A_33 : memref<1x128xi32, #tpu.memory_space<hbm>> -> memref<128xi32, #tpu.memory_space<hbm>>
    tpu.enqueue_dma source(%dma_start3A_34 : memref<128xi32, #tpu.memory_space<hbm>>) target(%arg11 : memref<128xi32, #tpu.memory_space<vmem>>) target_semaphore(%arg21 : memref<!tpu.dma_semaphore, #tpu.memory_space<semaphore_mem>>)
    %dma_start3A_35 = arith.constant 0 : i32
    %dma_start3A_36 = tpu.memref_slice %arg3[%add3A_28, %dma_start3A_35] : memref<6272x128xi32, #tpu.memory_space<hbm>> -> memref<1x128xi32, #tpu.memory_space<hbm>>
    %dma_start3A_37 = tpu.memref_squeeze %dma_start3A_36 : memref<1x128xi32, #tpu.memory_space<hbm>> -> memref<128xi32, #tpu.memory_space<hbm>>
    %dma_start3A_38 = arith.constant 0 : i32
    %dma_start3A_39 = tpu.memref_slice %arg3[%add3A_28, %dma_start3A_38] : memref<6272x128xi32, #tpu.memory_space<hbm>> -> memref<1x128xi32, #tpu.memory_space<hbm>>
    %dma_start3A_40 = tpu.memref_squeeze %dma_start3A_39 : memref<1x128xi32, #tpu.memory_space<hbm>> -> memref<128xi32, #tpu.memory_space<hbm>>
    tpu.enqueue_dma source(%dma_start3A_40 : memref<128xi32, #tpu.memory_space<hbm>>) target(%arg12 : memref<128xi32, #tpu.memory_space<vmem>>) target_semaphore(%arg21 : memref<!tpu.dma_semaphore, #tpu.memory_space<semaphore_mem>>)
    %add3A_41 = arith.constant 3 : i32
    %add3A_42 = arith.addi %mul3A_0, %add3A_41 : i32
    %dma_start3A_43 = arith.constant 0 : i32
    %dma_start3A_44 = tpu.memref_slice %arg2[%add3A_42, %dma_start3A_43] : memref<6272x128xi32, #tpu.memory_space<hbm>> -> memref<1x128xi32, #tpu.memory_space<hbm>>
    %dma_start3A_45 = tpu.memref_squeeze %dma_start3A_44 : memref<1x128xi32, #tpu.memory_space<hbm>> -> memref<128xi32, #tpu.memory_space<hbm>>
    %dma_start3A_46 = arith.constant 0 : i32
    %dma_start3A_47 = tpu.memref_slice %arg2[%add3A_42, %dma_start3A_46] : memref<6272x128xi32, #tpu.memory_space<hbm>> -> memref<1x128xi32, #tpu.memory_space<hbm>>
    %dma_start3A_48 = tpu.memref_squeeze %dma_start3A_47 : memref<1x128xi32, #tpu.memory_space<hbm>> -> memref<128xi32, #tpu.memory_space<hbm>>
    tpu.enqueue_dma source(%dma_start3A_48 : memref<128xi32, #tpu.memory_space<hbm>>) target(%arg13 : memref<128xi32, #tpu.memory_space<vmem>>) target_semaphore(%arg22 : memref<!tpu.dma_semaphore, #tpu.memory_space<semaphore_mem>>)
    %dma_start3A_49 = arith.constant 0 : i32
    %dma_start3A_50 = tpu.memref_slice %arg3[%add3A_42, %dma_start3A_49] : memref<6272x128xi32, #tpu.memory_space<hbm>> -> memref<1x128xi32, #tpu.memory_space<hbm>>
    %dma_start3A_51 = tpu.memref_squeeze %dma_start3A_50 : memref<1x128xi32, #tpu.memory_space<hbm>> -> memref<128xi32, #tpu.memory_space<hbm>>
    %dma_start3A_52 = arith.constant 0 : i32
    %dma_start3A_53 = tpu.memref_slice %arg3[%add3A_42, %dma_start3A_52] : memref<6272x128xi32, #tpu.memory_space<hbm>> -> memref<1x128xi32, #tpu.memory_space<hbm>>
    %dma_start3A_54 = tpu.memref_squeeze %dma_start3A_53 : memref<1x128xi32, #tpu.memory_space<hbm>> -> memref<128xi32, #tpu.memory_space<hbm>>
    tpu.enqueue_dma source(%dma_start3A_54 : memref<128xi32, #tpu.memory_space<hbm>>) target(%arg14 : memref<128xi32, #tpu.memory_space<vmem>>) target_semaphore(%arg22 : memref<!tpu.dma_semaphore, #tpu.memory_space<semaphore_mem>>)
    %mul3A_55 = arith.constant 3200 : i32
    %mul3A_56 = arith.muli %arg1, %mul3A_55 : i32
    %mul3A_57 = arith.constant 3200 : i32
    %mul3A_58 = arith.muli %arg1, %mul3A_57 : i32
    "tpu.region"() ({
      %run_scoped3A = tpu.sem_alloc : memref<!tpu.dma_semaphore, #tpu.memory_space<semaphore_mem>>
      %dma_start3A_124 = arith.constant 0 : i32
      %dma_start3A_125 = tpu.memref_slice %arg25[%mul3A_58, %dma_start3A_124] : memref<51200x32xf32, #tpu.memory_space<vmem_shared>> -> memref<3200x32xf32, #tpu.memory_space<vmem_shared>>
      %dma_start3A_126 = arith.constant 0 : i32
      %dma_start3A_127 = tpu.memref_slice %arg5[%mul3A_56, %dma_start3A_126] : memref<51200x32xf32, #tpu.memory_space<hbm>> -> memref<3200x32xf32, #tpu.memory_space<hbm>>
      tpu.enqueue_dma source(%dma_start3A_127 : memref<3200x32xf32, #tpu.memory_space<hbm>>) target(%dma_start3A_125 : memref<3200x32xf32, #tpu.memory_space<vmem_shared>>) target_semaphore(%run_scoped3A : memref<!tpu.dma_semaphore, #tpu.memory_space<semaphore_mem>>)
      %dma_wait3A_128 = arith.constant 0 : i32
      %dma_wait3A_129 = tpu.memref_slice %arg25[%mul3A_58, %dma_wait3A_128] : memref<51200x32xf32, #tpu.memory_space<vmem_shared>> -> memref<3200x32xf32, #tpu.memory_space<vmem_shared>>
      %dma_wait3A_130 = arith.constant 0 : i32
      %dma_wait3A_131 = tpu.memref_slice %arg5[%mul3A_56, %dma_wait3A_130] : memref<51200x32xf32, #tpu.memory_space<hbm>> -> memref<3200x32xf32, #tpu.memory_space<hbm>>
      tpu.wait_dma2 semaphore(%run_scoped3A : memref<!tpu.dma_semaphore, #tpu.memory_space<semaphore_mem>>) src(%dma_wait3A_131 : memref<3200x32xf32, #tpu.memory_space<hbm>>) dst(%dma_wait3A_129 : memref<3200x32xf32, #tpu.memory_space<vmem_shared>>)
      tpu.yield
    }) : () -> ()
    %barrier3A = arith.constant 0 : index
    tpu.barrier barrier_id(%barrier3A)
    %scan3A = arith.constant 0 : i32
    %scan3A_59 = arith.constant 0 : i32
    %scan3A_60 = arith.constant 98 : i32
    %scan3A_61 = arith.addi %scan3A_59, %scan3A_60 : i32
    %scan3A_62 = arith.constant 1 : i32
    scf.for %scan3A_124 = %scan3A_59 to %scan3A_61 step %scan3A_62  : i32 {
      %dma_wait3A_125 = arith.constant 0 : i32
      %dma_wait3A_126 = arith.constant 0 : i32
      %dma_wait3A_127 = tpu.memref_slice %arg2[%dma_wait3A_125, %dma_wait3A_126] : memref<6272x128xi32, #tpu.memory_space<hbm>> -> memref<1x128xi32, #tpu.memory_space<hbm>>
      %dma_wait3A_128 = tpu.memref_squeeze %dma_wait3A_127 : memref<1x128xi32, #tpu.memory_space<hbm>> -> memref<128xi32, #tpu.memory_space<hbm>>
      %dma_wait3A_129 = arith.constant 0 : i32
      %dma_wait3A_130 = tpu.memref_slice %arg2[%dma_wait3A_125, %dma_wait3A_129] : memref<6272x128xi32, #tpu.memory_space<hbm>> -> memref<1x128xi32, #tpu.memory_space<hbm>>
      %dma_wait3A_131 = tpu.memref_squeeze %dma_wait3A_130 : memref<1x128xi32, #tpu.memory_space<hbm>> -> memref<128xi32, #tpu.memory_space<hbm>>
      tpu.wait_dma2 semaphore(%arg19 : memref<!tpu.dma_semaphore, #tpu.memory_space<semaphore_mem>>) src(%dma_wait3A_131 : memref<128xi32, #tpu.memory_space<hbm>>) dst(%arg7 : memref<128xi32, #tpu.memory_space<vmem>>)
      %dma_wait3A_132 = arith.constant 0 : i32
      %dma_wait3A_133 = arith.constant 0 : i32
      %dma_wait3A_134 = tpu.memref_slice %arg3[%dma_wait3A_132, %dma_wait3A_133] : memref<6272x128xi32, #tpu.memory_space<hbm>> -> memref<1x128xi32, #tpu.memory_space<hbm>>
      %dma_wait3A_135 = tpu.memref_squeeze %dma_wait3A_134 : memref<1x128xi32, #tpu.memory_space<hbm>> -> memref<128xi32, #tpu.memory_space<hbm>>
      %dma_wait3A_136 = arith.constant 0 : i32
      %dma_wait3A_137 = tpu.memref_slice %arg3[%dma_wait3A_132, %dma_wait3A_136] : memref<6272x128xi32, #tpu.memory_space<hbm>> -> memref<1x128xi32, #tpu.memory_space<hbm>>
      %dma_wait3A_138 = tpu.memref_squeeze %dma_wait3A_137 : memref<1x128xi32, #tpu.memory_space<hbm>> -> memref<128xi32, #tpu.memory_space<hbm>>
      tpu.wait_dma2 semaphore(%arg19 : memref<!tpu.dma_semaphore, #tpu.memory_space<semaphore_mem>>) src(%dma_wait3A_138 : memref<128xi32, #tpu.memory_space<hbm>>) dst(%arg8 : memref<128xi32, #tpu.memory_space<vmem>>)
      %dma_start3A_139 = arith.constant 0 : i32
      %dma_start3A_140 = arith.constant 0 : i32
      %dma_start3A_141 = tpu.memref_slice %arg4[%arg0, %dma_start3A_139, %dma_start3A_140] : memref<2x51200x32xf32, #tpu.memory_space<hbm>> -> memref<1x51200x32xf32, #tpu.memory_space<hbm>>
      %dma_start3A_142 = tpu.memref_squeeze %dma_start3A_141 : memref<1x51200x32xf32, #tpu.memory_space<hbm>> -> memref<51200x32xf32, #tpu.memory_space<hbm>>
      %dma_start3A_143 = arith.constant 0 : i32
      %dma_start3A_144 = arith.constant 0 : i32
      %dma_start3A_145 = tpu.memref_slice %dma_start3A_142[%dma_start3A_143, %dma_start3A_144] : memref<51200x32xf32, #tpu.memory_space<hbm>> -> memref<51200x32xf32, #tpu.memory_space<hbm>>
      tpu.enqueue_indirect_dma source(%dma_start3A_145 : memref<51200x32xf32, #tpu.memory_space<hbm>>) target(%arg15 : memref<128x32xf32, #tpu.memory_space<vmem>>) offsets(%arg7 : memref<128xi32, #tpu.memory_space<vmem>>) semaphore(%arg23 : memref<!tpu.dma_semaphore, #tpu.memory_space<semaphore_mem>>)
      %dma_wait3A_146 = arith.constant 0 : i32
      %dma_wait3A_147 = arith.constant 0 : i32
      %dma_wait3A_148 = tpu.memref_slice %arg2[%dma_wait3A_146, %dma_wait3A_147] : memref<6272x128xi32, #tpu.memory_space<hbm>> -> memref<1x128xi32, #tpu.memory_space<hbm>>
      %dma_wait3A_149 = tpu.memref_squeeze %dma_wait3A_148 : memref<1x128xi32, #tpu.memory_space<hbm>> -> memref<128xi32, #tpu.memory_space<hbm>>
      %dma_wait3A_150 = arith.constant 0 : i32
      %dma_wait3A_151 = tpu.memref_slice %arg2[%dma_wait3A_146, %dma_wait3A_150] : memref<6272x128xi32, #tpu.memory_space<hbm>> -> memref<1x128xi32, #tpu.memory_space<hbm>>
      %dma_wait3A_152 = tpu.memref_squeeze %dma_wait3A_151 : memref<1x128xi32, #tpu.memory_space<hbm>> -> memref<128xi32, #tpu.memory_space<hbm>>
      tpu.wait_dma2 semaphore(%arg20 : memref<!tpu.dma_semaphore, #tpu.memory_space<semaphore_mem>>) src(%dma_wait3A_152 : memref<128xi32, #tpu.memory_space<hbm>>) dst(%arg9 : memref<128xi32, #tpu.memory_space<vmem>>)
      %dma_wait3A_153 = arith.constant 0 : i32
      %dma_wait3A_154 = arith.constant 0 : i32
      %dma_wait3A_155 = tpu.memref_slice %arg3[%dma_wait3A_153, %dma_wait3A_154] : memref<6272x128xi32, #tpu.memory_space<hbm>> -> memref<1x128xi32, #tpu.memory_space<hbm>>
      %dma_wait3A_156 = tpu.memref_squeeze %dma_wait3A_155 : memref<1x128xi32, #tpu.memory_space<hbm>> -> memref<128xi32, #tpu.memory_space<hbm>>
      %dma_wait3A_157 = arith.constant 0 : i32
      %dma_wait3A_158 = tpu.memref_slice %arg3[%dma_wait3A_153, %dma_wait3A_157] : memref<6272x128xi32, #tpu.memory_space<hbm>> -> memref<1x128xi32, #tpu.memory_space<hbm>>
      %dma_wait3A_159 = tpu.memref_squeeze %dma_wait3A_158 : memref<1x128xi32, #tpu.memory_space<hbm>> -> memref<128xi32, #tpu.memory_space<hbm>>
      tpu.wait_dma2 semaphore(%arg20 : memref<!tpu.dma_semaphore, #tpu.memory_space<semaphore_mem>>) src(%dma_wait3A_159 : memref<128xi32, #tpu.memory_space<hbm>>) dst(%arg10 : memref<128xi32, #tpu.memory_space<vmem>>)
      %dma_start3A_160 = arith.constant 0 : i32
      %dma_start3A_161 = arith.constant 0 : i32
      %dma_start3A_162 = tpu.memref_slice %arg4[%arg0, %dma_start3A_160, %dma_start3A_161] : memref<2x51200x32xf32, #tpu.memory_space<hbm>> -> memref<1x51200x32xf32, #tpu.memory_space<hbm>>
      %dma_start3A_163 = tpu.memref_squeeze %dma_start3A_162 : memref<1x51200x32xf32, #tpu.memory_space<hbm>> -> memref<51200x32xf32, #tpu.memory_space<hbm>>
      %dma_start3A_164 = arith.constant 0 : i32
      %dma_start3A_165 = arith.constant 0 : i32
      %dma_start3A_166 = tpu.memref_slice %dma_start3A_163[%dma_start3A_164, %dma_start3A_165] : memref<51200x32xf32, #tpu.memory_space<hbm>> -> memref<51200x32xf32, #tpu.memory_space<hbm>>
      tpu.enqueue_indirect_dma source(%dma_start3A_166 : memref<51200x32xf32, #tpu.memory_space<hbm>>) target(%arg16 : memref<128x32xf32, #tpu.memory_space<vmem>>) offsets(%arg9 : memref<128xi32, #tpu.memory_space<vmem>>) semaphore(%arg23 : memref<!tpu.dma_semaphore, #tpu.memory_space<semaphore_mem>>)
      %dma_wait3A_167 = arith.constant 0 : i32
      %dma_wait3A_168 = arith.constant 0 : i32
      %dma_wait3A_169 = tpu.memref_slice %arg2[%dma_wait3A_167, %dma_wait3A_168] : memref<6272x128xi32, #tpu.memory_space<hbm>> -> memref<1x128xi32, #tpu.memory_space<hbm>>
      %dma_wait3A_170 = tpu.memref_squeeze %dma_wait3A_169 : memref<1x128xi32, #tpu.memory_space<hbm>> -> memref<128xi32, #tpu.memory_space<hbm>>
      %dma_wait3A_171 = arith.constant 0 : i32
      %dma_wait3A_172 = tpu.memref_slice %arg2[%dma_wait3A_167, %dma_wait3A_171] : memref<6272x128xi32, #tpu.memory_space<hbm>> -> memref<1x128xi32, #tpu.memory_space<hbm>>
      %dma_wait3A_173 = tpu.memref_squeeze %dma_wait3A_172 : memref<1x128xi32, #tpu.memory_space<hbm>> -> memref<128xi32, #tpu.memory_space<hbm>>
      tpu.wait_dma2 semaphore(%arg21 : memref<!tpu.dma_semaphore, #tpu.memory_space<semaphore_mem>>) src(%dma_wait3A_173 : memref<128xi32, #tpu.memory_space<hbm>>) dst(%arg11 : memref<128xi32, #tpu.memory_space<vmem>>)
      %dma_wait3A_174 = arith.constant 0 : i32
      %dma_wait3A_175 = arith.constant 0 : i32
      %dma_wait3A_176 = tpu.memref_slice %arg3[%dma_wait3A_174, %dma_wait3A_175] : memref<6272x128xi32, #tpu.memory_space<hbm>> -> memref<1x128xi32, #tpu.memory_space<hbm>>
      %dma_wait3A_177 = tpu.memref_squeeze %dma_wait3A_176 : memref<1x128xi32, #tpu.memory_space<hbm>> -> memref<128xi32, #tpu.memory_space<hbm>>
      %dma_wait3A_178 = arith.constant 0 : i32
      %dma_wait3A_179 = tpu.memref_slice %arg3[%dma_wait3A_174, %dma_wait3A_178] : memref<6272x128xi32, #tpu.memory_space<hbm>> -> memref<1x128xi32, #tpu.memory_space<hbm>>
      %dma_wait3A_180 = tpu.memref_squeeze %dma_wait3A_179 : memref<1x128xi32, #tpu.memory_space<hbm>> -> memref<128xi32, #tpu.memory_space<hbm>>
      tpu.wait_dma2 semaphore(%arg21 : memref<!tpu.dma_semaphore, #tpu.memory_space<semaphore_mem>>) src(%dma_wait3A_180 : memref<128xi32, #tpu.memory_space<hbm>>) dst(%arg12 : memref<128xi32, #tpu.memory_space<vmem>>)
      %dma_start3A_181 = arith.constant 0 : i32
      %dma_start3A_182 = arith.constant 0 : i32
      %dma_start3A_183 = tpu.memref_slice %arg4[%arg0, %dma_start3A_181, %dma_start3A_182] : memref<2x51200x32xf32, #tpu.memory_space<hbm>> -> memref<1x51200x32xf32, #tpu.memory_space<hbm>>
      %dma_start3A_184 = tpu.memref_squeeze %dma_start3A_183 : memref<1x51200x32xf32, #tpu.memory_space<hbm>> -> memref<51200x32xf32, #tpu.memory_space<hbm>>
      %dma_start3A_185 = arith.constant 0 : i32
      %dma_start3A_186 = arith.constant 0 : i32
      %dma_start3A_187 = tpu.memref_slice %dma_start3A_184[%dma_start3A_185, %dma_start3A_186] : memref<51200x32xf32, #tpu.memory_space<hbm>> -> memref<51200x32xf32, #tpu.memory_space<hbm>>
      tpu.enqueue_indirect_dma source(%dma_start3A_187 : memref<51200x32xf32, #tpu.memory_space<hbm>>) target(%arg17 : memref<128x32xf32, #tpu.memory_space<vmem>>) offsets(%arg11 : memref<128xi32, #tpu.memory_space<vmem>>) semaphore(%arg23 : memref<!tpu.dma_semaphore, #tpu.memory_space<semaphore_mem>>)
      %dma_wait3A_188 = arith.constant 0 : i32
      %dma_wait3A_189 = arith.constant 0 : i32
      %dma_wait3A_190 = tpu.memref_slice %arg2[%dma_wait3A_188, %dma_wait3A_189] : memref<6272x128xi32, #tpu.memory_space<hbm>> -> memref<1x128xi32, #tpu.memory_space<hbm>>
      %dma_wait3A_191 = tpu.memref_squeeze %dma_wait3A_190 : memref<1x128xi32, #tpu.memory_space<hbm>> -> memref<128xi32, #tpu.memory_space<hbm>>
      %dma_wait3A_192 = arith.constant 0 : i32
      %dma_wait3A_193 = tpu.memref_slice %arg2[%dma_wait3A_188, %dma_wait3A_192] : memref<6272x128xi32, #tpu.memory_space<hbm>> -> memref<1x128xi32, #tpu.memory_space<hbm>>
      %dma_wait3A_194 = tpu.memref_squeeze %dma_wait3A_193 : memref<1x128xi32, #tpu.memory_space<hbm>> -> memref<128xi32, #tpu.memory_space<hbm>>
      tpu.wait_dma2 semaphore(%arg22 : memref<!tpu.dma_semaphore, #tpu.memory_space<semaphore_mem>>) src(%dma_wait3A_194 : memref<128xi32, #tpu.memory_space<hbm>>) dst(%arg13 : memref<128xi32, #tpu.memory_space<vmem>>)
      %dma_wait3A_195 = arith.constant 0 : i32
      %dma_wait3A_196 = arith.constant 0 : i32
      %dma_wait3A_197 = tpu.memref_slice %arg3[%dma_wait3A_195, %dma_wait3A_196] : memref<6272x128xi32, #tpu.memory_space<hbm>> -> memref<1x128xi32, #tpu.memory_space<hbm>>
      %dma_wait3A_198 = tpu.memref_squeeze %dma_wait3A_197 : memref<1x128xi32, #tpu.memory_space<hbm>> -> memref<128xi32, #tpu.memory_space<hbm>>
      %dma_wait3A_199 = arith.constant 0 : i32
      %dma_wait3A_200 = tpu.memref_slice %arg3[%dma_wait3A_195, %dma_wait3A_199] : memref<6272x128xi32, #tpu.memory_space<hbm>> -> memref<1x128xi32, #tpu.memory_space<hbm>>
      %dma_wait3A_201 = tpu.memref_squeeze %dma_wait3A_200 : memref<1x128xi32, #tpu.memory_space<hbm>> -> memref<128xi32, #tpu.memory_space<hbm>>
      tpu.wait_dma2 semaphore(%arg22 : memref<!tpu.dma_semaphore, #tpu.memory_space<semaphore_mem>>) src(%dma_wait3A_201 : memref<128xi32, #tpu.memory_space<hbm>>) dst(%arg14 : memref<128xi32, #tpu.memory_space<vmem>>)
      %dma_start3A_202 = arith.constant 0 : i32
      %dma_start3A_203 = arith.constant 0 : i32
      %dma_start3A_204 = tpu.memref_slice %arg4[%arg0, %dma_start3A_202, %dma_start3A_203] : memref<2x51200x32xf32, #tpu.memory_space<hbm>> -> memref<1x51200x32xf32, #tpu.memory_space<hbm>>
      %dma_start3A_205 = tpu.memref_squeeze %dma_start3A_204 : memref<1x51200x32xf32, #tpu.memory_space<hbm>> -> memref<51200x32xf32, #tpu.memory_space<hbm>>
      %dma_start3A_206 = arith.constant 0 : i32
      %dma_start3A_207 = arith.constant 0 : i32
      %dma_start3A_208 = tpu.memref_slice %dma_start3A_205[%dma_start3A_206, %dma_start3A_207] : memref<51200x32xf32, #tpu.memory_space<hbm>> -> memref<51200x32xf32, #tpu.memory_space<hbm>>
      tpu.enqueue_indirect_dma source(%dma_start3A_208 : memref<51200x32xf32, #tpu.memory_space<hbm>>) target(%arg18 : memref<128x32xf32, #tpu.memory_space<vmem>>) offsets(%arg13 : memref<128xi32, #tpu.memory_space<vmem>>) semaphore(%arg23 : memref<!tpu.dma_semaphore, #tpu.memory_space<semaphore_mem>>)
      %dma_wait3A_209 = arith.constant 0 : i32
      %dma_wait3A_210 = arith.constant 0 : i32
      %dma_wait3A_211 = tpu.memref_slice %arg4[%arg0, %dma_wait3A_209, %dma_wait3A_210] : memref<2x51200x32xf32, #tpu.memory_space<hbm>> -> memref<1x51200x32xf32, #tpu.memory_space<hbm>>
      %dma_wait3A_212 = tpu.memref_squeeze %dma_wait3A_211 : memref<1x51200x32xf32, #tpu.memory_space<hbm>> -> memref<51200x32xf32, #tpu.memory_space<hbm>>
      %dma_wait3A_213 = arith.constant 0 : i32
      %dma_wait3A_214 = arith.constant 0 : i32
      %dma_wait3A_215 = tpu.memref_slice %dma_wait3A_212[%dma_wait3A_213, %dma_wait3A_214] : memref<51200x32xf32, #tpu.memory_space<hbm>> -> memref<51200x32xf32, #tpu.memory_space<hbm>>
      tpu.wait_indirect_dma semaphore(%arg23 : memref<!tpu.dma_semaphore, #tpu.memory_space<semaphore_mem>>) src(%dma_wait3A_215 : memref<51200x32xf32, #tpu.memory_space<hbm>>) dst(%arg15 : memref<128x32xf32, #tpu.memory_space<vmem>>)
      %dma_start3A_216 = arith.constant 0 : i32
      %dma_start3A_217 = arith.constant 0 : i32
      %dma_start3A_218 = tpu.memref_slice %arg25[%dma_start3A_216, %dma_start3A_217] : memref<51200x32xf32, #tpu.memory_space<vmem_shared>> -> memref<51200x32xf32, #tpu.memory_space<vmem_shared>>
      tpu.enqueue_indirect_dma source(%arg15 : memref<128x32xf32, #tpu.memory_space<vmem>>) target(%dma_start3A_218 : memref<51200x32xf32, #tpu.memory_space<vmem_shared>>) offsets(%arg8 : memref<128xi32, #tpu.memory_space<vmem>>) semaphore(%arg24 : memref<!tpu.dma_semaphore, #tpu.memory_space<semaphore_mem>>) {add = true}
      %dma_wait3A_219 = arith.constant 0 : i32
      %dma_wait3A_220 = arith.constant 0 : i32
      %dma_wait3A_221 = tpu.memref_slice %arg4[%arg0, %dma_wait3A_219, %dma_wait3A_220] : memref<2x51200x32xf32, #tpu.memory_space<hbm>> -> memref<1x51200x32xf32, #tpu.memory_space<hbm>>
      %dma_wait3A_222 = tpu.memref_squeeze %dma_wait3A_221 : memref<1x51200x32xf32, #tpu.memory_space<hbm>> -> memref<51200x32xf32, #tpu.memory_space<hbm>>
      %dma_wait3A_223 = arith.constant 0 : i32
      %dma_wait3A_224 = arith.constant 0 : i32
      %dma_wait3A_225 = tpu.memref_slice %dma_wait3A_222[%dma_wait3A_223, %dma_wait3A_224] : memref<51200x32xf32, #tpu.memory_space<hbm>> -> memref<51200x32xf32, #tpu.memory_space<hbm>>
      tpu.wait_indirect_dma semaphore(%arg23 : memref<!tpu.dma_semaphore, #tpu.memory_space<semaphore_mem>>) src(%dma_wait3A_225 : memref<51200x32xf32, #tpu.memory_space<hbm>>) dst(%arg16 : memref<128x32xf32, #tpu.memory_space<vmem>>)
      %dma_start3A_226 = arith.constant 0 : i32
      %dma_start3A_227 = arith.constant 0 : i32
      %dma_start3A_228 = tpu.memref_slice %arg25[%dma_start3A_226, %dma_start3A_227] : memref<51200x32xf32, #tpu.memory_space<vmem_shared>> -> memref<51200x32xf32, #tpu.memory_space<vmem_shared>>
      tpu.enqueue_indirect_dma source(%arg16 : memref<128x32xf32, #tpu.memory_space<vmem>>) target(%dma_start3A_228 : memref<51200x32xf32, #tpu.memory_space<vmem_shared>>) offsets(%arg10 : memref<128xi32, #tpu.memory_space<vmem>>) semaphore(%arg24 : memref<!tpu.dma_semaphore, #tpu.memory_space<semaphore_mem>>) {add = true}
      %dma_wait3A_229 = arith.constant 0 : i32
      %dma_wait3A_230 = arith.constant 0 : i32
      %dma_wait3A_231 = tpu.memref_slice %arg4[%arg0, %dma_wait3A_229, %dma_wait3A_230] : memref<2x51200x32xf32, #tpu.memory_space<hbm>> -> memref<1x51200x32xf32, #tpu.memory_space<hbm>>
      %dma_wait3A_232 = tpu.memref_squeeze %dma_wait3A_231 : memref<1x51200x32xf32, #tpu.memory_space<hbm>> -> memref<51200x32xf32, #tpu.memory_space<hbm>>
      %dma_wait3A_233 = arith.constant 0 : i32
      %dma_wait3A_234 = arith.constant 0 : i32
      %dma_wait3A_235 = tpu.memref_slice %dma_wait3A_232[%dma_wait3A_233, %dma_wait3A_234] : memref<51200x32xf32, #tpu.memory_space<hbm>> -> memref<51200x32xf32, #tpu.memory_space<hbm>>
      tpu.wait_indirect_dma semaphore(%arg23 : memref<!tpu.dma_semaphore, #tpu.memory_space<semaphore_mem>>) src(%dma_wait3A_235 : memref<51200x32xf32, #tpu.memory_space<hbm>>) dst(%arg17 : memref<128x32xf32, #tpu.memory_space<vmem>>)
      %dma_start3A_236 = arith.constant 0 : i32
      %dma_start3A_237 = arith.constant 0 : i32
      %dma_start3A_238 = tpu.memref_slice %arg25[%dma_start3A_236, %dma_start3A_237] : memref<51200x32xf32, #tpu.memory_space<vmem_shared>> -> memref<51200x32xf32, #tpu.memory_space<vmem_shared>>
      tpu.enqueue_indirect_dma source(%arg17 : memref<128x32xf32, #tpu.memory_space<vmem>>) target(%dma_start3A_238 : memref<51200x32xf32, #tpu.memory_space<vmem_shared>>) offsets(%arg12 : memref<128xi32, #tpu.memory_space<vmem>>) semaphore(%arg24 : memref<!tpu.dma_semaphore, #tpu.memory_space<semaphore_mem>>) {add = true}
      %dma_wait3A_239 = arith.constant 0 : i32
      %dma_wait3A_240 = arith.constant 0 : i32
      %dma_wait3A_241 = tpu.memref_slice %arg4[%arg0, %dma_wait3A_239, %dma_wait3A_240] : memref<2x51200x32xf32, #tpu.memory_space<hbm>> -> memref<1x51200x32xf32, #tpu.memory_space<hbm>>
      %dma_wait3A_242 = tpu.memref_squeeze %dma_wait3A_241 : memref<1x51200x32xf32, #tpu.memory_space<hbm>> -> memref<51200x32xf32, #tpu.memory_space<hbm>>
      %dma_wait3A_243 = arith.constant 0 : i32
      %dma_wait3A_244 = arith.constant 0 : i32
      %dma_wait3A_245 = tpu.memref_slice %dma_wait3A_242[%dma_wait3A_243, %dma_wait3A_244] : memref<51200x32xf32, #tpu.memory_space<hbm>> -> memref<51200x32xf32, #tpu.memory_space<hbm>>
      tpu.wait_indirect_dma semaphore(%arg23 : memref<!tpu.dma_semaphore, #tpu.memory_space<semaphore_mem>>) src(%dma_wait3A_245 : memref<51200x32xf32, #tpu.memory_space<hbm>>) dst(%arg18 : memref<128x32xf32, #tpu.memory_space<vmem>>)
      %dma_start3A_246 = arith.constant 0 : i32
      %dma_start3A_247 = arith.constant 0 : i32
      %dma_start3A_248 = tpu.memref_slice %arg25[%dma_start3A_246, %dma_start3A_247] : memref<51200x32xf32, #tpu.memory_space<vmem_shared>> -> memref<51200x32xf32, #tpu.memory_space<vmem_shared>>
      tpu.enqueue_indirect_dma source(%arg18 : memref<128x32xf32, #tpu.memory_space<vmem>>) target(%dma_start3A_248 : memref<51200x32xf32, #tpu.memory_space<vmem_shared>>) offsets(%arg14 : memref<128xi32, #tpu.memory_space<vmem>>) semaphore(%arg24 : memref<!tpu.dma_semaphore, #tpu.memory_space<semaphore_mem>>) {add = true}
      %dma_wait3A_249 = arith.constant 0 : i32
      %dma_wait3A_250 = arith.constant 0 : i32
      %dma_wait3A_251 = tpu.memref_slice %arg25[%dma_wait3A_249, %dma_wait3A_250] : memref<51200x32xf32, #tpu.memory_space<vmem_shared>> -> memref<51200x32xf32, #tpu.memory_space<vmem_shared>>
      tpu.wait_indirect_dma semaphore(%arg24 : memref<!tpu.dma_semaphore, #tpu.memory_space<semaphore_mem>>) src(%arg15 : memref<128x32xf32, #tpu.memory_space<vmem>>) dst(%dma_wait3A_251 : memref<51200x32xf32, #tpu.memory_space<vmem_shared>>)
      %mul3A_252 = arith.constant 4 : i32
      %mul3A_253 = arith.muli %mul3A_252, %scan3A_124 : i32
      %add3A_254 = arith.constant 0 : i32
      %add3A_255 = arith.addi %mul3A_253, %add3A_254 : i32
      %add3A_256 = arith.constant 4 : i32
      %add3A_257 = arith.addi %add3A_255, %add3A_256 : i32
      %rem3A = arith.constant 392 : i32
      %rem3A_258 = arith.remsi %add3A_257, %rem3A : i32
      %add3A_259 = arith.addi %mul3A_0, %rem3A_258 : i32
      %dma_start3A_260 = arith.constant 0 : i32
      %dma_start3A_261 = tpu.memref_slice %arg2[%add3A_259, %dma_start3A_260] : memref<6272x128xi32, #tpu.memory_space<hbm>> -> memref<1x128xi32, #tpu.memory_space<hbm>>
      %dma_start3A_262 = tpu.memref_squeeze %dma_start3A_261 : memref<1x128xi32, #tpu.memory_space<hbm>> -> memref<128xi32, #tpu.memory_space<hbm>>
      %dma_start3A_263 = arith.constant 0 : i32
      %dma_start3A_264 = tpu.memref_slice %arg2[%add3A_259, %dma_start3A_263] : memref<6272x128xi32, #tpu.memory_space<hbm>> -> memref<1x128xi32, #tpu.memory_space<hbm>>
      %dma_start3A_265 = tpu.memref_squeeze %dma_start3A_264 : memref<1x128xi32, #tpu.memory_space<hbm>> -> memref<128xi32, #tpu.memory_space<hbm>>
      tpu.enqueue_dma source(%dma_start3A_265 : memref<128xi32, #tpu.memory_space<hbm>>) target(%arg7 : memref<128xi32, #tpu.memory_space<vmem>>) target_semaphore(%arg19 : memref<!tpu.dma_semaphore, #tpu.memory_space<semaphore_mem>>)
      %dma_start3A_266 = arith.constant 0 : i32
      %dma_start3A_267 = tpu.memref_slice %arg3[%add3A_259, %dma_start3A_266] : memref<6272x128xi32, #tpu.memory_space<hbm>> -> memref<1x128xi32, #tpu.memory_space<hbm>>
      %dma_start3A_268 = tpu.memref_squeeze %dma_start3A_267 : memref<1x128xi32, #tpu.memory_space<hbm>> -> memref<128xi32, #tpu.memory_space<hbm>>
      %dma_start3A_269 = arith.constant 0 : i32
      %dma_start3A_270 = tpu.memref_slice %arg3[%add3A_259, %dma_start3A_269] : memref<6272x128xi32, #tpu.memory_space<hbm>> -> memref<1x128xi32, #tpu.memory_space<hbm>>
      %dma_start3A_271 = tpu.memref_squeeze %dma_start3A_270 : memref<1x128xi32, #tpu.memory_space<hbm>> -> memref<128xi32, #tpu.memory_space<hbm>>
      tpu.enqueue_dma source(%dma_start3A_271 : memref<128xi32, #tpu.memory_space<hbm>>) target(%arg8 : memref<128xi32, #tpu.memory_space<vmem>>) target_semaphore(%arg19 : memref<!tpu.dma_semaphore, #tpu.memory_space<semaphore_mem>>)
      %dma_wait3A_272 = arith.constant 0 : i32
      %dma_wait3A_273 = arith.constant 0 : i32
      %dma_wait3A_274 = tpu.memref_slice %arg25[%dma_wait3A_272, %dma_wait3A_273] : memref<51200x32xf32, #tpu.memory_space<vmem_shared>> -> memref<51200x32xf32, #tpu.memory_space<vmem_shared>>
      tpu.wait_indirect_dma semaphore(%arg24 : memref<!tpu.dma_semaphore, #tpu.memory_space<semaphore_mem>>) src(%arg16 : memref<128x32xf32, #tpu.memory_space<vmem>>) dst(%dma_wait3A_274 : memref<51200x32xf32, #tpu.memory_space<vmem_shared>>)
      %mul3A_275 = arith.constant 4 : i32
      %mul3A_276 = arith.muli %mul3A_275, %scan3A_124 : i32
      %add3A_277 = arith.constant 1 : i32
      %add3A_278 = arith.addi %mul3A_276, %add3A_277 : i32
      %add3A_279 = arith.constant 4 : i32
      %add3A_280 = arith.addi %add3A_278, %add3A_279 : i32
      %rem3A_281 = arith.constant 392 : i32
      %rem3A_282 = arith.remsi %add3A_280, %rem3A_281 : i32
      %add3A_283 = arith.addi %mul3A_0, %rem3A_282 : i32
      %dma_start3A_284 = arith.constant 0 : i32
      %dma_start3A_285 = tpu.memref_slice %arg2[%add3A_283, %dma_start3A_284] : memref<6272x128xi32, #tpu.memory_space<hbm>> -> memref<1x128xi32, #tpu.memory_space<hbm>>
      %dma_start3A_286 = tpu.memref_squeeze %dma_start3A_285 : memref<1x128xi32, #tpu.memory_space<hbm>> -> memref<128xi32, #tpu.memory_space<hbm>>
      %dma_start3A_287 = arith.constant 0 : i32
      %dma_start3A_288 = tpu.memref_slice %arg2[%add3A_283, %dma_start3A_287] : memref<6272x128xi32, #tpu.memory_space<hbm>> -> memref<1x128xi32, #tpu.memory_space<hbm>>
      %dma_start3A_289 = tpu.memref_squeeze %dma_start3A_288 : memref<1x128xi32, #tpu.memory_space<hbm>> -> memref<128xi32, #tpu.memory_space<hbm>>
      tpu.enqueue_dma source(%dma_start3A_289 : memref<128xi32, #tpu.memory_space<hbm>>) target(%arg9 : memref<128xi32, #tpu.memory_space<vmem>>) target_semaphore(%arg20 : memref<!tpu.dma_semaphore, #tpu.memory_space<semaphore_mem>>)
      %dma_start3A_290 = arith.constant 0 : i32
      %dma_start3A_291 = tpu.memref_slice %arg3[%add3A_283, %dma_start3A_290] : memref<6272x128xi32, #tpu.memory_space<hbm>> -> memref<1x128xi32, #tpu.memory_space<hbm>>
      %dma_start3A_292 = tpu.memref_squeeze %dma_start3A_291 : memref<1x128xi32, #tpu.memory_space<hbm>> -> memref<128xi32, #tpu.memory_space<hbm>>
      %dma_start3A_293 = arith.constant 0 : i32
      %dma_start3A_294 = tpu.memref_slice %arg3[%add3A_283, %dma_start3A_293] : memref<6272x128xi32, #tpu.memory_space<hbm>> -> memref<1x128xi32, #tpu.memory_space<hbm>>
      %dma_start3A_295 = tpu.memref_squeeze %dma_start3A_294 : memref<1x128xi32, #tpu.memory_space<hbm>> -> memref<128xi32, #tpu.memory_space<hbm>>
      tpu.enqueue_dma source(%dma_start3A_295 : memref<128xi32, #tpu.memory_space<hbm>>) target(%arg10 : memref<128xi32, #tpu.memory_space<vmem>>) target_semaphore(%arg20 : memref<!tpu.dma_semaphore, #tpu.memory_space<semaphore_mem>>)
      %dma_wait3A_296 = arith.constant 0 : i32
      %dma_wait3A_297 = arith.constant 0 : i32
      %dma_wait3A_298 = tpu.memref_slice %arg25[%dma_wait3A_296, %dma_wait3A_297] : memref<51200x32xf32, #tpu.memory_space<vmem_shared>> -> memref<51200x32xf32, #tpu.memory_space<vmem_shared>>
      tpu.wait_indirect_dma semaphore(%arg24 : memref<!tpu.dma_semaphore, #tpu.memory_space<semaphore_mem>>) src(%arg17 : memref<128x32xf32, #tpu.memory_space<vmem>>) dst(%dma_wait3A_298 : memref<51200x32xf32, #tpu.memory_space<vmem_shared>>)
      %mul3A_299 = arith.constant 4 : i32
      %mul3A_300 = arith.muli %mul3A_299, %scan3A_124 : i32
      %add3A_301 = arith.constant 2 : i32
      %add3A_302 = arith.addi %mul3A_300, %add3A_301 : i32
      %add3A_303 = arith.constant 4 : i32
      %add3A_304 = arith.addi %add3A_302, %add3A_303 : i32
      %rem3A_305 = arith.constant 392 : i32
      %rem3A_306 = arith.remsi %add3A_304, %rem3A_305 : i32
      %add3A_307 = arith.addi %mul3A_0, %rem3A_306 : i32
      %dma_start3A_308 = arith.constant 0 : i32
      %dma_start3A_309 = tpu.memref_slice %arg2[%add3A_307, %dma_start3A_308] : memref<6272x128xi32, #tpu.memory_space<hbm>> -> memref<1x128xi32, #tpu.memory_space<hbm>>
      %dma_start3A_310 = tpu.memref_squeeze %dma_start3A_309 : memref<1x128xi32, #tpu.memory_space<hbm>> -> memref<128xi32, #tpu.memory_space<hbm>>
      %dma_start3A_311 = arith.constant 0 : i32
      %dma_start3A_312 = tpu.memref_slice %arg2[%add3A_307, %dma_start3A_311] : memref<6272x128xi32, #tpu.memory_space<hbm>> -> memref<1x128xi32, #tpu.memory_space<hbm>>
      %dma_start3A_313 = tpu.memref_squeeze %dma_start3A_312 : memref<1x128xi32, #tpu.memory_space<hbm>> -> memref<128xi32, #tpu.memory_space<hbm>>
      tpu.enqueue_dma source(%dma_start3A_313 : memref<128xi32, #tpu.memory_space<hbm>>) target(%arg11 : memref<128xi32, #tpu.memory_space<vmem>>) target_semaphore(%arg21 : memref<!tpu.dma_semaphore, #tpu.memory_space<semaphore_mem>>)
      %dma_start3A_314 = arith.constant 0 : i32
      %dma_start3A_315 = tpu.memref_slice %arg3[%add3A_307, %dma_start3A_314] : memref<6272x128xi32, #tpu.memory_space<hbm>> -> memref<1x128xi32, #tpu.memory_space<hbm>>
      %dma_start3A_316 = tpu.memref_squeeze %dma_start3A_315 : memref<1x128xi32, #tpu.memory_space<hbm>> -> memref<128xi32, #tpu.memory_space<hbm>>
      %dma_start3A_317 = arith.constant 0 : i32
      %dma_start3A_318 = tpu.memref_slice %arg3[%add3A_307, %dma_start3A_317] : memref<6272x128xi32, #tpu.memory_space<hbm>> -> memref<1x128xi32, #tpu.memory_space<hbm>>
      %dma_start3A_319 = tpu.memref_squeeze %dma_start3A_318 : memref<1x128xi32, #tpu.memory_space<hbm>> -> memref<128xi32, #tpu.memory_space<hbm>>
      tpu.enqueue_dma source(%dma_start3A_319 : memref<128xi32, #tpu.memory_space<hbm>>) target(%arg12 : memref<128xi32, #tpu.memory_space<vmem>>) target_semaphore(%arg21 : memref<!tpu.dma_semaphore, #tpu.memory_space<semaphore_mem>>)
      %dma_wait3A_320 = arith.constant 0 : i32
      %dma_wait3A_321 = arith.constant 0 : i32
      %dma_wait3A_322 = tpu.memref_slice %arg25[%dma_wait3A_320, %dma_wait3A_321] : memref<51200x32xf32, #tpu.memory_space<vmem_shared>> -> memref<51200x32xf32, #tpu.memory_space<vmem_shared>>
      tpu.wait_indirect_dma semaphore(%arg24 : memref<!tpu.dma_semaphore, #tpu.memory_space<semaphore_mem>>) src(%arg18 : memref<128x32xf32, #tpu.memory_space<vmem>>) dst(%dma_wait3A_322 : memref<51200x32xf32, #tpu.memory_space<vmem_shared>>)
      %mul3A_323 = arith.constant 4 : i32
      %mul3A_324 = arith.muli %mul3A_323, %scan3A_124 : i32
      %add3A_325 = arith.constant 3 : i32
      %add3A_326 = arith.addi %mul3A_324, %add3A_325 : i32
      %add3A_327 = arith.constant 4 : i32
      %add3A_328 = arith.addi %add3A_326, %add3A_327 : i32
      %rem3A_329 = arith.constant 392 : i32
      %rem3A_330 = arith.remsi %add3A_328, %rem3A_329 : i32
      %add3A_331 = arith.addi %mul3A_0, %rem3A_330 : i32
      %dma_start3A_332 = arith.constant 0 : i32
      %dma_start3A_333 = tpu.memref_slice %arg2[%add3A_331, %dma_start3A_332] : memref<6272x128xi32, #tpu.memory_space<hbm>> -> memref<1x128xi32, #tpu.memory_space<hbm>>
      %dma_start3A_334 = tpu.memref_squeeze %dma_start3A_333 : memref<1x128xi32, #tpu.memory_space<hbm>> -> memref<128xi32, #tpu.memory_space<hbm>>
      %dma_start3A_335 = arith.constant 0 : i32
      %dma_start3A_336 = tpu.memref_slice %arg2[%add3A_331, %dma_start3A_335] : memref<6272x128xi32, #tpu.memory_space<hbm>> -> memref<1x128xi32, #tpu.memory_space<hbm>>
      %dma_start3A_337 = tpu.memref_squeeze %dma_start3A_336 : memref<1x128xi32, #tpu.memory_space<hbm>> -> memref<128xi32, #tpu.memory_space<hbm>>
      tpu.enqueue_dma source(%dma_start3A_337 : memref<128xi32, #tpu.memory_space<hbm>>) target(%arg13 : memref<128xi32, #tpu.memory_space<vmem>>) target_semaphore(%arg22 : memref<!tpu.dma_semaphore, #tpu.memory_space<semaphore_mem>>)
      %dma_start3A_338 = arith.constant 0 : i32
      %dma_start3A_339 = tpu.memref_slice %arg3[%add3A_331, %dma_start3A_338] : memref<6272x128xi32, #tpu.memory_space<hbm>> -> memref<1x128xi32, #tpu.memory_space<hbm>>
      %dma_start3A_340 = tpu.memref_squeeze %dma_start3A_339 : memref<1x128xi32, #tpu.memory_space<hbm>> -> memref<128xi32, #tpu.memory_space<hbm>>
      %dma_start3A_341 = arith.constant 0 : i32
      %dma_start3A_342 = tpu.memref_slice %arg3[%add3A_331, %dma_start3A_341] : memref<6272x128xi32, #tpu.memory_space<hbm>> -> memref<1x128xi32, #tpu.memory_space<hbm>>
      %dma_start3A_343 = tpu.memref_squeeze %dma_start3A_342 : memref<1x128xi32, #tpu.memory_space<hbm>> -> memref<128xi32, #tpu.memory_space<hbm>>
      tpu.enqueue_dma source(%dma_start3A_343 : memref<128xi32, #tpu.memory_space<hbm>>) target(%arg14 : memref<128xi32, #tpu.memory_space<vmem>>) target_semaphore(%arg22 : memref<!tpu.dma_semaphore, #tpu.memory_space<semaphore_mem>>)
    }
    %scan3A_63 = arith.constant 98 : i32
    %dma_wait3A = arith.constant 0 : i32
    %dma_wait3A_64 = arith.constant 0 : i32
    %dma_wait3A_65 = tpu.memref_slice %arg2[%dma_wait3A, %dma_wait3A_64] : memref<6272x128xi32, #tpu.memory_space<hbm>> -> memref<1x128xi32, #tpu.memory_space<hbm>>
    %dma_wait3A_66 = tpu.memref_squeeze %dma_wait3A_65 : memref<1x128xi32, #tpu.memory_space<hbm>> -> memref<128xi32, #tpu.memory_space<hbm>>
    %dma_wait3A_67 = arith.constant 0 : i32
    %dma_wait3A_68 = tpu.memref_slice %arg2[%dma_wait3A, %dma_wait3A_67] : memref<6272x128xi32, #tpu.memory_space<hbm>> -> memref<1x128xi32, #tpu.memory_space<hbm>>
    %dma_wait3A_69 = tpu.memref_squeeze %dma_wait3A_68 : memref<1x128xi32, #tpu.memory_space<hbm>> -> memref<128xi32, #tpu.memory_space<hbm>>
    tpu.wait_dma2 semaphore(%arg19 : memref<!tpu.dma_semaphore, #tpu.memory_space<semaphore_mem>>) src(%dma_wait3A_69 : memref<128xi32, #tpu.memory_space<hbm>>) dst(%arg7 : memref<128xi32, #tpu.memory_space<vmem>>)
    %dma_wait3A_70 = arith.constant 0 : i32
    %dma_wait3A_71 = arith.constant 0 : i32
    %dma_wait3A_72 = tpu.memref_slice %arg3[%dma_wait3A_70, %dma_wait3A_71] : memref<6272x128xi32, #tpu.memory_space<hbm>> -> memref<1x128xi32, #tpu.memory_space<hbm>>
    %dma_wait3A_73 = tpu.memref_squeeze %dma_wait3A_72 : memref<1x128xi32, #tpu.memory_space<hbm>> -> memref<128xi32, #tpu.memory_space<hbm>>
    %dma_wait3A_74 = arith.constant 0 : i32
    %dma_wait3A_75 = tpu.memref_slice %arg3[%dma_wait3A_70, %dma_wait3A_74] : memref<6272x128xi32, #tpu.memory_space<hbm>> -> memref<1x128xi32, #tpu.memory_space<hbm>>
    %dma_wait3A_76 = tpu.memref_squeeze %dma_wait3A_75 : memref<1x128xi32, #tpu.memory_space<hbm>> -> memref<128xi32, #tpu.memory_space<hbm>>
    tpu.wait_dma2 semaphore(%arg19 : memref<!tpu.dma_semaphore, #tpu.memory_space<semaphore_mem>>) src(%dma_wait3A_76 : memref<128xi32, #tpu.memory_space<hbm>>) dst(%arg8 : memref<128xi32, #tpu.memory_space<vmem>>)
    %dma_wait3A_77 = arith.constant 0 : i32
    %dma_wait3A_78 = arith.constant 0 : i32
    %dma_wait3A_79 = tpu.memref_slice %arg2[%dma_wait3A_77, %dma_wait3A_78] : memref<6272x128xi32, #tpu.memory_space<hbm>> -> memref<1x128xi32, #tpu.memory_space<hbm>>
    %dma_wait3A_80 = tpu.memref_squeeze %dma_wait3A_79 : memref<1x128xi32, #tpu.memory_space<hbm>> -> memref<128xi32, #tpu.memory_space<hbm>>
    %dma_wait3A_81 = arith.constant 0 : i32
    %dma_wait3A_82 = tpu.memref_slice %arg2[%dma_wait3A_77, %dma_wait3A_81] : memref<6272x128xi32, #tpu.memory_space<hbm>> -> memref<1x128xi32, #tpu.memory_space<hbm>>
    %dma_wait3A_83 = tpu.memref_squeeze %dma_wait3A_82 : memref<1x128xi32, #tpu.memory_space<hbm>> -> memref<128xi32, #tpu.memory_space<hbm>>
    tpu.wait_dma2 semaphore(%arg20 : memref<!tpu.dma_semaphore, #tpu.memory_space<semaphore_mem>>) src(%dma_wait3A_83 : memref<128xi32, #tpu.memory_space<hbm>>) dst(%arg9 : memref<128xi32, #tpu.memory_space<vmem>>)
    %dma_wait3A_84 = arith.constant 0 : i32
    %dma_wait3A_85 = arith.constant 0 : i32
    %dma_wait3A_86 = tpu.memref_slice %arg3[%dma_wait3A_84, %dma_wait3A_85] : memref<6272x128xi32, #tpu.memory_space<hbm>> -> memref<1x128xi32, #tpu.memory_space<hbm>>
    %dma_wait3A_87 = tpu.memref_squeeze %dma_wait3A_86 : memref<1x128xi32, #tpu.memory_space<hbm>> -> memref<128xi32, #tpu.memory_space<hbm>>
    %dma_wait3A_88 = arith.constant 0 : i32
    %dma_wait3A_89 = tpu.memref_slice %arg3[%dma_wait3A_84, %dma_wait3A_88] : memref<6272x128xi32, #tpu.memory_space<hbm>> -> memref<1x128xi32, #tpu.memory_space<hbm>>
    %dma_wait3A_90 = tpu.memref_squeeze %dma_wait3A_89 : memref<1x128xi32, #tpu.memory_space<hbm>> -> memref<128xi32, #tpu.memory_space<hbm>>
    tpu.wait_dma2 semaphore(%arg20 : memref<!tpu.dma_semaphore, #tpu.memory_space<semaphore_mem>>) src(%dma_wait3A_90 : memref<128xi32, #tpu.memory_space<hbm>>) dst(%arg10 : memref<128xi32, #tpu.memory_space<vmem>>)
    %dma_wait3A_91 = arith.constant 0 : i32
    %dma_wait3A_92 = arith.constant 0 : i32
    %dma_wait3A_93 = tpu.memref_slice %arg2[%dma_wait3A_91, %dma_wait3A_92] : memref<6272x128xi32, #tpu.memory_space<hbm>> -> memref<1x128xi32, #tpu.memory_space<hbm>>
    %dma_wait3A_94 = tpu.memref_squeeze %dma_wait3A_93 : memref<1x128xi32, #tpu.memory_space<hbm>> -> memref<128xi32, #tpu.memory_space<hbm>>
    %dma_wait3A_95 = arith.constant 0 : i32
    %dma_wait3A_96 = tpu.memref_slice %arg2[%dma_wait3A_91, %dma_wait3A_95] : memref<6272x128xi32, #tpu.memory_space<hbm>> -> memref<1x128xi32, #tpu.memory_space<hbm>>
    %dma_wait3A_97 = tpu.memref_squeeze %dma_wait3A_96 : memref<1x128xi32, #tpu.memory_space<hbm>> -> memref<128xi32, #tpu.memory_space<hbm>>
    tpu.wait_dma2 semaphore(%arg21 : memref<!tpu.dma_semaphore, #tpu.memory_space<semaphore_mem>>) src(%dma_wait3A_97 : memref<128xi32, #tpu.memory_space<hbm>>) dst(%arg11 : memref<128xi32, #tpu.memory_space<vmem>>)
    %dma_wait3A_98 = arith.constant 0 : i32
    %dma_wait3A_99 = arith.constant 0 : i32
    %dma_wait3A_100 = tpu.memref_slice %arg3[%dma_wait3A_98, %dma_wait3A_99] : memref<6272x128xi32, #tpu.memory_space<hbm>> -> memref<1x128xi32, #tpu.memory_space<hbm>>
    %dma_wait3A_101 = tpu.memref_squeeze %dma_wait3A_100 : memref<1x128xi32, #tpu.memory_space<hbm>> -> memref<128xi32, #tpu.memory_space<hbm>>
    %dma_wait3A_102 = arith.constant 0 : i32
    %dma_wait3A_103 = tpu.memref_slice %arg3[%dma_wait3A_98, %dma_wait3A_102] : memref<6272x128xi32, #tpu.memory_space<hbm>> -> memref<1x128xi32, #tpu.memory_space<hbm>>
    %dma_wait3A_104 = tpu.memref_squeeze %dma_wait3A_103 : memref<1x128xi32, #tpu.memory_space<hbm>> -> memref<128xi32, #tpu.memory_space<hbm>>
    tpu.wait_dma2 semaphore(%arg21 : memref<!tpu.dma_semaphore, #tpu.memory_space<semaphore_mem>>) src(%dma_wait3A_104 : memref<128xi32, #tpu.memory_space<hbm>>) dst(%arg12 : memref<128xi32, #tpu.memory_space<vmem>>)
    %dma_wait3A_105 = arith.constant 0 : i32
    %dma_wait3A_106 = arith.constant 0 : i32
    %dma_wait3A_107 = tpu.memref_slice %arg2[%dma_wait3A_105, %dma_wait3A_106] : memref<6272x128xi32, #tpu.memory_space<hbm>> -> memref<1x128xi32, #tpu.memory_space<hbm>>
    %dma_wait3A_108 = tpu.memref_squeeze %dma_wait3A_107 : memref<1x128xi32, #tpu.memory_space<hbm>> -> memref<128xi32, #tpu.memory_space<hbm>>
    %dma_wait3A_109 = arith.constant 0 : i32
    %dma_wait3A_110 = tpu.memref_slice %arg2[%dma_wait3A_105, %dma_wait3A_109] : memref<6272x128xi32, #tpu.memory_space<hbm>> -> memref<1x128xi32, #tpu.memory_space<hbm>>
    %dma_wait3A_111 = tpu.memref_squeeze %dma_wait3A_110 : memref<1x128xi32, #tpu.memory_space<hbm>> -> memref<128xi32, #tpu.memory_space<hbm>>
    tpu.wait_dma2 semaphore(%arg22 : memref<!tpu.dma_semaphore, #tpu.memory_space<semaphore_mem>>) src(%dma_wait3A_111 : memref<128xi32, #tpu.memory_space<hbm>>) dst(%arg13 : memref<128xi32, #tpu.memory_space<vmem>>)
    %dma_wait3A_112 = arith.constant 0 : i32
    %dma_wait3A_113 = arith.constant 0 : i32
    %dma_wait3A_114 = tpu.memref_slice %arg3[%dma_wait3A_112, %dma_wait3A_113] : memref<6272x128xi32, #tpu.memory_space<hbm>> -> memref<1x128xi32, #tpu.memory_space<hbm>>
    %dma_wait3A_115 = tpu.memref_squeeze %dma_wait3A_114 : memref<1x128xi32, #tpu.memory_space<hbm>> -> memref<128xi32, #tpu.memory_space<hbm>>
    %dma_wait3A_116 = arith.constant 0 : i32
    %dma_wait3A_117 = tpu.memref_slice %arg3[%dma_wait3A_112, %dma_wait3A_116] : memref<6272x128xi32, #tpu.memory_space<hbm>> -> memref<1x128xi32, #tpu.memory_space<hbm>>
    %dma_wait3A_118 = tpu.memref_squeeze %dma_wait3A_117 : memref<1x128xi32, #tpu.memory_space<hbm>> -> memref<128xi32, #tpu.memory_space<hbm>>
    tpu.wait_dma2 semaphore(%arg22 : memref<!tpu.dma_semaphore, #tpu.memory_space<semaphore_mem>>) src(%dma_wait3A_118 : memref<128xi32, #tpu.memory_space<hbm>>) dst(%arg14 : memref<128xi32, #tpu.memory_space<vmem>>)
    %barrier3A_119 = arith.constant 0 : index
    tpu.barrier barrier_id(%barrier3A_119)
    %mul3A_120 = arith.constant 3200 : i32
    %mul3A_121 = arith.muli %arg1, %mul3A_120 : i32
    %mul3A_122 = arith.constant 3200 : i32
    %mul3A_123 = arith.muli %arg1, %mul3A_122 : i32
    "tpu.region"() ({
      %run_scoped3A = tpu.sem_alloc : memref<!tpu.dma_semaphore, #tpu.memory_space<semaphore_mem>>
      %dma_start3A_124 = arith.constant 0 : i32
      %dma_start3A_125 = tpu.memref_slice %arg6[%arg0, %mul3A_123, %dma_start3A_124] : memref<2x51200x32xf32, #tpu.memory_space<hbm>> -> memref<1x3200x32xf32, #tpu.memory_space<hbm>>
      %dma_start3A_126 = tpu.memref_squeeze %dma_start3A_125 : memref<1x3200x32xf32, #tpu.memory_space<hbm>> -> memref<3200x32xf32, #tpu.memory_space<hbm>>
      %dma_start3A_127 = arith.constant 0 : i32
      %dma_start3A_128 = tpu.memref_slice %arg25[%mul3A_121, %dma_start3A_127] : memref<51200x32xf32, #tpu.memory_space<vmem_shared>> -> memref<3200x32xf32, #tpu.memory_space<vmem_shared>>
      tpu.enqueue_dma source(%dma_start3A_128 : memref<3200x32xf32, #tpu.memory_space<vmem_shared>>) target(%dma_start3A_126 : memref<3200x32xf32, #tpu.memory_space<hbm>>) target_semaphore(%run_scoped3A : memref<!tpu.dma_semaphore, #tpu.memory_space<semaphore_mem>>)
      %dma_wait3A_129 = arith.constant 0 : i32
      %dma_wait3A_130 = tpu.memref_slice %arg6[%arg0, %mul3A_123, %dma_wait3A_129] : memref<2x51200x32xf32, #tpu.memory_space<hbm>> -> memref<1x3200x32xf32, #tpu.memory_space<hbm>>
      %dma_wait3A_131 = tpu.memref_squeeze %dma_wait3A_130 : memref<1x3200x32xf32, #tpu.memory_space<hbm>> -> memref<3200x32xf32, #tpu.memory_space<hbm>>
      %dma_wait3A_132 = arith.constant 0 : i32
      %dma_wait3A_133 = tpu.memref_slice %arg25[%mul3A_121, %dma_wait3A_132] : memref<51200x32xf32, #tpu.memory_space<vmem_shared>> -> memref<3200x32xf32, #tpu.memory_space<vmem_shared>>
      tpu.wait_dma2 semaphore(%run_scoped3A : memref<!tpu.dma_semaphore, #tpu.memory_space<semaphore_mem>>) src(%dma_wait3A_133 : memref<3200x32xf32, #tpu.memory_space<vmem_shared>>) dst(%dma_wait3A_131 : memref<3200x32xf32, #tpu.memory_space<hbm>>)
      tpu.yield
    }) : () -> ()
    return
  }
}

module attributes {stable_mosaic.version = 14 : i64} {
  func.func @_tc_dense_body(%arg0: i32, %arg1: memref<2x1600x8xf32, #tpu.memory_space<vmem>>, %arg2: memref<1x1x1600xi32, #tpu.memory_space<vmem>>, %arg3: memref<5x128xf32, #tpu.memory_space<vmem>>, %arg4: memref<64x128xf32, #tpu.memory_space<vmem>>, %arg5: memref<64xf32, #tpu.memory_space<vmem>>, %arg6: memref<64x64xf32, #tpu.memory_space<vmem>>, %arg7: memref<64xf32, #tpu.memory_space<vmem>>, %arg8: memref<64x64xf32, #tpu.memory_space<vmem>>, %arg9: memref<64xf32, #tpu.memory_space<vmem>>, %arg10: memref<2x1600x32xf32, #tpu.memory_space<vmem>>, %arg11: memref<1600x64xf32, #tpu.memory_space<vmem>>) attributes {dimension_semantics = [#tpu.dimension_semantics<arbitrary>], iteration_bounds = array<i64: 32>, scalar_prefetch = 0 : i64, scratch_operands = 0 : i64, tpu.core_type = #tpu.core_type<tc>, window_params = [{transform_indices = @transform_0, window_bounds = array<i64: 2, 1600, 8>}, {transform_indices = @transform_1, window_bounds = array<i64: 1, 1, 1600>}, {pipeline_mode = #tpu.pipeline_mode<synchronous>, transform_indices = @transform_2, window_bounds = array<i64: 5, 128>}, {pipeline_mode = #tpu.pipeline_mode<synchronous>, transform_indices = @transform_3, window_bounds = array<i64: 64, 128>}, {pipeline_mode = #tpu.pipeline_mode<synchronous>, transform_indices = @transform_4, window_bounds = array<i64: 64>}, {pipeline_mode = #tpu.pipeline_mode<synchronous>, transform_indices = @transform_5, window_bounds = array<i64: 64, 64>}, {pipeline_mode = #tpu.pipeline_mode<synchronous>, transform_indices = @transform_6, window_bounds = array<i64: 64>}, {pipeline_mode = #tpu.pipeline_mode<synchronous>, transform_indices = @transform_7, window_bounds = array<i64: 64, 64>}, {pipeline_mode = #tpu.pipeline_mode<synchronous>, transform_indices = @transform_8, window_bounds = array<i64: 64>}, {transform_indices = @transform_9, window_bounds = array<i64: 2, 1600, 32>}, {transform_indices = @transform_10, window_bounds = array<i64: 1600, 64>}]} {
    %get3A = arith.constant 0 : index
    %get3A_0 = arith.constant 0 : index
    %get3A_1 = vector.load %arg3[%get3A, %get3A_0] : memref<5x128xf32, #tpu.memory_space<vmem>>, vector<5x128xf32>
    %convert_element_type3A = arith.truncf %get3A_1 : vector<5x128xf32> to vector<5x128xbf16>
    %get3A_2 = arith.constant 0 : index
    %get3A_3 = arith.constant 0 : index
    %get3A_4 = vector.load %arg4[%get3A_2, %get3A_3] : memref<64x128xf32, #tpu.memory_space<vmem>>, vector<64x128xf32>
    %convert_element_type3A_5 = arith.truncf %get3A_4 : vector<64x128xf32> to vector<64x128xbf16>
    %dot_general3A = arith.constant dense<0.000000e+00> : vector<5x64xf32>
    %dot_general3A_6 = tpu.matmul %convert_element_type3A, %convert_element_type3A_5, %dot_general3A {dimension_numbers = #tpu.dot_dimension_numbers<[1], [1], [0], [0], [0, 0, 1, 0], [], []>, transpose_lhs_hint = false} : vector<5x128xbf16>, vector<64x128xbf16>, vector<5x64xf32> -> vector<5x64xf32>
    %get3A_7 = arith.constant 0 : index
    %get3A_8 = vector.load %arg5[%get3A_7] : memref<64xf32, #tpu.memory_space<vmem>>, vector<64xf32>
    %broadcast_in_dim3A = vector.shape_cast %get3A_8 : vector<64xf32> to vector<1x64xf32>
    %add3A = vector.broadcast %broadcast_in_dim3A : vector<1x64xf32> to vector<5x64xf32>
    %add3A_9 = arith.addf %dot_general3A_6, %add3A : vector<5x64xf32>
    %convert_element_type3A_10 = arith.truncf %add3A_9 : vector<5x64xf32> to vector<5x64xbf16>
    %get3A_11 = arith.constant 0 : index
    %get3A_12 = arith.constant 0 : index
    %get3A_13 = vector.load %arg6[%get3A_11, %get3A_12] : memref<64x64xf32, #tpu.memory_space<vmem>>, vector<64x64xf32>
    %convert_element_type3A_14 = arith.truncf %get3A_13 : vector<64x64xf32> to vector<64x64xbf16>
    %dot_general3A_15 = arith.constant dense<0.000000e+00> : vector<5x64xf32>
    %dot_general3A_16 = tpu.matmul %convert_element_type3A_10, %convert_element_type3A_14, %dot_general3A_15 {dimension_numbers = #tpu.dot_dimension_numbers<[1], [1], [0], [0], [0, 0, 1, 0], [], []>, transpose_lhs_hint = false} : vector<5x64xbf16>, vector<64x64xbf16>, vector<5x64xf32> -> vector<5x64xf32>
    %get3A_17 = arith.constant 0 : index
    %get3A_18 = arith.constant 0 : index
    %get3A_19 = arith.constant 0 : index
    %get3A_20 = vector.load %arg1[%get3A_17, %get3A_18, %get3A_19] : memref<2x1600x8xf32, #tpu.memory_space<vmem>>, vector<1x1600x8xf32>
    %get3A_21 = vector.shape_cast %get3A_20 : vector<1x1600x8xf32> to vector<1600x8xf32>
    %get3A_22 = arith.constant 1 : index
    %get3A_23 = arith.constant 0 : index
    %get3A_24 = arith.constant 0 : index
    %get3A_25 = vector.load %arg1[%get3A_22, %get3A_23, %get3A_24] : memref<2x1600x8xf32, #tpu.memory_space<vmem>>, vector<1x1600x8xf32>
    %get3A_26 = vector.shape_cast %get3A_25 : vector<1x1600x8xf32> to vector<1600x8xf32>
    %add3A_27 = arith.addf %get3A_21, %get3A_26 : vector<1600x8xf32>
    %get3A_28 = arith.constant 0 : index
    %get3A_29 = arith.constant 0 : index
    %get3A_30 = arith.constant 0 : index
    %get3A_31 = vector.load %arg2[%get3A_28, %get3A_29, %get3A_30] : memref<1x1x1600xi32, #tpu.memory_space<vmem>>, vector<1x1x1600xi32>
    %get3A_32 = vector.shape_cast %get3A_31 : vector<1x1x1600xi32> to vector<1600xi32>
    %and3A = arith.constant -8 : i32
    %and3A_33 = vector.broadcast %and3A : i32 to vector<1600xi32>
    %and3A_34 = arith.andi %get3A_32, %and3A_33 : vector<1600xi32>
    %bitcast_convert_type3A = tpu.bitcast %and3A_34 : vector<1600xi32> -> vector<1600xf32>
    %and3A_35 = arith.constant 7 : i32
    %and3A_36 = vector.broadcast %and3A_35 : i32 to vector<1600xi32>
    %and3A_37 = arith.andi %get3A_32, %and3A_36 : vector<1600xi32>
    %broadcast_in_dim3A_38 = vector.shape_cast %and3A_37 : vector<1600xi32> to vector<1600x1xi32>
    %iota3A = tpu.iota {dimensions = array<i32: 1>} : vector<1600x5xi32>
    %eq3A = vector.broadcast %broadcast_in_dim3A_38 : vector<1600x1xi32> to vector<1600x5xi32>
    %eq3A_39 = arith.cmpi eq, %eq3A, %iota3A : vector<1600x5xi32>
    %convert_element_type3A_40 = arith.extui %eq3A_39 : vector<1600x5xi1> to vector<1600x5xi32>
    %convert_element_type3A_41 = arith.sitofp %convert_element_type3A_40 : vector<1600x5xi32> to vector<1600x5xf32>
    %slice3A = vector.extract_strided_slice %add3A_27 {offsets = [0, 0], sizes = [1600, 5], strides = [1, 1]} : vector<1600x8xf32> to vector<1600x5xf32>
    %broadcast_in_dim3A_42 = vector.shape_cast %bitcast_convert_type3A : vector<1600xf32> to vector<1600x1xf32>
    %mul3A = vector.broadcast %broadcast_in_dim3A_42 : vector<1600x1xf32> to vector<1600x5xf32>
    %mul3A_43 = arith.mulf %mul3A, %convert_element_type3A_41 : vector<1600x5xf32>
    %add3A_44 = arith.addf %slice3A, %mul3A_43 : vector<1600x5xf32>
    %slice3A_45 = vector.extract_strided_slice %add3A_44 {offsets = [0, 0], sizes = [1600, 1], strides = [1, 1]} : vector<1600x5xf32> to vector<1600x1xf32>
    %slice3A_46 = vector.extract_strided_slice %dot_general3A_16 {offsets = [0, 0], sizes = [1, 64], strides = [1, 1]} : vector<5x64xf32> to vector<1x64xf32>
    %mul3A_47 = vector.broadcast %slice3A_45 : vector<1600x1xf32> to vector<1600x64xf32>
    %mul3A_48 = vector.broadcast %slice3A_46 : vector<1x64xf32> to vector<1600x64xf32>
    %mul3A_49 = arith.mulf %mul3A_47, %mul3A_48 : vector<1600x64xf32>
    %slice3A_50 = vector.extract_strided_slice %add3A_44 {offsets = [0, 1], sizes = [1600, 1], strides = [1, 1]} : vector<1600x5xf32> to vector<1600x1xf32>
    %slice3A_51 = vector.extract_strided_slice %dot_general3A_16 {offsets = [1, 0], sizes = [1, 64], strides = [1, 1]} : vector<5x64xf32> to vector<1x64xf32>
    %mul3A_52 = vector.broadcast %slice3A_50 : vector<1600x1xf32> to vector<1600x64xf32>
    %mul3A_53 = vector.broadcast %slice3A_51 : vector<1x64xf32> to vector<1600x64xf32>
    %mul3A_54 = arith.mulf %mul3A_52, %mul3A_53 : vector<1600x64xf32>
    %add3A_55 = arith.addf %mul3A_49, %mul3A_54 : vector<1600x64xf32>
    %slice3A_56 = vector.extract_strided_slice %add3A_44 {offsets = [0, 2], sizes = [1600, 1], strides = [1, 1]} : vector<1600x5xf32> to vector<1600x1xf32>
    %slice3A_57 = vector.extract_strided_slice %dot_general3A_16 {offsets = [2, 0], sizes = [1, 64], strides = [1, 1]} : vector<5x64xf32> to vector<1x64xf32>
    %mul3A_58 = vector.broadcast %slice3A_56 : vector<1600x1xf32> to vector<1600x64xf32>
    %mul3A_59 = vector.broadcast %slice3A_57 : vector<1x64xf32> to vector<1600x64xf32>
    %mul3A_60 = arith.mulf %mul3A_58, %mul3A_59 : vector<1600x64xf32>
    %add3A_61 = arith.addf %add3A_55, %mul3A_60 : vector<1600x64xf32>
    %slice3A_62 = vector.extract_strided_slice %add3A_44 {offsets = [0, 3], sizes = [1600, 1], strides = [1, 1]} : vector<1600x5xf32> to vector<1600x1xf32>
    %slice3A_63 = vector.extract_strided_slice %dot_general3A_16 {offsets = [3, 0], sizes = [1, 64], strides = [1, 1]} : vector<5x64xf32> to vector<1x64xf32>
    %mul3A_64 = vector.broadcast %slice3A_62 : vector<1600x1xf32> to vector<1600x64xf32>
    %mul3A_65 = vector.broadcast %slice3A_63 : vector<1x64xf32> to vector<1600x64xf32>
    %mul3A_66 = arith.mulf %mul3A_64, %mul3A_65 : vector<1600x64xf32>
    %add3A_67 = arith.addf %add3A_61, %mul3A_66 : vector<1600x64xf32>
    %slice3A_68 = vector.extract_strided_slice %add3A_44 {offsets = [0, 4], sizes = [1600, 1], strides = [1, 1]} : vector<1600x5xf32> to vector<1600x1xf32>
    %slice3A_69 = vector.extract_strided_slice %dot_general3A_16 {offsets = [4, 0], sizes = [1, 64], strides = [1, 1]} : vector<5x64xf32> to vector<1x64xf32>
    %mul3A_70 = vector.broadcast %slice3A_68 : vector<1600x1xf32> to vector<1600x64xf32>
    %mul3A_71 = vector.broadcast %slice3A_69 : vector<1x64xf32> to vector<1600x64xf32>
    %mul3A_72 = arith.mulf %mul3A_70, %mul3A_71 : vector<1600x64xf32>
    %add3A_73 = arith.addf %add3A_67, %mul3A_72 : vector<1600x64xf32>
    %broadcast_in_dim3A_74 = vector.shape_cast %bitcast_convert_type3A : vector<1600xf32> to vector<1600x1xf32>
    %mul3A_75 = vector.broadcast %broadcast_in_dim3A_74 : vector<1600x1xf32> to vector<1600x64xf32>
    %mul3A_76 = arith.mulf %mul3A_75, %add3A_73 : vector<1600x64xf32>
    %get3A_77 = arith.constant 0 : index
    %get3A_78 = vector.load %arg7[%get3A_77] : memref<64xf32, #tpu.memory_space<vmem>>, vector<64xf32>
    %broadcast_in_dim3A_79 = vector.shape_cast %get3A_78 : vector<64xf32> to vector<1x64xf32>
    %add3A_80 = vector.broadcast %broadcast_in_dim3A_79 : vector<1x64xf32> to vector<1600x64xf32>
    %add3A_81 = arith.addf %mul3A_76, %add3A_80 : vector<1600x64xf32>
    %max3A = arith.constant 0.000000e+00 : f32
    %max3A_82 = vector.broadcast %max3A : f32 to vector<1600x64xf32>
    %max3A_83 = arith.maximumf %add3A_81, %max3A_82 : vector<1600x64xf32>
    %convert_element_type3A_84 = arith.truncf %max3A_83 : vector<1600x64xf32> to vector<1600x64xbf16>
    %get3A_85 = arith.constant 0 : index
    %get3A_86 = arith.constant 0 : index
    %get3A_87 = vector.load %arg8[%get3A_85, %get3A_86] : memref<64x64xf32, #tpu.memory_space<vmem>>, vector<64x64xf32>
    %convert_element_type3A_88 = arith.truncf %get3A_87 : vector<64x64xf32> to vector<64x64xbf16>
    %dot_general3A_89 = arith.constant dense<0.000000e+00> : vector<1600x64xf32>
    %dot_general3A_90 = tpu.matmul %convert_element_type3A_84, %convert_element_type3A_88, %dot_general3A_89 {dimension_numbers = #tpu.dot_dimension_numbers<[1], [1], [0], [0], [0, 0, 1, 0], [], []>, transpose_lhs_hint = false} : vector<1600x64xbf16>, vector<64x64xbf16>, vector<1600x64xf32> -> vector<1600x64xf32>
    %broadcast_in_dim3A_91 = vector.shape_cast %bitcast_convert_type3A : vector<1600xf32> to vector<1600x1xf32>
    %mul3A_92 = vector.broadcast %broadcast_in_dim3A_91 : vector<1600x1xf32> to vector<1600x64xf32>
    %mul3A_93 = arith.mulf %mul3A_92, %dot_general3A_90 : vector<1600x64xf32>
    %broadcast_in_dim3A_94 = vector.shape_cast %bitcast_convert_type3A : vector<1600xf32> to vector<1600x1xf32>
    %mul3A_95 = vector.broadcast %broadcast_in_dim3A_94 : vector<1600x1xf32> to vector<1600x64xf32>
    %mul3A_96 = arith.mulf %mul3A_95, %mul3A_93 : vector<1600x64xf32>
    %get3A_97 = arith.constant 0 : index
    %get3A_98 = vector.load %arg9[%get3A_97] : memref<64xf32, #tpu.memory_space<vmem>>, vector<64xf32>
    %broadcast_in_dim3A_99 = vector.shape_cast %get3A_98 : vector<64xf32> to vector<1x64xf32>
    %add3A_100 = vector.broadcast %broadcast_in_dim3A_99 : vector<1x64xf32> to vector<1600x64xf32>
    %add3A_101 = arith.addf %mul3A_96, %add3A_100 : vector<1600x64xf32>
    %swap3A = arith.constant 0 : index
    %swap3A_102 = arith.constant 0 : index
    %swap3A_103 = vector.load %arg11[%swap3A, %swap3A_102] : memref<1600x64xf32, #tpu.memory_space<vmem>>, vector<1600x64xf32>
    tpu.vector_store %arg11[%swap3A, %swap3A_102], %add3A_101 {strides = array<i32>} : memref<1600x64xf32, #tpu.memory_space<vmem>>, vector<1600x64xf32>,
    %slice3A_104 = vector.extract_strided_slice %mul3A_93 {offsets = [0, 0], sizes = [1600, 32], strides = [1, 1]} : vector<1600x64xf32> to vector<1600x32xf32>
    %swap3A_105 = arith.constant 0 : index
    %swap3A_106 = arith.constant 0 : index
    %swap3A_107 = arith.constant 0 : index
    %swap3A_108 = vector.load %arg10[%swap3A_105, %swap3A_106, %swap3A_107] : memref<2x1600x32xf32, #tpu.memory_space<vmem>>, vector<1x1600x32xf32>
    %swap3A_109 = vector.shape_cast %swap3A_108 : vector<1x1600x32xf32> to vector<1600x32xf32>
    %swap3A_110 = vector.shape_cast %slice3A_104 : vector<1600x32xf32> to vector<1x1600x32xf32>
    tpu.vector_store %arg10[%swap3A_105, %swap3A_106, %swap3A_107], %swap3A_110 {strides = array<i32>} : memref<2x1600x32xf32, #tpu.memory_space<vmem>>, vector<1x1600x32xf32>,
    %slice3A_111 = vector.extract_strided_slice %mul3A_93 {offsets = [0, 32], sizes = [1600, 32], strides = [1, 1]} : vector<1600x64xf32> to vector<1600x32xf32>
    %swap3A_112 = arith.constant 1 : index
    %swap3A_113 = arith.constant 0 : index
    %swap3A_114 = arith.constant 0 : index
    %swap3A_115 = vector.load %arg10[%swap3A_112, %swap3A_113, %swap3A_114] : memref<2x1600x32xf32, #tpu.memory_space<vmem>>, vector<1x1600x32xf32>
    %swap3A_116 = vector.shape_cast %swap3A_115 : vector<1x1600x32xf32> to vector<1600x32xf32>
    %swap3A_117 = vector.shape_cast %slice3A_111 : vector<1600x32xf32> to vector<1x1600x32xf32>
    tpu.vector_store %arg10[%swap3A_112, %swap3A_113, %swap3A_114], %swap3A_117 {strides = array<i32>} : memref<2x1600x32xf32, #tpu.memory_space<vmem>>, vector<1x1600x32xf32>,
    return
  }
  func.func @transform_0(%arg0: i32) -> (i32, i32, i32) {
    %c0_i32 = arith.constant 0 : i32
    %c0_i32_0 = arith.constant 0 : i32
    %c0_i32_1 = arith.constant 0 : i32
    return %c0_i32, %arg0, %c0_i32_0 : i32, i32, i32
  }
  func.func @transform_1(%arg0: i32) -> (i32, i32, i32) {
    %c0_i32 = arith.constant 0 : i32
    %c0_i32_0 = arith.constant 0 : i32
    %c0_i32_1 = arith.constant 0 : i32
    return %arg0, %c0_i32, %c0_i32_0 : i32, i32, i32
  }
  func.func @transform_2(%arg0: i32) -> (i32, i32) {
    %c0_i32 = arith.constant 0 : i32
    %c0_i32_0 = arith.constant 0 : i32
    %c0_i32_1 = arith.constant 0 : i32
    return %c0_i32, %c0_i32_0 : i32, i32
  }
  func.func @transform_3(%arg0: i32) -> (i32, i32) {
    %c0_i32 = arith.constant 0 : i32
    %c0_i32_0 = arith.constant 0 : i32
    %c0_i32_1 = arith.constant 0 : i32
    return %c0_i32, %c0_i32_0 : i32, i32
  }
  func.func @transform_4(%arg0: i32) -> i32 {
    %c0_i32 = arith.constant 0 : i32
    %c0_i32_0 = arith.constant 0 : i32
    return %c0_i32 : i32
  }
  func.func @transform_5(%arg0: i32) -> (i32, i32) {
    %c0_i32 = arith.constant 0 : i32
    %c0_i32_0 = arith.constant 0 : i32
    %c0_i32_1 = arith.constant 0 : i32
    return %c0_i32, %c0_i32_0 : i32, i32
  }
  func.func @transform_6(%arg0: i32) -> i32 {
    %c0_i32 = arith.constant 0 : i32
    %c0_i32_0 = arith.constant 0 : i32
    return %c0_i32 : i32
  }
  func.func @transform_7(%arg0: i32) -> (i32, i32) {
    %c0_i32 = arith.constant 0 : i32
    %c0_i32_0 = arith.constant 0 : i32
    %c0_i32_1 = arith.constant 0 : i32
    return %c0_i32, %c0_i32_0 : i32, i32
  }
  func.func @transform_8(%arg0: i32) -> i32 {
    %c0_i32 = arith.constant 0 : i32
    %c0_i32_0 = arith.constant 0 : i32
    return %c0_i32 : i32
  }
  func.func @transform_9(%arg0: i32) -> (i32, i32, i32) {
    %c0_i32 = arith.constant 0 : i32
    %c0_i32_0 = arith.constant 0 : i32
    %c0_i32_1 = arith.constant 0 : i32
    return %c0_i32, %arg0, %c0_i32_0 : i32, i32, i32
  }
  func.func @transform_10(%arg0: i32) -> (i32, i32) {
    %c0_i32 = arith.constant 0 : i32
    %c0_i32_0 = arith.constant 0 : i32
    return %arg0, %c0_i32 : i32, i32
  }
}

module attributes {stable_mosaic.version = 14 : i64} {
  func.func @_tc_final_body(%arg0: i32, %arg1: memref<2x1600x32xf32, #tpu.memory_space<vmem>>, %arg2: memref<1600x64xf32, #tpu.memory_space<vmem>>, %arg3: memref<1x1x1600xi32, #tpu.memory_space<vmem>>, %arg4: memref<1x64xf32, #tpu.memory_space<vmem>>, %arg5: memref<1xf32, #tpu.memory_space<vmem>>, %arg6: memref<1x1x1600xf32, #tpu.memory_space<vmem>>) attributes {dimension_semantics = [#tpu.dimension_semantics<arbitrary>], iteration_bounds = array<i64: 32>, scalar_prefetch = 0 : i64, scratch_operands = 0 : i64, tpu.core_type = #tpu.core_type<tc>, window_params = [{transform_indices = @transform_0, window_bounds = array<i64: 2, 1600, 32>}, {transform_indices = @transform_1, window_bounds = array<i64: 1600, 64>}, {transform_indices = @transform_2, window_bounds = array<i64: 1, 1, 1600>}, {pipeline_mode = #tpu.pipeline_mode<synchronous>, transform_indices = @transform_3, window_bounds = array<i64: 1, 64>}, {pipeline_mode = #tpu.pipeline_mode<synchronous>, transform_indices = @transform_4, window_bounds = array<i64: 1>}, {transform_indices = @transform_5, window_bounds = array<i64: 1, 1, 1600>}]} {
    %get3A = arith.constant 0 : index
    %get3A_0 = arith.constant 0 : index
    %get3A_1 = arith.constant 0 : index
    %get3A_2 = vector.load %arg3[%get3A, %get3A_0, %get3A_1] : memref<1x1x1600xi32, #tpu.memory_space<vmem>>, vector<1x1x1600xi32>
    %get3A_3 = vector.shape_cast %get3A_2 : vector<1x1x1600xi32> to vector<1600xi32>
    %and3A = arith.constant -8 : i32
    %and3A_4 = vector.broadcast %and3A : i32 to vector<1600xi32>
    %and3A_5 = arith.andi %get3A_3, %and3A_4 : vector<1600xi32>
    %bitcast_convert_type3A = tpu.bitcast %and3A_5 : vector<1600xi32> -> vector<1600xf32>
    %get3A_6 = arith.constant 0 : index
    %get3A_7 = arith.constant 0 : index
    %get3A_8 = vector.load %arg4[%get3A_6, %get3A_7] : memref<1x64xf32, #tpu.memory_space<vmem>>, vector<1x64xf32>
    %get3A_9 = arith.constant 0 : index
    %get3A_10 = arith.constant 0 : index
    %get3A_11 = vector.load %arg2[%get3A_9, %get3A_10] : memref<1600x64xf32, #tpu.memory_space<vmem>>, vector<1600x64xf32>
    %broadcast_in_dim3A = vector.shape_cast %bitcast_convert_type3A : vector<1600xf32> to vector<1600x1xf32>
    %get3A_12 = arith.constant 0 : index
    %get3A_13 = arith.constant 0 : index
    %get3A_14 = arith.constant 0 : index
    %get3A_15 = vector.load %arg1[%get3A_12, %get3A_13, %get3A_14] : memref<2x1600x32xf32, #tpu.memory_space<vmem>>, vector<1x1600x32xf32>
    %get3A_16 = vector.shape_cast %get3A_15 : vector<1x1600x32xf32> to vector<1600x32xf32>
    %mul3A = vector.broadcast %broadcast_in_dim3A : vector<1600x1xf32> to vector<1600x32xf32>
    %mul3A_17 = arith.mulf %mul3A, %get3A_16 : vector<1600x32xf32>
    %slice3A = vector.extract_strided_slice %get3A_11 {offsets = [0, 0], sizes = [1600, 32], strides = [1, 1]} : vector<1600x64xf32> to vector<1600x32xf32>
    %add3A = arith.addf %mul3A_17, %slice3A : vector<1600x32xf32>
    %max3A = arith.constant 0.000000e+00 : f32
    %max3A_18 = vector.broadcast %max3A : f32 to vector<1600x32xf32>
    %max3A_19 = arith.maximumf %add3A, %max3A_18 : vector<1600x32xf32>
    %broadcast_in_dim3A_20 = vector.shape_cast %bitcast_convert_type3A : vector<1600xf32> to vector<1600x1xf32>
    %get3A_21 = arith.constant 1 : index
    %get3A_22 = arith.constant 0 : index
    %get3A_23 = arith.constant 0 : index
    %get3A_24 = vector.load %arg1[%get3A_21, %get3A_22, %get3A_23] : memref<2x1600x32xf32, #tpu.memory_space<vmem>>, vector<1x1600x32xf32>
    %get3A_25 = vector.shape_cast %get3A_24 : vector<1x1600x32xf32> to vector<1600x32xf32>
    %mul3A_26 = vector.broadcast %broadcast_in_dim3A_20 : vector<1600x1xf32> to vector<1600x32xf32>
    %mul3A_27 = arith.mulf %mul3A_26, %get3A_25 : vector<1600x32xf32>
    %slice3A_28 = vector.extract_strided_slice %get3A_11 {offsets = [0, 32], sizes = [1600, 32], strides = [1, 1]} : vector<1600x64xf32> to vector<1600x32xf32>
    %add3A_29 = arith.addf %mul3A_27, %slice3A_28 : vector<1600x32xf32>
    %max3A_30 = arith.constant 0.000000e+00 : f32
    %max3A_31 = vector.broadcast %max3A_30 : f32 to vector<1600x32xf32>
    %max3A_32 = arith.maximumf %add3A_29, %max3A_31 : vector<1600x32xf32>
    %convert_element_type3A = arith.truncf %max3A_19 : vector<1600x32xf32> to vector<1600x32xbf16>
    %slice3A_33 = vector.extract_strided_slice %get3A_8 {offsets = [0, 0], sizes = [1, 32], strides = [1, 1]} : vector<1x64xf32> to vector<1x32xf32>
    %squeeze3A = vector.shape_cast %slice3A_33 : vector<1x32xf32> to vector<32xf32>
    %convert_element_type3A_34 = arith.truncf %squeeze3A : vector<32xf32> to vector<32xbf16>
    %dot_general3A = arith.constant dense<0.000000e+00> : vector<1600xf32>
    %dot_general3A_35 = tpu.matmul %convert_element_type3A, %convert_element_type3A_34, %dot_general3A {dimension_numbers = #tpu.dot_dimension_numbers<[1], [0], [0], [], [0, 0], [], []>, transpose_lhs_hint = false} : vector<1600x32xbf16>, vector<32xbf16>, vector<1600xf32> -> vector<1600xf32>
    %convert_element_type3A_36 = arith.truncf %max3A_32 : vector<1600x32xf32> to vector<1600x32xbf16>
    %slice3A_37 = vector.extract_strided_slice %get3A_8 {offsets = [0, 32], sizes = [1, 32], strides = [1, 1]} : vector<1x64xf32> to vector<1x32xf32>
    %squeeze3A_38 = vector.shape_cast %slice3A_37 : vector<1x32xf32> to vector<32xf32>
    %convert_element_type3A_39 = arith.truncf %squeeze3A_38 : vector<32xf32> to vector<32xbf16>
    %dot_general3A_40 = arith.constant dense<0.000000e+00> : vector<1600xf32>
    %dot_general3A_41 = tpu.matmul %convert_element_type3A_36, %convert_element_type3A_39, %dot_general3A_40 {dimension_numbers = #tpu.dot_dimension_numbers<[1], [0], [0], [], [0, 0], [], []>, transpose_lhs_hint = false} : vector<1600x32xbf16>, vector<32xbf16>, vector<1600xf32> -> vector<1600xf32>
    %add3A_42 = arith.addf %dot_general3A_35, %dot_general3A_41 : vector<1600xf32>
    %get3A_43 = arith.constant 0 : index
    %get3A_44 = vector.load %arg5[%get3A_43] : memref<1xf32, #tpu.memory_space<vmem>>, vector<1xf32>
    %get3A_45 = vector.extract %get3A_44[0] : f32 from vector<1xf32>
    %add3A_46 = vector.broadcast %get3A_45 : f32 to vector<1600xf32>
    %add3A_47 = arith.addf %add3A_42, %add3A_46 : vector<1600xf32>
    %tanh3A = math.tanh %add3A_47 : vector<1600xf32>
    %reshape3A = vector.shape_cast %tanh3A : vector<1600xf32> to vector<1x1x1600xf32>
    %swap3A = arith.constant 0 : index
    %swap3A_48 = arith.constant 0 : index
    %swap3A_49 = arith.constant 0 : index
    %swap3A_50 = vector.load %arg6[%swap3A, %swap3A_48, %swap3A_49] : memref<1x1x1600xf32, #tpu.memory_space<vmem>>, vector<1x1x1600xf32>
    tpu.vector_store %arg6[%swap3A, %swap3A_48, %swap3A_49], %reshape3A {strides = array<i32>} : memref<1x1x1600xf32, #tpu.memory_space<vmem>>, vector<1x1x1600xf32>,
    return
  }
  func.func @transform_0(%arg0: i32) -> (i32, i32, i32) {
    %c0_i32 = arith.constant 0 : i32
    %c0_i32_0 = arith.constant 0 : i32
    %c0_i32_1 = arith.constant 0 : i32
    return %c0_i32, %arg0, %c0_i32_0 : i32, i32, i32
  }
  func.func @transform_1(%arg0: i32) -> (i32, i32) {
    %c0_i32 = arith.constant 0 : i32
    %c0_i32_0 = arith.constant 0 : i32
    return %arg0, %c0_i32 : i32, i32
  }
  func.func @transform_2(%arg0: i32) -> (i32, i32, i32) {
    %c0_i32 = arith.constant 0 : i32
    %c0_i32_0 = arith.constant 0 : i32
    %c0_i32_1 = arith.constant 0 : i32
    return %arg0, %c0_i32, %c0_i32_0 : i32, i32, i32
  }
  func.func @transform_3(%arg0: i32) -> (i32, i32) {
    %c0_i32 = arith.constant 0 : i32
    %c0_i32_0 = arith.constant 0 : i32
    %c0_i32_1 = arith.constant 0 : i32
    return %c0_i32, %c0_i32_0 : i32, i32
  }
  func.func @transform_4(%arg0: i32) -> i32 {
    %c0_i32 = arith.constant 0 : i32
    %c0_i32_0 = arith.constant 0 : i32
    return %c0_i32 : i32
  }
  func.func @transform_5(%arg0: i32) -> (i32, i32, i32) {
    %c0_i32 = arith.constant 0 : i32
    %c0_i32_0 = arith.constant 0 : i32
    %c0_i32_1 = arith.constant 0 : i32
    return %arg0, %c0_i32, %c0_i32_0 : i32, i32, i32
  }
}

</mosaic_0001>

<sc_bundles>
// kernel: kernel.6.cloned.1.call-start
scs
__scs_entry_jumppad:
0x0: {  	(pc) =	sbr.rel $0x88, $3  }
0x1: {  	(tag) =	ssettag $0x0;
	lr =	simm.s32 $0x1  }
0x2: {  	[smem:$0x3F96] =	sst lr;
	_ =	strace $0xD0000000  }
0x3: {  	_ = 	snop  }
0x4: {  	_ = 	snop  }
0x5: {  	_ = 	snop  }
0x6: {  	_ = 	snop  }
0x7: {  	_ = 	snop  }
__scs_overlays_trampoline_lowered:
0x8: {  	[smem:$0x3FA5] =	sst s0  }
0x9: {  	[smem:$0x3FA6] =	sst s1  }
0xa: {  	[smem:$0x3FA7] =	sst s2  }
0xb: {  	[smem:$0x3FA8] =	sst s3  }
0xc: {  	[smem:$0x3FA9] =	sst s4  }
0xd: {  	[smem:$0x3FAA] =	sst s5  }
0xe: {  	[smem:$0x3FAB] =	sst s6  }
0xf: {  	[smem:$0x3FAC] =	sst s7  }
0x10: {  	[smem:$0x3FAD] =	sst s8  }
0x11: {  	[smem:$0x3FAE] =	sst s9;
	s0 =	simm.s32 @!p0 $0x0  }
0x12: {  	s1 =	sld [smem:$0x3F94];
	s0 =	simm.s32 @p0 $0x1  }
0x13: {  	[smem:$0x3FAF] =	sst s0;
	s0 =	simm.s32 @!p1 $0x0  }
0x14: {  	s2 =	sld [smem:$0x3F93];
	s0 =	simm.s32 @p1 $0x1  }
0x15: {  	[smem:$0x3FB0] =	sst s0;
	s0 =	simm.s32 @!p2 $0x0  }
0x16: {  	s3 =	sld [smem:$0x3FDB];
	s0 =	simm.s32 @p2 $0x1  }
0x17: {  	s4 =	simm.s32 $0x1BF5;
	[smem:$0x3FB2] =	sst s0  }
0x18: {  	s0 =	sld [smem:$0x3F95];
	_ =	swait.ge [sflag:s4], $0x0  }
0x19: {  	s7 =	sld [smem:$0x3F96]  }
0x1a: {  	s8 =	sadd.s32 $0xFFFFE003, lr  }
0x1b: {  	s9 =	sadd.s32 $0xFFFFFEF7, lr;
	s5 =	simm.s32 $0xFFFFFFFF;
	p2 =	slt.u32 s8, $0xFFFFF086  }
0x1c: {  	p1 =	slt.u32 s9, $0xF7A;
	s5 =	simm.s32 @!p2 $0x0  }
0x1d: {  	s5 =	simm.s32 @p1 $0x1;
	p0 =	seq.s32 s7, s2  }
0x1e: {  	s7 =	smul.u32 @!p0 $0xF7A, s2;
	p2 =	seq.s32 @!p0 s5, $0x0  }
0x1f: {  	s9 =	smul.u32 $0xF7A, s1;
	s8 =	simm.s32 @!p0 $0x1BF5;
	p2 =	por !p2, p0  }
0x20: {  	[sflag:s8] =	ssyncset.s32 @!p0 $0xFFFFF086;
	s6 =	sadd.s32 @!p0 s3, s7;
	s7 =	simm.s32 @!p0 $0x108  }
0x21: {  	s3 =	sadd.s32 s3, s9;
	s6 =	sadd.s32 @!p0 $0x88, s6;
	s7 =	simm.s32 @p2 $0x1082  }
0x22: {  	[simem:s7], [sflag:s8] =	dma.local @!p0 [hbm:s6], $0xF7A  }
0x23: {  	s9 =	sor.u32 $0xD0000000, s2;
	s6 =	simm.s32 $0x108;
	_ =	swait.ge @!p0 [sflag:s8], $0x0  }
0x24: {  	s3 =	sadd.s32 $0x88, s3;
	s6 =	simm.s32 @!p1 $0x1082;
	[sflag:s4] =	ssyncset.s32 $0xFFFFF086  }
0x25: {  	[simem:s6], [sflag:s4] =	dma.local [hbm:s3], $0xF7A  }
0x26: {  	[smem:$0x3F96] =	sst s1;
	(tag) =	ssettag s2;
	_ =	strace s9  }
0x27: {  	s1 =	sld [smem:$0x3FA6]  }
0x28: {  	s2 =	sld [smem:$0x3FA7]  }
0x29: {  	s4 =	sld [smem:$0x3FA9]  }
0x2a: {  	p0 =	seq.s32 s5, $0x0;
	s5 =	sld [smem:$0x3FAA]  }
0x2b: {  	s6 =	sld [smem:$0x3FAB]  }
0x2c: {  	s7 =	sld [smem:$0x3FAC]  }
0x2d: {  	s3 =	simm.s32 $0x108;
	s8 =	sld [smem:$0x3FAD]  }
0x2e: {  	s3 =	simm.s32 @!p0 $0x1082;
	s9 =	sld [smem:$0x3FAE]  }
0x2f: {  	lr =	sadd.s32 s0, s3;
	s0 =	sld [smem:$0x3FA5]  }
0x30: {  	s3 =	sld [smem:$0x3FA8]  }
0x31: {  	[smem:$0x3FB1] =	sst s10  }
0x32: {  	s10 =	sld [smem:$0x3FAF];
	_ =	sdelay $0x3  }
0x33: {  	p0 =	seq.s32 s10, $0x1;
	s10 =	sld [smem:$0x3FB1];
	_ =	sdelay $0x3  }
0x34: {  	[smem:$0x3FB1] =	sst s10  }
0x35: {  	s10 =	sld [smem:$0x3FB0];
	_ =	sdelay $0x3  }
0x36: {  	p1 =	seq.s32 s10, $0x1;
	s10 =	sld [smem:$0x3FB1];
	_ =	sdelay $0x3  }
0x37: {  	[smem:$0x3FB1] =	sst s10  }
0x38: {  	s10 =	sld [smem:$0x3FB2]  }
0x39: {  	_ = 	snop;
	(pc) =	sbr.ind lr, $3  }
0x3a: {  	_ = 	snop  }
0x3b: {  	_ = 	snop  }
0x3c: {  	p2 =	seq.s32 s10, $0x1;
	s10 =	sld [smem:$0x3FB1]  }
0x3d: {  	_ =	shalt  }
0x3e: {  	_ =	shalt  }
0x3f: {  	_ =	shalt  }
0x40: {  	_ =	shalt  }
0x41: {  	_ =	shalt  }
0x42: {  	_ =	shalt  }
0x43: {  	_ =	shalt  }
0x44: {  	_ =	shalt  }
0x45: {  	_ =	shalt  }
0x46: {  	_ =	shalt  }
0x47: {  	_ =	shalt  }
0x48: {  	_ =	shalt  }
0x49: {  	_ =	shalt  }
0x4a: {  	_ =	shalt  }
0x4b: {  	_ =	shalt  }
0x4c: {  	_ =	shalt  }
0x4d: {  	_ =	shalt  }
0x4e: {  	_ =	shalt  }
0x4f: {  	_ =	shalt  }
0x50: {  	_ =	shalt  }
0x51: {  	_ =	shalt  }
0x52: {  	_ =	shalt  }
0x53: {  	_ =	shalt  }
0x54: {  	_ =	shalt  }
0x55: {  	_ =	shalt  }
0x56: {  	_ =	shalt  }
0x57: {  	_ =	shalt  }
0x58: {  	_ =	shalt  }
0x59: {  	_ =	shalt  }
0x5a: {  	_ =	shalt  }
0x5b: {  	_ =	shalt  }
0x5c: {  	_ =	shalt  }
0x5d: {  	_ =	shalt  }
0x5e: {  	_ =	shalt  }
0x5f: {  	_ =	shalt  }
0x60: {  	_ =	shalt  }
0x61: {  	_ =	shalt  }
0x62: {  	_ =	shalt  }
0x63: {  	_ =	shalt  }
0x64: {  	_ =	shalt  }
0x65: {  	_ =	shalt  }
0x66: {  	_ =	shalt  }
0x67: {  	_ =	shalt  }
0x68: {  	_ =	shalt  }
0x69: {  	_ =	shalt  }
0x6a: {  	_ =	shalt  }
0x6b: {  	_ =	shalt  }
0x6c: {  	_ =	shalt  }
0x6d: {  	_ =	shalt  }
0x6e: {  	_ =	shalt  }
0x6f: {  	_ =	shalt  }
0x70: {  	_ =	shalt  }
0x71: {  	_ =	shalt  }
0x72: {  	_ =	shalt  }
0x73: {  	_ =	shalt  }
0x74: {  	_ =	shalt  }
0x75: {  	_ =	shalt  }
0x76: {  	_ =	shalt  }
0x77: {  	_ =	shalt  }
0x78: {  	_ =	shalt  }
0x79: {  	_ =	shalt  }
0x7a: {  	_ =	shalt  }
0x7b: {  	_ =	shalt  }
0x7c: {  	_ =	shalt  }
0x7d: {  	_ =	shalt  }
0x7e: {  	_ =	shalt  }
0x7f: {  	_ =	shalt  }
0x80: {  	_ =	shalt  }
0x81: {  	_ =	shalt  }
0x82: {  	_ =	shalt  }
0x83: {  	_ =	shalt  }
0x84: {  	_ =	shalt  }
0x85: {  	_ =	shalt  }
0x86: {  	_ =	shalt  }
0x87: {  	_ =	shalt  }
.Lfunc_end0:
.L_simem_size_0:
called_computation_lowered:
.L_overlay_start_0:
0x88: {  	s2 =	sld [smem:$0x3FD9]  }
0x89: {  	s3 =	sld [smem:$0x3FFE];
	_ =	sdelay $0x1  }
0x8a: {  	s1 =	srdreg.scid  }
0x8b: {  	s0 =	sand.u32 $0x1, s1  }
0x8c: {  	s17 =	sshll.u32 s0, $0xA;
	s2 =	sadd.s32 s3, s2  }
0x8d: {  	s2 =	sadd.s32 s2, s17  }
0x8e: {  	[smem:$0x3FBD] =	sst s2  }
0x8f: {  	_ = 	snop  }
0x90: {  	s2 =	sld [smem:$0x3FD0];
	(tm) =	ssettm $0x1  }
0x91: {  	s18 =	sld [smem:$0x3FFB];
	_ =	sdelay $0x3  }
0x92: {  	_ =	strace s18  }
0x93: {  	s3 =	sld [smem:$0x3FFC];
	_ =	sdelay $0x3  }
0x94: {  	_ =	strace s3  }
0x95: {  	s3 =	sld [smem:$0x3FFD];
	_ =	sdelay $0x3  }
0x96: {  	_ =	strace s3  }
0x97: {  	_ =	strace $0x8FFFFFFF  }
0x98: {  	s19 =	sld [smem:$0x3FDB];
	_ =	sdelay $0x1  }
0x99: {  	s4 =	simm.s32 $_scs_section_size  }
0x9a: {  	s5 =	simm.s32 $_size__tile_overlayer_lowered;
	s6 =	simm.s32 $_tile_overlayer_lowered  }
0x9b: {  	s22 =	simm.s32 $0x1BFF;
	s21 =	sshll.u32 s6, $0x1;
	s3 =	sadd.s32 s4, s19  }
0x9c: {  	s7 =	simm.s32 $0x0;
	s20 =	sshll.u32 s5, $0x1;
	s5 =	sadd.s32 s21, s3  }
0x9d: {  	[timem:s7], [sflag:s22] =	dma.local [hbm:s5], s20  }
0x9e: {  	_ =	swait.ge [sflag:s22], s20  }
0x9f: {  	s4 =	ssub.s32 $0x0, s20;
	[sflag:s22] =	ssyncset.done $0x0  }
0xa0: {  	[sflag:s22] =	ssyncadd.s32 s4;
	_ =	sdelay $0x1  }
0xa1: {  	s23 =	simm.s32 $0x1B8B  }
0xa2: {  	_ =	swait.ge [sflag:s23], $0x1  }
0xa3: {  	[sflag:s23] =	ssyncset.done $0x0  }
0xa4: {  	s25 =	simm.s32 $0x1B8E;
	s24 =	sld [smem:$0x3FFE];
	[sflag:s23] =	ssyncadd.s32 $0xFFFFFFFF  }
0xa5: {  	s26 =	simm.s32 $execute0_lowered;
	[smem:$0x3FD2] =	sst s25  }
0xa6: {  	s5 =	sshll.u32 s26, $0x1;
	_ =	strace $0x80000046;
	[dreg:$0x1] =	wrdreg $0xFFFFFFFF  }
0xa7: {  	s28 =	simm.s32 $_size_execute0_lowered;
	s3 =	sadd.s32 s3, s5;
	[dreg:$0x0] =	wrdreg $0x0  }
0xa8: {  	s5 =	sshll.u32 s28, $0x1;
	[dreg:$0x2] =	wrdreg s3  }
0xa9: {  	[dreg:$0x3] =	wrdreg s5  }
0xaa: {  	[dreg:$0x4] =	wrdreg $0xC0  }
0xab: {  	_ =	task [dreg:s7], $0x5FFFF  }
0xac: {  	[dreg:$0x1] =	wrdreg $0xFFFFFFFF  }
0xad: {  	[dreg:$0x0] =	wrdreg $0x60  }
0xae: {  	[dreg:$0x2] =	wrdreg s24  }
0xaf: {  	[dreg:$0x3] =	wrdreg s2  }
0xb0: {  	[dreg:$0x4] =	wrdreg $0x23800  }
0xb1: {  	[dreg:$0x5] =	wrdreg $0x30000  }
0xb2: {  	[dreg:$0x6] =	wrdreg $0x9  }
0xb3: {  	_ =	task.clear_ibuf [dreg:s7], $0x7FFFF;
	_ =	strace $0x90000046  }
0xb4: {  	s29 =	simm.s32 $0x9;
	_ =	strace $0x80000048  }
0xb5: {  	_ =	swait.ge [sflag:s29], $0x1  }
0xb6: {  	[sflag:s29] =	ssyncadd.s32 $0xFFFFFFFF  }
0xb7: {  	_ =	strace $0x90000048  }
0xb8: {  	_ =	sfence  }
0xb9: {  	s30 =	sld [smem:$0x0];
	_ =	sdelay $0x2  }
0xba: {  	s31 =	sshll.u32 s1, $0xD;
	s1 =	sshrl.u32 s1, $0x2  }
0xbb: {  	s3 =	sand.u32 $0x4000, s31;
	s1 =	sadd.s32 s1, s30  }
0xbc: {  	s0 =	sor.u32 s3, s0;
	s1 =	sshll.u32 s1, $0x11  }
0xbd: {  	s0 =	sor.u32 s1, s0  }
0xbe: {  	s0 =	sadd.s32 $0x8F2B, s0  }
0xbf: {  	[sflag:s0] =	ssyncadd.remote.s32 $0x1  }
0xc0: {  	_ =	sfence.sel $0xFFFF  }
0xc1: {  	[dreg:$0x0] =	wrdreg $0xFFFFFFFF;
	(pc) =	sbr.abs _section_cstart, $3  }
0xc2: {  	[dreg:$0x1] =	wrdreg $0xFFFFFFFF  }
0xc3: {  	_ =	task.clear_ibuf [dreg:s7], $0x2FFFF;
	_ =	strace $0x9FFFFFFF  }
0xc4: {  	(tm) =	ssettm $0x7FFFFFFF  }
0xc5: {  	_ =	shalt  }
tec
execute0_lowered:
.L_overlay_start_1:
0x0: {  	(tag) =	ssettag $0x1  }
0x1: {  	s0 =	rddreg [dreg:$0x0]  }
0x2: {  	s1 =	rddreg [dreg:$0x1]  }
0x3: {  	s2 =	rddreg [dreg:$0x2]  }
0x4: {  	s3 =	rddreg [dreg:$0x3];
	s4 =	simm.s32 $0x0;
	s19 =	stileid.u32  }
0x5: {  	s5 =	srdreg.scid;
	s20 =	simm.s32 $0x480;
	s21 =	simm.s32 $0x500  }
0x6: {  	s22 =	simm.s32 $0x580;
	s24 =	simm.s32 $0x800;
	s31 =	simm.s32 $0x200  }
0x7: {  	[smem:$0x7FF] =	sst s4;
	s7 =	sand.u32 $0x1, s5;
	s8 =	smul.u32 $0xC800, s19  }
0x8: {  	s9 =	smul.u32 $0x6400, s19;
	s5 =	sadd.s32 $0x19E00, s0;
	s6 =	sadd.s32 $0x1600, s0  }
0x9: {  	s11 =	smul.u32 $0xC80, s19;
	_ =	strace $0x80000047;
	[dreg:$0x6] =	wrdreg s20  }
0xa: {  	s13 =	smul.u32 $0x1880, s19;
	s18 =	sshll.u32 s19, $0x6;
	[dreg:$0x7] =	wrdreg s21  }
0xb: {  	s29 =	smul.u32 $0xC4, s19;
	s10 =	sshll.u32 s7, $0x7;
	[dreg:$0x8] =	wrdreg s22  }
0xc: {  	s26 =	ssub.s32 $0x2, s7;
	s17 =	smul.u32 $0xC40, s7;
	[dreg:$0x9] =	wrdreg s24  }
0xd: {  	s21 =	simm.s32 $0x980;
	s22 =	simm.s32 $0x780;
	s8 =	sor.u32 s10, s8  }
0xe: {  	s25 =	sshrl.u32 s9, $0x3;
	s15 =	sshrl.u32 s11, $0x3;
	[dreg:$0xf] =	wrdreg s21  }
0xf: {  	s28 =	sshrl.u32 s26, $0x1;
	s9 =	sadd.s32 s9, s3;
	[dreg:$0x10] =	wrdreg s22  }
0x10: {  	s10 =	sor.u32 $0x1C07, s18;
	s8 =	sshrl.u32 s8, $0x3;
	[dreg:$0x15] =	wrdreg s9  }
0x11: {  	s12 =	sadd.s32 s25, s0;
	s1 =	sadd.s32 s1, s15;
	[dreg:$0x14] =	wrdreg s10  }
0x12: {  	s16 =	ssub.s32 s26, s28;
	s28 =	simm.s32 $0x600;
	[dreg:$0x17] =	wrdreg s1  }
0x13: {  	s25 =	sadd.s32 s11, s2;
	s14 =	sadd.s32 s8, s0;
	[dreg:$0xa] =	wrdreg s28  }
0x14: {  	s8 =	sadd.s32 s6, s13;
	s11 =	sadd.s32 $0x65000, s12;
	[dreg:$0x12] =	wrdreg s25  }
0x15: {  	s13 =	sadd.s32 s29, s17;
	s17 =	simm.s32 $0x400;
	[dreg:$0x16] =	wrdreg s11  }
0x16: {  	s18 =	sand.u32 $0x40, s18;
	s0 =	sadd.s32 s15, s0;
	[dreg:$0x5] =	wrdreg s17  }
0x17: {  	s21 =	simm.s32 $0x100;
	s30 =	sadd.s32 $0x63600, s0;
	[dreg:$0x11] =	wrdreg s8  }
0x18: {  	s22 =	simm.s32 $0x180;
	s0 =	sadd.s32 $0x8A800, s0;
	[dreg:$0x13] =	wrdreg s30  }
0x19: {  	s9 =	simm.s32 $0x380;
	s24 =	sadd.s32 $0x71800, s14;
	[dreg:$0x18] =	wrdreg s0  }
0x1a: {  	s1 =	sshrl.u32 s19, $0x3;
	s28 =	sadd.s32 $0x10, s8;
	[smem:$0x7F9] =	sst s24  }
0x1b: {  	s12 =	sshll.u32 s13, $0x4;
	s30 =	simm.s32 $0x880;
	[smem:$0x7FB] =	sst s28  }
0x1c: {  	s15 =	sand.u32 $0x1FF80, s12;
	s12 =	simm.s32 $0x680;
	[dreg:$0xb] =	wrdreg s30  }
0x1d: {  	s0 =	sor.u32 s18, s15;
	[dreg:$0xc] =	wrdreg s12;
	s15 =	simm.s32 $0x900  }
0x1e: {  	p0 =	sne.s32 s1, s7;
	s18 =	simm.s32 $0x700;
	[dreg:$0xd] =	wrdreg s15  }
0x1f: {  	s1 =	simm.s32 $0x300;
	s30 =	sadd.s32 $0x30, s8;
	[dreg:$0xe] =	wrdreg s18  }
0x20: {  	s14 =	simm.s32 $0xA00;
	s11 =	sadd.s32 s5, s0;
	[smem:$0x7FD] =	sst s30  }
0x21: {  	s23 =	sadd.s32 s6, s0;
	s26 =	sor.u32 $0x10, s0;
	[dreg:$0x19] =	wrdreg s11  }
0x22: {  	s24 =	simm.s32 $0x0;
	[dreg:$0x1a] =	wrdreg s23;
	s29 =	sadd.s32 s5, s26  }
0x23: {  	s17 =	sor.u32 $0x20, s0;
	s11 =	sadd.s32 s6, s26;
	[dreg:$0x1b] =	wrdreg s29  }
0x24: {  	s12 =	simm.s32 $0x80;
	s20 =	sadd.s32 s5, s17;
	[dreg:$0x1c] =	wrdreg s11  }
0x25: {  	s0 =	sor.u32 $0x30, s0;
	s7 =	sadd.s32 s6, s17;
	[dreg:$0x1d] =	wrdreg s20  }
0x26: {  	s15 =	simm.s32 $0x2;
	s23 =	sadd.s32 s5, s0;
	[dreg:$0x1e] =	wrdreg s7  }
0x27: {  	s18 =	simm.s32 $0x6;
	s0 =	sadd.s32 s6, s0;
	[dreg:$0x1f] =	wrdreg s23  }
0x28: {  	s26 =	smax.u32 s16, $0x1;
	s16 =	simm.s32 $0x3;
	[smem:$0x7F8] =	sst s0  }
0x29: {  	s17 =	simm.s32 $0x4;
	[smem:$0x7FA] =	sst s26;
	s26 =	smul.u32 $0x188, s19  }
0x2a: {  	s29 =	sadd.s32 $0x20, s8;
	s0 =	simm.s32 $0x280;
	s11 =	simm.s32 $0x1  }
0x2b: {  	v0 =	vimm.s32 $0x1;
	s20 =	simm.s32 $0x7;
	s23 =	simm.s32 $0x5;
	[smem:$0x7FC] =	sst s29  }
.LBB2_1:
0x2c: {  	[tilespmem:$0xA00] =	vst v0  }
0x2d: {  	[tilespmem:$0xA10] =	vst v0  }
0x2e: {  	[tilespmem:$0xA20] =	vst v0  }
0x2f: {  	[tilespmem:$0xA30] =	vst v0  }
0x30: {  	[tilespmem:$0xA40] =	vst v0  }
0x31: {  	[tilespmem:$0xA50] =	vst v0  }
0x32: {  	[tilespmem:$0xA60] =	vst v0;
	s7 =	rddreg [dreg:$0x11]  }
0x33: {  	[tilespmem:$0xA70] =	vst v0;
	s19 =	sld [smem:$0x7FB]  }
0x34: {  	[tilespmem:s31], [sflag:$0x1] =	stream.linear.gather [hbm4b:s7+s4], $0x80, $0x38;
	[tilespmem:$0x9400] =	vst v63  }
0x35: {  	s8 =	sld [smem:$0x7FC]  }
0x36: {  	[tilespmem:s0], [sflag:$0x2] =	stream.linear.gather [hbm4b:s19+s4], $0x80, $0x38;
	[tilespmem:$0x9400] =	vst v63  }
0x37: {  	s19 =	sld [smem:$0x7FD]  }
0x38: {  	[tilespmem:s1], [sflag:$0x3] =	stream.linear.gather [hbm4b:s8+s4], $0x80, $0x38;
	[tilespmem:$0x9400] =	vst v63  }
0x39: {  	s25 =	sshrl.u32 s25, $0x3;
	s8 =	rddreg [dreg:$0x13]  }
0x3a: {  	[tilespmem:s9], [sflag:$0x4] =	stream.linear.gather [hbm4b:s19+s4], $0x80, $0x38;
	[tilespmem:$0x9400] =	vst v63  }
0x3b: {  	[spmem:s25], [sflag:s10] =	dma.local [hbm:s8], $0x190  }
0x3c: {  	_ =	swait.ge [sflag:s20], $0x190  }
0x3d: {  	s8 =	rddreg [dreg:$0x15]  }
0x3e: {  	[sflag:s20] =	ssyncset.done $0x0;
	s25 =	rddreg [dreg:$0x16];
	s19 =	sshrl.u32 s8, $0x3  }
0x3f: {  	[sflag:s20] =	ssyncadd.s32 $0xFFFFFE70;
	[smem:$0x7F7] =	sst s19  }
0x40: {  	[spmem:s19], [sflag:s10] =	dma.local [hbm:s25], $0xC80  }
0x41: {  	_ =	swait.ge [sflag:s20], $0xC80  }
0x42: {  	[sflag:s20] =	ssyncset.done $0x0  }
0x43: {  	[sflag:s20] =	ssyncadd.s32 $0xFFFFF380  }
0x44: {  	[bflag:$0x0] =	sbarrier.arrive $0xFFFF  }
0x45: {  	_ =	swait.ge [sflag:s11], $0x80  }
0x46: {  	[sflag:s11] =	ssyncset.done $0x0  }
0x47: {  	[sflag:s11] =	ssyncadd.s32 $0xFFFFFF80  }
0x48: {  	[spmem:s2] =	stream.indirect.scatter.add.s32 [tilespmem:s14], [sflag:$0x6], $0x1, s31, s12, $0xb8;
	[tilespmem:$0x9400] =	vst v63  }
0x49: {  	s28 =	simm.s32 $0xB;
	_ =	swait.ge [sflag:s15], $0x80  }
0x4a: {  	s29 =	simm.s32 $0x4;
	p1 =	por $0x0, $0x0;
	[sflag:s15] =	ssyncset.done $0x0  }
0x4b: {  	s7 =	simm.s32 $0x5;
	s29 =	simm.s32 @p1 $0x0;
	[sflag:s15] =	ssyncadd.s32 $0xFFFFFF80  }
0x4c: {  	[spmem:s2] =	stream.indirect.scatter.add.s32 [tilespmem:s14], [sflag:$0x6], $0x1, s0, s12, $0xb8;
	[tilespmem:$0x9400] =	vst v63  }
0x4d: {  	s30 =	sadd.s32 s26, s29;
	s29 =	sshll.u32 s29, $0x4;
	_ =	swait.ge [sflag:s16], $0x80  }
0x4e: {  	s30 =	sshll.u32 s30, $0x4;
	s29 =	sand.u32 $0x40, s29;
	[sflag:s16] =	ssyncset.done $0x0  }
0x4f: {  	s29 =	sadd.s32 s6, s29;
	s30 =	sand.u32 $0x3FF80, s30;
	[sflag:s16] =	ssyncadd.s32 $0xFFFFFF80  }
0x50: {  	[spmem:s2] =	stream.indirect.scatter.add.s32 [tilespmem:s14], [sflag:$0x6], $0x1, s1, s12, $0xb8;
	[tilespmem:$0x9400] =	vst v63  }
0x51: {  	s7 =	simm.s32 @p1 $0x1;
	s29 =	sadd.s32 s30, s29;
	_ =	swait.ge [sflag:s17], $0x80  }
0x52: {  	s30 =	sshll.u32 s7, $0x4;
	s7 =	sadd.s32 s26, s7;
	[sflag:s17] =	ssyncset.done $0x0  }
0x53: {  	s7 =	sshll.u32 s7, $0x4;
	s30 =	sand.u32 $0x50, s30;
	[sflag:s17] =	ssyncadd.s32 $0xFFFFFF80  }
0x54: {  	[spmem:s2] =	stream.indirect.scatter.add.s32 [tilespmem:s14], [sflag:$0x6], $0x1, s9, s12, $0xb8;
	[tilespmem:$0x9400] =	vst v63  }
0x55: {  	s7 =	sand.u32 $0x3FF80, s7;
	s30 =	sadd.s32 s6, s30;
	_ =	swait.ge [sflag:s18], $0x80  }
0x56: {  	s7 =	sadd.s32 s7, s30;
	s8 =	simm.s32 $0x7;
	[sflag:s18] =	ssyncset.done $0x0  }
0x57: {  	s8 =	simm.s32 @p1 $0x3;
	s19 =	simm.s32 $0x6;
	[sflag:s18] =	ssyncadd.s32 $0xFFFFFF80  }
0x58: {  	[tilespmem:s31], [sflag:$0x1] =	stream.linear.gather [hbm4b:s29+s4], $0x80, $0x38;
	[tilespmem:$0x9400] =	vst v63  }
0x59: {  	s25 =	sadd.s32 s26, s8;
	s19 =	simm.s32 @p1 $0x2;
	_ =	swait.ge [sflag:s18], $0x80  }
0x5a: {  	s8 =	sshll.u32 s8, $0x4;
	s29 =	sadd.s32 s26, s19;
	[sflag:s18] =	ssyncset.done $0x0  }
0x5b: {  	s19 =	sshll.u32 s19, $0x4;
	s29 =	sshll.u32 s29, $0x4;
	[sflag:s18] =	ssyncadd.s32 $0xFFFFFF80  }
0x5c: {  	[tilespmem:s0], [sflag:$0x2] =	stream.linear.gather [hbm4b:s7+s4], $0x80, $0x38;
	[tilespmem:$0x9400] =	vst v63  }
0x5d: {  	s30 =	sand.u32 $0x3FF80, s29;
	s29 =	sshll.u32 s25, $0x4;
	s7 =	sand.u32 $0x60, s19  }
0x5e: {  	s29 =	sand.u32 $0x3FF80, s29;
	s19 =	sadd.s32 s6, s7;
	s7 =	sand.u32 $0x70, s8  }
.LBB2_2:
0x5f: {  	p1 =	sne.s32 s28, $0x18B;
	_ =	swait.ge [sflag:s18], $0x80;
	s7 =	sadd.s32 s6, s7  }
0x60: {  	s8 =	sadd.s32 s30, s19;
	[sflag:s18] =	ssyncset.done $0x0;
	s7 =	sadd.s32 s29, s7  }
0x61: {  	s29 =	smov.u32 s28;
	s28 =	sadd.s32 $0x4, s28;
	[sflag:s18] =	ssyncadd.s32 $0xFFFFFF80  }
0x62: {  	[tilespmem:s1], [sflag:$0x3] =	stream.linear.gather [hbm4b:s8+s4], $0x80, $0x38;
	[tilespmem:$0x9400] =	vst v63  }
0x63: {  	_ =	swait.ge [sflag:s18], $0x80  }
0x64: {  	[sflag:s18] =	ssyncset.done $0x0  }
0x65: {  	[sflag:s18] =	ssyncadd.s32 $0xFFFFFF80  }
0x66: {  	[tilespmem:s9], [sflag:$0x4] =	stream.linear.gather [hbm4b:s7+s4], $0x80, $0x38;
	[tilespmem:$0x9400] =	vst v63  }
0x67: {  	_ =	swait.ge [sflag:s11], $0x80  }
0x68: {  	[sflag:s11] =	ssyncset.done $0x0  }
0x69: {  	[sflag:s11] =	ssyncadd.s32 $0xFFFFFF80  }
0x6a: {  	[spmem:s2] =	stream.indirect.scatter.add.s32 [tilespmem:s14], [sflag:$0x6], $0x1, s31, s12, $0xb8;
	[tilespmem:$0x9400] =	vst v63  }
0x6b: {  	s8 =	sadd.s32 $0xFFFFFFFF, s29;
	s7 =	sadd.s32 $0xFFFFFFFE, s29;
	_ =	swait.ge [sflag:s15], $0x80  }
0x6c: {  	s19 =	sadd.s32 $0xFFFFFFFD, s29;
	p2 =	seq.s32 s29, $0x18B;
	[sflag:s15] =	ssyncset.done $0x0  }
0x6d: {  	s19 =	simm.s32 @p2 $0x0;
	s7 =	simm.s32 @p2 $0x1;
	[sflag:s15] =	ssyncadd.s32 $0xFFFFFF80  }
0x6e: {  	s30 =	sadd.s32 s26, s19;
	s8 =	simm.s32 @p2 $0x2;
	s10 =	sshll.u32 s7, $0x4  }
0x6f: {  	[spmem:s2] =	stream.indirect.scatter.add.s32 [tilespmem:s14], [sflag:$0x6], $0x1, s0, s12, $0xb8;
	[tilespmem:$0x9400] =	vst v63  }
0x70: {  	s19 =	sshll.u32 s19, $0x4;
	s25 =	sshll.u32 s30, $0x4;
	_ =	swait.ge [sflag:s16], $0x80  }
0x71: {  	s19 =	sand.u32 $0x40, s19;
	s30 =	sadd.s32 s26, s8;
	[sflag:s16] =	ssyncset.done $0x0  }
0x72: {  	s29 =	simm.s32 @p2 $0x3;
	s7 =	sadd.s32 s26, s7;
	[sflag:s16] =	ssyncadd.s32 $0xFFFFFF80  }
0x73: {  	[spmem:s2] =	stream.indirect.scatter.add.s32 [tilespmem:s14], [sflag:$0x6], $0x1, s1, s12, $0xb8;
	[tilespmem:$0x9400] =	vst v63  }
0x74: {  	s7 =	sshll.u32 s7, $0x4;
	s10 =	sand.u32 $0x50, s10;
	_ =	swait.ge [sflag:s17], $0x80  }
0x75: {  	s19 =	sadd.s32 s6, s19;
	s7 =	sand.u32 $0x3FF80, s7;
	[sflag:s17] =	ssyncset.done $0x0  }
0x76: {  	s30 =	sshll.u32 s30, $0x4;
	s10 =	sadd.s32 s6, s10;
	[sflag:s17] =	ssyncadd.s32 $0xFFFFFF80  }
0x77: {  	[spmem:s2] =	stream.indirect.scatter.add.s32 [tilespmem:s14], [sflag:$0x6], $0x1, s9, s12, $0xb8;
	[tilespmem:$0x9400] =	vst v63  }
0x78: {  	s8 =	sshll.u32 s8, $0x4;
	s30 =	sand.u32 $0x3FF80, s30;
	_ =	swait.ge [sflag:s18], $0x80  }
0x79: {  	s25 =	sand.u32 $0x3FF80, s25;
	s8 =	sand.u32 $0x60, s8;
	[sflag:s18] =	ssyncset.done $0x0  }
0x7a: {  	s25 =	sadd.s32 s25, s19;
	s19 =	sadd.s32 s6, s8;
	[sflag:s18] =	ssyncadd.s32 $0xFFFFFF80  }
0x7b: {  	[tilespmem:s31], [sflag:$0x1] =	stream.linear.gather [hbm4b:s25+s4], $0x80, $0x38;
	[tilespmem:$0x9400] =	vst v63  }
.Ltmp0:
0x7c: {  	_ = 	snop;
	(pc) =	sbr.rel @p1 .LBB2_2-.Ltmp0, $4  }
0x7d: {  	s8 =	sadd.s32 s7, s10;
	s7 =	sadd.s32 s26, s29;
	_ =	swait.ge [sflag:s18], $0x80  }
0x7e: {  	s10 =	sshll.u32 s29, $0x4;
	s7 =	sshll.u32 s7, $0x4;
	[sflag:s18] =	ssyncset.done $0x0  }
0x7f: {  	s29 =	sand.u32 $0x3FF80, s7;
	s7 =	sand.u32 $0x70, s10;
	[sflag:s18] =	ssyncadd.s32 $0xFFFFFF80  }
0x80: {  	[tilespmem:s0], [sflag:$0x2] =	stream.linear.gather [hbm4b:s8+s4], $0x80, $0x38;
	[tilespmem:$0x9400] =	vst v63  }
0x81: {  	_ =	swait.ge [sflag:s18], $0x80  }
0x82: {  	[sflag:s18] =	ssyncset.done $0x0  }
0x83: {  	s8 =	sadd.s32 s30, s19;
	[sflag:s18] =	ssyncadd.s32 $0xFFFFFF80  }
0x84: {  	[tilespmem:s1], [sflag:$0x3] =	stream.linear.gather [hbm4b:s8+s4], $0x80, $0x38;
	[tilespmem:$0x9400] =	vst v63  }
0x85: {  	_ =	swait.ge [sflag:s18], $0x80  }
0x86: {  	s7 =	sadd.s32 s6, s7;
	[sflag:s18] =	ssyncset.done $0x0  }
0x87: {  	s7 =	sadd.s32 s29, s7;
	[sflag:s18] =	ssyncadd.s32 $0xFFFFFF80  }
0x88: {  	[tilespmem:s9], [sflag:$0x4] =	stream.linear.gather [hbm4b:s7+s4], $0x80, $0x38;
	[tilespmem:$0x9400] =	vst v63  }
0x89: {  	_ =	swait.ge [sflag:s11], $0x80  }
0x8a: {  	[sflag:s11] =	ssyncset.done $0x0  }
0x8b: {  	[sflag:s11] =	ssyncadd.s32 $0xFFFFFF80  }
0x8c: {  	_ =	swait.ge [sflag:s15], $0x80  }
0x8d: {  	[sflag:s15] =	ssyncset.done $0x0  }
0x8e: {  	[sflag:s15] =	ssyncadd.s32 $0xFFFFFF80  }
0x8f: {  	_ =	swait.ge [sflag:s16], $0x80  }
0x90: {  	[sflag:s16] =	ssyncset.done $0x0  }
0x91: {  	[sflag:s16] =	ssyncadd.s32 $0xFFFFFF80  }
0x92: {  	_ =	swait.ge [sflag:s17], $0x80  }
0x93: {  	[sflag:s17] =	ssyncset.done $0x0  }
0x94: {  	[sflag:s17] =	ssyncadd.s32 $0xFFFFFF80  }
0x95: {  	[bflag:$0x0] =	sbarrier.arrive $0xFFFF  }
0x96: {  	s10 =	simm.s32 $0xA80;
	s25 =	rddreg [dreg:$0x12]  }
0x97: {  	[tilespmem:s10], [sflag:$0x7] =	stream.linear.gather [spmem:s25], $0xC80, $0x38;
	[tilespmem:$0x9400] =	vst v63  }
0x98: {  	_ =	swait.ge [sflag:s20], $0xC80  }
0x99: {  	s30 =	simm.s32 $0x1700;
	[sflag:s20] =	ssyncset.done $0x0  }
0x9a: {  	s8 =	simm.s32 $0x0;
	s19 =	rddreg [dreg:$0x17];
	[sflag:s20] =	ssyncadd.s32 $0xFFFFF380  }
0x9b: {  	[tilespmem:s30], [sflag:$0x7] =	stream.linear.gather [hbm4b:s19+s8], $0xC80, $0x38;
	[tilespmem:$0x9400] =	vst v63  }
0x9c: {  	_ =	swait.ge [sflag:s20], $0xC80  }
0x9d: {  	[sflag:s20] =	ssyncset.done $0x0  }
0x9e: {  	s28 =	simm.s32 $0x0;
	s29 =	simm.s32 $0x40;
	[sflag:s20] =	ssyncadd.s32 $0xFFFFF380  }
.LBB2_4:
0x9f: {  	p1 =	sne.s32 s29, $0x31C0;
	v1 =	vld [tilespmem:s28+$0xA80];
	_ =	sdelay $0x4  }
0xa0: {  	v1 =	vadd.s32 $0x1, v1  }
0xa1: {  	v1 =	vcvt.s32.f32 v1;
	_ =	sdelay $0x1  }
0xa2: {  	v2 =	vshra.s32 v1, $0x1;
	v1 =	vmul.f32 $5.000000000e-01, v1  }
0xa3: {  	v2 =	vsub.s32 $0x5F3759DF, v2  }
0xa4: {  	v3 =	vmul.f32 v2, v1;
	_ =	sdelay $0x1  }
0xa5: {  	v3 =	vmul.f32 v2, v3;
	_ =	sdelay $0x1  }
0xa6: {  	v3 =	vsub.f32 $1.500000000e+00, v3;
	_ =	sdelay $0x1  }
0xa7: {  	v2 =	vmul.f32 v2, v3;
	_ =	sdelay $0x1  }
0xa8: {  	v3 =	vmul.f32 v2, v1;
	_ =	sdelay $0x1  }
0xa9: {  	v3 =	vmul.f32 v3, v2;
	_ =	sdelay $0x1  }
0xaa: {  	v3 =	vsub.f32 $1.500000000e+00, v3;
	_ =	sdelay $0x1  }
0xab: {  	v2 =	vmul.f32 v3, v2;
	_ =	sdelay $0x1  }
0xac: {  	v1 =	vmul.f32 v2, v1;
	_ =	sdelay $0x1  }
0xad: {  	v1 =	vmul.f32 v1, v2;
	_ =	sdelay $0x1  }
0xae: {  	v1 =	vsub.f32 $1.500000000e+00, v1;
	v3 =	vld [tilespmem:s28+$0x1700];
	_ =	sdelay $0x1  }
.Ltmp1:
0xaf: {  	v1 =	vmul.f32 v1, v2;
	(pc) =	sbr.rel @p1 .LBB2_4-.Ltmp1, $4  }
0xb0: {  	_ = 	snop  }
0xb1: {  	v1 =	vand.u32 $0xFFFFFFF8, v1  }
0xb2: {  	v1 =	vor.u32 v3, v1  }
0xb3: {  	[tilespmem:s28+$0xA80] =	vst v1;
	s28 =	sshra.s32 s29, $0x2;
	s29 =	sadd.s32 $0x40, s29  }
0xb4: {  	v1 =	vld [tilespmem:s28+$0xA80];
	_ =	sdelay $0x4  }
0xb5: {  	v1 =	vadd.s32 $0x1, v1  }
0xb6: {  	v1 =	vcvt.s32.f32 v1;
	_ =	sdelay $0x1  }
0xb7: {  	v2 =	vshra.s32 v1, $0x1;
	v1 =	vmul.f32 $5.000000000e-01, v1  }
0xb8: {  	v2 =	vsub.s32 $0x5F3759DF, v2  }
0xb9: {  	v3 =	vmul.f32 v2, v1;
	_ =	sdelay $0x1  }
0xba: {  	v3 =	vmul.f32 v2, v3;
	_ =	sdelay $0x1  }
0xbb: {  	v3 =	vsub.f32 $1.500000000e+00, v3;
	_ =	sdelay $0x1  }
0xbc: {  	v2 =	vmul.f32 v2, v3;
	_ =	sdelay $0x1  }
0xbd: {  	v3 =	vmul.f32 v2, v1;
	_ =	sdelay $0x1  }
0xbe: {  	v3 =	vmul.f32 v3, v2;
	_ =	sdelay $0x1  }
0xbf: {  	v3 =	vsub.f32 $1.500000000e+00, v3;
	_ =	sdelay $0x1  }
0xc0: {  	v2 =	vmul.f32 v3, v2;
	_ =	sdelay $0x1  }
0xc1: {  	v1 =	vmul.f32 v2, v1;
	_ =	sdelay $0x1  }
0xc2: {  	v1 =	vmul.f32 v1, v2;
	_ =	sdelay $0x1  }
0xc3: {  	v3 =	vld [tilespmem:s28+$0x1700];
	v1 =	vsub.f32 $1.500000000e+00, v1;
	_ =	sdelay $0x1  }
0xc4: {  	v1 =	vmul.f32 v1, v2;
	_ =	sdelay $0x1  }
0xc5: {  	v1 =	vand.u32 $0xFFFFFFF8, v1  }
0xc6: {  	v1 =	vor.u32 v3, v1  }
0xc7: {  	[tilespmem:s28+$0xA80] =	vst v1  }
0xc8: {  	[spmem:s25] =	stream.linear.scatter [tilespmem:s10], [sflag:$0x7], $0xC80, $0x38;
	[tilespmem:$0x9400] =	vst v63  }
0xc9: {  	_ =	swait.ge [sflag:s20], $0xC80  }
0xca: {  	s7 =	simm.s32 @!p0 $0x0;
	[sflag:s20] =	ssyncset.done $0x0  }
0xcb: {  	s8 =	simm.s32 @!p0 $0xA80;
	s10 =	rddreg [dreg:$0x18];
	[sflag:s20] =	ssyncadd.s32 $0xFFFFF380  }
0xcc: {  	[hbm4b:s10+s7] =	stream.linear.scatter @!p0 [tilespmem:s8], [sflag:$0x7], $0xC80, $0x38;
	[tilespmem:$0x9400] =	vst v63  }
0xcd: {  	s7 =	simm.s32 @!p0 $0x7  }
0xce: {  	_ =	swait.ge @!p0 [sflag:s7], $0xC80  }
0xcf: {  	[sflag:s7] =	ssyncset.done @!p0 $0x0  }
0xd0: {  	[sflag:s7] =	ssyncadd.s32 @!p0 $0xFFFFF380  }
0xd1: {  	[bflag:$0x0] =	sbarrier.arrive $0xFFFF  }
0xd2: {  	s19 =	rddreg [dreg:$0x19]  }
0xd3: {  	s29 =	rddreg [dreg:$0x1a]  }
0xd4: {  	[tilespmem:s4], [sflag:$0x1] =	stream.linear.gather [hbm4b:s19+s4], $0x80, $0x38;
	[tilespmem:$0x9400] =	vst v63  }
0xd5: {  	s30 =	rddreg [dreg:$0x1b]  }
0xd6: {  	[tilespmem:s31], [sflag:$0x1] =	stream.linear.gather [hbm4b:s29+s4], $0x80, $0x38;
	[tilespmem:$0x9400] =	vst v63  }
0xd7: {  	s8 =	rddreg [dreg:$0x1c]  }
0xd8: {  	[tilespmem:s12], [sflag:$0x2] =	stream.linear.gather [hbm4b:s30+s4], $0x80, $0x38;
	[tilespmem:$0x9400] =	vst v63  }
0xd9: {  	s10 =	rddreg [dreg:$0x1d]  }
0xda: {  	[tilespmem:s0], [sflag:$0x2] =	stream.linear.gather [hbm4b:s8+s4], $0x80, $0x38;
	[tilespmem:$0x9400] =	vst v63  }
0xdb: {  	s19 =	rddreg [dreg:$0x1e]  }
0xdc: {  	[tilespmem:s21], [sflag:$0x3] =	stream.linear.gather [hbm4b:s10+s4], $0x80, $0x38;
	[tilespmem:$0x9400] =	vst v63  }
0xdd: {  	s29 =	rddreg [dreg:$0x1f]  }
0xde: {  	[tilespmem:s1], [sflag:$0x3] =	stream.linear.gather [hbm4b:s19+s4], $0x80, $0x38;
	[tilespmem:$0x9400] =	vst v63  }
0xdf: {  	s30 =	sld [smem:$0x7F8]  }
0xe0: {  	[tilespmem:s22], [sflag:$0x4] =	stream.linear.gather [hbm4b:s29+s4], $0x80, $0x38;
	[tilespmem:$0x9400] =	vst v63  }
0xe1: {  	s28 =	simm.s32 $0x7  }
0xe2: {  	[tilespmem:s9], [sflag:$0x4] =	stream.linear.gather [hbm4b:s30+s4], $0x80, $0x38;
	[tilespmem:$0x9400] =	vst v63  }
.LBB2_6:
0xe3: {  	_ =	swait.ge [sflag:s11], $0x80  }
0xe4: {  	[sflag:s11] =	ssyncset.done $0x0  }
0xe5: {  	[sflag:s11] =	ssyncadd.s32 $0xFFFFFF80  }
0xe6: {  	_ =	swait.ge [sflag:s11], $0x80  }
0xe7: {  	[sflag:s11] =	ssyncset.done $0x0  }
0xe8: {  	s7 =	rddreg [dreg:$0x5];
	[sflag:s11] =	ssyncadd.s32 $0xFFFFFF80  }
0xe9: {  	[tilespmem:s7], [sflag:$0x5] =	stream.indirect.gather [spmem:s2], $0x1, s4, s12, $0xb8;
	[tilespmem:$0x9400] =	vst v63  }
0xea: {  	_ =	swait.ge [sflag:s15], $0x80  }
0xeb: {  	[sflag:s15] =	ssyncset.done $0x0  }
0xec: {  	[sflag:s15] =	ssyncadd.s32 $0xFFFFFF80  }
0xed: {  	_ =	swait.ge [sflag:s15], $0x80  }
0xee: {  	[sflag:s15] =	ssyncset.done $0x0  }
0xef: {  	s30 =	rddreg [dreg:$0x6];
	[sflag:s15] =	ssyncadd.s32 $0xFFFFFF80  }
0xf0: {  	[tilespmem:s30], [sflag:$0x5] =	stream.indirect.gather [spmem:s2], $0x1, s12, s12, $0xb8;
	[tilespmem:$0x9400] =	vst v63  }
0xf1: {  	_ =	swait.ge [sflag:s16], $0x80  }
0xf2: {  	[sflag:s16] =	ssyncset.done $0x0  }
0xf3: {  	[sflag:s16] =	ssyncadd.s32 $0xFFFFFF80  }
0xf4: {  	_ =	swait.ge [sflag:s16], $0x80  }
0xf5: {  	[sflag:s16] =	ssyncset.done $0x0  }
0xf6: {  	s8 =	rddreg [dreg:$0x7];
	[sflag:s16] =	ssyncadd.s32 $0xFFFFFF80  }
0xf7: {  	[tilespmem:s8], [sflag:$0x5] =	stream.indirect.gather [spmem:s2], $0x1, s21, s12, $0xb8;
	[tilespmem:$0x9400] =	vst v63  }
0xf8: {  	_ =	swait.ge [sflag:s17], $0x80  }
0xf9: {  	[sflag:s17] =	ssyncset.done $0x0  }
0xfa: {  	[sflag:s17] =	ssyncadd.s32 $0xFFFFFF80  }
0xfb: {  	_ =	swait.ge [sflag:s17], $0x80  }
0xfc: {  	[sflag:s17] =	ssyncset.done $0x0  }
0xfd: {  	s10 =	rddreg [dreg:$0x8];
	[sflag:s17] =	ssyncadd.s32 $0xFFFFFF80  }
0xfe: {  	[tilespmem:s10], [sflag:$0x5] =	stream.indirect.gather [spmem:s2], $0x1, s22, s12, $0xb8;
	[tilespmem:$0x9400] =	vst v63  }
0xff: {  	_ =	swait.ge [sflag:s23], $0x80  }
0x100: {  	[sflag:s23] =	ssyncset.done $0x0  }
0x101: {  	[sflag:s23] =	ssyncadd.s32 $0xFFFFFF80  }
0x102: {  	v1 =	vld [tilespmem:$0x400]  }
0x103: {  	v2 =	vld [tilespmem:$0x200]  }
0x104: {  	v3 =	vld [tilespmem:$0x410]  }
0x105: {  	v4 =	vld [tilespmem:$0x210]  }
0x106: {  	v5 =	vld [tilespmem:$0x420]  }
0x107: {  	v6 =	vld [tilespmem:$0x220]  }
0x108: {  	v8 =	vld [tilespmem:$0x430];
	v2 =	vshll.u32 v2, $0x3;
	v7 =	vand.u32 $0x7, v1  }
0x109: {  	v50 =	vld [tilespmem:$0x230];
	v2 =	vor.u32 v7, v2  }
0x10a: {  	v9 =	vld [tilespmem:$0x440];
	v1 =	vand.u32 $0xFFFFFFF8, v1;
	v51 =	vand.u32 $0x7, v3;
	[tilespmem:$0x800] =	vst v2;
	v2 =	vshll.u32 v4, $0x3  }
0x10b: {  	[tilespmem:$0x600] =	vst v1;
	v1 =	vor.u32 v51, v2;
	v2 =	vld [tilespmem:$0x240]  }
0x10c: {  	v53 =	vld [tilespmem:$0x450];
	v52 =	vand.u32 $0x7, v5;
	[tilespmem:$0x810] =	vst v1;
	v1 =	vand.u32 $0xFFFFFFF8, v3;
	v3 =	vshll.u32 v6, $0x3  }
0x10d: {  	[tilespmem:$0x610] =	vst v1;
	v1 =	vor.u32 v52, v3;
	v3 =	vld [tilespmem:$0x250]  }
0x10e: {  	v56 =	vld [tilespmem:$0x460];
	v54 =	vshll.u32 v50, $0x3;
	v55 =	vand.u32 $0x7, v8;
	[tilespmem:$0x820] =	vst v1;
	v1 =	vand.u32 $0xFFFFFFF8, v5  }
0x10f: {  	v57 =	vld [tilespmem:$0x260];
	[tilespmem:$0x620] =	vst v1;
	v1 =	vor.u32 v55, v54  }
0x110: {  	v59 =	vld [tilespmem:$0x470];
	v58 =	vand.u32 $0x7, v9;
	[tilespmem:$0x830] =	vst v1;
	v1 =	vand.u32 $0xFFFFFFF8, v8;
	v2 =	vshll.u32 v2, $0x3  }
0x111: {  	[tilespmem:$0x630] =	vst v1;
	v1 =	vor.u32 v58, v2;
	v2 =	vld [tilespmem:$0x270]  }
0x112: {  	v60 =	vand.u32 $0x7, v53;
	[tilespmem:$0x840] =	vst v1;
	v1 =	vand.u32 $0xFFFFFFF8, v9;
	v3 =	vshll.u32 v3, $0x3  }
0x113: {  	[tilespmem:$0x640] =	vst v1;
	v1 =	vor.u32 v60, v3  }
0x114: {  	v61 =	vand.u32 $0x7, v56;
	v3 =	vshll.u32 v57, $0x3;
	[tilespmem:$0x850] =	vst v1;
	v1 =	vand.u32 $0xFFFFFFF8, v53  }
0x115: {  	[tilespmem:$0x650] =	vst v1;
	v1 =	vor.u32 v61, v3  }
0x116: {  	v3 =	vand.u32 $0x7, v59;
	[tilespmem:$0x860] =	vst v1;
	v1 =	vand.u32 $0xFFFFFFF8, v56;
	v2 =	vshll.u32 v2, $0x3  }
0x117: {  	[tilespmem:$0x660] =	vst v1;
	v1 =	vor.u32 v3, v2  }
0x118: {  	s19 =	rddreg [dreg:$0x9];
	[tilespmem:$0x870] =	vst v1;
	v1 =	vand.u32 $0xFFFFFFF8, v59  }
0x119: {  	s8 =	rddreg [dreg:$0xa];
	[tilespmem:$0x670] =	vst v1  }
0x11a: {  	[spmem:s3] =	stream.indirect.scatter.add.f32 [tilespmem:s8], [sflag:$0x6], $0x1, s19, s12, $0xb8;
	[tilespmem:$0x9400] =	vst v63  }
0x11b: {  	_ =	swait.ge [sflag:s23], $0x80  }
0x11c: {  	[sflag:s23] =	ssyncset.done $0x0  }
0x11d: {  	[sflag:s23] =	ssyncadd.s32 $0xFFFFFF80  }
0x11e: {  	v1 =	vld [tilespmem:$0x480]  }
0x11f: {  	v2 =	vld [tilespmem:$0x280]  }
0x120: {  	v3 =	vld [tilespmem:$0x490]  }
0x121: {  	v62 =	vld [tilespmem:$0x290]  }
0x122: {  	v63 =	vld [tilespmem:$0x4A0]  }
0x123: {  	v12 =	vld [tilespmem:$0x2A0]  }
0x124: {  	v14 =	vld [tilespmem:$0x4B0];
	v2 =	vshll.u32 v2, $0x3;
	v13 =	vand.u32 $0x7, v1  }
0x125: {  	v15 =	vld [tilespmem:$0x2B0];
	v2 =	vor.u32 v13, v2  }
0x126: {  	v17 =	vld [tilespmem:$0x4C0];
	v1 =	vand.u32 $0xFFFFFFF8, v1;
	v16 =	vand.u32 $0x7, v3;
	[tilespmem:$0x880] =	vst v2;
	v2 =	vshll.u32 v62, $0x3  }
0x127: {  	[tilespmem:$0x680] =	vst v1;
	v1 =	vor.u32 v16, v2;
	v2 =	vld [tilespmem:$0x2C0]  }
0x128: {  	v19 =	vld [tilespmem:$0x4D0];
	v18 =	vand.u32 $0x7, v63;
	[tilespmem:$0x890] =	vst v1;
	v1 =	vand.u32 $0xFFFFFFF8, v3;
	v3 =	vshll.u32 v12, $0x3  }
0x129: {  	[tilespmem:$0x690] =	vst v1;
	v1 =	vor.u32 v18, v3;
	v3 =	vld [tilespmem:$0x2D0]  }
0x12a: {  	v22 =	vld [tilespmem:$0x4E0];
	v20 =	vshll.u32 v15, $0x3;
	v21 =	vand.u32 $0x7, v14;
	[tilespmem:$0x8A0] =	vst v1;
	v1 =	vand.u32 $0xFFFFFFF8, v63  }
0x12b: {  	v23 =	vld [tilespmem:$0x2E0];
	[tilespmem:$0x6A0] =	vst v1;
	v1 =	vor.u32 v21, v20  }
0x12c: {  	v25 =	vld [tilespmem:$0x4F0];
	v24 =	vand.u32 $0x7, v17;
	[tilespmem:$0x8B0] =	vst v1;
	v1 =	vand.u32 $0xFFFFFFF8, v14;
	v2 =	vshll.u32 v2, $0x3  }
0x12d: {  	[tilespmem:$0x6B0] =	vst v1;
	v1 =	vor.u32 v24, v2;
	v2 =	vld [tilespmem:$0x2F0]  }
0x12e: {  	v26 =	vand.u32 $0x7, v19;
	[tilespmem:$0x8C0] =	vst v1;
	v1 =	vand.u32 $0xFFFFFFF8, v17;
	v3 =	vshll.u32 v3, $0x3  }
0x12f: {  	[tilespmem:$0x6C0] =	vst v1;
	v1 =	vor.u32 v26, v3  }
0x130: {  	v27 =	vand.u32 $0x7, v22;
	v3 =	vshll.u32 v23, $0x3;
	[tilespmem:$0x8D0] =	vst v1;
	v1 =	vand.u32 $0xFFFFFFF8, v19  }
0x131: {  	[tilespmem:$0x6D0] =	vst v1;
	v1 =	vor.u32 v27, v3  }
0x132: {  	v3 =	vand.u32 $0x7, v25;
	[tilespmem:$0x8E0] =	vst v1;
	v1 =	vand.u32 $0xFFFFFFF8, v22;
	v2 =	vshll.u32 v2, $0x3  }
0x133: {  	[tilespmem:$0x6E0] =	vst v1;
	v1 =	vor.u32 v3, v2  }
0x134: {  	s29 =	rddreg [dreg:$0xb];
	[tilespmem:$0x8F0] =	vst v1;
	v1 =	vand.u32 $0xFFFFFFF8, v25  }
0x135: {  	s30 =	rddreg [dreg:$0xc];
	[tilespmem:$0x6F0] =	vst v1  }
0x136: {  	[spmem:s3] =	stream.indirect.scatter.add.f32 [tilespmem:s30], [sflag:$0x6], $0x1, s29, s12, $0xb8;
	[tilespmem:$0x9400] =	vst v63  }
0x137: {  	_ =	swait.ge [sflag:s23], $0x80  }
0x138: {  	[sflag:s23] =	ssyncset.done $0x0  }
0x139: {  	[sflag:s23] =	ssyncadd.s32 $0xFFFFFF80  }
0x13a: {  	v1 =	vld [tilespmem:$0x500]  }
0x13b: {  	v2 =	vld [tilespmem:$0x300]  }
0x13c: {  	v3 =	vld [tilespmem:$0x510]  }
0x13d: {  	v28 =	vld [tilespmem:$0x310]  }
0x13e: {  	v29 =	vld [tilespmem:$0x520]  }
0x13f: {  	v30 =	vld [tilespmem:$0x320]  }
0x140: {  	v32 =	vld [tilespmem:$0x530];
	v2 =	vshll.u32 v2, $0x3;
	v31 =	vand.u32 $0x7, v1  }
0x141: {  	v33 =	vld [tilespmem:$0x330];
	v2 =	vor.u32 v31, v2  }
0x142: {  	v35 =	vld [tilespmem:$0x540];
	v1 =	vand.u32 $0xFFFFFFF8, v1;
	v34 =	vand.u32 $0x7, v3;
	[tilespmem:$0x900] =	vst v2;
	v2 =	vshll.u32 v28, $0x3  }
0x143: {  	[tilespmem:$0x700] =	vst v1;
	v1 =	vor.u32 v34, v2;
	v2 =	vld [tilespmem:$0x340]  }
0x144: {  	v37 =	vld [tilespmem:$0x550];
	v36 =	vand.u32 $0x7, v29;
	[tilespmem:$0x910] =	vst v1;
	v1 =	vand.u32 $0xFFFFFFF8, v3;
	v3 =	vshll.u32 v30, $0x3  }
0x145: {  	[tilespmem:$0x710] =	vst v1;
	v1 =	vor.u32 v36, v3;
	v3 =	vld [tilespmem:$0x350]  }
0x146: {  	v40 =	vld [tilespmem:$0x560];
	v38 =	vshll.u32 v33, $0x3;
	v39 =	vand.u32 $0x7, v32;
	[tilespmem:$0x920] =	vst v1;
	v1 =	vand.u32 $0xFFFFFFF8, v29  }
0x147: {  	v41 =	vld [tilespmem:$0x360];
	[tilespmem:$0x720] =	vst v1;
	v1 =	vor.u32 v39, v38  }
0x148: {  	v43 =	vld [tilespmem:$0x570];
	v42 =	vand.u32 $0x7, v35;
	[tilespmem:$0x930] =	vst v1;
	v1 =	vand.u32 $0xFFFFFFF8, v32;
	v2 =	vshll.u32 v2, $0x3  }
0x149: {  	[tilespmem:$0x730] =	vst v1;
	v1 =	vor.u32 v42, v2;
	v2 =	vld [tilespmem:$0x370]  }
0x14a: {  	v44 =	vand.u32 $0x7, v37;
	[tilespmem:$0x940] =	vst v1;
	v1 =	vand.u32 $0xFFFFFFF8, v35;
	v3 =	vshll.u32 v3, $0x3  }
0x14b: {  	[tilespmem:$0x740] =	vst v1;
	v1 =	vor.u32 v44, v3  }
0x14c: {  	v45 =	vand.u32 $0x7, v40;
	v3 =	vshll.u32 v41, $0x3;
	[tilespmem:$0x950] =	vst v1;
	v1 =	vand.u32 $0xFFFFFFF8, v37  }
0x14d: {  	[tilespmem:$0x750] =	vst v1;
	v1 =	vor.u32 v45, v3  }
0x14e: {  	v3 =	vand.u32 $0x7, v43;
	[tilespmem:$0x960] =	vst v1;
	v1 =	vand.u32 $0xFFFFFFF8, v40;
	v2 =	vshll.u32 v2, $0x3  }
0x14f: {  	[tilespmem:$0x760] =	vst v1;
	v1 =	vor.u32 v3, v2  }
0x150: {  	s8 =	rddreg [dreg:$0xd];
	[tilespmem:$0x970] =	vst v1;
	v1 =	vand.u32 $0xFFFFFFF8, v43  }
0x151: {  	s10 =	rddreg [dreg:$0xe];
	[tilespmem:$0x770] =	vst v1  }
0x152: {  	[spmem:s3] =	stream.indirect.scatter.add.f32 [tilespmem:s10], [sflag:$0x6], $0x1, s8, s12, $0xb8;
	[tilespmem:$0x9400] =	vst v63  }
0x153: {  	_ =	swait.ge [sflag:s23], $0x80  }
0x154: {  	[sflag:s23] =	ssyncset.done $0x0  }
0x155: {  	[sflag:s23] =	ssyncadd.s32 $0xFFFFFF80  }
0x156: {  	v1 =	vld [tilespmem:$0x580]  }
0x157: {  	v2 =	vld [tilespmem:$0x380]  }
0x158: {  	v3 =	vld [tilespmem:$0x590]  }
0x159: {  	v46 =	vld [tilespmem:$0x390]  }
0x15a: {  	v47 =	vld [tilespmem:$0x5A0]  }
0x15b: {  	v48 =	vld [tilespmem:$0x3A0]  }
0x15c: {  	v50 =	vld [tilespmem:$0x5B0];
	v2 =	vshll.u32 v2, $0x3;
	v49 =	vand.u32 $0x7, v1  }
0x15d: {  	v51 =	vld [tilespmem:$0x3B0];
	v2 =	vor.u32 v49, v2  }
0x15e: {  	v53 =	vld [tilespmem:$0x5C0];
	v1 =	vand.u32 $0xFFFFFFF8, v1;
	v52 =	vand.u32 $0x7, v3;
	[tilespmem:$0x980] =	vst v2;
	v2 =	vshll.u32 v46, $0x3  }
0x15f: {  	[tilespmem:$0x780] =	vst v1;
	v1 =	vor.u32 v52, v2;
	v2 =	vld [tilespmem:$0x3C0]  }
0x160: {  	v55 =	vld [tilespmem:$0x5D0];
	v54 =	vand.u32 $0x7, v47;
	[tilespmem:$0x990] =	vst v1;
	v1 =	vand.u32 $0xFFFFFFF8, v3;
	v3 =	vshll.u32 v48, $0x3  }
0x161: {  	[tilespmem:$0x790] =	vst v1;
	v1 =	vor.u32 v54, v3;
	v3 =	vld [tilespmem:$0x3D0]  }
0x162: {  	v58 =	vld [tilespmem:$0x5E0];
	v56 =	vshll.u32 v51, $0x3;
	v57 =	vand.u32 $0x7, v50;
	[tilespmem:$0x9A0] =	vst v1;
	v1 =	vand.u32 $0xFFFFFFF8, v47  }
0x163: {  	v59 =	vld [tilespmem:$0x3E0];
	[tilespmem:$0x7A0] =	vst v1;
	v1 =	vor.u32 v57, v56  }
0x164: {  	v61 =	vld [tilespmem:$0x5F0];
	v60 =	vand.u32 $0x7, v53;
	[tilespmem:$0x9B0] =	vst v1;
	v1 =	vand.u32 $0xFFFFFFF8, v50;
	v2 =	vshll.u32 v2, $0x3  }
0x165: {  	[tilespmem:$0x7B0] =	vst v1;
	v1 =	vor.u32 v60, v2;
	v2 =	vld [tilespmem:$0x3F0]  }
0x166: {  	v62 =	vand.u32 $0x7, v55;
	[tilespmem:$0x9C0] =	vst v1;
	v1 =	vand.u32 $0xFFFFFFF8, v53;
	v3 =	vshll.u32 v3, $0x3  }
0x167: {  	[tilespmem:$0x7C0] =	vst v1;
	v1 =	vor.u32 v62, v3  }
0x168: {  	v63 =	vand.u32 $0x7, v58;
	v3 =	vshll.u32 v59, $0x3;
	[tilespmem:$0x9D0] =	vst v1;
	v1 =	vand.u32 $0xFFFFFFF8, v55  }
0x169: {  	[tilespmem:$0x7D0] =	vst v1;
	v1 =	vor.u32 v63, v3  }
0x16a: {  	v3 =	vand.u32 $0x7, v61;
	[tilespmem:$0x9E0] =	vst v1;
	v1 =	vand.u32 $0xFFFFFFF8, v58;
	v2 =	vshll.u32 v2, $0x3  }
0x16b: {  	p1 =	seq.s32 s28, $0xC7;
	s7 =	sadd.s32 $0xFFFFFFFD, s28;
	[tilespmem:$0x7E0] =	vst v1;
	v1 =	vor.u32 v3, v2  }
0x16c: {  	s7 =	simm.s32 @p1 $0x0;
	s19 =	rddreg [dreg:$0xf];
	[tilespmem:$0x9F0] =	vst v1;
	v1 =	vand.u32 $0xFFFFFFF8, v61  }
0x16d: {  	s7 =	sadd.s32 s13, s7;
	s29 =	rddreg [dreg:$0x10];
	[tilespmem:$0x7F0] =	vst v1  }
0x16e: {  	[spmem:s3] =	stream.indirect.scatter.add.f32 [tilespmem:s29], [sflag:$0x6], $0x1, s19, s12, $0xb8;
	[tilespmem:$0x9400] =	vst v63  }
0x16f: {  	s7 =	sshll.u32 s7, $0x4;
	_ =	swait.ge [sflag:s18], $0x80  }
0x170: {  	s7 =	sand.u32 $0x3FFC0, s7;
	[sflag:s18] =	ssyncset.done $0x0  }
0x171: {  	s30 =	sadd.s32 s5, s7;
	[sflag:s18] =	ssyncadd.s32 $0xFFFFFF80  }
0x172: {  	[tilespmem:s4], [sflag:$0x1] =	stream.linear.gather [hbm4b:s30+s4], $0x80, $0x38;
	[tilespmem:$0x9400] =	vst v63  }
0x173: {  	s7 =	sadd.s32 s6, s7  }
0x174: {  	[tilespmem:s31], [sflag:$0x1] =	stream.linear.gather [hbm4b:s7+s4], $0x80, $0x38;
	[tilespmem:$0x9400] =	vst v63  }
0x175: {  	s7 =	sadd.s32 $0xFFFFFFFE, s28  }
0x176: {  	s7 =	simm.s32 @p1 $0x1  }
0x177: {  	s7 =	sadd.s32 s13, s7  }
0x178: {  	_ =	swait.ge [sflag:s18], $0x80;
	s7 =	sshll.u32 s7, $0x4  }
0x179: {  	[sflag:s18] =	ssyncset.done $0x0;
	s7 =	sand.u32 $0x3FFD0, s7  }
0x17a: {  	[sflag:s18] =	ssyncadd.s32 $0xFFFFFF80;
	s10 =	sadd.s32 s5, s7  }
0x17b: {  	[tilespmem:s12], [sflag:$0x2] =	stream.linear.gather [hbm4b:s10+s4], $0x80, $0x38;
	[tilespmem:$0x9400] =	vst v63  }
0x17c: {  	s7 =	sadd.s32 s6, s7  }
0x17d: {  	[tilespmem:s0], [sflag:$0x2] =	stream.linear.gather [hbm4b:s7+s4], $0x80, $0x38;
	[tilespmem:$0x9400] =	vst v63  }
0x17e: {  	s7 =	sadd.s32 $0xFFFFFFFF, s28  }
0x17f: {  	s7 =	simm.s32 @p1 $0x2  }
0x180: {  	s7 =	sadd.s32 s13, s7  }
0x181: {  	p2 =	sne.s32 s28, $0xC7;
	_ =	swait.ge [sflag:s18], $0x80;
	s7 =	sshll.u32 s7, $0x4  }
0x182: {  	s29 =	sadd.s32 $0x4, s28;
	[sflag:s18] =	ssyncset.done $0x0;
	s7 =	sand.u32 $0x3FFE0, s7  }
0x183: {  	s28 =	simm.s32 @p1 $0x3;
	[sflag:s18] =	ssyncadd.s32 $0xFFFFFF80;
	s19 =	sadd.s32 s5, s7  }
0x184: {  	[tilespmem:s21], [sflag:$0x3] =	stream.linear.gather [hbm4b:s19+s4], $0x80, $0x38;
	[tilespmem:$0x9400] =	vst v63  }
0x185: {  	s30 =	sadd.s32 s13, s28;
	s7 =	sadd.s32 s6, s7  }
0x186: {  	[tilespmem:s1], [sflag:$0x3] =	stream.linear.gather [hbm4b:s7+s4], $0x80, $0x38;
	[tilespmem:$0x9400] =	vst v63  }
0x187: {  	s8 =	sshll.u32 s30, $0x4;
	_ =	swait.ge [sflag:s18], $0x80  }
.Ltmp2:
0x188: {  	s8 =	sand.u32 $0x3FFF0, s8;
	[sflag:s18] =	ssyncset.done $0x0;
	(pc) =	sbr.rel @p2 .LBB2_6-.Ltmp2, $4  }
0x189: {  	s10 =	sadd.s32 s5, s8;
	[sflag:s18] =	ssyncadd.s32 $0xFFFFFF80  }
0x18a: {  	[tilespmem:s22], [sflag:$0x4] =	stream.linear.gather [hbm4b:s10+s4], $0x80, $0x38;
	[tilespmem:$0x9400] =	vst v63  }
0x18b: {  	s28 =	smov.u32 s29;
	s8 =	sadd.s32 s6, s8  }
0x18c: {  	[tilespmem:s9], [sflag:$0x4] =	stream.linear.gather [hbm4b:s8+s4], $0x80, $0x38;
	[tilespmem:$0x9400] =	vst v63  }
0x18d: {  	_ =	swait.ge [sflag:s11], $0x80  }
0x18e: {  	[sflag:s11] =	ssyncset.done $0x0  }
0x18f: {  	[sflag:s11] =	ssyncadd.s32 $0xFFFFFF80  }
0x190: {  	_ =	swait.ge [sflag:s11], $0x80  }
0x191: {  	[sflag:s11] =	ssyncset.done $0x0  }
0x192: {  	[sflag:s11] =	ssyncadd.s32 $0xFFFFFF80  }
0x193: {  	_ =	swait.ge [sflag:s15], $0x80  }
0x194: {  	[sflag:s15] =	ssyncset.done $0x0  }
0x195: {  	[sflag:s15] =	ssyncadd.s32 $0xFFFFFF80  }
0x196: {  	_ =	swait.ge [sflag:s15], $0x80  }
0x197: {  	[sflag:s15] =	ssyncset.done $0x0  }
0x198: {  	[sflag:s15] =	ssyncadd.s32 $0xFFFFFF80  }
0x199: {  	_ =	swait.ge [sflag:s16], $0x80  }
0x19a: {  	[sflag:s16] =	ssyncset.done $0x0  }
0x19b: {  	[sflag:s16] =	ssyncadd.s32 $0xFFFFFF80  }
0x19c: {  	_ =	swait.ge [sflag:s16], $0x80  }
0x19d: {  	[sflag:s16] =	ssyncset.done $0x0  }
0x19e: {  	[sflag:s16] =	ssyncadd.s32 $0xFFFFFF80  }
0x19f: {  	_ =	swait.ge [sflag:s17], $0x80  }
0x1a0: {  	[sflag:s17] =	ssyncset.done $0x0  }
0x1a1: {  	[sflag:s17] =	ssyncadd.s32 $0xFFFFFF80  }
0x1a2: {  	_ =	swait.ge [sflag:s17], $0x80  }
0x1a3: {  	[sflag:s17] =	ssyncset.done $0x0  }
0x1a4: {  	[sflag:s17] =	ssyncadd.s32 $0xFFFFFF80  }
0x1a5: {  	[bflag:$0x0] =	sbarrier.arrive $0xFFFF  }
0x1a6: {  	s7 =	sld [smem:$0x7F9]  }
0x1a7: {  	s28 =	sld [smem:$0x7F7];
	_ =	sdelay $0x1  }
0x1a8: {  	s8 =	simm.s32 $0x20;
	s19 =	simm.s32 $0x10;
	s10 =	rddreg [dreg:$0x14]  }
0x1a9: {  	[hbm:s7@s8], [sflag:s10] =	dma.strided [spmem:s28@s19], $0xC80, s11, $0x10   }
0x1aa: {  	_ =	swait.ge [sflag:s20], $0xC80  }
0x1ab: {  	s30 =	sld [smem:$0x7FA];
	_ =	sdelay $0x1  }
0x1ac: {  	s24 =	sadd.s32 $0x1, s24  }
0x1ad: {  	p1 =	sne.s32 s24, s30  }
.Ltmp3:
0x1ae: {  	_ = 	snop;
	(pc) =	sbr.rel @p1 .LBB2_1-.Ltmp3, $3  }
0x1af: {  	_ =	sdelay $0x1  }
0x1b0: {  	[sflag:s20] =	ssyncset.done $0x0  }
0x1b1: {  	[sflag:s20] =	ssyncadd.s32 $0xFFFFF380  }
0x1b2: {  	_ =	sfence.sel $0x180000  }
0x1b3: {  	[bflag:$0x0] =	sbarrier.arrive $0xFFFF  }
0x1b4: {  	_ =	strace $0x90000047  }
0x1b5: {  	s0 =	stileid.u32;
	[bflag:$0x2] =	sbarrier.arrive $0xFFFF  }
0x1b6: {  	p0 =	sne.s32 s0, $0x0;
	s0 =	rddreg [dreg:$0x4]  }
0x1b7: {  	s0 =	sadd.s32 @!p0 $0x100000, s0  }
0x1b8: {  	[sflag:s0] =	ssyncadd.tile.s32 @!p0 $0x1;
	_ =	shalt  }
.Lfunc_end2:
_tile_overlayer_lowered:
.L_overlay_start_2:
0x1b9: {  	(tag) =	ssettag $0x2  }
0x1ba: {  	s0 =	rddreg [dreg:$0x0];
	s2 =	stileid.u32  }
0x1bb: {  	s1 =	rddreg [dreg:$0x1];
	p0 =	sne.s32 s2, $0x0  }
0x1bc: {  	s3 =	rddreg [dreg:$0x2];
	[bflag:$0x3] =	sbarrier.arrive $0xFFFF;
	s2 =	simm.s32 @!p0 $0x1C07  }
0x1bd: {  	[timem:s3], [sflag:s2] =	dma.local @!p0 [hbm:s0], s1  }
0x1be: {  	s0 =	simm.s32 @!p0 $0x7  }
0x1bf: {  	_ =	swait.ge @!p0 [sflag:s0], s1  }
0x1c0: {  	s1 =	ssub.s32 @!p0 $0x0, s1;
	[sflag:s0] =	ssyncset.done @!p0 $0x0  }
0x1c1: {  	[sflag:s0] =	ssyncadd.s32 @!p0 s1  }
0x1c2: {  	[bflag:$0x3] =	sbarrier.arrive $0xFFFF  }
0x1c3: {  	_ =	shalt  }

// kernel: kernel.9.cloned.1.call-start
scs
__scs_entry_jumppad:
0x0: {  	(pc) =	sbr.rel $0x88, $3  }
0x1: {  	(tag) =	ssettag $0x0;
	lr =	simm.s32 $0x1  }
0x2: {  	[smem:$0x3F96] =	sst lr;
	_ =	strace $0xD0000000  }
0x3: {  	_ = 	snop  }
0x4: {  	_ = 	snop  }
0x5: {  	_ = 	snop  }
0x6: {  	_ = 	snop  }
0x7: {  	_ = 	snop  }
__scs_overlays_trampoline_lowered:
0x8: {  	[smem:$0x3FA5] =	sst s0  }
0x9: {  	[smem:$0x3FA6] =	sst s1  }
0xa: {  	[smem:$0x3FA7] =	sst s2  }
0xb: {  	[smem:$0x3FA8] =	sst s3  }
0xc: {  	[smem:$0x3FA9] =	sst s4  }
0xd: {  	[smem:$0x3FAA] =	sst s5  }
0xe: {  	[smem:$0x3FAB] =	sst s6  }
0xf: {  	[smem:$0x3FAC] =	sst s7  }
0x10: {  	[smem:$0x3FAD] =	sst s8  }
0x11: {  	[smem:$0x3FAE] =	sst s9;
	s0 =	simm.s32 @!p0 $0x0  }
0x12: {  	s1 =	sld [smem:$0x3F94];
	s0 =	simm.s32 @p0 $0x1  }
0x13: {  	[smem:$0x3FAF] =	sst s0;
	s0 =	simm.s32 @!p1 $0x0  }
0x14: {  	s2 =	sld [smem:$0x3F93];
	s0 =	simm.s32 @p1 $0x1  }
0x15: {  	[smem:$0x3FB0] =	sst s0;
	s0 =	simm.s32 @!p2 $0x0  }
0x16: {  	s3 =	sld [smem:$0x3FDB];
	s0 =	simm.s32 @p2 $0x1  }
0x17: {  	s4 =	simm.s32 $0x1BF5;
	[smem:$0x3FB2] =	sst s0  }
0x18: {  	s0 =	sld [smem:$0x3F95];
	_ =	swait.ge [sflag:s4], $0x0  }
0x19: {  	s7 =	sld [smem:$0x3F96]  }
0x1a: {  	s8 =	sadd.s32 $0xFFFFE003, lr  }
0x1b: {  	s9 =	sadd.s32 $0xFFFFFEF7, lr;
	s5 =	simm.s32 $0xFFFFFFFF;
	p2 =	slt.u32 s8, $0xFFFFF086  }
0x1c: {  	p1 =	slt.u32 s9, $0xF7A;
	s5 =	simm.s32 @!p2 $0x0  }
0x1d: {  	s5 =	simm.s32 @p1 $0x1;
	p0 =	seq.s32 s7, s2  }
0x1e: {  	s7 =	smul.u32 @!p0 $0xF7A, s2;
	p2 =	seq.s32 @!p0 s5, $0x0  }
0x1f: {  	s9 =	smul.u32 $0xF7A, s1;
	s8 =	simm.s32 @!p0 $0x1BF5;
	p2 =	por !p2, p0  }
0x20: {  	[sflag:s8] =	ssyncset.s32 @!p0 $0xFFFFF086;
	s6 =	sadd.s32 @!p0 s3, s7;
	s7 =	simm.s32 @!p0 $0x108  }
0x21: {  	s3 =	sadd.s32 s3, s9;
	s6 =	sadd.s32 @!p0 $0x88, s6;
	s7 =	simm.s32 @p2 $0x1082  }
0x22: {  	[simem:s7], [sflag:s8] =	dma.local @!p0 [hbm:s6], $0xF7A  }
0x23: {  	s9 =	sor.u32 $0xD0000000, s2;
	s6 =	simm.s32 $0x108;
	_ =	swait.ge @!p0 [sflag:s8], $0x0  }
0x24: {  	s3 =	sadd.s32 $0x88, s3;
	s6 =	simm.s32 @!p1 $0x1082;
	[sflag:s4] =	ssyncset.s32 $0xFFFFF086  }
0x25: {  	[simem:s6], [sflag:s4] =	dma.local [hbm:s3], $0xF7A  }
0x26: {  	[smem:$0x3F96] =	sst s1;
	(tag) =	ssettag s2;
	_ =	strace s9  }
0x27: {  	s1 =	sld [smem:$0x3FA6]  }
0x28: {  	s2 =	sld [smem:$0x3FA7]  }
0x29: {  	s4 =	sld [smem:$0x3FA9]  }
0x2a: {  	p0 =	seq.s32 s5, $0x0;
	s5 =	sld [smem:$0x3FAA]  }
0x2b: {  	s6 =	sld [smem:$0x3FAB]  }
0x2c: {  	s7 =	sld [smem:$0x3FAC]  }
0x2d: {  	s3 =	simm.s32 $0x108;
	s8 =	sld [smem:$0x3FAD]  }
0x2e: {  	s3 =	simm.s32 @!p0 $0x1082;
	s9 =	sld [smem:$0x3FAE]  }
0x2f: {  	lr =	sadd.s32 s0, s3;
	s0 =	sld [smem:$0x3FA5]  }
0x30: {  	s3 =	sld [smem:$0x3FA8]  }
0x31: {  	[smem:$0x3FB1] =	sst s10  }
0x32: {  	s10 =	sld [smem:$0x3FAF];
	_ =	sdelay $0x3  }
0x33: {  	p0 =	seq.s32 s10, $0x1;
	s10 =	sld [smem:$0x3FB1];
	_ =	sdelay $0x3  }
0x34: {  	[smem:$0x3FB1] =	sst s10  }
0x35: {  	s10 =	sld [smem:$0x3FB0];
	_ =	sdelay $0x3  }
0x36: {  	p1 =	seq.s32 s10, $0x1;
	s10 =	sld [smem:$0x3FB1];
	_ =	sdelay $0x3  }
0x37: {  	[smem:$0x3FB1] =	sst s10  }
0x38: {  	s10 =	sld [smem:$0x3FB2]  }
0x39: {  	_ = 	snop;
	(pc) =	sbr.ind lr, $3  }
0x3a: {  	_ = 	snop  }
0x3b: {  	_ = 	snop  }
0x3c: {  	p2 =	seq.s32 s10, $0x1;
	s10 =	sld [smem:$0x3FB1]  }
0x3d: {  	_ =	shalt  }
0x3e: {  	_ =	shalt  }
0x3f: {  	_ =	shalt  }
0x40: {  	_ =	shalt  }
0x41: {  	_ =	shalt  }
0x42: {  	_ =	shalt  }
0x43: {  	_ =	shalt  }
0x44: {  	_ =	shalt  }
0x45: {  	_ =	shalt  }
0x46: {  	_ =	shalt  }
0x47: {  	_ =	shalt  }
0x48: {  	_ =	shalt  }
0x49: {  	_ =	shalt  }
0x4a: {  	_ =	shalt  }
0x4b: {  	_ =	shalt  }
0x4c: {  	_ =	shalt  }
0x4d: {  	_ =	shalt  }
0x4e: {  	_ =	shalt  }
0x4f: {  	_ =	shalt  }
0x50: {  	_ =	shalt  }
0x51: {  	_ =	shalt  }
0x52: {  	_ =	shalt  }
0x53: {  	_ =	shalt  }
0x54: {  	_ =	shalt  }
0x55: {  	_ =	shalt  }
0x56: {  	_ =	shalt  }
0x57: {  	_ =	shalt  }
0x58: {  	_ =	shalt  }
0x59: {  	_ =	shalt  }
0x5a: {  	_ =	shalt  }
0x5b: {  	_ =	shalt  }
0x5c: {  	_ =	shalt  }
0x5d: {  	_ =	shalt  }
0x5e: {  	_ =	shalt  }
0x5f: {  	_ =	shalt  }
0x60: {  	_ =	shalt  }
0x61: {  	_ =	shalt  }
0x62: {  	_ =	shalt  }
0x63: {  	_ =	shalt  }
0x64: {  	_ =	shalt  }
0x65: {  	_ =	shalt  }
0x66: {  	_ =	shalt  }
0x67: {  	_ =	shalt  }
0x68: {  	_ =	shalt  }
0x69: {  	_ =	shalt  }
0x6a: {  	_ =	shalt  }
0x6b: {  	_ =	shalt  }
0x6c: {  	_ =	shalt  }
0x6d: {  	_ =	shalt  }
0x6e: {  	_ =	shalt  }
0x6f: {  	_ =	shalt  }
0x70: {  	_ =	shalt  }
0x71: {  	_ =	shalt  }
0x72: {  	_ =	shalt  }
0x73: {  	_ =	shalt  }
0x74: {  	_ =	shalt  }
0x75: {  	_ =	shalt  }
0x76: {  	_ =	shalt  }
0x77: {  	_ =	shalt  }
0x78: {  	_ =	shalt  }
0x79: {  	_ =	shalt  }
0x7a: {  	_ =	shalt  }
0x7b: {  	_ =	shalt  }
0x7c: {  	_ =	shalt  }
0x7d: {  	_ =	shalt  }
0x7e: {  	_ =	shalt  }
0x7f: {  	_ =	shalt  }
0x80: {  	_ =	shalt  }
0x81: {  	_ =	shalt  }
0x82: {  	_ =	shalt  }
0x83: {  	_ =	shalt  }
0x84: {  	_ =	shalt  }
0x85: {  	_ =	shalt  }
0x86: {  	_ =	shalt  }
0x87: {  	_ =	shalt  }
.Lfunc_end0:
.L_simem_size_0:
called_computation.1_lowered:
.L_overlay_start_0:
0x88: {  	s2 =	sld [smem:$0x3FD9]  }
0x89: {  	s3 =	sld [smem:$0x3FFE];
	_ =	sdelay $0x1  }
0x8a: {  	s1 =	srdreg.scid  }
0x8b: {  	s0 =	sand.u32 $0x1, s1  }
0x8c: {  	s16 =	sshll.u32 s0, $0xA;
	s2 =	sadd.s32 s3, s2  }
0x8d: {  	s2 =	sadd.s32 s2, s16  }
0x8e: {  	[smem:$0x3FBD] =	sst s2  }
0x8f: {  	_ = 	snop  }
0x90: {  	(tm) =	ssettm $0x1  }
0x91: {  	s17 =	sld [smem:$0x3FFB];
	_ =	sdelay $0x3  }
0x92: {  	_ =	strace s17  }
0x93: {  	s2 =	sld [smem:$0x3FFC];
	_ =	sdelay $0x3  }
0x94: {  	_ =	strace s2  }
0x95: {  	s2 =	sld [smem:$0x3FFD];
	_ =	sdelay $0x3  }
0x96: {  	_ =	strace s2  }
0x97: {  	_ =	strace $0x8FFFFFFF  }
0x98: {  	s18 =	sld [smem:$0x3FDB];
	_ =	sdelay $0x1  }
0x99: {  	s19 =	simm.s32 $_scs_section_size  }
0x9a: {  	s4 =	simm.s32 $_size__tile_overlayer_lowered;
	s5 =	simm.s32 $_tile_overlayer_lowered  }
0x9b: {  	s22 =	simm.s32 $0x1BFF;
	s21 =	sshll.u32 s5, $0x1;
	s2 =	sadd.s32 s19, s18  }
0x9c: {  	s6 =	simm.s32 $0x0;
	s20 =	sshll.u32 s4, $0x1;
	s4 =	sadd.s32 s21, s2  }
0x9d: {  	[timem:s6], [sflag:s22] =	dma.local [hbm:s4], s20  }
0x9e: {  	_ =	swait.ge [sflag:s22], s20  }
0x9f: {  	s3 =	ssub.s32 $0x0, s20;
	[sflag:s22] =	ssyncset.done $0x0  }
0xa0: {  	[sflag:s22] =	ssyncadd.s32 s3;
	_ =	sdelay $0x1  }
0xa1: {  	s23 =	simm.s32 $0x1B8B  }
0xa2: {  	_ =	swait.ge [sflag:s23], $0x1  }
0xa3: {  	[sflag:s23] =	ssyncset.done $0x0  }
0xa4: {  	s25 =	simm.s32 $0x1B8E;
	s24 =	sld [smem:$0x3FFE];
	[sflag:s23] =	ssyncadd.s32 $0xFFFFFFFF  }
0xa5: {  	s26 =	simm.s32 $execute0_lowered;
	[smem:$0x3FD2] =	sst s25  }
0xa6: {  	s4 =	sshll.u32 s26, $0x1;
	_ =	strace $0x80000049;
	[dreg:$0x1] =	wrdreg $0xFFFFFFFF  }
0xa7: {  	s28 =	simm.s32 $_size_execute0_lowered;
	s2 =	sadd.s32 s2, s4;
	[dreg:$0x0] =	wrdreg $0x0  }
0xa8: {  	s4 =	sshll.u32 s28, $0x1;
	[dreg:$0x2] =	wrdreg s2  }
0xa9: {  	[dreg:$0x3] =	wrdreg s4  }
0xaa: {  	[dreg:$0x4] =	wrdreg $0xC0  }
0xab: {  	_ =	task [dreg:s6], $0x5FFFF  }
0xac: {  	[dreg:$0x1] =	wrdreg $0xFFFFFFFF  }
0xad: {  	[dreg:$0x0] =	wrdreg $0x60  }
0xae: {  	[dreg:$0x2] =	wrdreg s24  }
0xaf: {  	[dreg:$0x3] =	wrdreg $0x44000  }
0xb0: {  	[dreg:$0x4] =	wrdreg $0x9  }
0xb1: {  	_ =	task.clear_ibuf [dreg:s6], $0x5FFFF;
	_ =	strace $0x90000049  }
0xb2: {  	s29 =	simm.s32 $0x9;
	_ =	strace $0x8000004B  }
0xb3: {  	_ =	swait.ge [sflag:s29], $0x1  }
0xb4: {  	[sflag:s29] =	ssyncadd.s32 $0xFFFFFFFF  }
0xb5: {  	_ =	strace $0x9000004B  }
0xb6: {  	_ =	sfence  }
0xb7: {  	s30 =	sld [smem:$0x0];
	_ =	sdelay $0x2  }
0xb8: {  	s31 =	sshll.u32 s1, $0xD;
	s1 =	sshrl.u32 s1, $0x2  }
0xb9: {  	s3 =	sand.u32 $0x4000, s31;
	s1 =	sadd.s32 s1, s30  }
0xba: {  	s0 =	sor.u32 s3, s0;
	s1 =	sshll.u32 s1, $0x11  }
0xbb: {  	s0 =	sor.u32 s1, s0  }
0xbc: {  	s0 =	sadd.s32 $0x8F2B, s0  }
0xbd: {  	[sflag:s0] =	ssyncadd.remote.s32 $0x1  }
0xbe: {  	_ =	sfence.sel $0xFFFF  }
0xbf: {  	[dreg:$0x0] =	wrdreg $0xFFFFFFFF;
	(pc) =	sbr.abs _section_cstart, $3  }
0xc0: {  	[dreg:$0x1] =	wrdreg $0xFFFFFFFF  }
0xc1: {  	_ =	task.clear_ibuf [dreg:s6], $0x2FFFF;
	_ =	strace $0x9FFFFFFF  }
0xc2: {  	(tm) =	ssettm $0x7FFFFFFF  }
0xc3: {  	_ =	shalt  }
tec
execute0_lowered:
.L_overlay_start_1:
0x0: {  	(tag) =	ssettag $0x1  }
0x1: {  	s0 =	rddreg [dreg:$0x0];
	s1 =	srdreg.scid  }
0x2: {  	s2 =	rddreg [dreg:$0x1];
	s12 =	stileid.u32;
	s3 =	simm.s32 $0x0  }
0x3: {  	s28 =	simm.s32 $0x380;
	s29 =	simm.s32 $0x1;
	s30 =	simm.s32 $0x400  }
0x4: {  	s31 =	simm.s32 $0x2;
	s1 =	sand.u32 $0x1, s1;
	s7 =	smul.u32 $0x19000, s12  }
0x5: {  	[smem:$0x7FF] =	sst s3;
	s4 =	sadd.s32 $0x4AE00, s0;
	s10 =	smul.u32 $0x1880, s12  }
0x6: {  	s5 =	sadd.s32 $0x32600, s0;
	s24 =	sshll.u32 s12, $0x6;
	s6 =	smul.u32 $0x32000, s1  }
0x7: {  	s8 =	smul.u32 $0x190000, s1;
	_ =	strace $0x8000004A;
	s1 =	ssub.s32 $0x2, s1  }
0x8: {  	s14 =	sor.u32 $0x1C07, s24;
	s24 =	simm.s32 $0x200;
	s15 =	sshrl.u32 s7, $0x3  }
0x9: {  	s16 =	sshrl.u32 s1, $0x1;
	s17 =	sor.u32 $0x10, s10;
	s13 =	sadd.s32 s4, s10  }
0xa: {  	s18 =	sadd.s32 s5, s10;
	s20 =	sor.u32 $0x20, s10;
	s10 =	sor.u32 $0x30, s10  }
0xb: {  	[dreg:$0xd] =	wrdreg s14;
	s9 =	sadd.s32 s6, s0;
	s8 =	sadd.s32 s7, s8  }
0xc: {  	s11 =	sadd.s32 s15, s0;
	s1 =	ssub.s32 s1, s16;
	[dreg:$0x3] =	wrdreg s13  }
0xd: {  	s6 =	smul.u32 $0x188, s12;
	[dreg:$0x4] =	wrdreg s18;
	s19 =	sadd.s32 s4, s17  }
0xe: {  	s21 =	sadd.s32 s4, s20;
	s22 =	sadd.s32 s4, s10;
	[dreg:$0x5] =	wrdreg s19  }
0xf: {  	s23 =	sadd.s32 s5, s10;
	s7 =	sadd.s32 s7, s2;
	[dreg:$0x7] =	wrdreg s21  }
0x10: {  	s10 =	simm.s32 $0x5;
	s15 =	simm.s32 $0x7;
	[dreg:$0x9] =	wrdreg s22  }
0x11: {  	s13 =	simm.s32 $0x0;
	s8 =	sshrl.u32 s8, $0x3;
	[dreg:$0xa] =	wrdreg s23  }
0x12: {  	[dreg:$0xb] =	wrdreg s7;
	s25 =	sadd.s32 $0xC7600, s11;
	s18 =	sadd.s32 $0x63600, s9  }
0x13: {  	s26 =	smax.u32 s1, $0x1;
	s21 =	simm.s32 $0x80;
	s22 =	simm.s32 $0x100  }
0x14: {  	s23 =	simm.s32 $0x180;
	s1 =	simm.s32 $0x3;
	s7 =	simm.s32 $0x2400  }
0x15: {  	s9 =	simm.s32 $0x3400;
	s11 =	simm.s32 $0x6;
	[dreg:$0xc] =	wrdreg s25  }
0x16: {  	s0 =	sadd.s32 s8, s0;
	s8 =	sadd.s32 s5, s17;
	[dreg:$0xf] =	wrdreg s26  }
0x17: {  	s25 =	simm.s32 $0x280;
	[dreg:$0x6] =	wrdreg s8;
	s8 =	sadd.s32 s5, s20  }
0x18: {  	s26 =	simm.s32 $0x300;
	s0 =	sadd.s32 $0xF9600, s0;
	[dreg:$0x8] =	wrdreg s8  }
0x19: {  	[dreg:$0xe] =	wrdreg s0;
	s0 =	simm.s32 $0x1400;
	s8 =	simm.s32 $0x4  }
.LBB2_1:
0x1a: {  	s12 =	rddreg [dreg:$0x3]  }
0x1b: {  	s20 =	rddreg [dreg:$0x4]  }
0x1c: {  	s16 =	rddreg [dreg:$0x5]  }
0x1d: {  	[tilespmem:s3], [sflag:$0x1] =	stream.linear.gather [hbm4b:s12+s3], $0x80, $0x38;
	[tilespmem:$0x1D400] =	vst v63  }
0x1e: {  	s17 =	rddreg [dreg:$0x6]  }
0x1f: {  	[tilespmem:s21], [sflag:$0x1] =	stream.linear.gather [hbm4b:s20+s3], $0x80, $0x38;
	[tilespmem:$0x1D400] =	vst v63  }
0x20: {  	s19 =	rddreg [dreg:$0x7]  }
0x21: {  	[tilespmem:s22], [sflag:$0x2] =	stream.linear.gather [hbm4b:s16+s3], $0x80, $0x38;
	[tilespmem:$0x1D400] =	vst v63  }
0x22: {  	s20 =	rddreg [dreg:$0x8]  }
0x23: {  	[tilespmem:s23], [sflag:$0x2] =	stream.linear.gather [hbm4b:s17+s3], $0x80, $0x38;
	[tilespmem:$0x1D400] =	vst v63  }
0x24: {  	s16 =	rddreg [dreg:$0x9]  }
0x25: {  	[tilespmem:s24], [sflag:$0x3] =	stream.linear.gather [hbm4b:s19+s3], $0x80, $0x38;
	[tilespmem:$0x1D400] =	vst v63  }
0x26: {  	s17 =	rddreg [dreg:$0xa]  }
0x27: {  	[tilespmem:s25], [sflag:$0x3] =	stream.linear.gather [hbm4b:s20+s3], $0x80, $0x38;
	[tilespmem:$0x1D400] =	vst v63  }
0x28: {  	s19 =	rddreg [dreg:$0xb]  }
0x29: {  	[tilespmem:s26], [sflag:$0x4] =	stream.linear.gather [hbm4b:s16+s3], $0x80, $0x38;
	[tilespmem:$0x1D400] =	vst v63  }
0x2a: {  	s20 =	rddreg [dreg:$0xc];
	s16 =	sshrl.u32 s19, $0x3  }
0x2b: {  	[dreg:$0x10] =	wrdreg s16  }
0x2c: {  	[tilespmem:s28], [sflag:$0x4] =	stream.linear.gather [hbm4b:s17+s3], $0x80, $0x38;
	[tilespmem:$0x1D400] =	vst v63  }
0x2d: {  	[spmem:s16], [sflag:s14] =	dma.local [hbm:s20], $0x3200  }
0x2e: {  	_ =	swait.ge [sflag:s15], $0x3200  }
0x2f: {  	[sflag:s15] =	ssyncset.done $0x0  }
0x30: {  	[sflag:s15] =	ssyncadd.s32 $0xFFFFCE00  }
0x31: {  	[bflag:$0x0] =	sbarrier.arrive $0xFFFF  }
0x32: {  	_ =	swait.ge [sflag:s29], $0x80  }
0x33: {  	[sflag:s29] =	ssyncset.done $0x0  }
0x34: {  	[sflag:s29] =	ssyncadd.s32 $0xFFFFFF80  }
0x35: {  	_ =	swait.ge [sflag:s29], $0x80  }
0x36: {  	[sflag:s29] =	ssyncset.done $0x0  }
0x37: {  	[sflag:s29] =	ssyncadd.s32 $0xFFFFFF80  }
0x38: {  	[tilespmem:s30], [sflag:$0x5] =	stream.indirect.gather [hbm4b:s18+s21], $0x20, s3, s21, $0xb8;
	[tilespmem:$0x1D400] =	vst v63  }
0x39: {  	_ =	swait.ge [sflag:s31], $0x80  }
0x3a: {  	[sflag:s31] =	ssyncset.done $0x0  }
0x3b: {  	[sflag:s31] =	ssyncadd.s32 $0xFFFFFF80  }
0x3c: {  	_ =	swait.ge [sflag:s31], $0x80  }
0x3d: {  	[sflag:s31] =	ssyncset.done $0x0  }
0x3e: {  	[sflag:s31] =	ssyncadd.s32 $0xFFFFFF80  }
0x3f: {  	[tilespmem:s0], [sflag:$0x5] =	stream.indirect.gather [hbm4b:s18+s21], $0x20, s22, s21, $0xb8;
	[tilespmem:$0x1D400] =	vst v63  }
0x40: {  	_ =	swait.ge [sflag:s1], $0x80  }
0x41: {  	[sflag:s1] =	ssyncset.done $0x0  }
0x42: {  	[sflag:s1] =	ssyncadd.s32 $0xFFFFFF80  }
0x43: {  	_ =	swait.ge [sflag:s1], $0x80  }
0x44: {  	[sflag:s1] =	ssyncset.done $0x0  }
0x45: {  	[sflag:s1] =	ssyncadd.s32 $0xFFFFFF80  }
0x46: {  	[tilespmem:s7], [sflag:$0x5] =	stream.indirect.gather [hbm4b:s18+s21], $0x20, s24, s21, $0xb8;
	[tilespmem:$0x1D400] =	vst v63  }
0x47: {  	_ =	swait.ge [sflag:s8], $0x80  }
0x48: {  	[sflag:s8] =	ssyncset.done $0x0  }
0x49: {  	[sflag:s8] =	ssyncadd.s32 $0xFFFFFF80  }
0x4a: {  	_ =	swait.ge [sflag:s8], $0x80  }
0x4b: {  	[sflag:s8] =	ssyncset.done $0x0  }
0x4c: {  	[sflag:s8] =	ssyncadd.s32 $0xFFFFFF80  }
0x4d: {  	[tilespmem:s9], [sflag:$0x5] =	stream.indirect.gather [hbm4b:s18+s21], $0x20, s26, s21, $0xb8;
	[tilespmem:$0x1D400] =	vst v63  }
0x4e: {  	_ =	swait.ge [sflag:s10], $0x1000  }
0x4f: {  	[sflag:s10] =	ssyncset.done $0x0  }
0x50: {  	[sflag:s10] =	ssyncadd.s32 $0xFFFFF000  }
0x51: {  	[spmem:s2] =	stream.indirect.scatter.add.f32 [tilespmem:s30], [sflag:$0x6], $0x20, s21, s21, $0xb8;
	[tilespmem:$0x1D400] =	vst v63  }
0x52: {  	_ =	swait.ge [sflag:s10], $0x1000  }
0x53: {  	[sflag:s10] =	ssyncset.done $0x0  }
0x54: {  	[sflag:s10] =	ssyncadd.s32 $0xFFFFF000  }
0x55: {  	[spmem:s2] =	stream.indirect.scatter.add.f32 [tilespmem:s0], [sflag:$0x6], $0x20, s23, s21, $0xb8;
	[tilespmem:$0x1D400] =	vst v63  }
0x56: {  	_ =	swait.ge [sflag:s10], $0x1000  }
0x57: {  	[sflag:s10] =	ssyncset.done $0x0  }
0x58: {  	[sflag:s10] =	ssyncadd.s32 $0xFFFFF000  }
0x59: {  	[spmem:s2] =	stream.indirect.scatter.add.f32 [tilespmem:s7], [sflag:$0x6], $0x20, s25, s21, $0xb8;
	[tilespmem:$0x1D400] =	vst v63  }
0x5a: {  	_ =	swait.ge [sflag:s10], $0x1000  }
0x5b: {  	p0 =	por $0x0, $0x0;
	s15 =	simm.s32 $0x4;
	[sflag:s10] =	ssyncset.done $0x0  }
0x5c: {  	s15 =	simm.s32 @p0 $0x0;
	[sflag:s10] =	ssyncadd.s32 $0xFFFFF000  }
0x5d: {  	[spmem:s2] =	stream.indirect.scatter.add.f32 [tilespmem:s9], [sflag:$0x6], $0x20, s28, s21, $0xb8;
	[tilespmem:$0x1D400] =	vst v63  }
0x5e: {  	s15 =	sadd.s32 s6, s15;
	_ =	swait.ge [sflag:s11], $0x1000  }
0x5f: {  	s15 =	sshll.u32 s15, $0x4;
	[sflag:s11] =	ssyncset.done $0x0  }
0x60: {  	s16 =	simm.s32 $0x5;
	s19 =	sadd.s32 s4, s15;
	[sflag:s11] =	ssyncadd.s32 $0xFFFFF000  }
0x61: {  	[tilespmem:s3], [sflag:$0x1] =	stream.linear.gather [hbm4b:s19+s3], $0x80, $0x38;
	[tilespmem:$0x1D400] =	vst v63  }
0x62: {  	s16 =	simm.s32 @p0 $0x1;
	s15 =	sadd.s32 s5, s15  }
0x63: {  	[tilespmem:s21], [sflag:$0x1] =	stream.linear.gather [hbm4b:s15+s3], $0x80, $0x38;
	[tilespmem:$0x1D400] =	vst v63  }
0x64: {  	s16 =	sadd.s32 s6, s16;
	_ =	swait.ge [sflag:s11], $0x1000  }
0x65: {  	s15 =	sshll.u32 s16, $0x4;
	[sflag:s11] =	ssyncset.done $0x0  }
0x66: {  	s16 =	simm.s32 $0x6;
	s17 =	sadd.s32 s4, s15;
	[sflag:s11] =	ssyncadd.s32 $0xFFFFF000  }
0x67: {  	[tilespmem:s22], [sflag:$0x2] =	stream.linear.gather [hbm4b:s17+s3], $0x80, $0x38;
	[tilespmem:$0x1D400] =	vst v63  }
0x68: {  	s16 =	simm.s32 @p0 $0x2;
	s15 =	sadd.s32 s5, s15  }
0x69: {  	[tilespmem:s23], [sflag:$0x2] =	stream.linear.gather [hbm4b:s15+s3], $0x80, $0x38;
	[tilespmem:$0x1D400] =	vst v63  }
0x6a: {  	s20 =	sadd.s32 s6, s16;
	s16 =	simm.s32 $0x7;
	_ =	swait.ge [sflag:s11], $0x1000  }
0x6b: {  	s20 =	sshll.u32 s20, $0x4;
	s16 =	simm.s32 @p0 $0x3;
	[sflag:s11] =	ssyncset.done $0x0  }
0x6c: {  	s16 =	sadd.s32 s6, s16;
	s15 =	sadd.s32 s4, s20;
	[sflag:s11] =	ssyncadd.s32 $0xFFFFF000  }
0x6d: {  	[tilespmem:s24], [sflag:$0x3] =	stream.linear.gather [hbm4b:s15+s3], $0x80, $0x38;
	[tilespmem:$0x1D400] =	vst v63  }
0x6e: {  	s19 =	sshll.u32 s16, $0x4;
	s20 =	sadd.s32 s5, s20;
	s15 =	simm.s32 $0xB  }
.LBB2_2:
0x6f: {  	p0 =	sne.s32 s15, $0x18B;
	s16 =	smov.u32 s15;
	s15 =	sadd.s32 $0x4, s15  }
0x70: {  	[tilespmem:s25], [sflag:$0x3] =	stream.linear.gather [hbm4b:s20+s3], $0x80, $0x38;
	[tilespmem:$0x1D400] =	vst v63  }
0x71: {  	_ =	swait.ge [sflag:s11], $0x1000  }
0x72: {  	[sflag:s11] =	ssyncset.done $0x0  }
0x73: {  	s20 =	sadd.s32 s4, s19;
	[sflag:s11] =	ssyncadd.s32 $0xFFFFF000  }
0x74: {  	[tilespmem:s26], [sflag:$0x4] =	stream.linear.gather [hbm4b:s20+s3], $0x80, $0x38;
	[tilespmem:$0x1D400] =	vst v63  }
0x75: {  	s19 =	sadd.s32 s5, s19  }
0x76: {  	[tilespmem:s28], [sflag:$0x4] =	stream.linear.gather [hbm4b:s19+s3], $0x80, $0x38;
	[tilespmem:$0x1D400] =	vst v63  }
0x77: {  	_ =	swait.ge [sflag:s29], $0x80  }
0x78: {  	[sflag:s29] =	ssyncset.done $0x0  }
0x79: {  	[sflag:s29] =	ssyncadd.s32 $0xFFFFFF80  }
0x7a: {  	_ =	swait.ge [sflag:s29], $0x80  }
0x7b: {  	[sflag:s29] =	ssyncset.done $0x0  }
0x7c: {  	[sflag:s29] =	ssyncadd.s32 $0xFFFFFF80  }
0x7d: {  	[tilespmem:s30], [sflag:$0x5] =	stream.indirect.gather [hbm4b:s18+s21], $0x20, s3, s21, $0xb8;
	[tilespmem:$0x1D400] =	vst v63  }
0x7e: {  	_ =	swait.ge [sflag:s31], $0x80  }
0x7f: {  	[sflag:s31] =	ssyncset.done $0x0  }
0x80: {  	[sflag:s31] =	ssyncadd.s32 $0xFFFFFF80  }
0x81: {  	_ =	swait.ge [sflag:s31], $0x80  }
0x82: {  	[sflag:s31] =	ssyncset.done $0x0  }
0x83: {  	[sflag:s31] =	ssyncadd.s32 $0xFFFFFF80  }
0x84: {  	[tilespmem:s0], [sflag:$0x5] =	stream.indirect.gather [hbm4b:s18+s21], $0x20, s22, s21, $0xb8;
	[tilespmem:$0x1D400] =	vst v63  }
0x85: {  	_ =	swait.ge [sflag:s1], $0x80  }
0x86: {  	[sflag:s1] =	ssyncset.done $0x0  }
0x87: {  	[sflag:s1] =	ssyncadd.s32 $0xFFFFFF80  }
0x88: {  	_ =	swait.ge [sflag:s1], $0x80  }
0x89: {  	[sflag:s1] =	ssyncset.done $0x0  }
0x8a: {  	[sflag:s1] =	ssyncadd.s32 $0xFFFFFF80  }
0x8b: {  	[tilespmem:s7], [sflag:$0x5] =	stream.indirect.gather [hbm4b:s18+s21], $0x20, s24, s21, $0xb8;
	[tilespmem:$0x1D400] =	vst v63  }
0x8c: {  	_ =	swait.ge [sflag:s8], $0x80  }
0x8d: {  	[sflag:s8] =	ssyncset.done $0x0  }
0x8e: {  	[sflag:s8] =	ssyncadd.s32 $0xFFFFFF80  }
0x8f: {  	_ =	swait.ge [sflag:s8], $0x80  }
0x90: {  	[sflag:s8] =	ssyncset.done $0x0  }
0x91: {  	[sflag:s8] =	ssyncadd.s32 $0xFFFFFF80  }
0x92: {  	[tilespmem:s9], [sflag:$0x5] =	stream.indirect.gather [hbm4b:s18+s21], $0x20, s26, s21, $0xb8;
	[tilespmem:$0x1D400] =	vst v63  }
0x93: {  	_ =	swait.ge [sflag:s10], $0x1000  }
0x94: {  	[sflag:s10] =	ssyncset.done $0x0  }
0x95: {  	[sflag:s10] =	ssyncadd.s32 $0xFFFFF000  }
0x96: {  	[spmem:s2] =	stream.indirect.scatter.add.f32 [tilespmem:s30], [sflag:$0x6], $0x20, s21, s21, $0xb8;
	[tilespmem:$0x1D400] =	vst v63  }
0x97: {  	_ =	swait.ge [sflag:s10], $0x1000  }
0x98: {  	[sflag:s10] =	ssyncset.done $0x0  }
0x99: {  	[sflag:s10] =	ssyncadd.s32 $0xFFFFF000  }
0x9a: {  	[spmem:s2] =	stream.indirect.scatter.add.f32 [tilespmem:s0], [sflag:$0x6], $0x20, s23, s21, $0xb8;
	[tilespmem:$0x1D400] =	vst v63  }
0x9b: {  	s20 =	sadd.s32 $0xFFFFFFFF, s16;
	s19 =	sadd.s32 $0xFFFFFFFE, s16;
	_ =	swait.ge [sflag:s10], $0x1000  }
0x9c: {  	s17 =	sadd.s32 $0xFFFFFFFD, s16;
	p1 =	seq.s32 s16, $0x18B;
	[sflag:s10] =	ssyncset.done $0x0  }
0x9d: {  	s20 =	simm.s32 @p1 $0x2;
	s16 =	simm.s32 @p1 $0x3;
	[sflag:s10] =	ssyncadd.s32 $0xFFFFF000  }
0x9e: {  	[spmem:s2] =	stream.indirect.scatter.add.f32 [tilespmem:s7], [sflag:$0x6], $0x20, s25, s21, $0xb8;
	[tilespmem:$0x1D400] =	vst v63  }
0x9f: {  	s17 =	simm.s32 @p1 $0x0;
	s20 =	sadd.s32 s6, s20;
	_ =	swait.ge [sflag:s10], $0x1000  }
0xa0: {  	s17 =	sadd.s32 s6, s17;
	s19 =	simm.s32 @p1 $0x1;
	[sflag:s10] =	ssyncset.done $0x0  }
0xa1: {  	s17 =	sshll.u32 s17, $0x4;
	s19 =	sadd.s32 s6, s19  }
0xa2: {  	s16 =	sadd.s32 s6, s16;
	[sflag:s10] =	ssyncadd.s32 $0xFFFFF000  }
0xa3: {  	[spmem:s2] =	stream.indirect.scatter.add.f32 [tilespmem:s9], [sflag:$0x6], $0x20, s28, s21, $0xb8;
	[tilespmem:$0x1D400] =	vst v63  }
0xa4: {  	s12 =	sshll.u32 s19, $0x4;
	s19 =	sshll.u32 s16, $0x4;
	_ =	swait.ge [sflag:s11], $0x1000  }
0xa5: {  	s16 =	sadd.s32 s4, s12;
	[sflag:s11] =	ssyncset.done $0x0  }
0xa6: {  	s14 =	sadd.s32 s4, s17;
	[sflag:s11] =	ssyncadd.s32 $0xFFFFF000  }
0xa7: {  	[tilespmem:s3], [sflag:$0x1] =	stream.linear.gather [hbm4b:s14+s3], $0x80, $0x38;
	[tilespmem:$0x1D400] =	vst v63  }
0xa8: {  	s14 =	sadd.s32 s5, s17  }
0xa9: {  	[tilespmem:s21], [sflag:$0x1] =	stream.linear.gather [hbm4b:s14+s3], $0x80, $0x38;
	[tilespmem:$0x1D400] =	vst v63  }
0xaa: {  	_ =	swait.ge [sflag:s11], $0x1000  }
0xab: {  	s14 =	sshll.u32 s20, $0x4;
	[sflag:s11] =	ssyncset.done $0x0  }
0xac: {  	s20 =	sadd.s32 s5, s14;
	[sflag:s11] =	ssyncadd.s32 $0xFFFFF000  }
0xad: {  	[tilespmem:s22], [sflag:$0x2] =	stream.linear.gather [hbm4b:s16+s3], $0x80, $0x38;
	[tilespmem:$0x1D400] =	vst v63  }
0xae: {  	s12 =	sadd.s32 s5, s12  }
0xaf: {  	[tilespmem:s23], [sflag:$0x2] =	stream.linear.gather [hbm4b:s12+s3], $0x80, $0x38;
	[tilespmem:$0x1D400] =	vst v63  }
.Ltmp0:
0xb0: {  	_ = 	snop;
	(pc) =	sbr.rel @p0 .LBB2_2-.Ltmp0, $4  }
0xb1: {  	_ =	swait.ge [sflag:s11], $0x1000  }
0xb2: {  	s12 =	sadd.s32 s4, s14;
	[sflag:s11] =	ssyncset.done $0x0  }
0xb3: {  	[sflag:s11] =	ssyncadd.s32 $0xFFFFF000  }
0xb4: {  	[tilespmem:s24], [sflag:$0x3] =	stream.linear.gather [hbm4b:s12+s3], $0x80, $0x38;
	[tilespmem:$0x1D400] =	vst v63  }
0xb5: {  	[tilespmem:s25], [sflag:$0x3] =	stream.linear.gather [hbm4b:s20+s3], $0x80, $0x38;
	[tilespmem:$0x1D400] =	vst v63  }
0xb6: {  	_ =	swait.ge [sflag:s11], $0x1000  }
0xb7: {  	[sflag:s11] =	ssyncset.done $0x0  }
0xb8: {  	s12 =	sadd.s32 s4, s19;
	[sflag:s11] =	ssyncadd.s32 $0xFFFFF000  }
0xb9: {  	[tilespmem:s26], [sflag:$0x4] =	stream.linear.gather [hbm4b:s12+s3], $0x80, $0x38;
	[tilespmem:$0x1D400] =	vst v63  }
0xba: {  	s17 =	sadd.s32 s5, s19  }
0xbb: {  	[tilespmem:s28], [sflag:$0x4] =	stream.linear.gather [hbm4b:s17+s3], $0x80, $0x38;
	[tilespmem:$0x1D400] =	vst v63  }
0xbc: {  	_ =	swait.ge [sflag:s29], $0x80  }
0xbd: {  	[sflag:s29] =	ssyncset.done $0x0  }
0xbe: {  	[sflag:s29] =	ssyncadd.s32 $0xFFFFFF80  }
0xbf: {  	_ =	swait.ge [sflag:s29], $0x80  }
0xc0: {  	[sflag:s29] =	ssyncset.done $0x0  }
0xc1: {  	[sflag:s29] =	ssyncadd.s32 $0xFFFFFF80  }
0xc2: {  	_ =	swait.ge [sflag:s31], $0x80  }
0xc3: {  	[sflag:s31] =	ssyncset.done $0x0  }
0xc4: {  	[sflag:s31] =	ssyncadd.s32 $0xFFFFFF80  }
0xc5: {  	_ =	swait.ge [sflag:s31], $0x80  }
0xc6: {  	[sflag:s31] =	ssyncset.done $0x0  }
0xc7: {  	[sflag:s31] =	ssyncadd.s32 $0xFFFFFF80  }
0xc8: {  	_ =	swait.ge [sflag:s1], $0x80  }
0xc9: {  	[sflag:s1] =	ssyncset.done $0x0  }
0xca: {  	[sflag:s1] =	ssyncadd.s32 $0xFFFFFF80  }
0xcb: {  	_ =	swait.ge [sflag:s1], $0x80  }
0xcc: {  	[sflag:s1] =	ssyncset.done $0x0  }
0xcd: {  	[sflag:s1] =	ssyncadd.s32 $0xFFFFFF80  }
0xce: {  	_ =	swait.ge [sflag:s8], $0x80  }
0xcf: {  	[sflag:s8] =	ssyncset.done $0x0  }
0xd0: {  	[sflag:s8] =	ssyncadd.s32 $0xFFFFFF80  }
0xd1: {  	_ =	swait.ge [sflag:s8], $0x80  }
0xd2: {  	[sflag:s8] =	ssyncset.done $0x0  }
0xd3: {  	[sflag:s8] =	ssyncadd.s32 $0xFFFFFF80  }
0xd4: {  	[bflag:$0x0] =	sbarrier.arrive $0xFFFF  }
0xd5: {  	s14 =	rddreg [dreg:$0xd]  }
0xd6: {  	s19 =	rddreg [dreg:$0xe]  }
0xd7: {  	s15 =	rddreg [dreg:$0x10]  }
0xd8: {  	[hbm:s19], [sflag:s14] =	dma.local [spmem:s15], $0x3200  }
0xd9: {  	s15 =	simm.s32 $0x7  }
0xda: {  	_ =	swait.ge [sflag:s15], $0x3200  }
0xdb: {  	s13 =	sadd.s32 $0x1, s13;
	s20 =	rddreg [dreg:$0xf]  }
0xdc: {  	p0 =	sne.s32 s13, s20  }
.Ltmp1:
0xdd: {  	_ = 	snop;
	(pc) =	sbr.rel @p0 .LBB2_1-.Ltmp1, $3  }
0xde: {  	_ =	sdelay $0x1  }
0xdf: {  	[sflag:s15] =	ssyncset.done $0x0  }
0xe0: {  	[sflag:s15] =	ssyncadd.s32 $0xFFFFCE00  }
0xe1: {  	_ =	sfence.sel $0x180000  }
0xe2: {  	[bflag:$0x0] =	sbarrier.arrive $0xFFFF  }
0xe3: {  	_ =	strace $0x9000004A  }
0xe4: {  	s0 =	stileid.u32;
	[bflag:$0x2] =	sbarrier.arrive $0xFFFF  }
0xe5: {  	p0 =	sne.s32 s0, $0x0;
	s0 =	rddreg [dreg:$0x2]  }
0xe6: {  	s0 =	sadd.s32 @!p0 $0x100000, s0  }
0xe7: {  	[sflag:s0] =	ssyncadd.tile.s32 @!p0 $0x1;
	_ =	shalt  }
.Lfunc_end2:
_tile_overlayer_lowered:
.L_overlay_start_2:
0xe8: {  	(tag) =	ssettag $0x2  }
0xe9: {  	s0 =	rddreg [dreg:$0x0];
	s2 =	stileid.u32  }
0xea: {  	s1 =	rddreg [dreg:$0x1];
	p0 =	sne.s32 s2, $0x0  }
0xeb: {  	s3 =	rddreg [dreg:$0x2];
	[bflag:$0x3] =	sbarrier.arrive $0xFFFF;
	s2 =	simm.s32 @!p0 $0x1C07  }
0xec: {  	[timem:s3], [sflag:s2] =	dma.local @!p0 [hbm:s0], s1  }
0xed: {  	s0 =	simm.s32 @!p0 $0x7  }
0xee: {  	_ =	swait.ge @!p0 [sflag:s0], s1  }
0xef: {  	s1 =	ssub.s32 @!p0 $0x0, s1;
	[sflag:s0] =	ssyncset.done @!p0 $0x0  }
0xf0: {  	[sflag:s0] =	ssyncadd.s32 @!p0 s1  }
0xf1: {  	[bflag:$0x3] =	sbarrier.arrive $0xFFFF  }
0xf2: {  	_ =	shalt  }

</sc_bundles>
